<compile_context>
chip_gen: v7x
topology: tpu7x:2x2x1
jax: 0.10.2.dev20260603
libtpu: 0.0.44.dev20260713+nightly
codegen_flags: <defaults>
</compile_context>

<pallas_src>
import numpy as np
import jax
import jax.numpy as jnp
from jax import lax
from jax.experimental import pallas as pl
from jax.experimental.pallas import tpu as pltpu
from jax.experimental.pallas import tpu_sc as plsc

_N = 10000
_E = 320000
_D = 128
_H = 128
_B = 2

_NC = 2
_NS = 16
_NW = _NC * _NS
_CH = 128

_f32 = jnp.float32


def _build_consts():
    g1 = np.zeros((16, 48), np.float32)
    g2 = np.zeros((16, 48), np.float32)
    g3 = np.zeros((48, 16), np.float32)
    g4 = np.zeros((4, 16), np.float32)
    for j in range(4):
        for k in range(4):
            for t in range(3):
                q = 3 * (4 * j + k) + t
                g1[3 * j + t, q] = 1.0
                g2[3 * k + t, q] = 1.0
                g3[q, 4 * j + k] = 1.0
    for j in range(4):
        for t in range(3):
            g4[j, 3 * j + t] = 1.0
    p12 = np.eye(12, 16, dtype=np.float32)
    oh12 = np.zeros((1, 16), np.float32)
    oh12[0, 12] = 1.0
    p128 = np.eye(12, 128, dtype=np.float32)
    oh128 = np.zeros((1, 128), np.float32)
    oh128[0, 12] = 1.0
    sel = np.eye(128, 16, dtype=np.float32)
    return g1, g2, g3, g4, p12, p128, oh12, oh128, sel


_G1, _G2, _G3, _G4, _P12, _P128, _OH12, _OH128, _SEL = _build_consts()


def _pre_body(h_ref, c12_ref, ws_ref, wt_ref, p12_ref, p128_ref,
              hws_ref, hwt_ref, c16_ref, ct_ref):
    hb = h_ref[...]
    hws_ref[...] = jnp.dot(hb, ws_ref[...], preferred_element_type=_f32)
    hwt_ref[...] = jnp.dot(hb, wt_ref[...], preferred_element_type=_f32)
    c12 = c12_ref[...]
    c16_ref[...] = jnp.dot(c12, p12_ref[...], preferred_element_type=_f32)
    ct_ref[...] = jnp.dot(c12, p128_ref[...], preferred_element_type=_f32)


def _pre_call_kwargs():
    kb = 2000
    r = _B * _N
    return dict(
        grid=(r // kb,),
        in_specs=[
            pl.BlockSpec((kb, _D), lambda i: (i, 0)),
            pl.BlockSpec((kb, 12), lambda i: (i, 0)),
            pl.BlockSpec((_D, _H), lambda i: (0, 0)),
            pl.BlockSpec((_D, _H), lambda i: (0, 0)),
            pl.BlockSpec((12, 16), lambda i: (0, 0)),
            pl.BlockSpec((12, _D), lambda i: (0, 0)),
        ],
        out_specs=[
            pl.BlockSpec((kb, _H), lambda i: (i, 0)),
            pl.BlockSpec((kb, _H), lambda i: (i, 0)),
            pl.BlockSpec((kb, 16), lambda i: (i, 0)),
            pl.BlockSpec((kb, _D), lambda i: (i, 0)),
        ],
        out_shape=[
            jax.ShapeDtypeStruct((r, _H), _f32),
            jax.ShapeDtypeStruct((r, _H), _f32),
            jax.ShapeDtypeStruct((r, 16), _f32),
            jax.ShapeDtypeStruct((r, _D), _f32),
        ],
    )


_TSTART = 624
_TSIZE = 640


_EPW = _E // _NW
_CHG = 64
_NKG = (_EPW + _CHG - 1) // _CHG
_LASTBASE = _EPW - _CHG


def _gather_body(row_hbm, col_hbm, hws0, hwt0, ct0,
                 pre0, cdf0,
                 idxr, idxc, rs0, rs1, rt0, rt1, cbr0, cbr1, cbc0, cbc1,
                 cdp0, cdp1,
                 sr0, sr1, st0, st1, scr0, scr1, scc0, scc1):
    s = lax.axis_index("s")
    wid = s * _NC + lax.axis_index("c")
    wbase = wid * _EPW
    RS = (rs0, rs1)
    RT = (rt0, rt1)
    CBR = (cbr0, cbr1)
    CBC = (cbc0, cbc1)
    CDP = (cdp0, cdp1)
    SR = (sr0, sr1)
    ST = (st0, st1)
    SCR = (scr0, scr1)
    SCC = (scc0, scc1)
    for hws, hwt, ct, po, cdo in (
            (hws0, hwt0, ct0, pre0, cdf0),):
        pltpu.sync_copy(row_hbm.at[pl.ds(wbase, _EPW)], idxr)
        pltpu.sync_copy(col_hbm.at[pl.ds(wbase, _EPW)], idxc)

        def issue(k, p):
            @pl.when(k < _NKG)
            def _():
                bl = jnp.minimum(k * _CHG, _LASTBASE)
                pltpu.async_copy(hws.at[idxr.at[pl.ds(bl, _CHG)]],
                                 RS[p], SR[p])
                pltpu.async_copy(hwt.at[idxc.at[pl.ds(bl, _CHG)]],
                                 RT[p], ST[p])
                pltpu.async_copy(ct.at[idxr.at[pl.ds(bl, _CHG)]],
                                 CBR[p], SCR[p])
                pltpu.async_copy(ct.at[idxc.at[pl.ds(bl, _CHG)]],
                                 CBC[p], SCC[p])

        def drain(k, p):
            @pl.when(k < _NKG)
            def _():
                bl = jnp.minimum(k * _CHG, _LASTBASE)
                base = wbase + bl
                pltpu.make_async_copy(hws.at[idxr.at[pl.ds(bl, _CHG)]],
                                      RS[p], SR[p]).wait()
                pltpu.make_async_copy(hwt.at[idxc.at[pl.ds(bl, _CHG)]],
                                      RT[p], ST[p]).wait()

                def addrow(e, carry2):
                    for g in range(8):
                        RS[p][e, pl.ds(g * 16, 16)] = (
                            RS[p][e, pl.ds(g * 16, 16)]
                            + RT[p][e, pl.ds(g * 16, 16)])
                    return carry2
                lax.fori_loop(0, _CHG, addrow, 0)
                pltpu.sync_copy(RS[p], po.at[pl.ds(base, _CHG)])
                pltpu.make_async_copy(ct.at[idxr.at[pl.ds(bl, _CHG)]],
                                      CBR[p], SCR[p]).wait()
                pltpu.make_async_copy(ct.at[idxc.at[pl.ds(bl, _CHG)]],
                                      CBC[p], SCC[p]).wait()

                def pack(e, carry2):
                    CDP[p][pl.ds(e * 16, 16)] = (CBR[p][e, pl.ds(0, 16)]
                                                 - CBC[p][e, pl.ds(0, 16)])
                    return carry2
                lax.fori_loop(0, _CHG, pack, 0)
                pltpu.sync_copy(CDP[p], cdo.at[pl.ds(base * 16, _CHG * 16)])

        issue(0, 0)

        def pipe(j2, carry):
            issue(2 * j2 + 1, 1)
            drain(2 * j2, 0)
            issue(2 * j2 + 2, 0)
            drain(2 * j2 + 1, 1)
            return carry
        lax.fori_loop(0, (_NKG + 1) // 2, pipe, 0)


def _edge_body(pre_ref, cd_ref, ea_ref,
               wr_ref, wa_ref, be1_ref, we2_ref, be2_ref,
               wc1_ref, bc1_ref, wcg_ref, g1_ref, g2_ref, g3_ref, oh_ref,
               ef_ref, tr_ref):
    cd16 = cd_ref[...]
    x1 = jnp.dot(cd16, g1_ref[...], preferred_element_type=_f32)
    x2 = jnp.dot(cd16, g2_ref[...], preferred_element_type=_f32)
    pro = jnp.dot(x1 * x2, g3_ref[...], preferred_element_type=_f32)
    ss = jnp.sum(pro * pro, axis=1, keepdims=True)
    radial = pro / jnp.maximum(jnp.sqrt(ss), 1e-12)
    e1 = (pre_ref[...]
          + jnp.dot(radial, wr_ref[...], preferred_element_type=_f32)
          + jnp.dot(ea_ref[...], wa_ref[...], preferred_element_type=_f32)
          + be1_ref[...])
    e1 = jnp.maximum(e1, 0.0)
    ef = jnp.maximum(
        jnp.dot(e1, we2_ref[...], preferred_element_type=_f32) + be2_ref[...],
        0.0)
    ef_ref[...] = ef
    mm = jnp.maximum(
        jnp.dot(ef, wc1_ref[...], preferred_element_type=_f32) + bc1_ref[...],
        0.0)
    m16 = jnp.dot(mm, wcg_ref[...], preferred_element_type=_f32)
    tr_ref[...] = cd16 * m16 + oh_ref[...]


def _edge_call_kwargs():
    ke = 2000
    return dict(
        grid=(_E // ke,),
        in_specs=[
            pl.BlockSpec((ke, _D), lambda i: (i, 0)),
            pl.BlockSpec((ke, 16), lambda i: (i, 0)),
            pl.BlockSpec((ke, 16), lambda i: (i, 0)),
            pl.BlockSpec((16, _H), lambda i: (0, 0)),
            pl.BlockSpec((16, _H), lambda i: (0, 0)),
            pl.BlockSpec((1, _H), lambda i: (0, 0)),
            pl.BlockSpec((_H, _H), lambda i: (0, 0)),
            pl.BlockSpec((1, _H), lambda i: (0, 0)),
            pl.BlockSpec((_H, _H), lambda i: (0, 0)),
            pl.BlockSpec((1, _H), lambda i: (0, 0)),
            pl.BlockSpec((_H, 16), lambda i: (0, 0)),
            pl.BlockSpec((16, 48), lambda i: (0, 0)),
            pl.BlockSpec((16, 48), lambda i: (0, 0)),
            pl.BlockSpec((48, 16), lambda i: (0, 0)),
            pl.BlockSpec((1, 16), lambda i: (0, 0)),
        ],
        out_specs=[
            pl.BlockSpec((ke, _D), lambda i: (i, 0)),
            pl.BlockSpec((ke, 16), lambda i: (i, 0)),
        ],
        out_shape=[
            jax.ShapeDtypeStruct((_E, _D), _f32),
            jax.ShapeDtypeStruct((_E, 16), _f32),
        ],
    )


_CHS = 80
_NKS = _EPW // _CHS


def _scatter_body(row_hbm, ef0, trf0, zh,
                  aggp0, acp0,
                  ix0, ix1, rv0, rv1, tv0, tv1, big, sh_acc,
                  si0, si1, sd0, sd1):
    c = lax.axis_index("c")
    s = lax.axis_index("s")
    wid = s * _NC + c
    wbase = wid * _EPW
    IX = (ix0, ix1)
    RV = (rv0, rv1)
    TV = (tv0, tv1)
    SI = (si0, si1)
    SD = (sd0, sd1)
    z16 = jnp.zeros((16,), _f32)
    pltpu.sync_copy(zh, big)
    for ef, trf, aggp, acp in ((ef0, trf0, aggp0, acp0),):
        def clr(e, carry):
            big[e, pl.ds(0, 16)] = z16
            return carry
        lax.fori_loop(0, _CHS, clr, 0)

        for pass_b in (False, True):
            for i in range(_TSIZE // _CH):
                pltpu.sync_copy(big,
                                sh_acc.at[pl.ds(s * _TSTART + i * _CH, _CH)])
            plsc.subcore_barrier()

            def issue(k, p):
                @pl.when(k < _NKS)
                def _():
                    base = wbase + k * _CHS
                    pltpu.async_copy(row_hbm.at[pl.ds(base, _CHS)],
                                     IX[p], SI[p])
                    if pass_b:
                        pltpu.async_copy(trf.at[pl.ds(base * 16, _CHS * 16)],
                                         TV[p], SD[p])
                    else:
                        pltpu.async_copy(ef.at[pl.ds(base, _CHS)],
                                         RV[p], SD[p])

            def drain(k, p):
                @pl.when(k < _NKS)
                def _():
                    base = wbase + k * _CHS
                    pltpu.make_async_copy(row_hbm.at[pl.ds(base, _CHS)],
                                          IX[p], SI[p]).wait()
                    if pass_b:
                        pltpu.make_async_copy(
                            trf.at[pl.ds(base * 16, _CHS * 16)],
                            TV[p], SD[p]).wait()

                        def expand(e, carry2):
                            big[e, pl.ds(0, 16)] = TV[p][pl.ds(e * 16, 16)]
                            return carry2
                        lax.fori_loop(0, _CHS, expand, 0)
                        pltpu.sync_copy(big.at[pl.ds(0, _CHS)],
                                        sh_acc.at[IX[p]], add=True)
                    else:
                        pltpu.make_async_copy(ef.at[pl.ds(base, _CHS)],
                                              RV[p], SD[p]).wait()
                        pltpu.sync_copy(RV[p], sh_acc.at[IX[p]], add=True)

            issue(0, 0)

            def pipe(j2, carry):
                issue(2 * j2 + 1, 1)
                drain(2 * j2, 0)
                issue(2 * j2 + 2, 0)
                drain(2 * j2 + 1, 1)
                return carry
            lax.fori_loop(0, (_NKS + 1) // 2, pipe, 0)
            plsc.subcore_barrier()
            out = acp if pass_b else aggp
            pltpu.sync_copy(sh_acc.at[pl.ds(s * _TSTART, _TSIZE)],
                            out.at[pl.ds(c * _N + s * _TSTART, _TSIZE)])
            plsc.subcore_barrier()
            if pass_b:
                pass


def _node_body(h_ref, c16_ref, ap0_ref, ap1_ref, ac0_ref, ac1_ref,
               wnh_ref, wna_ref, bn1_ref, wn2_ref, bn2_ref, oh_ref, sel_ref,
               hout_ref, cout_ref):
    agg = ap0_ref[...] + ap1_ref[...]
    ac = ac0_ref[...] + ac1_ref[...]
    deg = jnp.sum(ac * oh_ref[...], axis=1, keepdims=True)
    ac16 = jnp.dot(ac, sel_ref[...], preferred_element_type=_f32)
    cout_ref[...] = c16_ref[...] + ac16 * (1.0 / jnp.maximum(deg, 1.0))
    hb = h_ref[...]
    t = jnp.maximum(
        jnp.dot(hb, wnh_ref[...], preferred_element_type=_f32)
        + jnp.dot(agg, wna_ref[...], preferred_element_type=_f32)
        + bn1_ref[...], 0.0)
    hout_ref[...] = (hb + jnp.dot(t, wn2_ref[...], preferred_element_type=_f32)
                     + bn2_ref[...])


def _node_call_kwargs():
    kn = 2000
    return dict(
        grid=(_N // kn,),
        in_specs=[
            pl.BlockSpec((kn, _D), lambda i: (i, 0)),
            pl.BlockSpec((kn, 16), lambda i: (i, 0)),
            pl.BlockSpec((kn, _D), lambda i: (i, 0)),
            pl.BlockSpec((kn, _D), lambda i: (i, 0)),
            pl.BlockSpec((kn, _D), lambda i: (i, 0)),
            pl.BlockSpec((kn, _D), lambda i: (i, 0)),
            pl.BlockSpec((_D, _H), lambda i: (0, 0)),
            pl.BlockSpec((_H, _H), lambda i: (0, 0)),
            pl.BlockSpec((1, _H), lambda i: (0, 0)),
            pl.BlockSpec((_H, _D), lambda i: (0, 0)),
            pl.BlockSpec((1, _D), lambda i: (0, 0)),
            pl.BlockSpec((1, _D), lambda i: (0, 0)),
            pl.BlockSpec((_D, 16), lambda i: (0, 0)),
        ],
        out_specs=[
            pl.BlockSpec((kn, _D), lambda i: (i, 0)),
            pl.BlockSpec((kn, 16), lambda i: (i, 0)),
        ],
        out_shape=[
            jax.ShapeDtypeStruct((_N, _D), _f32),
            jax.ShapeDtypeStruct((_N, 16), _f32),
        ],
    )


def kernel(h, coord, edge_index, edge_attr, We1, be1, We2, be2,
           Wn1, bn1, Wn2, bn2, Wc1, bc1, Wc2):
    row = edge_index[0]
    col = edge_index[1]
    hflat = h.reshape(_B * _N, _D)
    c12 = coord.reshape(_B * _N, 12)

    ws = We1[:_D]
    wt = We1[_D:2 * _D]
    wr = We1[2 * _D:2 * _D + 16]
    wa = We1[2 * _D + 16:]
    wcg = Wc2 @ jnp.asarray(_G4)
    g1 = jnp.asarray(_G1)
    g2 = jnp.asarray(_G2)
    g3 = jnp.asarray(_G3)
    p12 = jnp.asarray(_P12)
    p128 = jnp.asarray(_P128)
    oh12 = jnp.asarray(_OH12)
    oh128 = jnp.asarray(_OH128)
    sel = jnp.asarray(_SEL)
    be1r = be1.reshape(1, _H)
    be2r = be2.reshape(1, _H)
    bc1r = bc1.reshape(1, _H)
    bn1r = bn1.reshape(1, _H)
    bn2r = bn2.reshape(1, _D)
    wnh = Wn1[:_D]
    wna = Wn1[_D:]

    hws, hwt, c16, ct = pl.pallas_call(_pre_body, **_pre_call_kwargs())(
        hflat, c12, ws, wt, p12, p128)

    gather = pl.kernel(
        _gather_body,
        out_type=(
            jax.ShapeDtypeStruct((_E, _D), _f32),
            jax.ShapeDtypeStruct((_E * 16,), _f32),
        ),
        mesh=plsc.VectorSubcoreMesh(core_axis_name="c", subcore_axis_name="s"),
        scratch_types=(
            [pltpu.VMEM((_EPW,), jnp.int32)] * 2
            + [pltpu.VMEM((_CHG, _D), _f32)] * 8
            + [pltpu.VMEM((_CHG * 16,), _f32)] * 2
            + [pltpu.SemaphoreType.DMA] * 8
        ),
    )
    pre0, cdf0 = gather(row, col, hws[:_N], hwt[:_N], ct[:_N])
    pre1, cdf1 = gather(row, col, hws[_N:], hwt[_N:], ct[_N:])
    cd0 = cdf0.reshape(_E, 16)
    cd1 = cdf1.reshape(_E, 16)

    edge_call = pl.pallas_call(_edge_body, **_edge_call_kwargs())
    ef0, tr0 = edge_call(pre0, cd0, edge_attr, wr, wa, be1r,
                         We2, be2r, Wc1, bc1r, wcg, g1, g2, g3, oh12)
    ef1, tr1 = edge_call(pre1, cd1, edge_attr, wr, wa, be1r,
                         We2, be2r, Wc1, bc1r, wcg, g1, g2, g3, oh12)

    zh = jnp.zeros((_CH, _D), _f32)
    scatter = pl.kernel(
        _scatter_body,
        out_type=tuple(
            jax.ShapeDtypeStruct((_NC * _N, _D), _f32) for _ in range(2)),
        mesh=plsc.VectorSubcoreMesh(core_axis_name="c", subcore_axis_name="s"),
        scratch_types=(
            [pltpu.VMEM((_CHS,), jnp.int32)] * 2
            + [pltpu.VMEM((_CHS, _D), _f32)] * 2
            + [pltpu.VMEM((_CHS * 16,), _f32)] * 2
            + [pltpu.VMEM((_CH, _D), _f32),
               pltpu.VMEM_SHARED((_N, _D), _f32)]
            + [pltpu.SemaphoreType.DMA] * 4
        ),
    )
    aggp0, acp0 = scatter(row, ef0, tr0.reshape(-1), zh)
    aggp1, acp1 = scatter(row, ef1, tr1.reshape(-1), zh)
    node_call = pl.pallas_call(_node_body, **_node_call_kwargs())
    h0, c0 = node_call(hflat[:_N], c16[:_N], aggp0[:_N], aggp0[_N:],
                       acp0[:_N], acp0[_N:], wnh, wna, bn1r, Wn2, bn2r,
                       oh128, sel)
    h1, c1 = node_call(hflat[_N:], c16[_N:], aggp1[:_N], aggp1[_N:],
                       acp1[:_N], acp1[_N:], wnh, wna, bn1r, Wn2, bn2r,
                       oh128, sel)

    hs = jnp.stack([h0, h1])
    coords = jnp.stack([c0[:, :12].reshape(_N, 4, 3),
                        c1[:, :12].reshape(_N, 4, 3)])
    return (hs, coords)

# --- scband reference (transcript-rebuilt; emitter-appended) ---
"""Pipeline reference for scband-e-gcl-x-11751030522787 (READ-ONLY COPY).

The authoritative reference and input builder live on the scoring server;
editing this copy changes nothing except your own understanding.
"""

import jax, jax.numpy as jnp
import numpy as np

N_NODES = 10000
N_EDGES = 320000
D = 128
H = 128
DE = 16
B = 2


def setup_inputs(seed: int = 0) -> dict:
    key = jax.random.key(seed)
    ks = jax.random.split(key, 20)

    def lin(k, fan_in, fan_out):
        s = 1.0 / np.sqrt(fan_in)
        return jax.random.uniform(k, (fan_in, fan_out), jnp.float32, -s, s)

    inp = {}
    inp["h"] = jax.random.normal(ks[0], (B, N_NODES, D), jnp.float32)
    inp["coord"] = jax.random.normal(ks[1], (B, N_NODES, 4, 3), jnp.float32)
    inp["edge_index"] = jax.random.randint(ks[2], (2, N_EDGES), 0, N_NODES, dtype=jnp.int32)
    inp["edge_attr"] = jax.random.normal(ks[3], (N_EDGES, DE), jnp.float32)
    # edge_mlp: Linear(2*D + 16 + DE, H), ReLU, Linear(H, H), ReLU
    inp["We1"] = lin(ks[4], 2 * D + 16 + DE, H)
    inp["be1"] = jnp.zeros((H,), jnp.float32)
    inp["We2"] = lin(ks[5], H, H)
    inp["be2"] = jnp.zeros((H,), jnp.float32)
    # node_mlp: Linear(H + D, H), ReLU, Linear(H, D)
    inp["Wn1"] = lin(ks[6], H + D, H)
    inp["bn1"] = jnp.zeros((H,), jnp.float32)
    inp["Wn2"] = lin(ks[7], H, D)
    inp["bn2"] = jnp.zeros((D,), jnp.float32)
    # coord_mlp: Linear(H, H), ReLU, Linear(H, 4, bias=False) with tiny xavier init
    inp["Wc1"] = lin(ks[8], H, H)
    inp["bc1"] = jnp.zeros((H,), jnp.float32)
    inp["Wc2"] = lin(ks[9], H, 4) * 0.001
    return inp


def reference(h, coord, edge_index, edge_attr, We1, be1, We2, be2, Wn1, bn1, Wn2, bn2, Wc1, bc1, Wc2):
    row = edge_index[0]
    col = edge_index[1]

    def egnn_mp(hb, cb):
        # coord2radial
        coord_diff = cb[row] - cb[col]  # [E, 4, 3]
        pro = jnp.einsum('ijt,ikt->ijk', coord_diff, coord_diff).reshape(coord_diff.shape[0], -1)  # [E, 16]
        nrm = jnp.linalg.norm(pro, axis=-1, keepdims=True)
        radial = pro / jnp.maximum(nrm, 1e-12)
        # edge_model
        src = hb[row]
        tgt = hb[col]
        e_in = jnp.concatenate([src, tgt, radial, edge_attr], axis=1)
        ef = jax.nn.relu(e_in @ We1 + be1)
        ef = jax.nn.relu(ef @ We2 + be2)
        # coord_model
        m = jax.nn.relu(ef @ Wc1 + bc1) @ Wc2  # [E, 4]
        trans = coord_diff * m[:, :, None]  # [E, 4, 3]
        s = jax.ops.segment_sum(trans, row, num_segments=N_NODES)
        cnt = jax.ops.segment_sum(jnp.ones_like(trans), row, num_segments=N_NODES)
        agg_c = s / jnp.maximum(cnt, 1.0)
        coord_out = cb + agg_c * 1.0  # coords_weight = 1.0
        # node_model
        agg = jax.ops.segment_sum(ef, row, num_segments=N_NODES)
        n_in = jnp.concatenate([hb, agg], axis=1)
        o = jax.nn.relu(n_in @ Wn1 + bn1) @ Wn2 + bn2
        h_out = hb + o  # recurrent=True
        return h_out, coord_out

    hs, coords = jax.vmap(egnn_mp)(h, coord)
    return (hs, coords)

if __name__ == "__main__":
    import jax
    _d = setup_inputs()
    print(jax.jit(kernel)(*tuple(_d.values())))

</pallas_src>

<mosaic_0001>
#map = affine_map<(d0, d1) -> (0)>
#map1 = affine_map<(d0, d1) -> (0, 0)>
module attributes {stable_mosaic.version = 14 : i64} {
  func.func @_gather_body(%arg0: i32, %arg1: i32, %arg2: memref<320000xi32, #tpu.memory_space<hbm>>, %arg3: memref<320000xi32, #tpu.memory_space<hbm>>, %arg4: memref<10000x128xf32, #tpu.memory_space<hbm>>, %arg5: memref<10000x128xf32, #tpu.memory_space<hbm>>, %arg6: memref<10000x128xf32, #tpu.memory_space<hbm>>, %arg7: memref<320000x128xf32, #tpu.memory_space<hbm>>, %arg8: memref<5120000xf32, #tpu.memory_space<hbm>>, %arg9: memref<10000xi32, #tpu.memory_space<vmem>>, %arg10: memref<10000xi32, #tpu.memory_space<vmem>>, %arg11: memref<64x128xf32, #tpu.memory_space<vmem>>, %arg12: memref<64x128xf32, #tpu.memory_space<vmem>>, %arg13: memref<64x128xf32, #tpu.memory_space<vmem>>, %arg14: memref<64x128xf32, #tpu.memory_space<vmem>>, %arg15: memref<64x128xf32, #tpu.memory_space<vmem>>, %arg16: memref<64x128xf32, #tpu.memory_space<vmem>>, %arg17: memref<64x128xf32, #tpu.memory_space<vmem>>, %arg18: memref<64x128xf32, #tpu.memory_space<vmem>>, %arg19: memref<1024xf32, #tpu.memory_space<vmem>>, %arg20: memref<1024xf32, #tpu.memory_space<vmem>>, %arg21: memref<!tpu.dma_semaphore, #tpu.memory_space<semaphore_mem>>, %arg22: memref<!tpu.dma_semaphore, #tpu.memory_space<semaphore_mem>>, %arg23: memref<!tpu.dma_semaphore, #tpu.memory_space<semaphore_mem>>, %arg24: memref<!tpu.dma_semaphore, #tpu.memory_space<semaphore_mem>>, %arg25: memref<!tpu.dma_semaphore, #tpu.memory_space<semaphore_mem>>, %arg26: memref<!tpu.dma_semaphore, #tpu.memory_space<semaphore_mem>>, %arg27: memref<!tpu.dma_semaphore, #tpu.memory_space<semaphore_mem>>, %arg28: memref<!tpu.dma_semaphore, #tpu.memory_space<semaphore_mem>>) attributes {dimension_semantics = [#tpu.dimension_semantics<core_parallel>, #tpu.dimension_semantics<subcore_parallel>], iteration_bounds = array<i64: 2, 16>, scalar_prefetch = 0 : i64, scratch_operands = 20 : i64, tpu.core_type = #tpu.core_type<sc_vector_subcore>, window_params = [{transform_indices = #map}, {transform_indices = #map}, {transform_indices = #map1}, {transform_indices = #map1}, {transform_indices = #map1}, {transform_indices = #map1}, {transform_indices = #map}]} {
    %mul3A = arith.constant 2 : i32
    %mul3A_0 = arith.muli %arg1, %mul3A : i32
    %add3A = arith.addi %mul3A_0, %arg0 : i32
    %mul3A_1 = arith.constant 10000 : i32
    %mul3A_2 = arith.muli %add3A, %mul3A_1 : i32
    "tpu.region"() ({
      %run_scoped3A = tpu.sem_alloc : memref<!tpu.dma_semaphore, #tpu.memory_space<semaphore_mem>>
      %dma_start3A_25 = tpu.memref_slice %arg2[%mul3A_2] : memref<320000xi32, #tpu.memory_space<hbm>> -> memref<10000xi32, #tpu.memory_space<hbm>>
      %dma_start3A_26 = tpu.memref_slice %arg2[%mul3A_2] : memref<320000xi32, #tpu.memory_space<hbm>> -> memref<10000xi32, #tpu.memory_space<hbm>>
      tpu.enqueue_dma source(%dma_start3A_26 : memref<10000xi32, #tpu.memory_space<hbm>>) target(%arg9 : memref<10000xi32, #tpu.memory_space<vmem>>) target_semaphore(%run_scoped3A : memref<!tpu.dma_semaphore, #tpu.memory_space<semaphore_mem>>)
      %dma_wait3A = tpu.memref_slice %arg2[%mul3A_2] : memref<320000xi32, #tpu.memory_space<hbm>> -> memref<10000xi32, #tpu.memory_space<hbm>>
      %dma_wait3A_27 = tpu.memref_slice %arg2[%mul3A_2] : memref<320000xi32, #tpu.memory_space<hbm>> -> memref<10000xi32, #tpu.memory_space<hbm>>
      tpu.wait_dma2 semaphore(%run_scoped3A : memref<!tpu.dma_semaphore, #tpu.memory_space<semaphore_mem>>) src(%dma_wait3A_27 : memref<10000xi32, #tpu.memory_space<hbm>>) dst(%arg9 : memref<10000xi32, #tpu.memory_space<vmem>>)
      tpu.yield
    }) : () -> ()
    "tpu.region"() ({
      %run_scoped3A = tpu.sem_alloc : memref<!tpu.dma_semaphore, #tpu.memory_space<semaphore_mem>>
      %dma_start3A_25 = tpu.memref_slice %arg3[%mul3A_2] : memref<320000xi32, #tpu.memory_space<hbm>> -> memref<10000xi32, #tpu.memory_space<hbm>>
      %dma_start3A_26 = tpu.memref_slice %arg3[%mul3A_2] : memref<320000xi32, #tpu.memory_space<hbm>> -> memref<10000xi32, #tpu.memory_space<hbm>>
      tpu.enqueue_dma source(%dma_start3A_26 : memref<10000xi32, #tpu.memory_space<hbm>>) target(%arg10 : memref<10000xi32, #tpu.memory_space<vmem>>) target_semaphore(%run_scoped3A : memref<!tpu.dma_semaphore, #tpu.memory_space<semaphore_mem>>)
      %dma_wait3A = tpu.memref_slice %arg3[%mul3A_2] : memref<320000xi32, #tpu.memory_space<hbm>> -> memref<10000xi32, #tpu.memory_space<hbm>>
      %dma_wait3A_27 = tpu.memref_slice %arg3[%mul3A_2] : memref<320000xi32, #tpu.memory_space<hbm>> -> memref<10000xi32, #tpu.memory_space<hbm>>
      tpu.wait_dma2 semaphore(%run_scoped3A : memref<!tpu.dma_semaphore, #tpu.memory_space<semaphore_mem>>) src(%dma_wait3A_27 : memref<10000xi32, #tpu.memory_space<hbm>>) dst(%arg10 : memref<10000xi32, #tpu.memory_space<vmem>>)
      tpu.yield
    }) : () -> ()
    %min3A = arith.constant 0 : i32
    %min3A_3 = arith.constant 9936 : i32
    %min3A_4 = arith.minsi %min3A, %min3A_3 : i32
    %dma_start3A = tpu.memref_slice %arg9[%min3A_4] : memref<10000xi32, #tpu.memory_space<vmem>> -> memref<64xi32, #tpu.memory_space<vmem>>
    %dma_start3A_5 = arith.constant 0 : i32
    %dma_start3A_6 = arith.constant 0 : i32
    %dma_start3A_7 = tpu.memref_slice %arg4[%dma_start3A_5, %dma_start3A_6] : memref<10000x128xf32, #tpu.memory_space<hbm>> -> memref<10000x128xf32, #tpu.memory_space<hbm>>
    tpu.enqueue_indirect_dma source(%dma_start3A_7 : memref<10000x128xf32, #tpu.memory_space<hbm>>) target(%arg11 : memref<64x128xf32, #tpu.memory_space<vmem>>) offsets(%dma_start3A : memref<64xi32, #tpu.memory_space<vmem>>) semaphore(%arg21 : memref<!tpu.dma_semaphore, #tpu.memory_space<semaphore_mem>>)
    %dma_start3A_8 = tpu.memref_slice %arg10[%min3A_4] : memref<10000xi32, #tpu.memory_space<vmem>> -> memref<64xi32, #tpu.memory_space<vmem>>
    %dma_start3A_9 = arith.constant 0 : i32
    %dma_start3A_10 = arith.constant 0 : i32
    %dma_start3A_11 = tpu.memref_slice %arg5[%dma_start3A_9, %dma_start3A_10] : memref<10000x128xf32, #tpu.memory_space<hbm>> -> memref<10000x128xf32, #tpu.memory_space<hbm>>
    tpu.enqueue_indirect_dma source(%dma_start3A_11 : memref<10000x128xf32, #tpu.memory_space<hbm>>) target(%arg13 : memref<64x128xf32, #tpu.memory_space<vmem>>) offsets(%dma_start3A_8 : memref<64xi32, #tpu.memory_space<vmem>>) semaphore(%arg23 : memref<!tpu.dma_semaphore, #tpu.memory_space<semaphore_mem>>)
    %dma_start3A_12 = tpu.memref_slice %arg9[%min3A_4] : memref<10000xi32, #tpu.memory_space<vmem>> -> memref<64xi32, #tpu.memory_space<vmem>>
    %dma_start3A_13 = arith.constant 0 : i32
    %dma_start3A_14 = arith.constant 0 : i32
    %dma_start3A_15 = tpu.memref_slice %arg6[%dma_start3A_13, %dma_start3A_14] : memref<10000x128xf32, #tpu.memory_space<hbm>> -> memref<10000x128xf32, #tpu.memory_space<hbm>>
    tpu.enqueue_indirect_dma source(%dma_start3A_15 : memref<10000x128xf32, #tpu.memory_space<hbm>>) target(%arg15 : memref<64x128xf32, #tpu.memory_space<vmem>>) offsets(%dma_start3A_12 : memref<64xi32, #tpu.memory_space<vmem>>) semaphore(%arg25 : memref<!tpu.dma_semaphore, #tpu.memory_space<semaphore_mem>>)
    %dma_start3A_16 = tpu.memref_slice %arg10[%min3A_4] : memref<10000xi32, #tpu.memory_space<vmem>> -> memref<64xi32, #tpu.memory_space<vmem>>
    %dma_start3A_17 = arith.constant 0 : i32
    %dma_start3A_18 = arith.constant 0 : i32
    %dma_start3A_19 = tpu.memref_slice %arg6[%dma_start3A_17, %dma_start3A_18] : memref<10000x128xf32, #tpu.memory_space<hbm>> -> memref<10000x128xf32, #tpu.memory_space<hbm>>
    tpu.enqueue_indirect_dma source(%dma_start3A_19 : memref<10000x128xf32, #tpu.memory_space<hbm>>) target(%arg17 : memref<64x128xf32, #tpu.memory_space<vmem>>) offsets(%dma_start3A_16 : memref<64xi32, #tpu.memory_space<vmem>>) semaphore(%arg27 : memref<!tpu.dma_semaphore, #tpu.memory_space<semaphore_mem>>)
    %scan3A = arith.constant 0 : i32
    %scan3A_20 = arith.constant 0 : i32
    %scan3A_21 = arith.constant 79 : i32
    %scan3A_22 = arith.addi %scan3A_20, %scan3A_21 : i32
    %scan3A_23 = arith.constant 1 : i32
    scf.for %scan3A_25 = %scan3A_20 to %scan3A_22 step %scan3A_23  : i32 {
      %mul3A_26 = arith.constant 2 : i32
      %mul3A_27 = arith.muli %mul3A_26, %scan3A_25 : i32
      %add3A_28 = arith.constant 1 : i32
      %add3A_29 = arith.addi %mul3A_27, %add3A_28 : i32
      %lt3A = arith.constant 157 : i32
      %lt3A_30 = arith.cmpi slt, %add3A_29, %lt3A : i32
      %convert_element_type3A = arith.extui %lt3A_30 : i1 to i32
      %cond3A = arith.constant 0 : i32
      %cond3A_31 = arith.cmpi ne, %convert_element_type3A, %cond3A : i32
      scf.if %cond3A_31 {
        %mul3A_57 = arith.constant 64 : i32
        %mul3A_58 = arith.muli %add3A_29, %mul3A_57 : i32
        %min3A_59 = arith.constant 9936 : i32
        %min3A_60 = arith.minsi %mul3A_58, %min3A_59 : i32
        %dma_start3A_61 = tpu.memref_slice %arg9[%min3A_60] : memref<10000xi32, #tpu.memory_space<vmem>> -> memref<64xi32, #tpu.memory_space<vmem>>
        %dma_start3A_62 = arith.constant 0 : i32
        %dma_start3A_63 = arith.constant 0 : i32
        %dma_start3A_64 = tpu.memref_slice %arg4[%dma_start3A_62, %dma_start3A_63] : memref<10000x128xf32, #tpu.memory_space<hbm>> -> memref<10000x128xf32, #tpu.memory_space<hbm>>
        tpu.enqueue_indirect_dma source(%dma_start3A_64 : memref<10000x128xf32, #tpu.memory_space<hbm>>) target(%arg12 : memref<64x128xf32, #tpu.memory_space<vmem>>) offsets(%dma_start3A_61 : memref<64xi32, #tpu.memory_space<vmem>>) semaphore(%arg22 : memref<!tpu.dma_semaphore, #tpu.memory_space<semaphore_mem>>)
        %dma_start3A_65 = tpu.memref_slice %arg10[%min3A_60] : memref<10000xi32, #tpu.memory_space<vmem>> -> memref<64xi32, #tpu.memory_space<vmem>>
        %dma_start3A_66 = arith.constant 0 : i32
        %dma_start3A_67 = arith.constant 0 : i32
        %dma_start3A_68 = tpu.memref_slice %arg5[%dma_start3A_66, %dma_start3A_67] : memref<10000x128xf32, #tpu.memory_space<hbm>> -> memref<10000x128xf32, #tpu.memory_space<hbm>>
        tpu.enqueue_indirect_dma source(%dma_start3A_68 : memref<10000x128xf32, #tpu.memory_space<hbm>>) target(%arg14 : memref<64x128xf32, #tpu.memory_space<vmem>>) offsets(%dma_start3A_65 : memref<64xi32, #tpu.memory_space<vmem>>) semaphore(%arg24 : memref<!tpu.dma_semaphore, #tpu.memory_space<semaphore_mem>>)
        %dma_start3A_69 = tpu.memref_slice %arg9[%min3A_60] : memref<10000xi32, #tpu.memory_space<vmem>> -> memref<64xi32, #tpu.memory_space<vmem>>
        %dma_start3A_70 = arith.constant 0 : i32
        %dma_start3A_71 = arith.constant 0 : i32
        %dma_start3A_72 = tpu.memref_slice %arg6[%dma_start3A_70, %dma_start3A_71] : memref<10000x128xf32, #tpu.memory_space<hbm>> -> memref<10000x128xf32, #tpu.memory_space<hbm>>
        tpu.enqueue_indirect_dma source(%dma_start3A_72 : memref<10000x128xf32, #tpu.memory_space<hbm>>) target(%arg16 : memref<64x128xf32, #tpu.memory_space<vmem>>) offsets(%dma_start3A_69 : memref<64xi32, #tpu.memory_space<vmem>>) semaphore(%arg26 : memref<!tpu.dma_semaphore, #tpu.memory_space<semaphore_mem>>)
        %dma_start3A_73 = tpu.memref_slice %arg10[%min3A_60] : memref<10000xi32, #tpu.memory_space<vmem>> -> memref<64xi32, #tpu.memory_space<vmem>>
        %dma_start3A_74 = arith.constant 0 : i32
        %dma_start3A_75 = arith.constant 0 : i32
        %dma_start3A_76 = tpu.memref_slice %arg6[%dma_start3A_74, %dma_start3A_75] : memref<10000x128xf32, #tpu.memory_space<hbm>> -> memref<10000x128xf32, #tpu.memory_space<hbm>>
        tpu.enqueue_indirect_dma source(%dma_start3A_76 : memref<10000x128xf32, #tpu.memory_space<hbm>>) target(%arg18 : memref<64x128xf32, #tpu.memory_space<vmem>>) offsets(%dma_start3A_73 : memref<64xi32, #tpu.memory_space<vmem>>) semaphore(%arg28 : memref<!tpu.dma_semaphore, #tpu.memory_space<semaphore_mem>>)
      } else {
      }
      %mul3A_32 = arith.constant 2 : i32
      %mul3A_33 = arith.muli %mul3A_32, %scan3A_25 : i32
      %lt3A_34 = arith.constant 157 : i32
      %lt3A_35 = arith.cmpi slt, %mul3A_33, %lt3A_34 : i32
      %convert_element_type3A_36 = arith.extui %lt3A_35 : i1 to i32
      %cond3A_37 = arith.constant 0 : i32
      %cond3A_38 = arith.cmpi ne, %convert_element_type3A_36, %cond3A_37 : i32
      scf.if %cond3A_38 {
        %mul3A_57 = arith.constant 64 : i32
        %mul3A_58 = arith.muli %mul3A_33, %mul3A_57 : i32
        %min3A_59 = arith.constant 9936 : i32
        %min3A_60 = arith.minsi %mul3A_58, %min3A_59 : i32
        %add3A_61 = arith.addi %mul3A_2, %min3A_60 : i32
        %dma_wait3A = tpu.memref_slice %arg9[%min3A_60] : memref<10000xi32, #tpu.memory_space<vmem>> -> memref<64xi32, #tpu.memory_space<vmem>>
        %dma_wait3A_62 = arith.constant 0 : i32
        %dma_wait3A_63 = arith.constant 0 : i32
        %dma_wait3A_64 = tpu.memref_slice %arg4[%dma_wait3A_62, %dma_wait3A_63] : memref<10000x128xf32, #tpu.memory_space<hbm>> -> memref<10000x128xf32, #tpu.memory_space<hbm>>
        tpu.wait_indirect_dma semaphore(%arg21 : memref<!tpu.dma_semaphore, #tpu.memory_space<semaphore_mem>>) src(%dma_wait3A_64 : memref<10000x128xf32, #tpu.memory_space<hbm>>) dst(%arg11 : memref<64x128xf32, #tpu.memory_space<vmem>>)
        %dma_wait3A_65 = tpu.memref_slice %arg10[%min3A_60] : memref<10000xi32, #tpu.memory_space<vmem>> -> memref<64xi32, #tpu.memory_space<vmem>>
        %dma_wait3A_66 = arith.constant 0 : i32
        %dma_wait3A_67 = arith.constant 0 : i32
        %dma_wait3A_68 = tpu.memref_slice %arg5[%dma_wait3A_66, %dma_wait3A_67] : memref<10000x128xf32, #tpu.memory_space<hbm>> -> memref<10000x128xf32, #tpu.memory_space<hbm>>
        tpu.wait_indirect_dma semaphore(%arg23 : memref<!tpu.dma_semaphore, #tpu.memory_space<semaphore_mem>>) src(%dma_wait3A_68 : memref<10000x128xf32, #tpu.memory_space<hbm>>) dst(%arg13 : memref<64x128xf32, #tpu.memory_space<vmem>>)
        %scan3A_69 = arith.constant 0 : i32
        %scan3A_70 = arith.constant 0 : i32
        %scan3A_71 = arith.constant 64 : i32
        %scan3A_72 = arith.addi %scan3A_70, %scan3A_71 : i32
        %scan3A_73 = arith.constant 1 : i32
        scf.for %scan3A_91 = %scan3A_70 to %scan3A_72 step %scan3A_73  : i32 {
          %get3A = arith.index_cast %scan3A_91 : i32 to index
          %get3A_92 = arith.constant 0 : index
          %get3A_93 = tpu.vector_load %arg11[%get3A, %get3A_92] {strides = array<i32>} : memref<64x128xf32, #tpu.memory_space<vmem>>, vector<1x16xf32>,
          %get3A_94 = vector.shape_cast %get3A_93 : vector<1x16xf32> to vector<16xf32>
          %get3A_95 = arith.index_cast %scan3A_91 : i32 to index
          %get3A_96 = arith.constant 0 : index
          %get3A_97 = tpu.vector_load %arg13[%get3A_95, %get3A_96] {strides = array<i32>} : memref<64x128xf32, #tpu.memory_space<vmem>>, vector<1x16xf32>,
          %get3A_98 = vector.shape_cast %get3A_97 : vector<1x16xf32> to vector<16xf32>
          %add3A_99 = arith.addf %get3A_94, %get3A_98 : vector<16xf32>
          %swap3A = arith.index_cast %scan3A_91 : i32 to index
          %swap3A_100 = arith.constant 0 : index
          %swap3A_101 = tpu.vector_load %arg11[%swap3A, %swap3A_100] {strides = array<i32>} : memref<64x128xf32, #tpu.memory_space<vmem>>, vector<1x16xf32>,
          %swap3A_102 = vector.shape_cast %swap3A_101 : vector<1x16xf32> to vector<16xf32>
          %swap3A_103 = vector.shape_cast %add3A_99 : vector<16xf32> to vector<1x16xf32>
          tpu.vector_store %arg11[%swap3A, %swap3A_100], %swap3A_103 {strides = array<i32>} : memref<64x128xf32, #tpu.memory_space<vmem>>, vector<1x16xf32>,
          %get3A_104 = arith.index_cast %scan3A_91 : i32 to index
          %get3A_105 = arith.constant 16 : index
          %get3A_106 = tpu.vector_load %arg11[%get3A_104, %get3A_105] {strides = array<i32>} : memref<64x128xf32, #tpu.memory_space<vmem>>, vector<1x16xf32>,
          %get3A_107 = vector.shape_cast %get3A_106 : vector<1x16xf32> to vector<16xf32>
          %get3A_108 = arith.index_cast %scan3A_91 : i32 to index
          %get3A_109 = arith.constant 16 : index
          %get3A_110 = tpu.vector_load %arg13[%get3A_108, %get3A_109] {strides = array<i32>} : memref<64x128xf32, #tpu.memory_space<vmem>>, vector<1x16xf32>,
          %get3A_111 = vector.shape_cast %get3A_110 : vector<1x16xf32> to vector<16xf32>
          %add3A_112 = arith.addf %get3A_107, %get3A_111 : vector<16xf32>
          %swap3A_113 = arith.index_cast %scan3A_91 : i32 to index
          %swap3A_114 = arith.constant 16 : index
          %swap3A_115 = tpu.vector_load %arg11[%swap3A_113, %swap3A_114] {strides = array<i32>} : memref<64x128xf32, #tpu.memory_space<vmem>>, vector<1x16xf32>,
          %swap3A_116 = vector.shape_cast %swap3A_115 : vector<1x16xf32> to vector<16xf32>
          %swap3A_117 = vector.shape_cast %add3A_112 : vector<16xf32> to vector<1x16xf32>
          tpu.vector_store %arg11[%swap3A_113, %swap3A_114], %swap3A_117 {strides = array<i32>} : memref<64x128xf32, #tpu.memory_space<vmem>>, vector<1x16xf32>,
          %get3A_118 = arith.index_cast %scan3A_91 : i32 to index
          %get3A_119 = arith.constant 32 : index
          %get3A_120 = tpu.vector_load %arg11[%get3A_118, %get3A_119] {strides = array<i32>} : memref<64x128xf32, #tpu.memory_space<vmem>>, vector<1x16xf32>,
          %get3A_121 = vector.shape_cast %get3A_120 : vector<1x16xf32> to vector<16xf32>
          %get3A_122 = arith.index_cast %scan3A_91 : i32 to index
          %get3A_123 = arith.constant 32 : index
          %get3A_124 = tpu.vector_load %arg13[%get3A_122, %get3A_123] {strides = array<i32>} : memref<64x128xf32, #tpu.memory_space<vmem>>, vector<1x16xf32>,
          %get3A_125 = vector.shape_cast %get3A_124 : vector<1x16xf32> to vector<16xf32>
          %add3A_126 = arith.addf %get3A_121, %get3A_125 : vector<16xf32>
          %swap3A_127 = arith.index_cast %scan3A_91 : i32 to index
          %swap3A_128 = arith.constant 32 : index
          %swap3A_129 = tpu.vector_load %arg11[%swap3A_127, %swap3A_128] {strides = array<i32>} : memref<64x128xf32, #tpu.memory_space<vmem>>, vector<1x16xf32>,
          %swap3A_130 = vector.shape_cast %swap3A_129 : vector<1x16xf32> to vector<16xf32>
          %swap3A_131 = vector.shape_cast %add3A_126 : vector<16xf32> to vector<1x16xf32>
          tpu.vector_store %arg11[%swap3A_127, %swap3A_128], %swap3A_131 {strides = array<i32>} : memref<64x128xf32, #tpu.memory_space<vmem>>, vector<1x16xf32>,
          %get3A_132 = arith.index_cast %scan3A_91 : i32 to index
          %get3A_133 = arith.constant 48 : index
          %get3A_134 = tpu.vector_load %arg11[%get3A_132, %get3A_133] {strides = array<i32>} : memref<64x128xf32, #tpu.memory_space<vmem>>, vector<1x16xf32>,
          %get3A_135 = vector.shape_cast %get3A_134 : vector<1x16xf32> to vector<16xf32>
          %get3A_136 = arith.index_cast %scan3A_91 : i32 to index
          %get3A_137 = arith.constant 48 : index
          %get3A_138 = tpu.vector_load %arg13[%get3A_136, %get3A_137] {strides = array<i32>} : memref<64x128xf32, #tpu.memory_space<vmem>>, vector<1x16xf32>,
          %get3A_139 = vector.shape_cast %get3A_138 : vector<1x16xf32> to vector<16xf32>
          %add3A_140 = arith.addf %get3A_135, %get3A_139 : vector<16xf32>
          %swap3A_141 = arith.index_cast %scan3A_91 : i32 to index
          %swap3A_142 = arith.constant 48 : index
          %swap3A_143 = tpu.vector_load %arg11[%swap3A_141, %swap3A_142] {strides = array<i32>} : memref<64x128xf32, #tpu.memory_space<vmem>>, vector<1x16xf32>,
          %swap3A_144 = vector.shape_cast %swap3A_143 : vector<1x16xf32> to vector<16xf32>
          %swap3A_145 = vector.shape_cast %add3A_140 : vector<16xf32> to vector<1x16xf32>
          tpu.vector_store %arg11[%swap3A_141, %swap3A_142], %swap3A_145 {strides = array<i32>} : memref<64x128xf32, #tpu.memory_space<vmem>>, vector<1x16xf32>,
          %get3A_146 = arith.index_cast %scan3A_91 : i32 to index
          %get3A_147 = arith.constant 64 : index
          %get3A_148 = tpu.vector_load %arg11[%get3A_146, %get3A_147] {strides = array<i32>} : memref<64x128xf32, #tpu.memory_space<vmem>>, vector<1x16xf32>,
          %get3A_149 = vector.shape_cast %get3A_148 : vector<1x16xf32> to vector<16xf32>
          %get3A_150 = arith.index_cast %scan3A_91 : i32 to index
          %get3A_151 = arith.constant 64 : index
          %get3A_152 = tpu.vector_load %arg13[%get3A_150, %get3A_151] {strides = array<i32>} : memref<64x128xf32, #tpu.memory_space<vmem>>, vector<1x16xf32>,
          %get3A_153 = vector.shape_cast %get3A_152 : vector<1x16xf32> to vector<16xf32>
          %add3A_154 = arith.addf %get3A_149, %get3A_153 : vector<16xf32>
          %swap3A_155 = arith.index_cast %scan3A_91 : i32 to index
          %swap3A_156 = arith.constant 64 : index
          %swap3A_157 = tpu.vector_load %arg11[%swap3A_155, %swap3A_156] {strides = array<i32>} : memref<64x128xf32, #tpu.memory_space<vmem>>, vector<1x16xf32>,
          %swap3A_158 = vector.shape_cast %swap3A_157 : vector<1x16xf32> to vector<16xf32>
          %swap3A_159 = vector.shape_cast %add3A_154 : vector<16xf32> to vector<1x16xf32>
          tpu.vector_store %arg11[%swap3A_155, %swap3A_156], %swap3A_159 {strides = array<i32>} : memref<64x128xf32, #tpu.memory_space<vmem>>, vector<1x16xf32>,
          %get3A_160 = arith.index_cast %scan3A_91 : i32 to index
          %get3A_161 = arith.constant 80 : index
          %get3A_162 = tpu.vector_load %arg11[%get3A_160, %get3A_161] {strides = array<i32>} : memref<64x128xf32, #tpu.memory_space<vmem>>, vector<1x16xf32>,
          %get3A_163 = vector.shape_cast %get3A_162 : vector<1x16xf32> to vector<16xf32>
          %get3A_164 = arith.index_cast %scan3A_91 : i32 to index
          %get3A_165 = arith.constant 80 : index
          %get3A_166 = tpu.vector_load %arg13[%get3A_164, %get3A_165] {strides = array<i32>} : memref<64x128xf32, #tpu.memory_space<vmem>>, vector<1x16xf32>,
          %get3A_167 = vector.shape_cast %get3A_166 : vector<1x16xf32> to vector<16xf32>
          %add3A_168 = arith.addf %get3A_163, %get3A_167 : vector<16xf32>
          %swap3A_169 = arith.index_cast %scan3A_91 : i32 to index
          %swap3A_170 = arith.constant 80 : index
          %swap3A_171 = tpu.vector_load %arg11[%swap3A_169, %swap3A_170] {strides = array<i32>} : memref<64x128xf32, #tpu.memory_space<vmem>>, vector<1x16xf32>,
          %swap3A_172 = vector.shape_cast %swap3A_171 : vector<1x16xf32> to vector<16xf32>
          %swap3A_173 = vector.shape_cast %add3A_168 : vector<16xf32> to vector<1x16xf32>
          tpu.vector_store %arg11[%swap3A_169, %swap3A_170], %swap3A_173 {strides = array<i32>} : memref<64x128xf32, #tpu.memory_space<vmem>>, vector<1x16xf32>,
          %get3A_174 = arith.index_cast %scan3A_91 : i32 to index
          %get3A_175 = arith.constant 96 : index
          %get3A_176 = tpu.vector_load %arg11[%get3A_174, %get3A_175] {strides = array<i32>} : memref<64x128xf32, #tpu.memory_space<vmem>>, vector<1x16xf32>,
          %get3A_177 = vector.shape_cast %get3A_176 : vector<1x16xf32> to vector<16xf32>
          %get3A_178 = arith.index_cast %scan3A_91 : i32 to index
          %get3A_179 = arith.constant 96 : index
          %get3A_180 = tpu.vector_load %arg13[%get3A_178, %get3A_179] {strides = array<i32>} : memref<64x128xf32, #tpu.memory_space<vmem>>, vector<1x16xf32>,
          %get3A_181 = vector.shape_cast %get3A_180 : vector<1x16xf32> to vector<16xf32>
          %add3A_182 = arith.addf %get3A_177, %get3A_181 : vector<16xf32>
          %swap3A_183 = arith.index_cast %scan3A_91 : i32 to index
          %swap3A_184 = arith.constant 96 : index
          %swap3A_185 = tpu.vector_load %arg11[%swap3A_183, %swap3A_184] {strides = array<i32>} : memref<64x128xf32, #tpu.memory_space<vmem>>, vector<1x16xf32>,
          %swap3A_186 = vector.shape_cast %swap3A_185 : vector<1x16xf32> to vector<16xf32>
          %swap3A_187 = vector.shape_cast %add3A_182 : vector<16xf32> to vector<1x16xf32>
          tpu.vector_store %arg11[%swap3A_183, %swap3A_184], %swap3A_187 {strides = array<i32>} : memref<64x128xf32, #tpu.memory_space<vmem>>, vector<1x16xf32>,
          %get3A_188 = arith.index_cast %scan3A_91 : i32 to index
          %get3A_189 = arith.constant 112 : index
          %get3A_190 = tpu.vector_load %arg11[%get3A_188, %get3A_189] {strides = array<i32>} : memref<64x128xf32, #tpu.memory_space<vmem>>, vector<1x16xf32>,
          %get3A_191 = vector.shape_cast %get3A_190 : vector<1x16xf32> to vector<16xf32>
          %get3A_192 = arith.index_cast %scan3A_91 : i32 to index
          %get3A_193 = arith.constant 112 : index
          %get3A_194 = tpu.vector_load %arg13[%get3A_192, %get3A_193] {strides = array<i32>} : memref<64x128xf32, #tpu.memory_space<vmem>>, vector<1x16xf32>,
          %get3A_195 = vector.shape_cast %get3A_194 : vector<1x16xf32> to vector<16xf32>
          %add3A_196 = arith.addf %get3A_191, %get3A_195 : vector<16xf32>
          %swap3A_197 = arith.index_cast %scan3A_91 : i32 to index
          %swap3A_198 = arith.constant 112 : index
          %swap3A_199 = tpu.vector_load %arg11[%swap3A_197, %swap3A_198] {strides = array<i32>} : memref<64x128xf32, #tpu.memory_space<vmem>>, vector<1x16xf32>,
          %swap3A_200 = vector.shape_cast %swap3A_199 : vector<1x16xf32> to vector<16xf32>
          %swap3A_201 = vector.shape_cast %add3A_196 : vector<16xf32> to vector<1x16xf32>
          tpu.vector_store %arg11[%swap3A_197, %swap3A_198], %swap3A_201 {strides = array<i32>} : memref<64x128xf32, #tpu.memory_space<vmem>>, vector<1x16xf32>,
        }
        %scan3A_74 = arith.constant 64 : i32
        "tpu.region"() ({
          %run_scoped3A = tpu.sem_alloc : memref<!tpu.dma_semaphore, #tpu.memory_space<semaphore_mem>>
          %dma_start3A_91 = arith.constant 0 : i32
          %dma_start3A_92 = tpu.memref_slice %arg7[%add3A_61, %dma_start3A_91] : memref<320000x128xf32, #tpu.memory_space<hbm>> -> memref<64x128xf32, #tpu.memory_space<hbm>>
          %dma_start3A_93 = arith.constant 0 : i32
          %dma_start3A_94 = tpu.memref_slice %arg7[%add3A_61, %dma_start3A_93] : memref<320000x128xf32, #tpu.memory_space<hbm>> -> memref<64x128xf32, #tpu.memory_space<hbm>>
          tpu.enqueue_dma source(%arg11 : memref<64x128xf32, #tpu.memory_space<vmem>>) target(%dma_start3A_94 : memref<64x128xf32, #tpu.memory_space<hbm>>) target_semaphore(%run_scoped3A : memref<!tpu.dma_semaphore, #tpu.memory_space<semaphore_mem>>)
          %dma_wait3A_95 = arith.constant 0 : i32
          %dma_wait3A_96 = tpu.memref_slice %arg7[%add3A_61, %dma_wait3A_95] : memref<320000x128xf32, #tpu.memory_space<hbm>> -> memref<64x128xf32, #tpu.memory_space<hbm>>
          %dma_wait3A_97 = arith.constant 0 : i32
          %dma_wait3A_98 = tpu.memref_slice %arg7[%add3A_61, %dma_wait3A_97] : memref<320000x128xf32, #tpu.memory_space<hbm>> -> memref<64x128xf32, #tpu.memory_space<hbm>>
          tpu.wait_dma2 semaphore(%run_scoped3A : memref<!tpu.dma_semaphore, #tpu.memory_space<semaphore_mem>>) src(%arg11 : memref<64x128xf32, #tpu.memory_space<vmem>>) dst(%dma_wait3A_98 : memref<64x128xf32, #tpu.memory_space<hbm>>)
          tpu.yield
        }) : () -> ()
        %dma_wait3A_75 = tpu.memref_slice %arg9[%min3A_60] : memref<10000xi32, #tpu.memory_space<vmem>> -> memref<64xi32, #tpu.memory_space<vmem>>
        %dma_wait3A_76 = arith.constant 0 : i32
        %dma_wait3A_77 = arith.constant 0 : i32
        %dma_wait3A_78 = tpu.memref_slice %arg6[%dma_wait3A_76, %dma_wait3A_77] : memref<10000x128xf32, #tpu.memory_space<hbm>> -> memref<10000x128xf32, #tpu.memory_space<hbm>>
        tpu.wait_indirect_dma semaphore(%arg25 : memref<!tpu.dma_semaphore, #tpu.memory_space<semaphore_mem>>) src(%dma_wait3A_78 : memref<10000x128xf32, #tpu.memory_space<hbm>>) dst(%arg15 : memref<64x128xf32, #tpu.memory_space<vmem>>)
        %dma_wait3A_79 = tpu.memref_slice %arg10[%min3A_60] : memref<10000xi32, #tpu.memory_space<vmem>> -> memref<64xi32, #tpu.memory_space<vmem>>
        %dma_wait3A_80 = arith.constant 0 : i32
        %dma_wait3A_81 = arith.constant 0 : i32
        %dma_wait3A_82 = tpu.memref_slice %arg6[%dma_wait3A_80, %dma_wait3A_81] : memref<10000x128xf32, #tpu.memory_space<hbm>> -> memref<10000x128xf32, #tpu.memory_space<hbm>>
        tpu.wait_indirect_dma semaphore(%arg27 : memref<!tpu.dma_semaphore, #tpu.memory_space<semaphore_mem>>) src(%dma_wait3A_82 : memref<10000x128xf32, #tpu.memory_space<hbm>>) dst(%arg17 : memref<64x128xf32, #tpu.memory_space<vmem>>)
        %scan3A_83 = arith.constant 0 : i32
        %scan3A_84 = arith.constant 0 : i32
        %scan3A_85 = arith.constant 64 : i32
        %scan3A_86 = arith.addi %scan3A_84, %scan3A_85 : i32
        %scan3A_87 = arith.constant 1 : i32
        scf.for %scan3A_91 = %scan3A_84 to %scan3A_86 step %scan3A_87  : i32 {
          %get3A = arith.index_cast %scan3A_91 : i32 to index
          %get3A_92 = arith.constant 0 : index
          %get3A_93 = tpu.vector_load %arg15[%get3A, %get3A_92] {strides = array<i32>} : memref<64x128xf32, #tpu.memory_space<vmem>>, vector<1x16xf32>,
          %get3A_94 = vector.shape_cast %get3A_93 : vector<1x16xf32> to vector<16xf32>
          %get3A_95 = arith.index_cast %scan3A_91 : i32 to index
          %get3A_96 = arith.constant 0 : index
          %get3A_97 = tpu.vector_load %arg17[%get3A_95, %get3A_96] {strides = array<i32>} : memref<64x128xf32, #tpu.memory_space<vmem>>, vector<1x16xf32>,
          %get3A_98 = vector.shape_cast %get3A_97 : vector<1x16xf32> to vector<16xf32>
          %sub3A = arith.subf %get3A_94, %get3A_98 : vector<16xf32>
          %mul3A_99 = arith.constant 16 : i32
          %mul3A_100 = arith.muli %scan3A_91, %mul3A_99 : i32
          %swap3A = arith.index_cast %mul3A_100 : i32 to index
          %swap3A_101 = tpu.vector_load %arg19[%swap3A] {strides = array<i32>} : memref<1024xf32, #tpu.memory_space<vmem>>, vector<16xf32>,
          %swap3A_102 = vector.shape_cast %swap3A_101 : vector<16xf32> to vector<16xf32>
          %swap3A_103 = vector.shape_cast %sub3A : vector<16xf32> to vector<16xf32>
          tpu.vector_store %arg19[%swap3A], %swap3A_103 {strides = array<i32>} : memref<1024xf32, #tpu.memory_space<vmem>>, vector<16xf32>,
        }
        %scan3A_88 = arith.constant 64 : i32
        %mul3A_89 = arith.constant 16 : i32
        %mul3A_90 = arith.muli %add3A_61, %mul3A_89 : i32
        "tpu.region"() ({
          %run_scoped3A = tpu.sem_alloc : memref<!tpu.dma_semaphore, #tpu.memory_space<semaphore_mem>>
          %dma_start3A_91 = tpu.memref_slice %arg8[%mul3A_90] : memref<5120000xf32, #tpu.memory_space<hbm>> -> memref<1024xf32, #tpu.memory_space<hbm>>
          %dma_start3A_92 = tpu.memref_slice %arg8[%mul3A_90] : memref<5120000xf32, #tpu.memory_space<hbm>> -> memref<1024xf32, #tpu.memory_space<hbm>>
          tpu.enqueue_dma source(%arg19 : memref<1024xf32, #tpu.memory_space<vmem>>) target(%dma_start3A_92 : memref<1024xf32, #tpu.memory_space<hbm>>) target_semaphore(%run_scoped3A : memref<!tpu.dma_semaphore, #tpu.memory_space<semaphore_mem>>)
          %dma_wait3A_93 = tpu.memref_slice %arg8[%mul3A_90] : memref<5120000xf32, #tpu.memory_space<hbm>> -> memref<1024xf32, #tpu.memory_space<hbm>>
          %dma_wait3A_94 = tpu.memref_slice %arg8[%mul3A_90] : memref<5120000xf32, #tpu.memory_space<hbm>> -> memref<1024xf32, #tpu.memory_space<hbm>>
          tpu.wait_dma2 semaphore(%run_scoped3A : memref<!tpu.dma_semaphore, #tpu.memory_space<semaphore_mem>>) src(%arg19 : memref<1024xf32, #tpu.memory_space<vmem>>) dst(%dma_wait3A_94 : memref<1024xf32, #tpu.memory_space<hbm>>)
          tpu.yield
        }) : () -> ()
      } else {
      }
      %mul3A_39 = arith.constant 2 : i32
      %mul3A_40 = arith.muli %mul3A_39, %scan3A_25 : i32
      %add3A_41 = arith.constant 2 : i32
      %add3A_42 = arith.addi %mul3A_40, %add3A_41 : i32
      %lt3A_43 = arith.constant 157 : i32
      %lt3A_44 = arith.cmpi slt, %add3A_42, %lt3A_43 : i32
      %convert_element_type3A_45 = arith.extui %lt3A_44 : i1 to i32
      %cond3A_46 = arith.constant 0 : i32
      %cond3A_47 = arith.cmpi ne, %convert_element_type3A_45, %cond3A_46 : i32
      scf.if %cond3A_47 {
        %mul3A_57 = arith.constant 64 : i32
        %mul3A_58 = arith.muli %add3A_42, %mul3A_57 : i32
        %min3A_59 = arith.constant 9936 : i32
        %min3A_60 = arith.minsi %mul3A_58, %min3A_59 : i32
        %dma_start3A_61 = tpu.memref_slice %arg9[%min3A_60] : memref<10000xi32, #tpu.memory_space<vmem>> -> memref<64xi32, #tpu.memory_space<vmem>>
        %dma_start3A_62 = arith.constant 0 : i32
        %dma_start3A_63 = arith.constant 0 : i32
        %dma_start3A_64 = tpu.memref_slice %arg4[%dma_start3A_62, %dma_start3A_63] : memref<10000x128xf32, #tpu.memory_space<hbm>> -> memref<10000x128xf32, #tpu.memory_space<hbm>>
        tpu.enqueue_indirect_dma source(%dma_start3A_64 : memref<10000x128xf32, #tpu.memory_space<hbm>>) target(%arg11 : memref<64x128xf32, #tpu.memory_space<vmem>>) offsets(%dma_start3A_61 : memref<64xi32, #tpu.memory_space<vmem>>) semaphore(%arg21 : memref<!tpu.dma_semaphore, #tpu.memory_space<semaphore_mem>>)
        %dma_start3A_65 = tpu.memref_slice %arg10[%min3A_60] : memref<10000xi32, #tpu.memory_space<vmem>> -> memref<64xi32, #tpu.memory_space<vmem>>
        %dma_start3A_66 = arith.constant 0 : i32
        %dma_start3A_67 = arith.constant 0 : i32
        %dma_start3A_68 = tpu.memref_slice %arg5[%dma_start3A_66, %dma_start3A_67] : memref<10000x128xf32, #tpu.memory_space<hbm>> -> memref<10000x128xf32, #tpu.memory_space<hbm>>
        tpu.enqueue_indirect_dma source(%dma_start3A_68 : memref<10000x128xf32, #tpu.memory_space<hbm>>) target(%arg13 : memref<64x128xf32, #tpu.memory_space<vmem>>) offsets(%dma_start3A_65 : memref<64xi32, #tpu.memory_space<vmem>>) semaphore(%arg23 : memref<!tpu.dma_semaphore, #tpu.memory_space<semaphore_mem>>)
        %dma_start3A_69 = tpu.memref_slice %arg9[%min3A_60] : memref<10000xi32, #tpu.memory_space<vmem>> -> memref<64xi32, #tpu.memory_space<vmem>>
        %dma_start3A_70 = arith.constant 0 : i32
        %dma_start3A_71 = arith.constant 0 : i32
        %dma_start3A_72 = tpu.memref_slice %arg6[%dma_start3A_70, %dma_start3A_71] : memref<10000x128xf32, #tpu.memory_space<hbm>> -> memref<10000x128xf32, #tpu.memory_space<hbm>>
        tpu.enqueue_indirect_dma source(%dma_start3A_72 : memref<10000x128xf32, #tpu.memory_space<hbm>>) target(%arg15 : memref<64x128xf32, #tpu.memory_space<vmem>>) offsets(%dma_start3A_69 : memref<64xi32, #tpu.memory_space<vmem>>) semaphore(%arg25 : memref<!tpu.dma_semaphore, #tpu.memory_space<semaphore_mem>>)
        %dma_start3A_73 = tpu.memref_slice %arg10[%min3A_60] : memref<10000xi32, #tpu.memory_space<vmem>> -> memref<64xi32, #tpu.memory_space<vmem>>
        %dma_start3A_74 = arith.constant 0 : i32
        %dma_start3A_75 = arith.constant 0 : i32
        %dma_start3A_76 = tpu.memref_slice %arg6[%dma_start3A_74, %dma_start3A_75] : memref<10000x128xf32, #tpu.memory_space<hbm>> -> memref<10000x128xf32, #tpu.memory_space<hbm>>
        tpu.enqueue_indirect_dma source(%dma_start3A_76 : memref<10000x128xf32, #tpu.memory_space<hbm>>) target(%arg17 : memref<64x128xf32, #tpu.memory_space<vmem>>) offsets(%dma_start3A_73 : memref<64xi32, #tpu.memory_space<vmem>>) semaphore(%arg27 : memref<!tpu.dma_semaphore, #tpu.memory_space<semaphore_mem>>)
      } else {
      }
      %mul3A_48 = arith.constant 2 : i32
      %mul3A_49 = arith.muli %mul3A_48, %scan3A_25 : i32
      %add3A_50 = arith.constant 1 : i32
      %add3A_51 = arith.addi %mul3A_49, %add3A_50 : i32
      %lt3A_52 = arith.constant 157 : i32
      %lt3A_53 = arith.cmpi slt, %add3A_51, %lt3A_52 : i32
      %convert_element_type3A_54 = arith.extui %lt3A_53 : i1 to i32
      %cond3A_55 = arith.constant 0 : i32
      %cond3A_56 = arith.cmpi ne, %convert_element_type3A_54, %cond3A_55 : i32
      scf.if %cond3A_56 {
        %mul3A_57 = arith.constant 64 : i32
        %mul3A_58 = arith.muli %add3A_51, %mul3A_57 : i32
        %min3A_59 = arith.constant 9936 : i32
        %min3A_60 = arith.minsi %mul3A_58, %min3A_59 : i32
        %add3A_61 = arith.addi %mul3A_2, %min3A_60 : i32
        %dma_wait3A = tpu.memref_slice %arg9[%min3A_60] : memref<10000xi32, #tpu.memory_space<vmem>> -> memref<64xi32, #tpu.memory_space<vmem>>
        %dma_wait3A_62 = arith.constant 0 : i32
        %dma_wait3A_63 = arith.constant 0 : i32
        %dma_wait3A_64 = tpu.memref_slice %arg4[%dma_wait3A_62, %dma_wait3A_63] : memref<10000x128xf32, #tpu.memory_space<hbm>> -> memref<10000x128xf32, #tpu.memory_space<hbm>>
        tpu.wait_indirect_dma semaphore(%arg22 : memref<!tpu.dma_semaphore, #tpu.memory_space<semaphore_mem>>) src(%dma_wait3A_64 : memref<10000x128xf32, #tpu.memory_space<hbm>>) dst(%arg12 : memref<64x128xf32, #tpu.memory_space<vmem>>)
        %dma_wait3A_65 = tpu.memref_slice %arg10[%min3A_60] : memref<10000xi32, #tpu.memory_space<vmem>> -> memref<64xi32, #tpu.memory_space<vmem>>
        %dma_wait3A_66 = arith.constant 0 : i32
        %dma_wait3A_67 = arith.constant 0 : i32
        %dma_wait3A_68 = tpu.memref_slice %arg5[%dma_wait3A_66, %dma_wait3A_67] : memref<10000x128xf32, #tpu.memory_space<hbm>> -> memref<10000x128xf32, #tpu.memory_space<hbm>>
        tpu.wait_indirect_dma semaphore(%arg24 : memref<!tpu.dma_semaphore, #tpu.memory_space<semaphore_mem>>) src(%dma_wait3A_68 : memref<10000x128xf32, #tpu.memory_space<hbm>>) dst(%arg14 : memref<64x128xf32, #tpu.memory_space<vmem>>)
        %scan3A_69 = arith.constant 0 : i32
        %scan3A_70 = arith.constant 0 : i32
        %scan3A_71 = arith.constant 64 : i32
        %scan3A_72 = arith.addi %scan3A_70, %scan3A_71 : i32
        %scan3A_73 = arith.constant 1 : i32
        scf.for %scan3A_91 = %scan3A_70 to %scan3A_72 step %scan3A_73  : i32 {
          %get3A = arith.index_cast %scan3A_91 : i32 to index
          %get3A_92 = arith.constant 0 : index
          %get3A_93 = tpu.vector_load %arg12[%get3A, %get3A_92] {strides = array<i32>} : memref<64x128xf32, #tpu.memory_space<vmem>>, vector<1x16xf32>,
          %get3A_94 = vector.shape_cast %get3A_93 : vector<1x16xf32> to vector<16xf32>
          %get3A_95 = arith.index_cast %scan3A_91 : i32 to index
          %get3A_96 = arith.constant 0 : index
          %get3A_97 = tpu.vector_load %arg14[%get3A_95, %get3A_96] {strides = array<i32>} : memref<64x128xf32, #tpu.memory_space<vmem>>, vector<1x16xf32>,
          %get3A_98 = vector.shape_cast %get3A_97 : vector<1x16xf32> to vector<16xf32>
          %add3A_99 = arith.addf %get3A_94, %get3A_98 : vector<16xf32>
          %swap3A = arith.index_cast %scan3A_91 : i32 to index
          %swap3A_100 = arith.constant 0 : index
          %swap3A_101 = tpu.vector_load %arg12[%swap3A, %swap3A_100] {strides = array<i32>} : memref<64x128xf32, #tpu.memory_space<vmem>>, vector<1x16xf32>,
          %swap3A_102 = vector.shape_cast %swap3A_101 : vector<1x16xf32> to vector<16xf32>
          %swap3A_103 = vector.shape_cast %add3A_99 : vector<16xf32> to vector<1x16xf32>
          tpu.vector_store %arg12[%swap3A, %swap3A_100], %swap3A_103 {strides = array<i32>} : memref<64x128xf32, #tpu.memory_space<vmem>>, vector<1x16xf32>,
          %get3A_104 = arith.index_cast %scan3A_91 : i32 to index
          %get3A_105 = arith.constant 16 : index
          %get3A_106 = tpu.vector_load %arg12[%get3A_104, %get3A_105] {strides = array<i32>} : memref<64x128xf32, #tpu.memory_space<vmem>>, vector<1x16xf32>,
          %get3A_107 = vector.shape_cast %get3A_106 : vector<1x16xf32> to vector<16xf32>
          %get3A_108 = arith.index_cast %scan3A_91 : i32 to index
          %get3A_109 = arith.constant 16 : index
          %get3A_110 = tpu.vector_load %arg14[%get3A_108, %get3A_109] {strides = array<i32>} : memref<64x128xf32, #tpu.memory_space<vmem>>, vector<1x16xf32>,
          %get3A_111 = vector.shape_cast %get3A_110 : vector<1x16xf32> to vector<16xf32>
          %add3A_112 = arith.addf %get3A_107, %get3A_111 : vector<16xf32>
          %swap3A_113 = arith.index_cast %scan3A_91 : i32 to index
          %swap3A_114 = arith.constant 16 : index
          %swap3A_115 = tpu.vector_load %arg12[%swap3A_113, %swap3A_114] {strides = array<i32>} : memref<64x128xf32, #tpu.memory_space<vmem>>, vector<1x16xf32>,
          %swap3A_116 = vector.shape_cast %swap3A_115 : vector<1x16xf32> to vector<16xf32>
          %swap3A_117 = vector.shape_cast %add3A_112 : vector<16xf32> to vector<1x16xf32>
          tpu.vector_store %arg12[%swap3A_113, %swap3A_114], %swap3A_117 {strides = array<i32>} : memref<64x128xf32, #tpu.memory_space<vmem>>, vector<1x16xf32>,
          %get3A_118 = arith.index_cast %scan3A_91 : i32 to index
          %get3A_119 = arith.constant 32 : index
          %get3A_120 = tpu.vector_load %arg12[%get3A_118, %get3A_119] {strides = array<i32>} : memref<64x128xf32, #tpu.memory_space<vmem>>, vector<1x16xf32>,
          %get3A_121 = vector.shape_cast %get3A_120 : vector<1x16xf32> to vector<16xf32>
          %get3A_122 = arith.index_cast %scan3A_91 : i32 to index
          %get3A_123 = arith.constant 32 : index
          %get3A_124 = tpu.vector_load %arg14[%get3A_122, %get3A_123] {strides = array<i32>} : memref<64x128xf32, #tpu.memory_space<vmem>>, vector<1x16xf32>,
          %get3A_125 = vector.shape_cast %get3A_124 : vector<1x16xf32> to vector<16xf32>
          %add3A_126 = arith.addf %get3A_121, %get3A_125 : vector<16xf32>
          %swap3A_127 = arith.index_cast %scan3A_91 : i32 to index
          %swap3A_128 = arith.constant 32 : index
          %swap3A_129 = tpu.vector_load %arg12[%swap3A_127, %swap3A_128] {strides = array<i32>} : memref<64x128xf32, #tpu.memory_space<vmem>>, vector<1x16xf32>,
          %swap3A_130 = vector.shape_cast %swap3A_129 : vector<1x16xf32> to vector<16xf32>
          %swap3A_131 = vector.shape_cast %add3A_126 : vector<16xf32> to vector<1x16xf32>
          tpu.vector_store %arg12[%swap3A_127, %swap3A_128], %swap3A_131 {strides = array<i32>} : memref<64x128xf32, #tpu.memory_space<vmem>>, vector<1x16xf32>,
          %get3A_132 = arith.index_cast %scan3A_91 : i32 to index
          %get3A_133 = arith.constant 48 : index
          %get3A_134 = tpu.vector_load %arg12[%get3A_132, %get3A_133] {strides = array<i32>} : memref<64x128xf32, #tpu.memory_space<vmem>>, vector<1x16xf32>,
          %get3A_135 = vector.shape_cast %get3A_134 : vector<1x16xf32> to vector<16xf32>
          %get3A_136 = arith.index_cast %scan3A_91 : i32 to index
          %get3A_137 = arith.constant 48 : index
          %get3A_138 = tpu.vector_load %arg14[%get3A_136, %get3A_137] {strides = array<i32>} : memref<64x128xf32, #tpu.memory_space<vmem>>, vector<1x16xf32>,
          %get3A_139 = vector.shape_cast %get3A_138 : vector<1x16xf32> to vector<16xf32>
          %add3A_140 = arith.addf %get3A_135, %get3A_139 : vector<16xf32>
          %swap3A_141 = arith.index_cast %scan3A_91 : i32 to index
          %swap3A_142 = arith.constant 48 : index
          %swap3A_143 = tpu.vector_load %arg12[%swap3A_141, %swap3A_142] {strides = array<i32>} : memref<64x128xf32, #tpu.memory_space<vmem>>, vector<1x16xf32>,
          %swap3A_144 = vector.shape_cast %swap3A_143 : vector<1x16xf32> to vector<16xf32>
          %swap3A_145 = vector.shape_cast %add3A_140 : vector<16xf32> to vector<1x16xf32>
          tpu.vector_store %arg12[%swap3A_141, %swap3A_142], %swap3A_145 {strides = array<i32>} : memref<64x128xf32, #tpu.memory_space<vmem>>, vector<1x16xf32>,
          %get3A_146 = arith.index_cast %scan3A_91 : i32 to index
          %get3A_147 = arith.constant 64 : index
          %get3A_148 = tpu.vector_load %arg12[%get3A_146, %get3A_147] {strides = array<i32>} : memref<64x128xf32, #tpu.memory_space<vmem>>, vector<1x16xf32>,
          %get3A_149 = vector.shape_cast %get3A_148 : vector<1x16xf32> to vector<16xf32>
          %get3A_150 = arith.index_cast %scan3A_91 : i32 to index
          %get3A_151 = arith.constant 64 : index
          %get3A_152 = tpu.vector_load %arg14[%get3A_150, %get3A_151] {strides = array<i32>} : memref<64x128xf32, #tpu.memory_space<vmem>>, vector<1x16xf32>,
          %get3A_153 = vector.shape_cast %get3A_152 : vector<1x16xf32> to vector<16xf32>
          %add3A_154 = arith.addf %get3A_149, %get3A_153 : vector<16xf32>
          %swap3A_155 = arith.index_cast %scan3A_91 : i32 to index
          %swap3A_156 = arith.constant 64 : index
          %swap3A_157 = tpu.vector_load %arg12[%swap3A_155, %swap3A_156] {strides = array<i32>} : memref<64x128xf32, #tpu.memory_space<vmem>>, vector<1x16xf32>,
          %swap3A_158 = vector.shape_cast %swap3A_157 : vector<1x16xf32> to vector<16xf32>
          %swap3A_159 = vector.shape_cast %add3A_154 : vector<16xf32> to vector<1x16xf32>
          tpu.vector_store %arg12[%swap3A_155, %swap3A_156], %swap3A_159 {strides = array<i32>} : memref<64x128xf32, #tpu.memory_space<vmem>>, vector<1x16xf32>,
          %get3A_160 = arith.index_cast %scan3A_91 : i32 to index
          %get3A_161 = arith.constant 80 : index
          %get3A_162 = tpu.vector_load %arg12[%get3A_160, %get3A_161] {strides = array<i32>} : memref<64x128xf32, #tpu.memory_space<vmem>>, vector<1x16xf32>,
          %get3A_163 = vector.shape_cast %get3A_162 : vector<1x16xf32> to vector<16xf32>
          %get3A_164 = arith.index_cast %scan3A_91 : i32 to index
          %get3A_165 = arith.constant 80 : index
          %get3A_166 = tpu.vector_load %arg14[%get3A_164, %get3A_165] {strides = array<i32>} : memref<64x128xf32, #tpu.memory_space<vmem>>, vector<1x16xf32>,
          %get3A_167 = vector.shape_cast %get3A_166 : vector<1x16xf32> to vector<16xf32>
          %add3A_168 = arith.addf %get3A_163, %get3A_167 : vector<16xf32>
          %swap3A_169 = arith.index_cast %scan3A_91 : i32 to index
          %swap3A_170 = arith.constant 80 : index
          %swap3A_171 = tpu.vector_load %arg12[%swap3A_169, %swap3A_170] {strides = array<i32>} : memref<64x128xf32, #tpu.memory_space<vmem>>, vector<1x16xf32>,
          %swap3A_172 = vector.shape_cast %swap3A_171 : vector<1x16xf32> to vector<16xf32>
          %swap3A_173 = vector.shape_cast %add3A_168 : vector<16xf32> to vector<1x16xf32>
          tpu.vector_store %arg12[%swap3A_169, %swap3A_170], %swap3A_173 {strides = array<i32>} : memref<64x128xf32, #tpu.memory_space<vmem>>, vector<1x16xf32>,
          %get3A_174 = arith.index_cast %scan3A_91 : i32 to index
          %get3A_175 = arith.constant 96 : index
          %get3A_176 = tpu.vector_load %arg12[%get3A_174, %get3A_175] {strides = array<i32>} : memref<64x128xf32, #tpu.memory_space<vmem>>, vector<1x16xf32>,
          %get3A_177 = vector.shape_cast %get3A_176 : vector<1x16xf32> to vector<16xf32>
          %get3A_178 = arith.index_cast %scan3A_91 : i32 to index
          %get3A_179 = arith.constant 96 : index
          %get3A_180 = tpu.vector_load %arg14[%get3A_178, %get3A_179] {strides = array<i32>} : memref<64x128xf32, #tpu.memory_space<vmem>>, vector<1x16xf32>,
          %get3A_181 = vector.shape_cast %get3A_180 : vector<1x16xf32> to vector<16xf32>
          %add3A_182 = arith.addf %get3A_177, %get3A_181 : vector<16xf32>
          %swap3A_183 = arith.index_cast %scan3A_91 : i32 to index
          %swap3A_184 = arith.constant 96 : index
          %swap3A_185 = tpu.vector_load %arg12[%swap3A_183, %swap3A_184] {strides = array<i32>} : memref<64x128xf32, #tpu.memory_space<vmem>>, vector<1x16xf32>,
          %swap3A_186 = vector.shape_cast %swap3A_185 : vector<1x16xf32> to vector<16xf32>
          %swap3A_187 = vector.shape_cast %add3A_182 : vector<16xf32> to vector<1x16xf32>
          tpu.vector_store %arg12[%swap3A_183, %swap3A_184], %swap3A_187 {strides = array<i32>} : memref<64x128xf32, #tpu.memory_space<vmem>>, vector<1x16xf32>,
          %get3A_188 = arith.index_cast %scan3A_91 : i32 to index
          %get3A_189 = arith.constant 112 : index
          %get3A_190 = tpu.vector_load %arg12[%get3A_188, %get3A_189] {strides = array<i32>} : memref<64x128xf32, #tpu.memory_space<vmem>>, vector<1x16xf32>,
          %get3A_191 = vector.shape_cast %get3A_190 : vector<1x16xf32> to vector<16xf32>
          %get3A_192 = arith.index_cast %scan3A_91 : i32 to index
          %get3A_193 = arith.constant 112 : index
          %get3A_194 = tpu.vector_load %arg14[%get3A_192, %get3A_193] {strides = array<i32>} : memref<64x128xf32, #tpu.memory_space<vmem>>, vector<1x16xf32>,
          %get3A_195 = vector.shape_cast %get3A_194 : vector<1x16xf32> to vector<16xf32>
          %add3A_196 = arith.addf %get3A_191, %get3A_195 : vector<16xf32>
          %swap3A_197 = arith.index_cast %scan3A_91 : i32 to index
          %swap3A_198 = arith.constant 112 : index
          %swap3A_199 = tpu.vector_load %arg12[%swap3A_197, %swap3A_198] {strides = array<i32>} : memref<64x128xf32, #tpu.memory_space<vmem>>, vector<1x16xf32>,
          %swap3A_200 = vector.shape_cast %swap3A_199 : vector<1x16xf32> to vector<16xf32>
          %swap3A_201 = vector.shape_cast %add3A_196 : vector<16xf32> to vector<1x16xf32>
          tpu.vector_store %arg12[%swap3A_197, %swap3A_198], %swap3A_201 {strides = array<i32>} : memref<64x128xf32, #tpu.memory_space<vmem>>, vector<1x16xf32>,
        }
        %scan3A_74 = arith.constant 64 : i32
        "tpu.region"() ({
          %run_scoped3A = tpu.sem_alloc : memref<!tpu.dma_semaphore, #tpu.memory_space<semaphore_mem>>
          %dma_start3A_91 = arith.constant 0 : i32
          %dma_start3A_92 = tpu.memref_slice %arg7[%add3A_61, %dma_start3A_91] : memref<320000x128xf32, #tpu.memory_space<hbm>> -> memref<64x128xf32, #tpu.memory_space<hbm>>
          %dma_start3A_93 = arith.constant 0 : i32
          %dma_start3A_94 = tpu.memref_slice %arg7[%add3A_61, %dma_start3A_93] : memref<320000x128xf32, #tpu.memory_space<hbm>> -> memref<64x128xf32, #tpu.memory_space<hbm>>
          tpu.enqueue_dma source(%arg12 : memref<64x128xf32, #tpu.memory_space<vmem>>) target(%dma_start3A_94 : memref<64x128xf32, #tpu.memory_space<hbm>>) target_semaphore(%run_scoped3A : memref<!tpu.dma_semaphore, #tpu.memory_space<semaphore_mem>>)
          %dma_wait3A_95 = arith.constant 0 : i32
          %dma_wait3A_96 = tpu.memref_slice %arg7[%add3A_61, %dma_wait3A_95] : memref<320000x128xf32, #tpu.memory_space<hbm>> -> memref<64x128xf32, #tpu.memory_space<hbm>>
          %dma_wait3A_97 = arith.constant 0 : i32
          %dma_wait3A_98 = tpu.memref_slice %arg7[%add3A_61, %dma_wait3A_97] : memref<320000x128xf32, #tpu.memory_space<hbm>> -> memref<64x128xf32, #tpu.memory_space<hbm>>
          tpu.wait_dma2 semaphore(%run_scoped3A : memref<!tpu.dma_semaphore, #tpu.memory_space<semaphore_mem>>) src(%arg12 : memref<64x128xf32, #tpu.memory_space<vmem>>) dst(%dma_wait3A_98 : memref<64x128xf32, #tpu.memory_space<hbm>>)
          tpu.yield
        }) : () -> ()
        %dma_wait3A_75 = tpu.memref_slice %arg9[%min3A_60] : memref<10000xi32, #tpu.memory_space<vmem>> -> memref<64xi32, #tpu.memory_space<vmem>>
        %dma_wait3A_76 = arith.constant 0 : i32
        %dma_wait3A_77 = arith.constant 0 : i32
        %dma_wait3A_78 = tpu.memref_slice %arg6[%dma_wait3A_76, %dma_wait3A_77] : memref<10000x128xf32, #tpu.memory_space<hbm>> -> memref<10000x128xf32, #tpu.memory_space<hbm>>
        tpu.wait_indirect_dma semaphore(%arg26 : memref<!tpu.dma_semaphore, #tpu.memory_space<semaphore_mem>>) src(%dma_wait3A_78 : memref<10000x128xf32, #tpu.memory_space<hbm>>) dst(%arg16 : memref<64x128xf32, #tpu.memory_space<vmem>>)
        %dma_wait3A_79 = tpu.memref_slice %arg10[%min3A_60] : memref<10000xi32, #tpu.memory_space<vmem>> -> memref<64xi32, #tpu.memory_space<vmem>>
        %dma_wait3A_80 = arith.constant 0 : i32
        %dma_wait3A_81 = arith.constant 0 : i32
        %dma_wait3A_82 = tpu.memref_slice %arg6[%dma_wait3A_80, %dma_wait3A_81] : memref<10000x128xf32, #tpu.memory_space<hbm>> -> memref<10000x128xf32, #tpu.memory_space<hbm>>
        tpu.wait_indirect_dma semaphore(%arg28 : memref<!tpu.dma_semaphore, #tpu.memory_space<semaphore_mem>>) src(%dma_wait3A_82 : memref<10000x128xf32, #tpu.memory_space<hbm>>) dst(%arg18 : memref<64x128xf32, #tpu.memory_space<vmem>>)
        %scan3A_83 = arith.constant 0 : i32
        %scan3A_84 = arith.constant 0 : i32
        %scan3A_85 = arith.constant 64 : i32
        %scan3A_86 = arith.addi %scan3A_84, %scan3A_85 : i32
        %scan3A_87 = arith.constant 1 : i32
        scf.for %scan3A_91 = %scan3A_84 to %scan3A_86 step %scan3A_87  : i32 {
          %get3A = arith.index_cast %scan3A_91 : i32 to index
          %get3A_92 = arith.constant 0 : index
          %get3A_93 = tpu.vector_load %arg16[%get3A, %get3A_92] {strides = array<i32>} : memref<64x128xf32, #tpu.memory_space<vmem>>, vector<1x16xf32>,
          %get3A_94 = vector.shape_cast %get3A_93 : vector<1x16xf32> to vector<16xf32>
          %get3A_95 = arith.index_cast %scan3A_91 : i32 to index
          %get3A_96 = arith.constant 0 : index
          %get3A_97 = tpu.vector_load %arg18[%get3A_95, %get3A_96] {strides = array<i32>} : memref<64x128xf32, #tpu.memory_space<vmem>>, vector<1x16xf32>,
          %get3A_98 = vector.shape_cast %get3A_97 : vector<1x16xf32> to vector<16xf32>
          %sub3A = arith.subf %get3A_94, %get3A_98 : vector<16xf32>
          %mul3A_99 = arith.constant 16 : i32
          %mul3A_100 = arith.muli %scan3A_91, %mul3A_99 : i32
          %swap3A = arith.index_cast %mul3A_100 : i32 to index
          %swap3A_101 = tpu.vector_load %arg20[%swap3A] {strides = array<i32>} : memref<1024xf32, #tpu.memory_space<vmem>>, vector<16xf32>,
          %swap3A_102 = vector.shape_cast %swap3A_101 : vector<16xf32> to vector<16xf32>
          %swap3A_103 = vector.shape_cast %sub3A : vector<16xf32> to vector<16xf32>
          tpu.vector_store %arg20[%swap3A], %swap3A_103 {strides = array<i32>} : memref<1024xf32, #tpu.memory_space<vmem>>, vector<16xf32>,
        }
        %scan3A_88 = arith.constant 64 : i32
        %mul3A_89 = arith.constant 16 : i32
        %mul3A_90 = arith.muli %add3A_61, %mul3A_89 : i32
        "tpu.region"() ({
          %run_scoped3A = tpu.sem_alloc : memref<!tpu.dma_semaphore, #tpu.memory_space<semaphore_mem>>
          %dma_start3A_91 = tpu.memref_slice %arg8[%mul3A_90] : memref<5120000xf32, #tpu.memory_space<hbm>> -> memref<1024xf32, #tpu.memory_space<hbm>>
          %dma_start3A_92 = tpu.memref_slice %arg8[%mul3A_90] : memref<5120000xf32, #tpu.memory_space<hbm>> -> memref<1024xf32, #tpu.memory_space<hbm>>
          tpu.enqueue_dma source(%arg20 : memref<1024xf32, #tpu.memory_space<vmem>>) target(%dma_start3A_92 : memref<1024xf32, #tpu.memory_space<hbm>>) target_semaphore(%run_scoped3A : memref<!tpu.dma_semaphore, #tpu.memory_space<semaphore_mem>>)
          %dma_wait3A_93 = tpu.memref_slice %arg8[%mul3A_90] : memref<5120000xf32, #tpu.memory_space<hbm>> -> memref<1024xf32, #tpu.memory_space<hbm>>
          %dma_wait3A_94 = tpu.memref_slice %arg8[%mul3A_90] : memref<5120000xf32, #tpu.memory_space<hbm>> -> memref<1024xf32, #tpu.memory_space<hbm>>
          tpu.wait_dma2 semaphore(%run_scoped3A : memref<!tpu.dma_semaphore, #tpu.memory_space<semaphore_mem>>) src(%arg20 : memref<1024xf32, #tpu.memory_space<vmem>>) dst(%dma_wait3A_94 : memref<1024xf32, #tpu.memory_space<hbm>>)
          tpu.yield
        }) : () -> ()
      } else {
      }
    }
    %scan3A_24 = arith.constant 79 : i32
    return
  }
}

#map = affine_map<(d0, d1) -> (0)>
#map1 = affine_map<(d0, d1) -> (0, 0)>
module attributes {stable_mosaic.version = 14 : i64} {
  func.func @_scatter_body(%arg0: i32, %arg1: i32, %arg2: memref<320000xi32, #tpu.memory_space<hbm>>, %arg3: memref<320000x128xf32, #tpu.memory_space<hbm>>, %arg4: memref<5120000xf32, #tpu.memory_space<hbm>>, %arg5: memref<128x128xf32, #tpu.memory_space<hbm>>, %arg6: memref<20000x128xf32, #tpu.memory_space<hbm>>, %arg7: memref<20000x128xf32, #tpu.memory_space<hbm>>, %arg8: memref<80xi32, #tpu.memory_space<vmem>>, %arg9: memref<80xi32, #tpu.memory_space<vmem>>, %arg10: memref<80x128xf32, #tpu.memory_space<vmem>>, %arg11: memref<80x128xf32, #tpu.memory_space<vmem>>, %arg12: memref<1280xf32, #tpu.memory_space<vmem>>, %arg13: memref<1280xf32, #tpu.memory_space<vmem>>, %arg14: memref<128x128xf32, #tpu.memory_space<vmem>>, %arg15: memref<10000x128xf32, #tpu.memory_space<vmem_shared>>, %arg16: memref<!tpu.dma_semaphore, #tpu.memory_space<semaphore_mem>>, %arg17: memref<!tpu.dma_semaphore, #tpu.memory_space<semaphore_mem>>, %arg18: memref<!tpu.dma_semaphore, #tpu.memory_space<semaphore_mem>>, %arg19: memref<!tpu.dma_semaphore, #tpu.memory_space<semaphore_mem>>) attributes {dimension_semantics = [#tpu.dimension_semantics<core_parallel>, #tpu.dimension_semantics<subcore_parallel>], iteration_bounds = array<i64: 2, 16>, scalar_prefetch = 0 : i64, scratch_operands = 12 : i64, tpu.core_type = #tpu.core_type<sc_vector_subcore>, window_params = [{transform_indices = #map}, {transform_indices = #map1}, {transform_indices = #map}, {transform_indices = #map1}, {transform_indices = #map1}, {transform_indices = #map1}]} {
    %mul3A = arith.constant 2 : i32
    %mul3A_0 = arith.muli %arg1, %mul3A : i32
    %add3A = arith.addi %mul3A_0, %arg0 : i32
    %mul3A_1 = arith.constant 10000 : i32
    %mul3A_2 = arith.muli %add3A, %mul3A_1 : i32
    %broadcast_in_dim3A = arith.constant 0.000000e+00 : f32
    %broadcast_in_dim3A_3 = vector.broadcast %broadcast_in_dim3A : f32 to vector<16xf32>
    "tpu.region"() ({
      %run_scoped3A = tpu.sem_alloc : memref<!tpu.dma_semaphore, #tpu.memory_space<semaphore_mem>>
      tpu.enqueue_dma source(%arg5 : memref<128x128xf32, #tpu.memory_space<hbm>>) target(%arg14 : memref<128x128xf32, #tpu.memory_space<vmem>>) target_semaphore(%run_scoped3A : memref<!tpu.dma_semaphore, #tpu.memory_space<semaphore_mem>>)
      tpu.wait_dma2 semaphore(%run_scoped3A : memref<!tpu.dma_semaphore, #tpu.memory_space<semaphore_mem>>) src(%arg5 : memref<128x128xf32, #tpu.memory_space<hbm>>) dst(%arg14 : memref<128x128xf32, #tpu.memory_space<vmem>>)
      tpu.yield
    }) : () -> ()
    %scan3A = arith.constant 0 : i32
    %scan3A_4 = arith.constant 0 : i32
    %scan3A_5 = arith.constant 80 : i32
    %scan3A_6 = arith.addi %scan3A_4, %scan3A_5 : i32
    %scan3A_7 = arith.constant 1 : i32
    scf.for %scan3A_95 = %scan3A_4 to %scan3A_6 step %scan3A_7  : i32 {
      %swap3A = arith.index_cast %scan3A_95 : i32 to index
      %swap3A_96 = arith.constant 0 : index
      %swap3A_97 = tpu.vector_load %arg14[%swap3A, %swap3A_96] {strides = array<i32>} : memref<128x128xf32, #tpu.memory_space<vmem>>, vector<1x16xf32>,
      %swap3A_98 = vector.shape_cast %swap3A_97 : vector<1x16xf32> to vector<16xf32>
      %swap3A_99 = vector.shape_cast %broadcast_in_dim3A_3 : vector<16xf32> to vector<1x16xf32>
      tpu.vector_store %arg14[%swap3A, %swap3A_96], %swap3A_99 {strides = array<i32>} : memref<128x128xf32, #tpu.memory_space<vmem>>, vector<1x16xf32>,
    }
    %scan3A_8 = arith.constant 80 : i32
    %mul3A_9 = arith.constant 624 : i32
    %mul3A_10 = arith.muli %arg1, %mul3A_9 : i32
    %add3A_11 = arith.constant 0 : i32
    %add3A_12 = arith.addi %mul3A_10, %add3A_11 : i32
    "tpu.region"() ({
      %run_scoped3A = tpu.sem_alloc : memref<!tpu.dma_semaphore, #tpu.memory_space<semaphore_mem>>
      %dma_start3A_95 = arith.constant 0 : i32
      %dma_start3A_96 = tpu.memref_slice %arg15[%add3A_12, %dma_start3A_95] : memref<10000x128xf32, #tpu.memory_space<vmem_shared>> -> memref<128x128xf32, #tpu.memory_space<vmem_shared>>
      %dma_start3A_97 = arith.constant 0 : i32
      %dma_start3A_98 = tpu.memref_slice %arg15[%add3A_12, %dma_start3A_97] : memref<10000x128xf32, #tpu.memory_space<vmem_shared>> -> memref<128x128xf32, #tpu.memory_space<vmem_shared>>
      tpu.enqueue_dma source(%arg14 : memref<128x128xf32, #tpu.memory_space<vmem>>) target(%dma_start3A_98 : memref<128x128xf32, #tpu.memory_space<vmem_shared>>) target_semaphore(%run_scoped3A : memref<!tpu.dma_semaphore, #tpu.memory_space<semaphore_mem>>)
      %dma_wait3A = arith.constant 0 : i32
      %dma_wait3A_99 = tpu.memref_slice %arg15[%add3A_12, %dma_wait3A] : memref<10000x128xf32, #tpu.memory_space<vmem_shared>> -> memref<128x128xf32, #tpu.memory_space<vmem_shared>>
      %dma_wait3A_100 = arith.constant 0 : i32
      %dma_wait3A_101 = tpu.memref_slice %arg15[%add3A_12, %dma_wait3A_100] : memref<10000x128xf32, #tpu.memory_space<vmem_shared>> -> memref<128x128xf32, #tpu.memory_space<vmem_shared>>
      tpu.wait_dma2 semaphore(%run_scoped3A : memref<!tpu.dma_semaphore, #tpu.memory_space<semaphore_mem>>) src(%arg14 : memref<128x128xf32, #tpu.memory_space<vmem>>) dst(%dma_wait3A_101 : memref<128x128xf32, #tpu.memory_space<vmem_shared>>)
      tpu.yield
    }) : () -> ()
    %mul3A_13 = arith.constant 624 : i32
    %mul3A_14 = arith.muli %arg1, %mul3A_13 : i32
    %add3A_15 = arith.constant 128 : i32
    %add3A_16 = arith.addi %mul3A_14, %add3A_15 : i32
    "tpu.region"() ({
      %run_scoped3A = tpu.sem_alloc : memref<!tpu.dma_semaphore, #tpu.memory_space<semaphore_mem>>
      %dma_start3A_95 = arith.constant 0 : i32
      %dma_start3A_96 = tpu.memref_slice %arg15[%add3A_16, %dma_start3A_95] : memref<10000x128xf32, #tpu.memory_space<vmem_shared>> -> memref<128x128xf32, #tpu.memory_space<vmem_shared>>
      %dma_start3A_97 = arith.constant 0 : i32
      %dma_start3A_98 = tpu.memref_slice %arg15[%add3A_16, %dma_start3A_97] : memref<10000x128xf32, #tpu.memory_space<vmem_shared>> -> memref<128x128xf32, #tpu.memory_space<vmem_shared>>
      tpu.enqueue_dma source(%arg14 : memref<128x128xf32, #tpu.memory_space<vmem>>) target(%dma_start3A_98 : memref<128x128xf32, #tpu.memory_space<vmem_shared>>) target_semaphore(%run_scoped3A : memref<!tpu.dma_semaphore, #tpu.memory_space<semaphore_mem>>)
      %dma_wait3A = arith.constant 0 : i32
      %dma_wait3A_99 = tpu.memref_slice %arg15[%add3A_16, %dma_wait3A] : memref<10000x128xf32, #tpu.memory_space<vmem_shared>> -> memref<128x128xf32, #tpu.memory_space<vmem_shared>>
      %dma_wait3A_100 = arith.constant 0 : i32
      %dma_wait3A_101 = tpu.memref_slice %arg15[%add3A_16, %dma_wait3A_100] : memref<10000x128xf32, #tpu.memory_space<vmem_shared>> -> memref<128x128xf32, #tpu.memory_space<vmem_shared>>
      tpu.wait_dma2 semaphore(%run_scoped3A : memref<!tpu.dma_semaphore, #tpu.memory_space<semaphore_mem>>) src(%arg14 : memref<128x128xf32, #tpu.memory_space<vmem>>) dst(%dma_wait3A_101 : memref<128x128xf32, #tpu.memory_space<vmem_shared>>)
      tpu.yield
    }) : () -> ()
    %mul3A_17 = arith.constant 624 : i32
    %mul3A_18 = arith.muli %arg1, %mul3A_17 : i32
    %add3A_19 = arith.constant 256 : i32
    %add3A_20 = arith.addi %mul3A_18, %add3A_19 : i32
    "tpu.region"() ({
      %run_scoped3A = tpu.sem_alloc : memref<!tpu.dma_semaphore, #tpu.memory_space<semaphore_mem>>
      %dma_start3A_95 = arith.constant 0 : i32
      %dma_start3A_96 = tpu.memref_slice %arg15[%add3A_20, %dma_start3A_95] : memref<10000x128xf32, #tpu.memory_space<vmem_shared>> -> memref<128x128xf32, #tpu.memory_space<vmem_shared>>
      %dma_start3A_97 = arith.constant 0 : i32
      %dma_start3A_98 = tpu.memref_slice %arg15[%add3A_20, %dma_start3A_97] : memref<10000x128xf32, #tpu.memory_space<vmem_shared>> -> memref<128x128xf32, #tpu.memory_space<vmem_shared>>
      tpu.enqueue_dma source(%arg14 : memref<128x128xf32, #tpu.memory_space<vmem>>) target(%dma_start3A_98 : memref<128x128xf32, #tpu.memory_space<vmem_shared>>) target_semaphore(%run_scoped3A : memref<!tpu.dma_semaphore, #tpu.memory_space<semaphore_mem>>)
      %dma_wait3A = arith.constant 0 : i32
      %dma_wait3A_99 = tpu.memref_slice %arg15[%add3A_20, %dma_wait3A] : memref<10000x128xf32, #tpu.memory_space<vmem_shared>> -> memref<128x128xf32, #tpu.memory_space<vmem_shared>>
      %dma_wait3A_100 = arith.constant 0 : i32
      %dma_wait3A_101 = tpu.memref_slice %arg15[%add3A_20, %dma_wait3A_100] : memref<10000x128xf32, #tpu.memory_space<vmem_shared>> -> memref<128x128xf32, #tpu.memory_space<vmem_shared>>
      tpu.wait_dma2 semaphore(%run_scoped3A : memref<!tpu.dma_semaphore, #tpu.memory_space<semaphore_mem>>) src(%arg14 : memref<128x128xf32, #tpu.memory_space<vmem>>) dst(%dma_wait3A_101 : memref<128x128xf32, #tpu.memory_space<vmem_shared>>)
      tpu.yield
    }) : () -> ()
    %mul3A_21 = arith.constant 624 : i32
    %mul3A_22 = arith.muli %arg1, %mul3A_21 : i32
    %add3A_23 = arith.constant 384 : i32
    %add3A_24 = arith.addi %mul3A_22, %add3A_23 : i32
    "tpu.region"() ({
      %run_scoped3A = tpu.sem_alloc : memref<!tpu.dma_semaphore, #tpu.memory_space<semaphore_mem>>
      %dma_start3A_95 = arith.constant 0 : i32
      %dma_start3A_96 = tpu.memref_slice %arg15[%add3A_24, %dma_start3A_95] : memref<10000x128xf32, #tpu.memory_space<vmem_shared>> -> memref<128x128xf32, #tpu.memory_space<vmem_shared>>
      %dma_start3A_97 = arith.constant 0 : i32
      %dma_start3A_98 = tpu.memref_slice %arg15[%add3A_24, %dma_start3A_97] : memref<10000x128xf32, #tpu.memory_space<vmem_shared>> -> memref<128x128xf32, #tpu.memory_space<vmem_shared>>
      tpu.enqueue_dma source(%arg14 : memref<128x128xf32, #tpu.memory_space<vmem>>) target(%dma_start3A_98 : memref<128x128xf32, #tpu.memory_space<vmem_shared>>) target_semaphore(%run_scoped3A : memref<!tpu.dma_semaphore, #tpu.memory_space<semaphore_mem>>)
      %dma_wait3A = arith.constant 0 : i32
      %dma_wait3A_99 = tpu.memref_slice %arg15[%add3A_24, %dma_wait3A] : memref<10000x128xf32, #tpu.memory_space<vmem_shared>> -> memref<128x128xf32, #tpu.memory_space<vmem_shared>>
      %dma_wait3A_100 = arith.constant 0 : i32
      %dma_wait3A_101 = tpu.memref_slice %arg15[%add3A_24, %dma_wait3A_100] : memref<10000x128xf32, #tpu.memory_space<vmem_shared>> -> memref<128x128xf32, #tpu.memory_space<vmem_shared>>
      tpu.wait_dma2 semaphore(%run_scoped3A : memref<!tpu.dma_semaphore, #tpu.memory_space<semaphore_mem>>) src(%arg14 : memref<128x128xf32, #tpu.memory_space<vmem>>) dst(%dma_wait3A_101 : memref<128x128xf32, #tpu.memory_space<vmem_shared>>)
      tpu.yield
    }) : () -> ()
    %mul3A_25 = arith.constant 624 : i32
    %mul3A_26 = arith.muli %arg1, %mul3A_25 : i32
    %add3A_27 = arith.constant 512 : i32
    %add3A_28 = arith.addi %mul3A_26, %add3A_27 : i32
    "tpu.region"() ({
      %run_scoped3A = tpu.sem_alloc : memref<!tpu.dma_semaphore, #tpu.memory_space<semaphore_mem>>
      %dma_start3A_95 = arith.constant 0 : i32
      %dma_start3A_96 = tpu.memref_slice %arg15[%add3A_28, %dma_start3A_95] : memref<10000x128xf32, #tpu.memory_space<vmem_shared>> -> memref<128x128xf32, #tpu.memory_space<vmem_shared>>
      %dma_start3A_97 = arith.constant 0 : i32
      %dma_start3A_98 = tpu.memref_slice %arg15[%add3A_28, %dma_start3A_97] : memref<10000x128xf32, #tpu.memory_space<vmem_shared>> -> memref<128x128xf32, #tpu.memory_space<vmem_shared>>
      tpu.enqueue_dma source(%arg14 : memref<128x128xf32, #tpu.memory_space<vmem>>) target(%dma_start3A_98 : memref<128x128xf32, #tpu.memory_space<vmem_shared>>) target_semaphore(%run_scoped3A : memref<!tpu.dma_semaphore, #tpu.memory_space<semaphore_mem>>)
      %dma_wait3A = arith.constant 0 : i32
      %dma_wait3A_99 = tpu.memref_slice %arg15[%add3A_28, %dma_wait3A] : memref<10000x128xf32, #tpu.memory_space<vmem_shared>> -> memref<128x128xf32, #tpu.memory_space<vmem_shared>>
      %dma_wait3A_100 = arith.constant 0 : i32
      %dma_wait3A_101 = tpu.memref_slice %arg15[%add3A_28, %dma_wait3A_100] : memref<10000x128xf32, #tpu.memory_space<vmem_shared>> -> memref<128x128xf32, #tpu.memory_space<vmem_shared>>
      tpu.wait_dma2 semaphore(%run_scoped3A : memref<!tpu.dma_semaphore, #tpu.memory_space<semaphore_mem>>) src(%arg14 : memref<128x128xf32, #tpu.memory_space<vmem>>) dst(%dma_wait3A_101 : memref<128x128xf32, #tpu.memory_space<vmem_shared>>)
      tpu.yield
    }) : () -> ()
    %barrier3A = arith.constant 0 : index
    tpu.barrier barrier_id(%barrier3A)
    %add3A_29 = arith.constant 0 : i32
    %add3A_30 = arith.addi %mul3A_2, %add3A_29 : i32
    %dma_start3A = tpu.memref_slice %arg2[%add3A_30] : memref<320000xi32, #tpu.memory_space<hbm>> -> memref<80xi32, #tpu.memory_space<hbm>>
    %dma_start3A_31 = tpu.memref_slice %arg2[%add3A_30] : memref<320000xi32, #tpu.memory_space<hbm>> -> memref<80xi32, #tpu.memory_space<hbm>>
    tpu.enqueue_dma source(%dma_start3A_31 : memref<80xi32, #tpu.memory_space<hbm>>) target(%arg8 : memref<80xi32, #tpu.memory_space<vmem>>) target_semaphore(%arg16 : memref<!tpu.dma_semaphore, #tpu.memory_space<semaphore_mem>>)
    %dma_start3A_32 = arith.constant 0 : i32
    %dma_start3A_33 = tpu.memref_slice %arg3[%add3A_30, %dma_start3A_32] : memref<320000x128xf32, #tpu.memory_space<hbm>> -> memref<80x128xf32, #tpu.memory_space<hbm>>
    %dma_start3A_34 = arith.constant 0 : i32
    %dma_start3A_35 = tpu.memref_slice %arg3[%add3A_30, %dma_start3A_34] : memref<320000x128xf32, #tpu.memory_space<hbm>> -> memref<80x128xf32, #tpu.memory_space<hbm>>
    tpu.enqueue_dma source(%dma_start3A_35 : memref<80x128xf32, #tpu.memory_space<hbm>>) target(%arg10 : memref<80x128xf32, #tpu.memory_space<vmem>>) target_semaphore(%arg18 : memref<!tpu.dma_semaphore, #tpu.memory_space<semaphore_mem>>)
    %scan3A_36 = arith.constant 0 : i32
    %scan3A_37 = arith.constant 0 : i32
    %scan3A_38 = arith.constant 63 : i32
    %scan3A_39 = arith.addi %scan3A_37, %scan3A_38 : i32
    %scan3A_40 = arith.constant 1 : i32
    scf.for %scan3A_95 = %scan3A_37 to %scan3A_39 step %scan3A_40  : i32 {
      %mul3A_96 = arith.constant 2 : i32
      %mul3A_97 = arith.muli %mul3A_96, %scan3A_95 : i32
      %add3A_98 = arith.constant 1 : i32
      %add3A_99 = arith.addi %mul3A_97, %add3A_98 : i32
      %lt3A = arith.constant 125 : i32
      %lt3A_100 = arith.cmpi slt, %add3A_99, %lt3A : i32
      %convert_element_type3A = arith.extui %lt3A_100 : i1 to i32
      %cond3A = arith.constant 0 : i32
      %cond3A_101 = arith.cmpi ne, %convert_element_type3A, %cond3A : i32
      scf.if %cond3A_101 {
        %mul3A_127 = arith.constant 80 : i32
        %mul3A_128 = arith.muli %add3A_99, %mul3A_127 : i32
        %add3A_129 = arith.addi %mul3A_2, %mul3A_128 : i32
        %dma_start3A_130 = tpu.memref_slice %arg2[%add3A_129] : memref<320000xi32, #tpu.memory_space<hbm>> -> memref<80xi32, #tpu.memory_space<hbm>>
        %dma_start3A_131 = tpu.memref_slice %arg2[%add3A_129] : memref<320000xi32, #tpu.memory_space<hbm>> -> memref<80xi32, #tpu.memory_space<hbm>>
        tpu.enqueue_dma source(%dma_start3A_131 : memref<80xi32, #tpu.memory_space<hbm>>) target(%arg9 : memref<80xi32, #tpu.memory_space<vmem>>) target_semaphore(%arg17 : memref<!tpu.dma_semaphore, #tpu.memory_space<semaphore_mem>>)
        %dma_start3A_132 = arith.constant 0 : i32
        %dma_start3A_133 = tpu.memref_slice %arg3[%add3A_129, %dma_start3A_132] : memref<320000x128xf32, #tpu.memory_space<hbm>> -> memref<80x128xf32, #tpu.memory_space<hbm>>
        %dma_start3A_134 = arith.constant 0 : i32
        %dma_start3A_135 = tpu.memref_slice %arg3[%add3A_129, %dma_start3A_134] : memref<320000x128xf32, #tpu.memory_space<hbm>> -> memref<80x128xf32, #tpu.memory_space<hbm>>
        tpu.enqueue_dma source(%dma_start3A_135 : memref<80x128xf32, #tpu.memory_space<hbm>>) target(%arg11 : memref<80x128xf32, #tpu.memory_space<vmem>>) target_semaphore(%arg19 : memref<!tpu.dma_semaphore, #tpu.memory_space<semaphore_mem>>)
      } else {
      }
      %mul3A_102 = arith.constant 2 : i32
      %mul3A_103 = arith.muli %mul3A_102, %scan3A_95 : i32
      %lt3A_104 = arith.constant 125 : i32
      %lt3A_105 = arith.cmpi slt, %mul3A_103, %lt3A_104 : i32
      %convert_element_type3A_106 = arith.extui %lt3A_105 : i1 to i32
      %cond3A_107 = arith.constant 0 : i32
      %cond3A_108 = arith.cmpi ne, %convert_element_type3A_106, %cond3A_107 : i32
      scf.if %cond3A_108 {
        %mul3A_127 = arith.constant 80 : i32
        %mul3A_128 = arith.muli %mul3A_103, %mul3A_127 : i32
        %add3A_129 = arith.addi %mul3A_2, %mul3A_128 : i32
        %dma_wait3A = tpu.memref_slice %arg2[%add3A_129] : memref<320000xi32, #tpu.memory_space<hbm>> -> memref<80xi32, #tpu.memory_space<hbm>>
        %dma_wait3A_130 = tpu.memref_slice %arg2[%add3A_129] : memref<320000xi32, #tpu.memory_space<hbm>> -> memref<80xi32, #tpu.memory_space<hbm>>
        tpu.wait_dma2 semaphore(%arg16 : memref<!tpu.dma_semaphore, #tpu.memory_space<semaphore_mem>>) src(%dma_wait3A_130 : memref<80xi32, #tpu.memory_space<hbm>>) dst(%arg8 : memref<80xi32, #tpu.memory_space<vmem>>)
        %dma_wait3A_131 = arith.constant 0 : i32
        %dma_wait3A_132 = tpu.memref_slice %arg3[%add3A_129, %dma_wait3A_131] : memref<320000x128xf32, #tpu.memory_space<hbm>> -> memref<80x128xf32, #tpu.memory_space<hbm>>
        %dma_wait3A_133 = arith.constant 0 : i32
        %dma_wait3A_134 = tpu.memref_slice %arg3[%add3A_129, %dma_wait3A_133] : memref<320000x128xf32, #tpu.memory_space<hbm>> -> memref<80x128xf32, #tpu.memory_space<hbm>>
        tpu.wait_dma2 semaphore(%arg18 : memref<!tpu.dma_semaphore, #tpu.memory_space<semaphore_mem>>) src(%dma_wait3A_134 : memref<80x128xf32, #tpu.memory_space<hbm>>) dst(%arg10 : memref<80x128xf32, #tpu.memory_space<vmem>>)
        "tpu.region"() ({
          %run_scoped3A = tpu.sem_alloc : memref<!tpu.dma_semaphore, #tpu.memory_space<semaphore_mem>>
          %dma_start3A_135 = arith.constant 0 : i32
          %dma_start3A_136 = arith.constant 0 : i32
          %dma_start3A_137 = tpu.memref_slice %arg15[%dma_start3A_135, %dma_start3A_136] : memref<10000x128xf32, #tpu.memory_space<vmem_shared>> -> memref<10000x128xf32, #tpu.memory_space<vmem_shared>>
          tpu.enqueue_indirect_dma source(%arg10 : memref<80x128xf32, #tpu.memory_space<vmem>>) target(%dma_start3A_137 : memref<10000x128xf32, #tpu.memory_space<vmem_shared>>) offsets(%arg8 : memref<80xi32, #tpu.memory_space<vmem>>) semaphore(%run_scoped3A : memref<!tpu.dma_semaphore, #tpu.memory_space<semaphore_mem>>) {add = true}
          %dma_wait3A_138 = arith.constant 0 : i32
          %dma_wait3A_139 = arith.constant 0 : i32
          %dma_wait3A_140 = tpu.memref_slice %arg15[%dma_wait3A_138, %dma_wait3A_139] : memref<10000x128xf32, #tpu.memory_space<vmem_shared>> -> memref<10000x128xf32, #tpu.memory_space<vmem_shared>>
          tpu.wait_indirect_dma semaphore(%run_scoped3A : memref<!tpu.dma_semaphore, #tpu.memory_space<semaphore_mem>>) src(%arg10 : memref<80x128xf32, #tpu.memory_space<vmem>>) dst(%dma_wait3A_140 : memref<10000x128xf32, #tpu.memory_space<vmem_shared>>)
          tpu.yield
        }) : () -> ()
      } else {
      }
      %mul3A_109 = arith.constant 2 : i32
      %mul3A_110 = arith.muli %mul3A_109, %scan3A_95 : i32
      %add3A_111 = arith.constant 2 : i32
      %add3A_112 = arith.addi %mul3A_110, %add3A_111 : i32
      %lt3A_113 = arith.constant 125 : i32
      %lt3A_114 = arith.cmpi slt, %add3A_112, %lt3A_113 : i32
      %convert_element_type3A_115 = arith.extui %lt3A_114 : i1 to i32
      %cond3A_116 = arith.constant 0 : i32
      %cond3A_117 = arith.cmpi ne, %convert_element_type3A_115, %cond3A_116 : i32
      scf.if %cond3A_117 {
        %mul3A_127 = arith.constant 80 : i32
        %mul3A_128 = arith.muli %add3A_112, %mul3A_127 : i32
        %add3A_129 = arith.addi %mul3A_2, %mul3A_128 : i32
        %dma_start3A_130 = tpu.memref_slice %arg2[%add3A_129] : memref<320000xi32, #tpu.memory_space<hbm>> -> memref<80xi32, #tpu.memory_space<hbm>>
        %dma_start3A_131 = tpu.memref_slice %arg2[%add3A_129] : memref<320000xi32, #tpu.memory_space<hbm>> -> memref<80xi32, #tpu.memory_space<hbm>>
        tpu.enqueue_dma source(%dma_start3A_131 : memref<80xi32, #tpu.memory_space<hbm>>) target(%arg8 : memref<80xi32, #tpu.memory_space<vmem>>) target_semaphore(%arg16 : memref<!tpu.dma_semaphore, #tpu.memory_space<semaphore_mem>>)
        %dma_start3A_132 = arith.constant 0 : i32
        %dma_start3A_133 = tpu.memref_slice %arg3[%add3A_129, %dma_start3A_132] : memref<320000x128xf32, #tpu.memory_space<hbm>> -> memref<80x128xf32, #tpu.memory_space<hbm>>
        %dma_start3A_134 = arith.constant 0 : i32
        %dma_start3A_135 = tpu.memref_slice %arg3[%add3A_129, %dma_start3A_134] : memref<320000x128xf32, #tpu.memory_space<hbm>> -> memref<80x128xf32, #tpu.memory_space<hbm>>
        tpu.enqueue_dma source(%dma_start3A_135 : memref<80x128xf32, #tpu.memory_space<hbm>>) target(%arg10 : memref<80x128xf32, #tpu.memory_space<vmem>>) target_semaphore(%arg18 : memref<!tpu.dma_semaphore, #tpu.memory_space<semaphore_mem>>)
      } else {
      }
      %mul3A_118 = arith.constant 2 : i32
      %mul3A_119 = arith.muli %mul3A_118, %scan3A_95 : i32
      %add3A_120 = arith.constant 1 : i32
      %add3A_121 = arith.addi %mul3A_119, %add3A_120 : i32
      %lt3A_122 = arith.constant 125 : i32
      %lt3A_123 = arith.cmpi slt, %add3A_121, %lt3A_122 : i32
      %convert_element_type3A_124 = arith.extui %lt3A_123 : i1 to i32
      %cond3A_125 = arith.constant 0 : i32
      %cond3A_126 = arith.cmpi ne, %convert_element_type3A_124, %cond3A_125 : i32
      scf.if %cond3A_126 {
        %mul3A_127 = arith.constant 80 : i32
        %mul3A_128 = arith.muli %add3A_121, %mul3A_127 : i32
        %add3A_129 = arith.addi %mul3A_2, %mul3A_128 : i32
        %dma_wait3A = tpu.memref_slice %arg2[%add3A_129] : memref<320000xi32, #tpu.memory_space<hbm>> -> memref<80xi32, #tpu.memory_space<hbm>>
        %dma_wait3A_130 = tpu.memref_slice %arg2[%add3A_129] : memref<320000xi32, #tpu.memory_space<hbm>> -> memref<80xi32, #tpu.memory_space<hbm>>
        tpu.wait_dma2 semaphore(%arg17 : memref<!tpu.dma_semaphore, #tpu.memory_space<semaphore_mem>>) src(%dma_wait3A_130 : memref<80xi32, #tpu.memory_space<hbm>>) dst(%arg9 : memref<80xi32, #tpu.memory_space<vmem>>)
        %dma_wait3A_131 = arith.constant 0 : i32
        %dma_wait3A_132 = tpu.memref_slice %arg3[%add3A_129, %dma_wait3A_131] : memref<320000x128xf32, #tpu.memory_space<hbm>> -> memref<80x128xf32, #tpu.memory_space<hbm>>
        %dma_wait3A_133 = arith.constant 0 : i32
        %dma_wait3A_134 = tpu.memref_slice %arg3[%add3A_129, %dma_wait3A_133] : memref<320000x128xf32, #tpu.memory_space<hbm>> -> memref<80x128xf32, #tpu.memory_space<hbm>>
        tpu.wait_dma2 semaphore(%arg19 : memref<!tpu.dma_semaphore, #tpu.memory_space<semaphore_mem>>) src(%dma_wait3A_134 : memref<80x128xf32, #tpu.memory_space<hbm>>) dst(%arg11 : memref<80x128xf32, #tpu.memory_space<vmem>>)
        "tpu.region"() ({
          %run_scoped3A = tpu.sem_alloc : memref<!tpu.dma_semaphore, #tpu.memory_space<semaphore_mem>>
          %dma_start3A_135 = arith.constant 0 : i32
          %dma_start3A_136 = arith.constant 0 : i32
          %dma_start3A_137 = tpu.memref_slice %arg15[%dma_start3A_135, %dma_start3A_136] : memref<10000x128xf32, #tpu.memory_space<vmem_shared>> -> memref<10000x128xf32, #tpu.memory_space<vmem_shared>>
          tpu.enqueue_indirect_dma source(%arg11 : memref<80x128xf32, #tpu.memory_space<vmem>>) target(%dma_start3A_137 : memref<10000x128xf32, #tpu.memory_space<vmem_shared>>) offsets(%arg9 : memref<80xi32, #tpu.memory_space<vmem>>) semaphore(%run_scoped3A : memref<!tpu.dma_semaphore, #tpu.memory_space<semaphore_mem>>) {add = true}
          %dma_wait3A_138 = arith.constant 0 : i32
          %dma_wait3A_139 = arith.constant 0 : i32
          %dma_wait3A_140 = tpu.memref_slice %arg15[%dma_wait3A_138, %dma_wait3A_139] : memref<10000x128xf32, #tpu.memory_space<vmem_shared>> -> memref<10000x128xf32, #tpu.memory_space<vmem_shared>>
          tpu.wait_indirect_dma semaphore(%run_scoped3A : memref<!tpu.dma_semaphore, #tpu.memory_space<semaphore_mem>>) src(%arg11 : memref<80x128xf32, #tpu.memory_space<vmem>>) dst(%dma_wait3A_140 : memref<10000x128xf32, #tpu.memory_space<vmem_shared>>)
          tpu.yield
        }) : () -> ()
      } else {
      }
    }
    %scan3A_41 = arith.constant 63 : i32
    %barrier3A_42 = arith.constant 0 : index
    tpu.barrier barrier_id(%barrier3A_42)
    %mul3A_43 = arith.constant 624 : i32
    %mul3A_44 = arith.muli %arg1, %mul3A_43 : i32
    %mul3A_45 = arith.constant 10000 : i32
    %mul3A_46 = arith.muli %arg0, %mul3A_45 : i32
    %mul3A_47 = arith.constant 624 : i32
    %mul3A_48 = arith.muli %arg1, %mul3A_47 : i32
    %add3A_49 = arith.addi %mul3A_46, %mul3A_48 : i32
    "tpu.region"() ({
      %run_scoped3A = tpu.sem_alloc : memref<!tpu.dma_semaphore, #tpu.memory_space<semaphore_mem>>
      %dma_start3A_95 = arith.constant 0 : i32
      %dma_start3A_96 = tpu.memref_slice %arg6[%add3A_49, %dma_start3A_95] : memref<20000x128xf32, #tpu.memory_space<hbm>> -> memref<640x128xf32, #tpu.memory_space<hbm>>
      %dma_start3A_97 = arith.constant 0 : i32
      %dma_start3A_98 = tpu.memref_slice %arg15[%mul3A_44, %dma_start3A_97] : memref<10000x128xf32, #tpu.memory_space<vmem_shared>> -> memref<640x128xf32, #tpu.memory_space<vmem_shared>>
      tpu.enqueue_dma source(%dma_start3A_98 : memref<640x128xf32, #tpu.memory_space<vmem_shared>>) target(%dma_start3A_96 : memref<640x128xf32, #tpu.memory_space<hbm>>) target_semaphore(%run_scoped3A : memref<!tpu.dma_semaphore, #tpu.memory_space<semaphore_mem>>)
      %dma_wait3A = arith.constant 0 : i32
      %dma_wait3A_99 = tpu.memref_slice %arg6[%add3A_49, %dma_wait3A] : memref<20000x128xf32, #tpu.memory_space<hbm>> -> memref<640x128xf32, #tpu.memory_space<hbm>>
      %dma_wait3A_100 = arith.constant 0 : i32
      %dma_wait3A_101 = tpu.memref_slice %arg15[%mul3A_44, %dma_wait3A_100] : memref<10000x128xf32, #tpu.memory_space<vmem_shared>> -> memref<640x128xf32, #tpu.memory_space<vmem_shared>>
      tpu.wait_dma2 semaphore(%run_scoped3A : memref<!tpu.dma_semaphore, #tpu.memory_space<semaphore_mem>>) src(%dma_wait3A_101 : memref<640x128xf32, #tpu.memory_space<vmem_shared>>) dst(%dma_wait3A_99 : memref<640x128xf32, #tpu.memory_space<hbm>>)
      tpu.yield
    }) : () -> ()
    %barrier3A_50 = arith.constant 0 : index
    tpu.barrier barrier_id(%barrier3A_50)
    %mul3A_51 = arith.constant 624 : i32
    %mul3A_52 = arith.muli %arg1, %mul3A_51 : i32
    %add3A_53 = arith.constant 0 : i32
    %add3A_54 = arith.addi %mul3A_52, %add3A_53 : i32
    "tpu.region"() ({
      %run_scoped3A = tpu.sem_alloc : memref<!tpu.dma_semaphore, #tpu.memory_space<semaphore_mem>>
      %dma_start3A_95 = arith.constant 0 : i32
      %dma_start3A_96 = tpu.memref_slice %arg15[%add3A_54, %dma_start3A_95] : memref<10000x128xf32, #tpu.memory_space<vmem_shared>> -> memref<128x128xf32, #tpu.memory_space<vmem_shared>>
      %dma_start3A_97 = arith.constant 0 : i32
      %dma_start3A_98 = tpu.memref_slice %arg15[%add3A_54, %dma_start3A_97] : memref<10000x128xf32, #tpu.memory_space<vmem_shared>> -> memref<128x128xf32, #tpu.memory_space<vmem_shared>>
      tpu.enqueue_dma source(%arg14 : memref<128x128xf32, #tpu.memory_space<vmem>>) target(%dma_start3A_98 : memref<128x128xf32, #tpu.memory_space<vmem_shared>>) target_semaphore(%run_scoped3A : memref<!tpu.dma_semaphore, #tpu.memory_space<semaphore_mem>>)
      %dma_wait3A = arith.constant 0 : i32
      %dma_wait3A_99 = tpu.memref_slice %arg15[%add3A_54, %dma_wait3A] : memref<10000x128xf32, #tpu.memory_space<vmem_shared>> -> memref<128x128xf32, #tpu.memory_space<vmem_shared>>
      %dma_wait3A_100 = arith.constant 0 : i32
      %dma_wait3A_101 = tpu.memref_slice %arg15[%add3A_54, %dma_wait3A_100] : memref<10000x128xf32, #tpu.memory_space<vmem_shared>> -> memref<128x128xf32, #tpu.memory_space<vmem_shared>>
      tpu.wait_dma2 semaphore(%run_scoped3A : memref<!tpu.dma_semaphore, #tpu.memory_space<semaphore_mem>>) src(%arg14 : memref<128x128xf32, #tpu.memory_space<vmem>>) dst(%dma_wait3A_101 : memref<128x128xf32, #tpu.memory_space<vmem_shared>>)
      tpu.yield
    }) : () -> ()
    %mul3A_55 = arith.constant 624 : i32
    %mul3A_56 = arith.muli %arg1, %mul3A_55 : i32
    %add3A_57 = arith.constant 128 : i32
    %add3A_58 = arith.addi %mul3A_56, %add3A_57 : i32
    "tpu.region"() ({
      %run_scoped3A = tpu.sem_alloc : memref<!tpu.dma_semaphore, #tpu.memory_space<semaphore_mem>>
      %dma_start3A_95 = arith.constant 0 : i32
      %dma_start3A_96 = tpu.memref_slice %arg15[%add3A_58, %dma_start3A_95] : memref<10000x128xf32, #tpu.memory_space<vmem_shared>> -> memref<128x128xf32, #tpu.memory_space<vmem_shared>>
      %dma_start3A_97 = arith.constant 0 : i32
      %dma_start3A_98 = tpu.memref_slice %arg15[%add3A_58, %dma_start3A_97] : memref<10000x128xf32, #tpu.memory_space<vmem_shared>> -> memref<128x128xf32, #tpu.memory_space<vmem_shared>>
      tpu.enqueue_dma source(%arg14 : memref<128x128xf32, #tpu.memory_space<vmem>>) target(%dma_start3A_98 : memref<128x128xf32, #tpu.memory_space<vmem_shared>>) target_semaphore(%run_scoped3A : memref<!tpu.dma_semaphore, #tpu.memory_space<semaphore_mem>>)
      %dma_wait3A = arith.constant 0 : i32
      %dma_wait3A_99 = tpu.memref_slice %arg15[%add3A_58, %dma_wait3A] : memref<10000x128xf32, #tpu.memory_space<vmem_shared>> -> memref<128x128xf32, #tpu.memory_space<vmem_shared>>
      %dma_wait3A_100 = arith.constant 0 : i32
      %dma_wait3A_101 = tpu.memref_slice %arg15[%add3A_58, %dma_wait3A_100] : memref<10000x128xf32, #tpu.memory_space<vmem_shared>> -> memref<128x128xf32, #tpu.memory_space<vmem_shared>>
      tpu.wait_dma2 semaphore(%run_scoped3A : memref<!tpu.dma_semaphore, #tpu.memory_space<semaphore_mem>>) src(%arg14 : memref<128x128xf32, #tpu.memory_space<vmem>>) dst(%dma_wait3A_101 : memref<128x128xf32, #tpu.memory_space<vmem_shared>>)
      tpu.yield
    }) : () -> ()
    %mul3A_59 = arith.constant 624 : i32
    %mul3A_60 = arith.muli %arg1, %mul3A_59 : i32
    %add3A_61 = arith.constant 256 : i32
    %add3A_62 = arith.addi %mul3A_60, %add3A_61 : i32
    "tpu.region"() ({
      %run_scoped3A = tpu.sem_alloc : memref<!tpu.dma_semaphore, #tpu.memory_space<semaphore_mem>>
      %dma_start3A_95 = arith.constant 0 : i32
      %dma_start3A_96 = tpu.memref_slice %arg15[%add3A_62, %dma_start3A_95] : memref<10000x128xf32, #tpu.memory_space<vmem_shared>> -> memref<128x128xf32, #tpu.memory_space<vmem_shared>>
      %dma_start3A_97 = arith.constant 0 : i32
      %dma_start3A_98 = tpu.memref_slice %arg15[%add3A_62, %dma_start3A_97] : memref<10000x128xf32, #tpu.memory_space<vmem_shared>> -> memref<128x128xf32, #tpu.memory_space<vmem_shared>>
      tpu.enqueue_dma source(%arg14 : memref<128x128xf32, #tpu.memory_space<vmem>>) target(%dma_start3A_98 : memref<128x128xf32, #tpu.memory_space<vmem_shared>>) target_semaphore(%run_scoped3A : memref<!tpu.dma_semaphore, #tpu.memory_space<semaphore_mem>>)
      %dma_wait3A = arith.constant 0 : i32
      %dma_wait3A_99 = tpu.memref_slice %arg15[%add3A_62, %dma_wait3A] : memref<10000x128xf32, #tpu.memory_space<vmem_shared>> -> memref<128x128xf32, #tpu.memory_space<vmem_shared>>
      %dma_wait3A_100 = arith.constant 0 : i32
      %dma_wait3A_101 = tpu.memref_slice %arg15[%add3A_62, %dma_wait3A_100] : memref<10000x128xf32, #tpu.memory_space<vmem_shared>> -> memref<128x128xf32, #tpu.memory_space<vmem_shared>>
      tpu.wait_dma2 semaphore(%run_scoped3A : memref<!tpu.dma_semaphore, #tpu.memory_space<semaphore_mem>>) src(%arg14 : memref<128x128xf32, #tpu.memory_space<vmem>>) dst(%dma_wait3A_101 : memref<128x128xf32, #tpu.memory_space<vmem_shared>>)
      tpu.yield
    }) : () -> ()
    %mul3A_63 = arith.constant 624 : i32
    %mul3A_64 = arith.muli %arg1, %mul3A_63 : i32
    %add3A_65 = arith.constant 384 : i32
    %add3A_66 = arith.addi %mul3A_64, %add3A_65 : i32
    "tpu.region"() ({
      %run_scoped3A = tpu.sem_alloc : memref<!tpu.dma_semaphore, #tpu.memory_space<semaphore_mem>>
      %dma_start3A_95 = arith.constant 0 : i32
      %dma_start3A_96 = tpu.memref_slice %arg15[%add3A_66, %dma_start3A_95] : memref<10000x128xf32, #tpu.memory_space<vmem_shared>> -> memref<128x128xf32, #tpu.memory_space<vmem_shared>>
      %dma_start3A_97 = arith.constant 0 : i32
      %dma_start3A_98 = tpu.memref_slice %arg15[%add3A_66, %dma_start3A_97] : memref<10000x128xf32, #tpu.memory_space<vmem_shared>> -> memref<128x128xf32, #tpu.memory_space<vmem_shared>>
      tpu.enqueue_dma source(%arg14 : memref<128x128xf32, #tpu.memory_space<vmem>>) target(%dma_start3A_98 : memref<128x128xf32, #tpu.memory_space<vmem_shared>>) target_semaphore(%run_scoped3A : memref<!tpu.dma_semaphore, #tpu.memory_space<semaphore_mem>>)
      %dma_wait3A = arith.constant 0 : i32
      %dma_wait3A_99 = tpu.memref_slice %arg15[%add3A_66, %dma_wait3A] : memref<10000x128xf32, #tpu.memory_space<vmem_shared>> -> memref<128x128xf32, #tpu.memory_space<vmem_shared>>
      %dma_wait3A_100 = arith.constant 0 : i32
      %dma_wait3A_101 = tpu.memref_slice %arg15[%add3A_66, %dma_wait3A_100] : memref<10000x128xf32, #tpu.memory_space<vmem_shared>> -> memref<128x128xf32, #tpu.memory_space<vmem_shared>>
      tpu.wait_dma2 semaphore(%run_scoped3A : memref<!tpu.dma_semaphore, #tpu.memory_space<semaphore_mem>>) src(%arg14 : memref<128x128xf32, #tpu.memory_space<vmem>>) dst(%dma_wait3A_101 : memref<128x128xf32, #tpu.memory_space<vmem_shared>>)
      tpu.yield
    }) : () -> ()
    %mul3A_67 = arith.constant 624 : i32
    %mul3A_68 = arith.muli %arg1, %mul3A_67 : i32
    %add3A_69 = arith.constant 512 : i32
    %add3A_70 = arith.addi %mul3A_68, %add3A_69 : i32
    "tpu.region"() ({
      %run_scoped3A = tpu.sem_alloc : memref<!tpu.dma_semaphore, #tpu.memory_space<semaphore_mem>>
      %dma_start3A_95 = arith.constant 0 : i32
      %dma_start3A_96 = tpu.memref_slice %arg15[%add3A_70, %dma_start3A_95] : memref<10000x128xf32, #tpu.memory_space<vmem_shared>> -> memref<128x128xf32, #tpu.memory_space<vmem_shared>>
      %dma_start3A_97 = arith.constant 0 : i32
      %dma_start3A_98 = tpu.memref_slice %arg15[%add3A_70, %dma_start3A_97] : memref<10000x128xf32, #tpu.memory_space<vmem_shared>> -> memref<128x128xf32, #tpu.memory_space<vmem_shared>>
      tpu.enqueue_dma source(%arg14 : memref<128x128xf32, #tpu.memory_space<vmem>>) target(%dma_start3A_98 : memref<128x128xf32, #tpu.memory_space<vmem_shared>>) target_semaphore(%run_scoped3A : memref<!tpu.dma_semaphore, #tpu.memory_space<semaphore_mem>>)
      %dma_wait3A = arith.constant 0 : i32
      %dma_wait3A_99 = tpu.memref_slice %arg15[%add3A_70, %dma_wait3A] : memref<10000x128xf32, #tpu.memory_space<vmem_shared>> -> memref<128x128xf32, #tpu.memory_space<vmem_shared>>
      %dma_wait3A_100 = arith.constant 0 : i32
      %dma_wait3A_101 = tpu.memref_slice %arg15[%add3A_70, %dma_wait3A_100] : memref<10000x128xf32, #tpu.memory_space<vmem_shared>> -> memref<128x128xf32, #tpu.memory_space<vmem_shared>>
      tpu.wait_dma2 semaphore(%run_scoped3A : memref<!tpu.dma_semaphore, #tpu.memory_space<semaphore_mem>>) src(%arg14 : memref<128x128xf32, #tpu.memory_space<vmem>>) dst(%dma_wait3A_101 : memref<128x128xf32, #tpu.memory_space<vmem_shared>>)
      tpu.yield
    }) : () -> ()
    %barrier3A_71 = arith.constant 0 : index
    tpu.barrier barrier_id(%barrier3A_71)
    %add3A_72 = arith.constant 0 : i32
    %add3A_73 = arith.addi %mul3A_2, %add3A_72 : i32
    %dma_start3A_74 = tpu.memref_slice %arg2[%add3A_73] : memref<320000xi32, #tpu.memory_space<hbm>> -> memref<80xi32, #tpu.memory_space<hbm>>
    %dma_start3A_75 = tpu.memref_slice %arg2[%add3A_73] : memref<320000xi32, #tpu.memory_space<hbm>> -> memref<80xi32, #tpu.memory_space<hbm>>
    tpu.enqueue_dma source(%dma_start3A_75 : memref<80xi32, #tpu.memory_space<hbm>>) target(%arg8 : memref<80xi32, #tpu.memory_space<vmem>>) target_semaphore(%arg16 : memref<!tpu.dma_semaphore, #tpu.memory_space<semaphore_mem>>)
    %mul3A_76 = arith.constant 16 : i32
    %mul3A_77 = arith.muli %add3A_73, %mul3A_76 : i32
    %dma_start3A_78 = tpu.memref_slice %arg4[%mul3A_77] : memref<5120000xf32, #tpu.memory_space<hbm>> -> memref<1280xf32, #tpu.memory_space<hbm>>
    %dma_start3A_79 = tpu.memref_slice %arg4[%mul3A_77] : memref<5120000xf32, #tpu.memory_space<hbm>> -> memref<1280xf32, #tpu.memory_space<hbm>>
    tpu.enqueue_dma source(%dma_start3A_79 : memref<1280xf32, #tpu.memory_space<hbm>>) target(%arg12 : memref<1280xf32, #tpu.memory_space<vmem>>) target_semaphore(%arg18 : memref<!tpu.dma_semaphore, #tpu.memory_space<semaphore_mem>>)
    %scan3A_80 = arith.constant 0 : i32
    %scan3A_81 = arith.constant 0 : i32
    %scan3A_82 = arith.constant 63 : i32
    %scan3A_83 = arith.addi %scan3A_81, %scan3A_82 : i32
    %scan3A_84 = arith.constant 1 : i32
    scf.for %scan3A_95 = %scan3A_81 to %scan3A_83 step %scan3A_84  : i32 {
      %mul3A_96 = arith.constant 2 : i32
      %mul3A_97 = arith.muli %mul3A_96, %scan3A_95 : i32
      %add3A_98 = arith.constant 1 : i32
      %add3A_99 = arith.addi %mul3A_97, %add3A_98 : i32
      %lt3A = arith.constant 125 : i32
      %lt3A_100 = arith.cmpi slt, %add3A_99, %lt3A : i32
      %convert_element_type3A = arith.extui %lt3A_100 : i1 to i32
      %cond3A = arith.constant 0 : i32
      %cond3A_101 = arith.cmpi ne, %convert_element_type3A, %cond3A : i32
      scf.if %cond3A_101 {
        %mul3A_127 = arith.constant 80 : i32
        %mul3A_128 = arith.muli %add3A_99, %mul3A_127 : i32
        %add3A_129 = arith.addi %mul3A_2, %mul3A_128 : i32
        %dma_start3A_130 = tpu.memref_slice %arg2[%add3A_129] : memref<320000xi32, #tpu.memory_space<hbm>> -> memref<80xi32, #tpu.memory_space<hbm>>
        %dma_start3A_131 = tpu.memref_slice %arg2[%add3A_129] : memref<320000xi32, #tpu.memory_space<hbm>> -> memref<80xi32, #tpu.memory_space<hbm>>
        tpu.enqueue_dma source(%dma_start3A_131 : memref<80xi32, #tpu.memory_space<hbm>>) target(%arg9 : memref<80xi32, #tpu.memory_space<vmem>>) target_semaphore(%arg17 : memref<!tpu.dma_semaphore, #tpu.memory_space<semaphore_mem>>)
        %mul3A_132 = arith.constant 16 : i32
        %mul3A_133 = arith.muli %add3A_129, %mul3A_132 : i32
        %dma_start3A_134 = tpu.memref_slice %arg4[%mul3A_133] : memref<5120000xf32, #tpu.memory_space<hbm>> -> memref<1280xf32, #tpu.memory_space<hbm>>
        %dma_start3A_135 = tpu.memref_slice %arg4[%mul3A_133] : memref<5120000xf32, #tpu.memory_space<hbm>> -> memref<1280xf32, #tpu.memory_space<hbm>>
        tpu.enqueue_dma source(%dma_start3A_135 : memref<1280xf32, #tpu.memory_space<hbm>>) target(%arg13 : memref<1280xf32, #tpu.memory_space<vmem>>) target_semaphore(%arg19 : memref<!tpu.dma_semaphore, #tpu.memory_space<semaphore_mem>>)
      } else {
      }
      %mul3A_102 = arith.constant 2 : i32
      %mul3A_103 = arith.muli %mul3A_102, %scan3A_95 : i32
      %lt3A_104 = arith.constant 125 : i32
      %lt3A_105 = arith.cmpi slt, %mul3A_103, %lt3A_104 : i32
      %convert_element_type3A_106 = arith.extui %lt3A_105 : i1 to i32
      %cond3A_107 = arith.constant 0 : i32
      %cond3A_108 = arith.cmpi ne, %convert_element_type3A_106, %cond3A_107 : i32
      scf.if %cond3A_108 {
        %mul3A_127 = arith.constant 80 : i32
        %mul3A_128 = arith.muli %mul3A_103, %mul3A_127 : i32
        %add3A_129 = arith.addi %mul3A_2, %mul3A_128 : i32
        %dma_wait3A = tpu.memref_slice %arg2[%add3A_129] : memref<320000xi32, #tpu.memory_space<hbm>> -> memref<80xi32, #tpu.memory_space<hbm>>
        %dma_wait3A_130 = tpu.memref_slice %arg2[%add3A_129] : memref<320000xi32, #tpu.memory_space<hbm>> -> memref<80xi32, #tpu.memory_space<hbm>>
        tpu.wait_dma2 semaphore(%arg16 : memref<!tpu.dma_semaphore, #tpu.memory_space<semaphore_mem>>) src(%dma_wait3A_130 : memref<80xi32, #tpu.memory_space<hbm>>) dst(%arg8 : memref<80xi32, #tpu.memory_space<vmem>>)
        %mul3A_131 = arith.constant 16 : i32
        %mul3A_132 = arith.muli %add3A_129, %mul3A_131 : i32
        %dma_wait3A_133 = tpu.memref_slice %arg4[%mul3A_132] : memref<5120000xf32, #tpu.memory_space<hbm>> -> memref<1280xf32, #tpu.memory_space<hbm>>
        %dma_wait3A_134 = tpu.memref_slice %arg4[%mul3A_132] : memref<5120000xf32, #tpu.memory_space<hbm>> -> memref<1280xf32, #tpu.memory_space<hbm>>
        tpu.wait_dma2 semaphore(%arg18 : memref<!tpu.dma_semaphore, #tpu.memory_space<semaphore_mem>>) src(%dma_wait3A_134 : memref<1280xf32, #tpu.memory_space<hbm>>) dst(%arg12 : memref<1280xf32, #tpu.memory_space<vmem>>)
        %scan3A_135 = arith.constant 0 : i32
        %scan3A_136 = arith.constant 0 : i32
        %scan3A_137 = arith.constant 80 : i32
        %scan3A_138 = arith.addi %scan3A_136, %scan3A_137 : i32
        %scan3A_139 = arith.constant 1 : i32
        scf.for %scan3A_141 = %scan3A_136 to %scan3A_138 step %scan3A_139  : i32 {
          %mul3A_142 = arith.constant 16 : i32
          %mul3A_143 = arith.muli %scan3A_141, %mul3A_142 : i32
          %get3A = arith.index_cast %mul3A_143 : i32 to index
          %get3A_144 = tpu.vector_load %arg12[%get3A] {strides = array<i32>} : memref<1280xf32, #tpu.memory_space<vmem>>, vector<16xf32>,
          %get3A_145 = vector.shape_cast %get3A_144 : vector<16xf32> to vector<16xf32>
          %swap3A = arith.index_cast %scan3A_141 : i32 to index
          %swap3A_146 = arith.constant 0 : index
          %swap3A_147 = tpu.vector_load %arg14[%swap3A, %swap3A_146] {strides = array<i32>} : memref<128x128xf32, #tpu.memory_space<vmem>>, vector<1x16xf32>,
          %swap3A_148 = vector.shape_cast %swap3A_147 : vector<1x16xf32> to vector<16xf32>
          %swap3A_149 = vector.shape_cast %get3A_145 : vector<16xf32> to vector<1x16xf32>
          tpu.vector_store %arg14[%swap3A, %swap3A_146], %swap3A_149 {strides = array<i32>} : memref<128x128xf32, #tpu.memory_space<vmem>>, vector<1x16xf32>,
        }
        %scan3A_140 = arith.constant 80 : i32
        "tpu.region"() ({
          %run_scoped3A = tpu.sem_alloc : memref<!tpu.dma_semaphore, #tpu.memory_space<semaphore_mem>>
          %dma_start3A_141 = arith.constant 0 : i32
          %dma_start3A_142 = arith.constant 0 : i32
          %dma_start3A_143 = tpu.memref_slice %arg14[%dma_start3A_141, %dma_start3A_142] : memref<128x128xf32, #tpu.memory_space<vmem>> -> memref<80x128xf32, #tpu.memory_space<vmem>>
          %dma_start3A_144 = arith.constant 0 : i32
          %dma_start3A_145 = arith.constant 0 : i32
          %dma_start3A_146 = tpu.memref_slice %arg15[%dma_start3A_144, %dma_start3A_145] : memref<10000x128xf32, #tpu.memory_space<vmem_shared>> -> memref<10000x128xf32, #tpu.memory_space<vmem_shared>>
          tpu.enqueue_indirect_dma source(%dma_start3A_143 : memref<80x128xf32, #tpu.memory_space<vmem>>) target(%dma_start3A_146 : memref<10000x128xf32, #tpu.memory_space<vmem_shared>>) offsets(%arg8 : memref<80xi32, #tpu.memory_space<vmem>>) semaphore(%run_scoped3A : memref<!tpu.dma_semaphore, #tpu.memory_space<semaphore_mem>>) {add = true}
          %dma_wait3A_147 = arith.constant 0 : i32
          %dma_wait3A_148 = arith.constant 0 : i32
          %dma_wait3A_149 = tpu.memref_slice %arg14[%dma_wait3A_147, %dma_wait3A_148] : memref<128x128xf32, #tpu.memory_space<vmem>> -> memref<80x128xf32, #tpu.memory_space<vmem>>
          %dma_wait3A_150 = arith.constant 0 : i32
          %dma_wait3A_151 = arith.constant 0 : i32
          %dma_wait3A_152 = tpu.memref_slice %arg15[%dma_wait3A_150, %dma_wait3A_151] : memref<10000x128xf32, #tpu.memory_space<vmem_shared>> -> memref<10000x128xf32, #tpu.memory_space<vmem_shared>>
          tpu.wait_indirect_dma semaphore(%run_scoped3A : memref<!tpu.dma_semaphore, #tpu.memory_space<semaphore_mem>>) src(%dma_wait3A_149 : memref<80x128xf32, #tpu.memory_space<vmem>>) dst(%dma_wait3A_152 : memref<10000x128xf32, #tpu.memory_space<vmem_shared>>)
          tpu.yield
        }) : () -> ()
      } else {
      }
      %mul3A_109 = arith.constant 2 : i32
      %mul3A_110 = arith.muli %mul3A_109, %scan3A_95 : i32
      %add3A_111 = arith.constant 2 : i32
      %add3A_112 = arith.addi %mul3A_110, %add3A_111 : i32
      %lt3A_113 = arith.constant 125 : i32
      %lt3A_114 = arith.cmpi slt, %add3A_112, %lt3A_113 : i32
      %convert_element_type3A_115 = arith.extui %lt3A_114 : i1 to i32
      %cond3A_116 = arith.constant 0 : i32
      %cond3A_117 = arith.cmpi ne, %convert_element_type3A_115, %cond3A_116 : i32
      scf.if %cond3A_117 {
        %mul3A_127 = arith.constant 80 : i32
        %mul3A_128 = arith.muli %add3A_112, %mul3A_127 : i32
        %add3A_129 = arith.addi %mul3A_2, %mul3A_128 : i32
        %dma_start3A_130 = tpu.memref_slice %arg2[%add3A_129] : memref<320000xi32, #tpu.memory_space<hbm>> -> memref<80xi32, #tpu.memory_space<hbm>>
        %dma_start3A_131 = tpu.memref_slice %arg2[%add3A_129] : memref<320000xi32, #tpu.memory_space<hbm>> -> memref<80xi32, #tpu.memory_space<hbm>>
        tpu.enqueue_dma source(%dma_start3A_131 : memref<80xi32, #tpu.memory_space<hbm>>) target(%arg8 : memref<80xi32, #tpu.memory_space<vmem>>) target_semaphore(%arg16 : memref<!tpu.dma_semaphore, #tpu.memory_space<semaphore_mem>>)
        %mul3A_132 = arith.constant 16 : i32
        %mul3A_133 = arith.muli %add3A_129, %mul3A_132 : i32
        %dma_start3A_134 = tpu.memref_slice %arg4[%mul3A_133] : memref<5120000xf32, #tpu.memory_space<hbm>> -> memref<1280xf32, #tpu.memory_space<hbm>>
        %dma_start3A_135 = tpu.memref_slice %arg4[%mul3A_133] : memref<5120000xf32, #tpu.memory_space<hbm>> -> memref<1280xf32, #tpu.memory_space<hbm>>
        tpu.enqueue_dma source(%dma_start3A_135 : memref<1280xf32, #tpu.memory_space<hbm>>) target(%arg12 : memref<1280xf32, #tpu.memory_space<vmem>>) target_semaphore(%arg18 : memref<!tpu.dma_semaphore, #tpu.memory_space<semaphore_mem>>)
      } else {
      }
      %mul3A_118 = arith.constant 2 : i32
      %mul3A_119 = arith.muli %mul3A_118, %scan3A_95 : i32
      %add3A_120 = arith.constant 1 : i32
      %add3A_121 = arith.addi %mul3A_119, %add3A_120 : i32
      %lt3A_122 = arith.constant 125 : i32
      %lt3A_123 = arith.cmpi slt, %add3A_121, %lt3A_122 : i32
      %convert_element_type3A_124 = arith.extui %lt3A_123 : i1 to i32
      %cond3A_125 = arith.constant 0 : i32
      %cond3A_126 = arith.cmpi ne, %convert_element_type3A_124, %cond3A_125 : i32
      scf.if %cond3A_126 {
        %mul3A_127 = arith.constant 80 : i32
        %mul3A_128 = arith.muli %add3A_121, %mul3A_127 : i32
        %add3A_129 = arith.addi %mul3A_2, %mul3A_128 : i32
        %dma_wait3A = tpu.memref_slice %arg2[%add3A_129] : memref<320000xi32, #tpu.memory_space<hbm>> -> memref<80xi32, #tpu.memory_space<hbm>>
        %dma_wait3A_130 = tpu.memref_slice %arg2[%add3A_129] : memref<320000xi32, #tpu.memory_space<hbm>> -> memref<80xi32, #tpu.memory_space<hbm>>
        tpu.wait_dma2 semaphore(%arg17 : memref<!tpu.dma_semaphore, #tpu.memory_space<semaphore_mem>>) src(%dma_wait3A_130 : memref<80xi32, #tpu.memory_space<hbm>>) dst(%arg9 : memref<80xi32, #tpu.memory_space<vmem>>)
        %mul3A_131 = arith.constant 16 : i32
        %mul3A_132 = arith.muli %add3A_129, %mul3A_131 : i32
        %dma_wait3A_133 = tpu.memref_slice %arg4[%mul3A_132] : memref<5120000xf32, #tpu.memory_space<hbm>> -> memref<1280xf32, #tpu.memory_space<hbm>>
        %dma_wait3A_134 = tpu.memref_slice %arg4[%mul3A_132] : memref<5120000xf32, #tpu.memory_space<hbm>> -> memref<1280xf32, #tpu.memory_space<hbm>>
        tpu.wait_dma2 semaphore(%arg19 : memref<!tpu.dma_semaphore, #tpu.memory_space<semaphore_mem>>) src(%dma_wait3A_134 : memref<1280xf32, #tpu.memory_space<hbm>>) dst(%arg13 : memref<1280xf32, #tpu.memory_space<vmem>>)
        %scan3A_135 = arith.constant 0 : i32
        %scan3A_136 = arith.constant 0 : i32
        %scan3A_137 = arith.constant 80 : i32
        %scan3A_138 = arith.addi %scan3A_136, %scan3A_137 : i32
        %scan3A_139 = arith.constant 1 : i32
        scf.for %scan3A_141 = %scan3A_136 to %scan3A_138 step %scan3A_139  : i32 {
          %mul3A_142 = arith.constant 16 : i32
          %mul3A_143 = arith.muli %scan3A_141, %mul3A_142 : i32
          %get3A = arith.index_cast %mul3A_143 : i32 to index
          %get3A_144 = tpu.vector_load %arg13[%get3A] {strides = array<i32>} : memref<1280xf32, #tpu.memory_space<vmem>>, vector<16xf32>,
          %get3A_145 = vector.shape_cast %get3A_144 : vector<16xf32> to vector<16xf32>
          %swap3A = arith.index_cast %scan3A_141 : i32 to index
          %swap3A_146 = arith.constant 0 : index
          %swap3A_147 = tpu.vector_load %arg14[%swap3A, %swap3A_146] {strides = array<i32>} : memref<128x128xf32, #tpu.memory_space<vmem>>, vector<1x16xf32>,
          %swap3A_148 = vector.shape_cast %swap3A_147 : vector<1x16xf32> to vector<16xf32>
          %swap3A_149 = vector.shape_cast %get3A_145 : vector<16xf32> to vector<1x16xf32>
          tpu.vector_store %arg14[%swap3A, %swap3A_146], %swap3A_149 {strides = array<i32>} : memref<128x128xf32, #tpu.memory_space<vmem>>, vector<1x16xf32>,
        }
        %scan3A_140 = arith.constant 80 : i32
        "tpu.region"() ({
          %run_scoped3A = tpu.sem_alloc : memref<!tpu.dma_semaphore, #tpu.memory_space<semaphore_mem>>
          %dma_start3A_141 = arith.constant 0 : i32
          %dma_start3A_142 = arith.constant 0 : i32
          %dma_start3A_143 = tpu.memref_slice %arg14[%dma_start3A_141, %dma_start3A_142] : memref<128x128xf32, #tpu.memory_space<vmem>> -> memref<80x128xf32, #tpu.memory_space<vmem>>
          %dma_start3A_144 = arith.constant 0 : i32
          %dma_start3A_145 = arith.constant 0 : i32
          %dma_start3A_146 = tpu.memref_slice %arg15[%dma_start3A_144, %dma_start3A_145] : memref<10000x128xf32, #tpu.memory_space<vmem_shared>> -> memref<10000x128xf32, #tpu.memory_space<vmem_shared>>
          tpu.enqueue_indirect_dma source(%dma_start3A_143 : memref<80x128xf32, #tpu.memory_space<vmem>>) target(%dma_start3A_146 : memref<10000x128xf32, #tpu.memory_space<vmem_shared>>) offsets(%arg9 : memref<80xi32, #tpu.memory_space<vmem>>) semaphore(%run_scoped3A : memref<!tpu.dma_semaphore, #tpu.memory_space<semaphore_mem>>) {add = true}
          %dma_wait3A_147 = arith.constant 0 : i32
          %dma_wait3A_148 = arith.constant 0 : i32
          %dma_wait3A_149 = tpu.memref_slice %arg14[%dma_wait3A_147, %dma_wait3A_148] : memref<128x128xf32, #tpu.memory_space<vmem>> -> memref<80x128xf32, #tpu.memory_space<vmem>>
          %dma_wait3A_150 = arith.constant 0 : i32
          %dma_wait3A_151 = arith.constant 0 : i32
          %dma_wait3A_152 = tpu.memref_slice %arg15[%dma_wait3A_150, %dma_wait3A_151] : memref<10000x128xf32, #tpu.memory_space<vmem_shared>> -> memref<10000x128xf32, #tpu.memory_space<vmem_shared>>
          tpu.wait_indirect_dma semaphore(%run_scoped3A : memref<!tpu.dma_semaphore, #tpu.memory_space<semaphore_mem>>) src(%dma_wait3A_149 : memref<80x128xf32, #tpu.memory_space<vmem>>) dst(%dma_wait3A_152 : memref<10000x128xf32, #tpu.memory_space<vmem_shared>>)
          tpu.yield
        }) : () -> ()
      } else {
      }
    }
    %scan3A_85 = arith.constant 63 : i32
    %barrier3A_86 = arith.constant 0 : index
    tpu.barrier barrier_id(%barrier3A_86)
    %mul3A_87 = arith.constant 624 : i32
    %mul3A_88 = arith.muli %arg1, %mul3A_87 : i32
    %mul3A_89 = arith.constant 10000 : i32
    %mul3A_90 = arith.muli %arg0, %mul3A_89 : i32
    %mul3A_91 = arith.constant 624 : i32
    %mul3A_92 = arith.muli %arg1, %mul3A_91 : i32
    %add3A_93 = arith.addi %mul3A_90, %mul3A_92 : i32
    "tpu.region"() ({
      %run_scoped3A = tpu.sem_alloc : memref<!tpu.dma_semaphore, #tpu.memory_space<semaphore_mem>>
      %dma_start3A_95 = arith.constant 0 : i32
      %dma_start3A_96 = tpu.memref_slice %arg7[%add3A_93, %dma_start3A_95] : memref<20000x128xf32, #tpu.memory_space<hbm>> -> memref<640x128xf32, #tpu.memory_space<hbm>>
      %dma_start3A_97 = arith.constant 0 : i32
      %dma_start3A_98 = tpu.memref_slice %arg15[%mul3A_88, %dma_start3A_97] : memref<10000x128xf32, #tpu.memory_space<vmem_shared>> -> memref<640x128xf32, #tpu.memory_space<vmem_shared>>
      tpu.enqueue_dma source(%dma_start3A_98 : memref<640x128xf32, #tpu.memory_space<vmem_shared>>) target(%dma_start3A_96 : memref<640x128xf32, #tpu.memory_space<hbm>>) target_semaphore(%run_scoped3A : memref<!tpu.dma_semaphore, #tpu.memory_space<semaphore_mem>>)
      %dma_wait3A = arith.constant 0 : i32
      %dma_wait3A_99 = tpu.memref_slice %arg7[%add3A_93, %dma_wait3A] : memref<20000x128xf32, #tpu.memory_space<hbm>> -> memref<640x128xf32, #tpu.memory_space<hbm>>
      %dma_wait3A_100 = arith.constant 0 : i32
      %dma_wait3A_101 = tpu.memref_slice %arg15[%mul3A_88, %dma_wait3A_100] : memref<10000x128xf32, #tpu.memory_space<vmem_shared>> -> memref<640x128xf32, #tpu.memory_space<vmem_shared>>
      tpu.wait_dma2 semaphore(%run_scoped3A : memref<!tpu.dma_semaphore, #tpu.memory_space<semaphore_mem>>) src(%dma_wait3A_101 : memref<640x128xf32, #tpu.memory_space<vmem_shared>>) dst(%dma_wait3A_99 : memref<640x128xf32, #tpu.memory_space<hbm>>)
      tpu.yield
    }) : () -> ()
    %barrier3A_94 = arith.constant 0 : index
    tpu.barrier barrier_id(%barrier3A_94)
    return
  }
}

#map = affine_map<(d0, d1) -> (0)>
#map1 = affine_map<(d0, d1) -> (0, 0)>
module attributes {stable_mosaic.version = 14 : i64} {
  func.func @_gather_body(%arg0: i32, %arg1: i32, %arg2: memref<320000xi32, #tpu.memory_space<hbm>>, %arg3: memref<320000xi32, #tpu.memory_space<hbm>>, %arg4: memref<10000x128xf32, #tpu.memory_space<hbm>>, %arg5: memref<10000x128xf32, #tpu.memory_space<hbm>>, %arg6: memref<10000x128xf32, #tpu.memory_space<hbm>>, %arg7: memref<320000x128xf32, #tpu.memory_space<hbm>>, %arg8: memref<5120000xf32, #tpu.memory_space<hbm>>, %arg9: memref<10000xi32, #tpu.memory_space<vmem>>, %arg10: memref<10000xi32, #tpu.memory_space<vmem>>, %arg11: memref<64x128xf32, #tpu.memory_space<vmem>>, %arg12: memref<64x128xf32, #tpu.memory_space<vmem>>, %arg13: memref<64x128xf32, #tpu.memory_space<vmem>>, %arg14: memref<64x128xf32, #tpu.memory_space<vmem>>, %arg15: memref<64x128xf32, #tpu.memory_space<vmem>>, %arg16: memref<64x128xf32, #tpu.memory_space<vmem>>, %arg17: memref<64x128xf32, #tpu.memory_space<vmem>>, %arg18: memref<64x128xf32, #tpu.memory_space<vmem>>, %arg19: memref<1024xf32, #tpu.memory_space<vmem>>, %arg20: memref<1024xf32, #tpu.memory_space<vmem>>, %arg21: memref<!tpu.dma_semaphore, #tpu.memory_space<semaphore_mem>>, %arg22: memref<!tpu.dma_semaphore, #tpu.memory_space<semaphore_mem>>, %arg23: memref<!tpu.dma_semaphore, #tpu.memory_space<semaphore_mem>>, %arg24: memref<!tpu.dma_semaphore, #tpu.memory_space<semaphore_mem>>, %arg25: memref<!tpu.dma_semaphore, #tpu.memory_space<semaphore_mem>>, %arg26: memref<!tpu.dma_semaphore, #tpu.memory_space<semaphore_mem>>, %arg27: memref<!tpu.dma_semaphore, #tpu.memory_space<semaphore_mem>>, %arg28: memref<!tpu.dma_semaphore, #tpu.memory_space<semaphore_mem>>) attributes {dimension_semantics = [#tpu.dimension_semantics<core_parallel>, #tpu.dimension_semantics<subcore_parallel>], iteration_bounds = array<i64: 2, 16>, scalar_prefetch = 0 : i64, scratch_operands = 20 : i64, tpu.core_type = #tpu.core_type<sc_vector_subcore>, window_params = [{transform_indices = #map}, {transform_indices = #map}, {transform_indices = #map1}, {transform_indices = #map1}, {transform_indices = #map1}, {transform_indices = #map1}, {transform_indices = #map}]} {
    %mul3A = arith.constant 2 : i32
    %mul3A_0 = arith.muli %arg1, %mul3A : i32
    %add3A = arith.addi %mul3A_0, %arg0 : i32
    %mul3A_1 = arith.constant 10000 : i32
    %mul3A_2 = arith.muli %add3A, %mul3A_1 : i32
    "tpu.region"() ({
      %run_scoped3A = tpu.sem_alloc : memref<!tpu.dma_semaphore, #tpu.memory_space<semaphore_mem>>
      %dma_start3A_25 = tpu.memref_slice %arg2[%mul3A_2] : memref<320000xi32, #tpu.memory_space<hbm>> -> memref<10000xi32, #tpu.memory_space<hbm>>
      %dma_start3A_26 = tpu.memref_slice %arg2[%mul3A_2] : memref<320000xi32, #tpu.memory_space<hbm>> -> memref<10000xi32, #tpu.memory_space<hbm>>
      tpu.enqueue_dma source(%dma_start3A_26 : memref<10000xi32, #tpu.memory_space<hbm>>) target(%arg9 : memref<10000xi32, #tpu.memory_space<vmem>>) target_semaphore(%run_scoped3A : memref<!tpu.dma_semaphore, #tpu.memory_space<semaphore_mem>>)
      %dma_wait3A = tpu.memref_slice %arg2[%mul3A_2] : memref<320000xi32, #tpu.memory_space<hbm>> -> memref<10000xi32, #tpu.memory_space<hbm>>
      %dma_wait3A_27 = tpu.memref_slice %arg2[%mul3A_2] : memref<320000xi32, #tpu.memory_space<hbm>> -> memref<10000xi32, #tpu.memory_space<hbm>>
      tpu.wait_dma2 semaphore(%run_scoped3A : memref<!tpu.dma_semaphore, #tpu.memory_space<semaphore_mem>>) src(%dma_wait3A_27 : memref<10000xi32, #tpu.memory_space<hbm>>) dst(%arg9 : memref<10000xi32, #tpu.memory_space<vmem>>)
      tpu.yield
    }) : () -> ()
    "tpu.region"() ({
      %run_scoped3A = tpu.sem_alloc : memref<!tpu.dma_semaphore, #tpu.memory_space<semaphore_mem>>
      %dma_start3A_25 = tpu.memref_slice %arg3[%mul3A_2] : memref<320000xi32, #tpu.memory_space<hbm>> -> memref<10000xi32, #tpu.memory_space<hbm>>
      %dma_start3A_26 = tpu.memref_slice %arg3[%mul3A_2] : memref<320000xi32, #tpu.memory_space<hbm>> -> memref<10000xi32, #tpu.memory_space<hbm>>
      tpu.enqueue_dma source(%dma_start3A_26 : memref<10000xi32, #tpu.memory_space<hbm>>) target(%arg10 : memref<10000xi32, #tpu.memory_space<vmem>>) target_semaphore(%run_scoped3A : memref<!tpu.dma_semaphore, #tpu.memory_space<semaphore_mem>>)
      %dma_wait3A = tpu.memref_slice %arg3[%mul3A_2] : memref<320000xi32, #tpu.memory_space<hbm>> -> memref<10000xi32, #tpu.memory_space<hbm>>
      %dma_wait3A_27 = tpu.memref_slice %arg3[%mul3A_2] : memref<320000xi32, #tpu.memory_space<hbm>> -> memref<10000xi32, #tpu.memory_space<hbm>>
      tpu.wait_dma2 semaphore(%run_scoped3A : memref<!tpu.dma_semaphore, #tpu.memory_space<semaphore_mem>>) src(%dma_wait3A_27 : memref<10000xi32, #tpu.memory_space<hbm>>) dst(%arg10 : memref<10000xi32, #tpu.memory_space<vmem>>)
      tpu.yield
    }) : () -> ()
    %min3A = arith.constant 0 : i32
    %min3A_3 = arith.constant 9936 : i32
    %min3A_4 = arith.minsi %min3A, %min3A_3 : i32
    %dma_start3A = tpu.memref_slice %arg9[%min3A_4] : memref<10000xi32, #tpu.memory_space<vmem>> -> memref<64xi32, #tpu.memory_space<vmem>>
    %dma_start3A_5 = arith.constant 0 : i32
    %dma_start3A_6 = arith.constant 0 : i32
    %dma_start3A_7 = tpu.memref_slice %arg4[%dma_start3A_5, %dma_start3A_6] : memref<10000x128xf32, #tpu.memory_space<hbm>> -> memref<10000x128xf32, #tpu.memory_space<hbm>>
    tpu.enqueue_indirect_dma source(%dma_start3A_7 : memref<10000x128xf32, #tpu.memory_space<hbm>>) target(%arg11 : memref<64x128xf32, #tpu.memory_space<vmem>>) offsets(%dma_start3A : memref<64xi32, #tpu.memory_space<vmem>>) semaphore(%arg21 : memref<!tpu.dma_semaphore, #tpu.memory_space<semaphore_mem>>)
    %dma_start3A_8 = tpu.memref_slice %arg10[%min3A_4] : memref<10000xi32, #tpu.memory_space<vmem>> -> memref<64xi32, #tpu.memory_space<vmem>>
    %dma_start3A_9 = arith.constant 0 : i32
    %dma_start3A_10 = arith.constant 0 : i32
    %dma_start3A_11 = tpu.memref_slice %arg5[%dma_start3A_9, %dma_start3A_10] : memref<10000x128xf32, #tpu.memory_space<hbm>> -> memref<10000x128xf32, #tpu.memory_space<hbm>>
    tpu.enqueue_indirect_dma source(%dma_start3A_11 : memref<10000x128xf32, #tpu.memory_space<hbm>>) target(%arg13 : memref<64x128xf32, #tpu.memory_space<vmem>>) offsets(%dma_start3A_8 : memref<64xi32, #tpu.memory_space<vmem>>) semaphore(%arg23 : memref<!tpu.dma_semaphore, #tpu.memory_space<semaphore_mem>>)
    %dma_start3A_12 = tpu.memref_slice %arg9[%min3A_4] : memref<10000xi32, #tpu.memory_space<vmem>> -> memref<64xi32, #tpu.memory_space<vmem>>
    %dma_start3A_13 = arith.constant 0 : i32
    %dma_start3A_14 = arith.constant 0 : i32
    %dma_start3A_15 = tpu.memref_slice %arg6[%dma_start3A_13, %dma_start3A_14] : memref<10000x128xf32, #tpu.memory_space<hbm>> -> memref<10000x128xf32, #tpu.memory_space<hbm>>
    tpu.enqueue_indirect_dma source(%dma_start3A_15 : memref<10000x128xf32, #tpu.memory_space<hbm>>) target(%arg15 : memref<64x128xf32, #tpu.memory_space<vmem>>) offsets(%dma_start3A_12 : memref<64xi32, #tpu.memory_space<vmem>>) semaphore(%arg25 : memref<!tpu.dma_semaphore, #tpu.memory_space<semaphore_mem>>)
    %dma_start3A_16 = tpu.memref_slice %arg10[%min3A_4] : memref<10000xi32, #tpu.memory_space<vmem>> -> memref<64xi32, #tpu.memory_space<vmem>>
    %dma_start3A_17 = arith.constant 0 : i32
    %dma_start3A_18 = arith.constant 0 : i32
    %dma_start3A_19 = tpu.memref_slice %arg6[%dma_start3A_17, %dma_start3A_18] : memref<10000x128xf32, #tpu.memory_space<hbm>> -> memref<10000x128xf32, #tpu.memory_space<hbm>>
    tpu.enqueue_indirect_dma source(%dma_start3A_19 : memref<10000x128xf32, #tpu.memory_space<hbm>>) target(%arg17 : memref<64x128xf32, #tpu.memory_space<vmem>>) offsets(%dma_start3A_16 : memref<64xi32, #tpu.memory_space<vmem>>) semaphore(%arg27 : memref<!tpu.dma_semaphore, #tpu.memory_space<semaphore_mem>>)
    %scan3A = arith.constant 0 : i32
    %scan3A_20 = arith.constant 0 : i32
    %scan3A_21 = arith.constant 79 : i32
    %scan3A_22 = arith.addi %scan3A_20, %scan3A_21 : i32
    %scan3A_23 = arith.constant 1 : i32
    scf.for %scan3A_25 = %scan3A_20 to %scan3A_22 step %scan3A_23  : i32 {
      %mul3A_26 = arith.constant 2 : i32
      %mul3A_27 = arith.muli %mul3A_26, %scan3A_25 : i32
      %add3A_28 = arith.constant 1 : i32
      %add3A_29 = arith.addi %mul3A_27, %add3A_28 : i32
      %lt3A = arith.constant 157 : i32
      %lt3A_30 = arith.cmpi slt, %add3A_29, %lt3A : i32
      %convert_element_type3A = arith.extui %lt3A_30 : i1 to i32
      %cond3A = arith.constant 0 : i32
      %cond3A_31 = arith.cmpi ne, %convert_element_type3A, %cond3A : i32
      scf.if %cond3A_31 {
        %mul3A_57 = arith.constant 64 : i32
        %mul3A_58 = arith.muli %add3A_29, %mul3A_57 : i32
        %min3A_59 = arith.constant 9936 : i32
        %min3A_60 = arith.minsi %mul3A_58, %min3A_59 : i32
        %dma_start3A_61 = tpu.memref_slice %arg9[%min3A_60] : memref<10000xi32, #tpu.memory_space<vmem>> -> memref<64xi32, #tpu.memory_space<vmem>>
        %dma_start3A_62 = arith.constant 0 : i32
        %dma_start3A_63 = arith.constant 0 : i32
        %dma_start3A_64 = tpu.memref_slice %arg4[%dma_start3A_62, %dma_start3A_63] : memref<10000x128xf32, #tpu.memory_space<hbm>> -> memref<10000x128xf32, #tpu.memory_space<hbm>>
        tpu.enqueue_indirect_dma source(%dma_start3A_64 : memref<10000x128xf32, #tpu.memory_space<hbm>>) target(%arg12 : memref<64x128xf32, #tpu.memory_space<vmem>>) offsets(%dma_start3A_61 : memref<64xi32, #tpu.memory_space<vmem>>) semaphore(%arg22 : memref<!tpu.dma_semaphore, #tpu.memory_space<semaphore_mem>>)
        %dma_start3A_65 = tpu.memref_slice %arg10[%min3A_60] : memref<10000xi32, #tpu.memory_space<vmem>> -> memref<64xi32, #tpu.memory_space<vmem>>
        %dma_start3A_66 = arith.constant 0 : i32
        %dma_start3A_67 = arith.constant 0 : i32
        %dma_start3A_68 = tpu.memref_slice %arg5[%dma_start3A_66, %dma_start3A_67] : memref<10000x128xf32, #tpu.memory_space<hbm>> -> memref<10000x128xf32, #tpu.memory_space<hbm>>
        tpu.enqueue_indirect_dma source(%dma_start3A_68 : memref<10000x128xf32, #tpu.memory_space<hbm>>) target(%arg14 : memref<64x128xf32, #tpu.memory_space<vmem>>) offsets(%dma_start3A_65 : memref<64xi32, #tpu.memory_space<vmem>>) semaphore(%arg24 : memref<!tpu.dma_semaphore, #tpu.memory_space<semaphore_mem>>)
        %dma_start3A_69 = tpu.memref_slice %arg9[%min3A_60] : memref<10000xi32, #tpu.memory_space<vmem>> -> memref<64xi32, #tpu.memory_space<vmem>>
        %dma_start3A_70 = arith.constant 0 : i32
        %dma_start3A_71 = arith.constant 0 : i32
        %dma_start3A_72 = tpu.memref_slice %arg6[%dma_start3A_70, %dma_start3A_71] : memref<10000x128xf32, #tpu.memory_space<hbm>> -> memref<10000x128xf32, #tpu.memory_space<hbm>>
        tpu.enqueue_indirect_dma source(%dma_start3A_72 : memref<10000x128xf32, #tpu.memory_space<hbm>>) target(%arg16 : memref<64x128xf32, #tpu.memory_space<vmem>>) offsets(%dma_start3A_69 : memref<64xi32, #tpu.memory_space<vmem>>) semaphore(%arg26 : memref<!tpu.dma_semaphore, #tpu.memory_space<semaphore_mem>>)
        %dma_start3A_73 = tpu.memref_slice %arg10[%min3A_60] : memref<10000xi32, #tpu.memory_space<vmem>> -> memref<64xi32, #tpu.memory_space<vmem>>
        %dma_start3A_74 = arith.constant 0 : i32
        %dma_start3A_75 = arith.constant 0 : i32
        %dma_start3A_76 = tpu.memref_slice %arg6[%dma_start3A_74, %dma_start3A_75] : memref<10000x128xf32, #tpu.memory_space<hbm>> -> memref<10000x128xf32, #tpu.memory_space<hbm>>
        tpu.enqueue_indirect_dma source(%dma_start3A_76 : memref<10000x128xf32, #tpu.memory_space<hbm>>) target(%arg18 : memref<64x128xf32, #tpu.memory_space<vmem>>) offsets(%dma_start3A_73 : memref<64xi32, #tpu.memory_space<vmem>>) semaphore(%arg28 : memref<!tpu.dma_semaphore, #tpu.memory_space<semaphore_mem>>)
      } else {
      }
      %mul3A_32 = arith.constant 2 : i32
      %mul3A_33 = arith.muli %mul3A_32, %scan3A_25 : i32
      %lt3A_34 = arith.constant 157 : i32
      %lt3A_35 = arith.cmpi slt, %mul3A_33, %lt3A_34 : i32
      %convert_element_type3A_36 = arith.extui %lt3A_35 : i1 to i32
      %cond3A_37 = arith.constant 0 : i32
      %cond3A_38 = arith.cmpi ne, %convert_element_type3A_36, %cond3A_37 : i32
      scf.if %cond3A_38 {
        %mul3A_57 = arith.constant 64 : i32
        %mul3A_58 = arith.muli %mul3A_33, %mul3A_57 : i32
        %min3A_59 = arith.constant 9936 : i32
        %min3A_60 = arith.minsi %mul3A_58, %min3A_59 : i32
        %add3A_61 = arith.addi %mul3A_2, %min3A_60 : i32
        %dma_wait3A = tpu.memref_slice %arg9[%min3A_60] : memref<10000xi32, #tpu.memory_space<vmem>> -> memref<64xi32, #tpu.memory_space<vmem>>
        %dma_wait3A_62 = arith.constant 0 : i32
        %dma_wait3A_63 = arith.constant 0 : i32
        %dma_wait3A_64 = tpu.memref_slice %arg4[%dma_wait3A_62, %dma_wait3A_63] : memref<10000x128xf32, #tpu.memory_space<hbm>> -> memref<10000x128xf32, #tpu.memory_space<hbm>>
        tpu.wait_indirect_dma semaphore(%arg21 : memref<!tpu.dma_semaphore, #tpu.memory_space<semaphore_mem>>) src(%dma_wait3A_64 : memref<10000x128xf32, #tpu.memory_space<hbm>>) dst(%arg11 : memref<64x128xf32, #tpu.memory_space<vmem>>)
        %dma_wait3A_65 = tpu.memref_slice %arg10[%min3A_60] : memref<10000xi32, #tpu.memory_space<vmem>> -> memref<64xi32, #tpu.memory_space<vmem>>
        %dma_wait3A_66 = arith.constant 0 : i32
        %dma_wait3A_67 = arith.constant 0 : i32
        %dma_wait3A_68 = tpu.memref_slice %arg5[%dma_wait3A_66, %dma_wait3A_67] : memref<10000x128xf32, #tpu.memory_space<hbm>> -> memref<10000x128xf32, #tpu.memory_space<hbm>>
        tpu.wait_indirect_dma semaphore(%arg23 : memref<!tpu.dma_semaphore, #tpu.memory_space<semaphore_mem>>) src(%dma_wait3A_68 : memref<10000x128xf32, #tpu.memory_space<hbm>>) dst(%arg13 : memref<64x128xf32, #tpu.memory_space<vmem>>)
        %scan3A_69 = arith.constant 0 : i32
        %scan3A_70 = arith.constant 0 : i32
        %scan3A_71 = arith.constant 64 : i32
        %scan3A_72 = arith.addi %scan3A_70, %scan3A_71 : i32
        %scan3A_73 = arith.constant 1 : i32
        scf.for %scan3A_91 = %scan3A_70 to %scan3A_72 step %scan3A_73  : i32 {
          %get3A = arith.index_cast %scan3A_91 : i32 to index
          %get3A_92 = arith.constant 0 : index
          %get3A_93 = tpu.vector_load %arg11[%get3A, %get3A_92] {strides = array<i32>} : memref<64x128xf32, #tpu.memory_space<vmem>>, vector<1x16xf32>,
          %get3A_94 = vector.shape_cast %get3A_93 : vector<1x16xf32> to vector<16xf32>
          %get3A_95 = arith.index_cast %scan3A_91 : i32 to index
          %get3A_96 = arith.constant 0 : index
          %get3A_97 = tpu.vector_load %arg13[%get3A_95, %get3A_96] {strides = array<i32>} : memref<64x128xf32, #tpu.memory_space<vmem>>, vector<1x16xf32>,
          %get3A_98 = vector.shape_cast %get3A_97 : vector<1x16xf32> to vector<16xf32>
          %add3A_99 = arith.addf %get3A_94, %get3A_98 : vector<16xf32>
          %swap3A = arith.index_cast %scan3A_91 : i32 to index
          %swap3A_100 = arith.constant 0 : index
          %swap3A_101 = tpu.vector_load %arg11[%swap3A, %swap3A_100] {strides = array<i32>} : memref<64x128xf32, #tpu.memory_space<vmem>>, vector<1x16xf32>,
          %swap3A_102 = vector.shape_cast %swap3A_101 : vector<1x16xf32> to vector<16xf32>
          %swap3A_103 = vector.shape_cast %add3A_99 : vector<16xf32> to vector<1x16xf32>
          tpu.vector_store %arg11[%swap3A, %swap3A_100], %swap3A_103 {strides = array<i32>} : memref<64x128xf32, #tpu.memory_space<vmem>>, vector<1x16xf32>,
          %get3A_104 = arith.index_cast %scan3A_91 : i32 to index
          %get3A_105 = arith.constant 16 : index
          %get3A_106 = tpu.vector_load %arg11[%get3A_104, %get3A_105] {strides = array<i32>} : memref<64x128xf32, #tpu.memory_space<vmem>>, vector<1x16xf32>,
          %get3A_107 = vector.shape_cast %get3A_106 : vector<1x16xf32> to vector<16xf32>
          %get3A_108 = arith.index_cast %scan3A_91 : i32 to index
          %get3A_109 = arith.constant 16 : index
          %get3A_110 = tpu.vector_load %arg13[%get3A_108, %get3A_109] {strides = array<i32>} : memref<64x128xf32, #tpu.memory_space<vmem>>, vector<1x16xf32>,
          %get3A_111 = vector.shape_cast %get3A_110 : vector<1x16xf32> to vector<16xf32>
          %add3A_112 = arith.addf %get3A_107, %get3A_111 : vector<16xf32>
          %swap3A_113 = arith.index_cast %scan3A_91 : i32 to index
          %swap3A_114 = arith.constant 16 : index
          %swap3A_115 = tpu.vector_load %arg11[%swap3A_113, %swap3A_114] {strides = array<i32>} : memref<64x128xf32, #tpu.memory_space<vmem>>, vector<1x16xf32>,
          %swap3A_116 = vector.shape_cast %swap3A_115 : vector<1x16xf32> to vector<16xf32>
          %swap3A_117 = vector.shape_cast %add3A_112 : vector<16xf32> to vector<1x16xf32>
          tpu.vector_store %arg11[%swap3A_113, %swap3A_114], %swap3A_117 {strides = array<i32>} : memref<64x128xf32, #tpu.memory_space<vmem>>, vector<1x16xf32>,
          %get3A_118 = arith.index_cast %scan3A_91 : i32 to index
          %get3A_119 = arith.constant 32 : index
          %get3A_120 = tpu.vector_load %arg11[%get3A_118, %get3A_119] {strides = array<i32>} : memref<64x128xf32, #tpu.memory_space<vmem>>, vector<1x16xf32>,
          %get3A_121 = vector.shape_cast %get3A_120 : vector<1x16xf32> to vector<16xf32>
          %get3A_122 = arith.index_cast %scan3A_91 : i32 to index
          %get3A_123 = arith.constant 32 : index
          %get3A_124 = tpu.vector_load %arg13[%get3A_122, %get3A_123] {strides = array<i32>} : memref<64x128xf32, #tpu.memory_space<vmem>>, vector<1x16xf32>,
          %get3A_125 = vector.shape_cast %get3A_124 : vector<1x16xf32> to vector<16xf32>
          %add3A_126 = arith.addf %get3A_121, %get3A_125 : vector<16xf32>
          %swap3A_127 = arith.index_cast %scan3A_91 : i32 to index
          %swap3A_128 = arith.constant 32 : index
          %swap3A_129 = tpu.vector_load %arg11[%swap3A_127, %swap3A_128] {strides = array<i32>} : memref<64x128xf32, #tpu.memory_space<vmem>>, vector<1x16xf32>,
          %swap3A_130 = vector.shape_cast %swap3A_129 : vector<1x16xf32> to vector<16xf32>
          %swap3A_131 = vector.shape_cast %add3A_126 : vector<16xf32> to vector<1x16xf32>
          tpu.vector_store %arg11[%swap3A_127, %swap3A_128], %swap3A_131 {strides = array<i32>} : memref<64x128xf32, #tpu.memory_space<vmem>>, vector<1x16xf32>,
          %get3A_132 = arith.index_cast %scan3A_91 : i32 to index
          %get3A_133 = arith.constant 48 : index
          %get3A_134 = tpu.vector_load %arg11[%get3A_132, %get3A_133] {strides = array<i32>} : memref<64x128xf32, #tpu.memory_space<vmem>>, vector<1x16xf32>,
          %get3A_135 = vector.shape_cast %get3A_134 : vector<1x16xf32> to vector<16xf32>
          %get3A_136 = arith.index_cast %scan3A_91 : i32 to index
          %get3A_137 = arith.constant 48 : index
          %get3A_138 = tpu.vector_load %arg13[%get3A_136, %get3A_137] {strides = array<i32>} : memref<64x128xf32, #tpu.memory_space<vmem>>, vector<1x16xf32>,
          %get3A_139 = vector.shape_cast %get3A_138 : vector<1x16xf32> to vector<16xf32>
          %add3A_140 = arith.addf %get3A_135, %get3A_139 : vector<16xf32>
          %swap3A_141 = arith.index_cast %scan3A_91 : i32 to index
          %swap3A_142 = arith.constant 48 : index
          %swap3A_143 = tpu.vector_load %arg11[%swap3A_141, %swap3A_142] {strides = array<i32>} : memref<64x128xf32, #tpu.memory_space<vmem>>, vector<1x16xf32>,
          %swap3A_144 = vector.shape_cast %swap3A_143 : vector<1x16xf32> to vector<16xf32>
          %swap3A_145 = vector.shape_cast %add3A_140 : vector<16xf32> to vector<1x16xf32>
          tpu.vector_store %arg11[%swap3A_141, %swap3A_142], %swap3A_145 {strides = array<i32>} : memref<64x128xf32, #tpu.memory_space<vmem>>, vector<1x16xf32>,
          %get3A_146 = arith.index_cast %scan3A_91 : i32 to index
          %get3A_147 = arith.constant 64 : index
          %get3A_148 = tpu.vector_load %arg11[%get3A_146, %get3A_147] {strides = array<i32>} : memref<64x128xf32, #tpu.memory_space<vmem>>, vector<1x16xf32>,
          %get3A_149 = vector.shape_cast %get3A_148 : vector<1x16xf32> to vector<16xf32>
          %get3A_150 = arith.index_cast %scan3A_91 : i32 to index
          %get3A_151 = arith.constant 64 : index
          %get3A_152 = tpu.vector_load %arg13[%get3A_150, %get3A_151] {strides = array<i32>} : memref<64x128xf32, #tpu.memory_space<vmem>>, vector<1x16xf32>,
          %get3A_153 = vector.shape_cast %get3A_152 : vector<1x16xf32> to vector<16xf32>
          %add3A_154 = arith.addf %get3A_149, %get3A_153 : vector<16xf32>
          %swap3A_155 = arith.index_cast %scan3A_91 : i32 to index
          %swap3A_156 = arith.constant 64 : index
          %swap3A_157 = tpu.vector_load %arg11[%swap3A_155, %swap3A_156] {strides = array<i32>} : memref<64x128xf32, #tpu.memory_space<vmem>>, vector<1x16xf32>,
          %swap3A_158 = vector.shape_cast %swap3A_157 : vector<1x16xf32> to vector<16xf32>
          %swap3A_159 = vector.shape_cast %add3A_154 : vector<16xf32> to vector<1x16xf32>
          tpu.vector_store %arg11[%swap3A_155, %swap3A_156], %swap3A_159 {strides = array<i32>} : memref<64x128xf32, #tpu.memory_space<vmem>>, vector<1x16xf32>,
          %get3A_160 = arith.index_cast %scan3A_91 : i32 to index
          %get3A_161 = arith.constant 80 : index
          %get3A_162 = tpu.vector_load %arg11[%get3A_160, %get3A_161] {strides = array<i32>} : memref<64x128xf32, #tpu.memory_space<vmem>>, vector<1x16xf32>,
          %get3A_163 = vector.shape_cast %get3A_162 : vector<1x16xf32> to vector<16xf32>
          %get3A_164 = arith.index_cast %scan3A_91 : i32 to index
          %get3A_165 = arith.constant 80 : index
          %get3A_166 = tpu.vector_load %arg13[%get3A_164, %get3A_165] {strides = array<i32>} : memref<64x128xf32, #tpu.memory_space<vmem>>, vector<1x16xf32>,
          %get3A_167 = vector.shape_cast %get3A_166 : vector<1x16xf32> to vector<16xf32>
          %add3A_168 = arith.addf %get3A_163, %get3A_167 : vector<16xf32>
          %swap3A_169 = arith.index_cast %scan3A_91 : i32 to index
          %swap3A_170 = arith.constant 80 : index
          %swap3A_171 = tpu.vector_load %arg11[%swap3A_169, %swap3A_170] {strides = array<i32>} : memref<64x128xf32, #tpu.memory_space<vmem>>, vector<1x16xf32>,
          %swap3A_172 = vector.shape_cast %swap3A_171 : vector<1x16xf32> to vector<16xf32>
          %swap3A_173 = vector.shape_cast %add3A_168 : vector<16xf32> to vector<1x16xf32>
          tpu.vector_store %arg11[%swap3A_169, %swap3A_170], %swap3A_173 {strides = array<i32>} : memref<64x128xf32, #tpu.memory_space<vmem>>, vector<1x16xf32>,
          %get3A_174 = arith.index_cast %scan3A_91 : i32 to index
          %get3A_175 = arith.constant 96 : index
          %get3A_176 = tpu.vector_load %arg11[%get3A_174, %get3A_175] {strides = array<i32>} : memref<64x128xf32, #tpu.memory_space<vmem>>, vector<1x16xf32>,
          %get3A_177 = vector.shape_cast %get3A_176 : vector<1x16xf32> to vector<16xf32>
          %get3A_178 = arith.index_cast %scan3A_91 : i32 to index
          %get3A_179 = arith.constant 96 : index
          %get3A_180 = tpu.vector_load %arg13[%get3A_178, %get3A_179] {strides = array<i32>} : memref<64x128xf32, #tpu.memory_space<vmem>>, vector<1x16xf32>,
          %get3A_181 = vector.shape_cast %get3A_180 : vector<1x16xf32> to vector<16xf32>
          %add3A_182 = arith.addf %get3A_177, %get3A_181 : vector<16xf32>
          %swap3A_183 = arith.index_cast %scan3A_91 : i32 to index
          %swap3A_184 = arith.constant 96 : index
          %swap3A_185 = tpu.vector_load %arg11[%swap3A_183, %swap3A_184] {strides = array<i32>} : memref<64x128xf32, #tpu.memory_space<vmem>>, vector<1x16xf32>,
          %swap3A_186 = vector.shape_cast %swap3A_185 : vector<1x16xf32> to vector<16xf32>
          %swap3A_187 = vector.shape_cast %add3A_182 : vector<16xf32> to vector<1x16xf32>
          tpu.vector_store %arg11[%swap3A_183, %swap3A_184], %swap3A_187 {strides = array<i32>} : memref<64x128xf32, #tpu.memory_space<vmem>>, vector<1x16xf32>,
          %get3A_188 = arith.index_cast %scan3A_91 : i32 to index
          %get3A_189 = arith.constant 112 : index
          %get3A_190 = tpu.vector_load %arg11[%get3A_188, %get3A_189] {strides = array<i32>} : memref<64x128xf32, #tpu.memory_space<vmem>>, vector<1x16xf32>,
          %get3A_191 = vector.shape_cast %get3A_190 : vector<1x16xf32> to vector<16xf32>
          %get3A_192 = arith.index_cast %scan3A_91 : i32 to index
          %get3A_193 = arith.constant 112 : index
          %get3A_194 = tpu.vector_load %arg13[%get3A_192, %get3A_193] {strides = array<i32>} : memref<64x128xf32, #tpu.memory_space<vmem>>, vector<1x16xf32>,
          %get3A_195 = vector.shape_cast %get3A_194 : vector<1x16xf32> to vector<16xf32>
          %add3A_196 = arith.addf %get3A_191, %get3A_195 : vector<16xf32>
          %swap3A_197 = arith.index_cast %scan3A_91 : i32 to index
          %swap3A_198 = arith.constant 112 : index
          %swap3A_199 = tpu.vector_load %arg11[%swap3A_197, %swap3A_198] {strides = array<i32>} : memref<64x128xf32, #tpu.memory_space<vmem>>, vector<1x16xf32>,
          %swap3A_200 = vector.shape_cast %swap3A_199 : vector<1x16xf32> to vector<16xf32>
          %swap3A_201 = vector.shape_cast %add3A_196 : vector<16xf32> to vector<1x16xf32>
          tpu.vector_store %arg11[%swap3A_197, %swap3A_198], %swap3A_201 {strides = array<i32>} : memref<64x128xf32, #tpu.memory_space<vmem>>, vector<1x16xf32>,
        }
        %scan3A_74 = arith.constant 64 : i32
        "tpu.region"() ({
          %run_scoped3A = tpu.sem_alloc : memref<!tpu.dma_semaphore, #tpu.memory_space<semaphore_mem>>
          %dma_start3A_91 = arith.constant 0 : i32
          %dma_start3A_92 = tpu.memref_slice %arg7[%add3A_61, %dma_start3A_91] : memref<320000x128xf32, #tpu.memory_space<hbm>> -> memref<64x128xf32, #tpu.memory_space<hbm>>
          %dma_start3A_93 = arith.constant 0 : i32
          %dma_start3A_94 = tpu.memref_slice %arg7[%add3A_61, %dma_start3A_93] : memref<320000x128xf32, #tpu.memory_space<hbm>> -> memref<64x128xf32, #tpu.memory_space<hbm>>
          tpu.enqueue_dma source(%arg11 : memref<64x128xf32, #tpu.memory_space<vmem>>) target(%dma_start3A_94 : memref<64x128xf32, #tpu.memory_space<hbm>>) target_semaphore(%run_scoped3A : memref<!tpu.dma_semaphore, #tpu.memory_space<semaphore_mem>>)
          %dma_wait3A_95 = arith.constant 0 : i32
          %dma_wait3A_96 = tpu.memref_slice %arg7[%add3A_61, %dma_wait3A_95] : memref<320000x128xf32, #tpu.memory_space<hbm>> -> memref<64x128xf32, #tpu.memory_space<hbm>>
          %dma_wait3A_97 = arith.constant 0 : i32
          %dma_wait3A_98 = tpu.memref_slice %arg7[%add3A_61, %dma_wait3A_97] : memref<320000x128xf32, #tpu.memory_space<hbm>> -> memref<64x128xf32, #tpu.memory_space<hbm>>
          tpu.wait_dma2 semaphore(%run_scoped3A : memref<!tpu.dma_semaphore, #tpu.memory_space<semaphore_mem>>) src(%arg11 : memref<64x128xf32, #tpu.memory_space<vmem>>) dst(%dma_wait3A_98 : memref<64x128xf32, #tpu.memory_space<hbm>>)
          tpu.yield
        }) : () -> ()
        %dma_wait3A_75 = tpu.memref_slice %arg9[%min3A_60] : memref<10000xi32, #tpu.memory_space<vmem>> -> memref<64xi32, #tpu.memory_space<vmem>>
        %dma_wait3A_76 = arith.constant 0 : i32
        %dma_wait3A_77 = arith.constant 0 : i32
        %dma_wait3A_78 = tpu.memref_slice %arg6[%dma_wait3A_76, %dma_wait3A_77] : memref<10000x128xf32, #tpu.memory_space<hbm>> -> memref<10000x128xf32, #tpu.memory_space<hbm>>
        tpu.wait_indirect_dma semaphore(%arg25 : memref<!tpu.dma_semaphore, #tpu.memory_space<semaphore_mem>>) src(%dma_wait3A_78 : memref<10000x128xf32, #tpu.memory_space<hbm>>) dst(%arg15 : memref<64x128xf32, #tpu.memory_space<vmem>>)
        %dma_wait3A_79 = tpu.memref_slice %arg10[%min3A_60] : memref<10000xi32, #tpu.memory_space<vmem>> -> memref<64xi32, #tpu.memory_space<vmem>>
        %dma_wait3A_80 = arith.constant 0 : i32
        %dma_wait3A_81 = arith.constant 0 : i32
        %dma_wait3A_82 = tpu.memref_slice %arg6[%dma_wait3A_80, %dma_wait3A_81] : memref<10000x128xf32, #tpu.memory_space<hbm>> -> memref<10000x128xf32, #tpu.memory_space<hbm>>
        tpu.wait_indirect_dma semaphore(%arg27 : memref<!tpu.dma_semaphore, #tpu.memory_space<semaphore_mem>>) src(%dma_wait3A_82 : memref<10000x128xf32, #tpu.memory_space<hbm>>) dst(%arg17 : memref<64x128xf32, #tpu.memory_space<vmem>>)
        %scan3A_83 = arith.constant 0 : i32
        %scan3A_84 = arith.constant 0 : i32
        %scan3A_85 = arith.constant 64 : i32
        %scan3A_86 = arith.addi %scan3A_84, %scan3A_85 : i32
        %scan3A_87 = arith.constant 1 : i32
        scf.for %scan3A_91 = %scan3A_84 to %scan3A_86 step %scan3A_87  : i32 {
          %get3A = arith.index_cast %scan3A_91 : i32 to index
          %get3A_92 = arith.constant 0 : index
          %get3A_93 = tpu.vector_load %arg15[%get3A, %get3A_92] {strides = array<i32>} : memref<64x128xf32, #tpu.memory_space<vmem>>, vector<1x16xf32>,
          %get3A_94 = vector.shape_cast %get3A_93 : vector<1x16xf32> to vector<16xf32>
          %get3A_95 = arith.index_cast %scan3A_91 : i32 to index
          %get3A_96 = arith.constant 0 : index
          %get3A_97 = tpu.vector_load %arg17[%get3A_95, %get3A_96] {strides = array<i32>} : memref<64x128xf32, #tpu.memory_space<vmem>>, vector<1x16xf32>,
          %get3A_98 = vector.shape_cast %get3A_97 : vector<1x16xf32> to vector<16xf32>
          %sub3A = arith.subf %get3A_94, %get3A_98 : vector<16xf32>
          %mul3A_99 = arith.constant 16 : i32
          %mul3A_100 = arith.muli %scan3A_91, %mul3A_99 : i32
          %swap3A = arith.index_cast %mul3A_100 : i32 to index
          %swap3A_101 = tpu.vector_load %arg19[%swap3A] {strides = array<i32>} : memref<1024xf32, #tpu.memory_space<vmem>>, vector<16xf32>,
          %swap3A_102 = vector.shape_cast %swap3A_101 : vector<16xf32> to vector<16xf32>
          %swap3A_103 = vector.shape_cast %sub3A : vector<16xf32> to vector<16xf32>
          tpu.vector_store %arg19[%swap3A], %swap3A_103 {strides = array<i32>} : memref<1024xf32, #tpu.memory_space<vmem>>, vector<16xf32>,
        }
        %scan3A_88 = arith.constant 64 : i32
        %mul3A_89 = arith.constant 16 : i32
        %mul3A_90 = arith.muli %add3A_61, %mul3A_89 : i32
        "tpu.region"() ({
          %run_scoped3A = tpu.sem_alloc : memref<!tpu.dma_semaphore, #tpu.memory_space<semaphore_mem>>
          %dma_start3A_91 = tpu.memref_slice %arg8[%mul3A_90] : memref<5120000xf32, #tpu.memory_space<hbm>> -> memref<1024xf32, #tpu.memory_space<hbm>>
          %dma_start3A_92 = tpu.memref_slice %arg8[%mul3A_90] : memref<5120000xf32, #tpu.memory_space<hbm>> -> memref<1024xf32, #tpu.memory_space<hbm>>
          tpu.enqueue_dma source(%arg19 : memref<1024xf32, #tpu.memory_space<vmem>>) target(%dma_start3A_92 : memref<1024xf32, #tpu.memory_space<hbm>>) target_semaphore(%run_scoped3A : memref<!tpu.dma_semaphore, #tpu.memory_space<semaphore_mem>>)
          %dma_wait3A_93 = tpu.memref_slice %arg8[%mul3A_90] : memref<5120000xf32, #tpu.memory_space<hbm>> -> memref<1024xf32, #tpu.memory_space<hbm>>
          %dma_wait3A_94 = tpu.memref_slice %arg8[%mul3A_90] : memref<5120000xf32, #tpu.memory_space<hbm>> -> memref<1024xf32, #tpu.memory_space<hbm>>
          tpu.wait_dma2 semaphore(%run_scoped3A : memref<!tpu.dma_semaphore, #tpu.memory_space<semaphore_mem>>) src(%arg19 : memref<1024xf32, #tpu.memory_space<vmem>>) dst(%dma_wait3A_94 : memref<1024xf32, #tpu.memory_space<hbm>>)
          tpu.yield
        }) : () -> ()
      } else {
      }
      %mul3A_39 = arith.constant 2 : i32
      %mul3A_40 = arith.muli %mul3A_39, %scan3A_25 : i32
      %add3A_41 = arith.constant 2 : i32
      %add3A_42 = arith.addi %mul3A_40, %add3A_41 : i32
      %lt3A_43 = arith.constant 157 : i32
      %lt3A_44 = arith.cmpi slt, %add3A_42, %lt3A_43 : i32
      %convert_element_type3A_45 = arith.extui %lt3A_44 : i1 to i32
      %cond3A_46 = arith.constant 0 : i32
      %cond3A_47 = arith.cmpi ne, %convert_element_type3A_45, %cond3A_46 : i32
      scf.if %cond3A_47 {
        %mul3A_57 = arith.constant 64 : i32
        %mul3A_58 = arith.muli %add3A_42, %mul3A_57 : i32
        %min3A_59 = arith.constant 9936 : i32
        %min3A_60 = arith.minsi %mul3A_58, %min3A_59 : i32
        %dma_start3A_61 = tpu.memref_slice %arg9[%min3A_60] : memref<10000xi32, #tpu.memory_space<vmem>> -> memref<64xi32, #tpu.memory_space<vmem>>
        %dma_start3A_62 = arith.constant 0 : i32
        %dma_start3A_63 = arith.constant 0 : i32
        %dma_start3A_64 = tpu.memref_slice %arg4[%dma_start3A_62, %dma_start3A_63] : memref<10000x128xf32, #tpu.memory_space<hbm>> -> memref<10000x128xf32, #tpu.memory_space<hbm>>
        tpu.enqueue_indirect_dma source(%dma_start3A_64 : memref<10000x128xf32, #tpu.memory_space<hbm>>) target(%arg11 : memref<64x128xf32, #tpu.memory_space<vmem>>) offsets(%dma_start3A_61 : memref<64xi32, #tpu.memory_space<vmem>>) semaphore(%arg21 : memref<!tpu.dma_semaphore, #tpu.memory_space<semaphore_mem>>)
        %dma_start3A_65 = tpu.memref_slice %arg10[%min3A_60] : memref<10000xi32, #tpu.memory_space<vmem>> -> memref<64xi32, #tpu.memory_space<vmem>>
        %dma_start3A_66 = arith.constant 0 : i32
        %dma_start3A_67 = arith.constant 0 : i32
        %dma_start3A_68 = tpu.memref_slice %arg5[%dma_start3A_66, %dma_start3A_67] : memref<10000x128xf32, #tpu.memory_space<hbm>> -> memref<10000x128xf32, #tpu.memory_space<hbm>>
        tpu.enqueue_indirect_dma source(%dma_start3A_68 : memref<10000x128xf32, #tpu.memory_space<hbm>>) target(%arg13 : memref<64x128xf32, #tpu.memory_space<vmem>>) offsets(%dma_start3A_65 : memref<64xi32, #tpu.memory_space<vmem>>) semaphore(%arg23 : memref<!tpu.dma_semaphore, #tpu.memory_space<semaphore_mem>>)
        %dma_start3A_69 = tpu.memref_slice %arg9[%min3A_60] : memref<10000xi32, #tpu.memory_space<vmem>> -> memref<64xi32, #tpu.memory_space<vmem>>
        %dma_start3A_70 = arith.constant 0 : i32
        %dma_start3A_71 = arith.constant 0 : i32
        %dma_start3A_72 = tpu.memref_slice %arg6[%dma_start3A_70, %dma_start3A_71] : memref<10000x128xf32, #tpu.memory_space<hbm>> -> memref<10000x128xf32, #tpu.memory_space<hbm>>
        tpu.enqueue_indirect_dma source(%dma_start3A_72 : memref<10000x128xf32, #tpu.memory_space<hbm>>) target(%arg15 : memref<64x128xf32, #tpu.memory_space<vmem>>) offsets(%dma_start3A_69 : memref<64xi32, #tpu.memory_space<vmem>>) semaphore(%arg25 : memref<!tpu.dma_semaphore, #tpu.memory_space<semaphore_mem>>)
        %dma_start3A_73 = tpu.memref_slice %arg10[%min3A_60] : memref<10000xi32, #tpu.memory_space<vmem>> -> memref<64xi32, #tpu.memory_space<vmem>>
        %dma_start3A_74 = arith.constant 0 : i32
        %dma_start3A_75 = arith.constant 0 : i32
        %dma_start3A_76 = tpu.memref_slice %arg6[%dma_start3A_74, %dma_start3A_75] : memref<10000x128xf32, #tpu.memory_space<hbm>> -> memref<10000x128xf32, #tpu.memory_space<hbm>>
        tpu.enqueue_indirect_dma source(%dma_start3A_76 : memref<10000x128xf32, #tpu.memory_space<hbm>>) target(%arg17 : memref<64x128xf32, #tpu.memory_space<vmem>>) offsets(%dma_start3A_73 : memref<64xi32, #tpu.memory_space<vmem>>) semaphore(%arg27 : memref<!tpu.dma_semaphore, #tpu.memory_space<semaphore_mem>>)
      } else {
      }
      %mul3A_48 = arith.constant 2 : i32
      %mul3A_49 = arith.muli %mul3A_48, %scan3A_25 : i32
      %add3A_50 = arith.constant 1 : i32
      %add3A_51 = arith.addi %mul3A_49, %add3A_50 : i32
      %lt3A_52 = arith.constant 157 : i32
      %lt3A_53 = arith.cmpi slt, %add3A_51, %lt3A_52 : i32
      %convert_element_type3A_54 = arith.extui %lt3A_53 : i1 to i32
      %cond3A_55 = arith.constant 0 : i32
      %cond3A_56 = arith.cmpi ne, %convert_element_type3A_54, %cond3A_55 : i32
      scf.if %cond3A_56 {
        %mul3A_57 = arith.constant 64 : i32
        %mul3A_58 = arith.muli %add3A_51, %mul3A_57 : i32
        %min3A_59 = arith.constant 9936 : i32
        %min3A_60 = arith.minsi %mul3A_58, %min3A_59 : i32
        %add3A_61 = arith.addi %mul3A_2, %min3A_60 : i32
        %dma_wait3A = tpu.memref_slice %arg9[%min3A_60] : memref<10000xi32, #tpu.memory_space<vmem>> -> memref<64xi32, #tpu.memory_space<vmem>>
        %dma_wait3A_62 = arith.constant 0 : i32
        %dma_wait3A_63 = arith.constant 0 : i32
        %dma_wait3A_64 = tpu.memref_slice %arg4[%dma_wait3A_62, %dma_wait3A_63] : memref<10000x128xf32, #tpu.memory_space<hbm>> -> memref<10000x128xf32, #tpu.memory_space<hbm>>
        tpu.wait_indirect_dma semaphore(%arg22 : memref<!tpu.dma_semaphore, #tpu.memory_space<semaphore_mem>>) src(%dma_wait3A_64 : memref<10000x128xf32, #tpu.memory_space<hbm>>) dst(%arg12 : memref<64x128xf32, #tpu.memory_space<vmem>>)
        %dma_wait3A_65 = tpu.memref_slice %arg10[%min3A_60] : memref<10000xi32, #tpu.memory_space<vmem>> -> memref<64xi32, #tpu.memory_space<vmem>>
        %dma_wait3A_66 = arith.constant 0 : i32
        %dma_wait3A_67 = arith.constant 0 : i32
        %dma_wait3A_68 = tpu.memref_slice %arg5[%dma_wait3A_66, %dma_wait3A_67] : memref<10000x128xf32, #tpu.memory_space<hbm>> -> memref<10000x128xf32, #tpu.memory_space<hbm>>
        tpu.wait_indirect_dma semaphore(%arg24 : memref<!tpu.dma_semaphore, #tpu.memory_space<semaphore_mem>>) src(%dma_wait3A_68 : memref<10000x128xf32, #tpu.memory_space<hbm>>) dst(%arg14 : memref<64x128xf32, #tpu.memory_space<vmem>>)
        %scan3A_69 = arith.constant 0 : i32
        %scan3A_70 = arith.constant 0 : i32
        %scan3A_71 = arith.constant 64 : i32
        %scan3A_72 = arith.addi %scan3A_70, %scan3A_71 : i32
        %scan3A_73 = arith.constant 1 : i32
        scf.for %scan3A_91 = %scan3A_70 to %scan3A_72 step %scan3A_73  : i32 {
          %get3A = arith.index_cast %scan3A_91 : i32 to index
          %get3A_92 = arith.constant 0 : index
          %get3A_93 = tpu.vector_load %arg12[%get3A, %get3A_92] {strides = array<i32>} : memref<64x128xf32, #tpu.memory_space<vmem>>, vector<1x16xf32>,
          %get3A_94 = vector.shape_cast %get3A_93 : vector<1x16xf32> to vector<16xf32>
          %get3A_95 = arith.index_cast %scan3A_91 : i32 to index
          %get3A_96 = arith.constant 0 : index
          %get3A_97 = tpu.vector_load %arg14[%get3A_95, %get3A_96] {strides = array<i32>} : memref<64x128xf32, #tpu.memory_space<vmem>>, vector<1x16xf32>,
          %get3A_98 = vector.shape_cast %get3A_97 : vector<1x16xf32> to vector<16xf32>
          %add3A_99 = arith.addf %get3A_94, %get3A_98 : vector<16xf32>
          %swap3A = arith.index_cast %scan3A_91 : i32 to index
          %swap3A_100 = arith.constant 0 : index
          %swap3A_101 = tpu.vector_load %arg12[%swap3A, %swap3A_100] {strides = array<i32>} : memref<64x128xf32, #tpu.memory_space<vmem>>, vector<1x16xf32>,
          %swap3A_102 = vector.shape_cast %swap3A_101 : vector<1x16xf32> to vector<16xf32>
          %swap3A_103 = vector.shape_cast %add3A_99 : vector<16xf32> to vector<1x16xf32>
          tpu.vector_store %arg12[%swap3A, %swap3A_100], %swap3A_103 {strides = array<i32>} : memref<64x128xf32, #tpu.memory_space<vmem>>, vector<1x16xf32>,
          %get3A_104 = arith.index_cast %scan3A_91 : i32 to index
          %get3A_105 = arith.constant 16 : index
          %get3A_106 = tpu.vector_load %arg12[%get3A_104, %get3A_105] {strides = array<i32>} : memref<64x128xf32, #tpu.memory_space<vmem>>, vector<1x16xf32>,
          %get3A_107 = vector.shape_cast %get3A_106 : vector<1x16xf32> to vector<16xf32>
          %get3A_108 = arith.index_cast %scan3A_91 : i32 to index
          %get3A_109 = arith.constant 16 : index
          %get3A_110 = tpu.vector_load %arg14[%get3A_108, %get3A_109] {strides = array<i32>} : memref<64x128xf32, #tpu.memory_space<vmem>>, vector<1x16xf32>,
          %get3A_111 = vector.shape_cast %get3A_110 : vector<1x16xf32> to vector<16xf32>
          %add3A_112 = arith.addf %get3A_107, %get3A_111 : vector<16xf32>
          %swap3A_113 = arith.index_cast %scan3A_91 : i32 to index
          %swap3A_114 = arith.constant 16 : index
          %swap3A_115 = tpu.vector_load %arg12[%swap3A_113, %swap3A_114] {strides = array<i32>} : memref<64x128xf32, #tpu.memory_space<vmem>>, vector<1x16xf32>,
          %swap3A_116 = vector.shape_cast %swap3A_115 : vector<1x16xf32> to vector<16xf32>
          %swap3A_117 = vector.shape_cast %add3A_112 : vector<16xf32> to vector<1x16xf32>
          tpu.vector_store %arg12[%swap3A_113, %swap3A_114], %swap3A_117 {strides = array<i32>} : memref<64x128xf32, #tpu.memory_space<vmem>>, vector<1x16xf32>,
          %get3A_118 = arith.index_cast %scan3A_91 : i32 to index
          %get3A_119 = arith.constant 32 : index
          %get3A_120 = tpu.vector_load %arg12[%get3A_118, %get3A_119] {strides = array<i32>} : memref<64x128xf32, #tpu.memory_space<vmem>>, vector<1x16xf32>,
          %get3A_121 = vector.shape_cast %get3A_120 : vector<1x16xf32> to vector<16xf32>
          %get3A_122 = arith.index_cast %scan3A_91 : i32 to index
          %get3A_123 = arith.constant 32 : index
          %get3A_124 = tpu.vector_load %arg14[%get3A_122, %get3A_123] {strides = array<i32>} : memref<64x128xf32, #tpu.memory_space<vmem>>, vector<1x16xf32>,
          %get3A_125 = vector.shape_cast %get3A_124 : vector<1x16xf32> to vector<16xf32>
          %add3A_126 = arith.addf %get3A_121, %get3A_125 : vector<16xf32>
          %swap3A_127 = arith.index_cast %scan3A_91 : i32 to index
          %swap3A_128 = arith.constant 32 : index
          %swap3A_129 = tpu.vector_load %arg12[%swap3A_127, %swap3A_128] {strides = array<i32>} : memref<64x128xf32, #tpu.memory_space<vmem>>, vector<1x16xf32>,
          %swap3A_130 = vector.shape_cast %swap3A_129 : vector<1x16xf32> to vector<16xf32>
          %swap3A_131 = vector.shape_cast %add3A_126 : vector<16xf32> to vector<1x16xf32>
          tpu.vector_store %arg12[%swap3A_127, %swap3A_128], %swap3A_131 {strides = array<i32>} : memref<64x128xf32, #tpu.memory_space<vmem>>, vector<1x16xf32>,
          %get3A_132 = arith.index_cast %scan3A_91 : i32 to index
          %get3A_133 = arith.constant 48 : index
          %get3A_134 = tpu.vector_load %arg12[%get3A_132, %get3A_133] {strides = array<i32>} : memref<64x128xf32, #tpu.memory_space<vmem>>, vector<1x16xf32>,
          %get3A_135 = vector.shape_cast %get3A_134 : vector<1x16xf32> to vector<16xf32>
          %get3A_136 = arith.index_cast %scan3A_91 : i32 to index
          %get3A_137 = arith.constant 48 : index
          %get3A_138 = tpu.vector_load %arg14[%get3A_136, %get3A_137] {strides = array<i32>} : memref<64x128xf32, #tpu.memory_space<vmem>>, vector<1x16xf32>,
          %get3A_139 = vector.shape_cast %get3A_138 : vector<1x16xf32> to vector<16xf32>
          %add3A_140 = arith.addf %get3A_135, %get3A_139 : vector<16xf32>
          %swap3A_141 = arith.index_cast %scan3A_91 : i32 to index
          %swap3A_142 = arith.constant 48 : index
          %swap3A_143 = tpu.vector_load %arg12[%swap3A_141, %swap3A_142] {strides = array<i32>} : memref<64x128xf32, #tpu.memory_space<vmem>>, vector<1x16xf32>,
          %swap3A_144 = vector.shape_cast %swap3A_143 : vector<1x16xf32> to vector<16xf32>
          %swap3A_145 = vector.shape_cast %add3A_140 : vector<16xf32> to vector<1x16xf32>
          tpu.vector_store %arg12[%swap3A_141, %swap3A_142], %swap3A_145 {strides = array<i32>} : memref<64x128xf32, #tpu.memory_space<vmem>>, vector<1x16xf32>,
          %get3A_146 = arith.index_cast %scan3A_91 : i32 to index
          %get3A_147 = arith.constant 64 : index
          %get3A_148 = tpu.vector_load %arg12[%get3A_146, %get3A_147] {strides = array<i32>} : memref<64x128xf32, #tpu.memory_space<vmem>>, vector<1x16xf32>,
          %get3A_149 = vector.shape_cast %get3A_148 : vector<1x16xf32> to vector<16xf32>
          %get3A_150 = arith.index_cast %scan3A_91 : i32 to index
          %get3A_151 = arith.constant 64 : index
          %get3A_152 = tpu.vector_load %arg14[%get3A_150, %get3A_151] {strides = array<i32>} : memref<64x128xf32, #tpu.memory_space<vmem>>, vector<1x16xf32>,
          %get3A_153 = vector.shape_cast %get3A_152 : vector<1x16xf32> to vector<16xf32>
          %add3A_154 = arith.addf %get3A_149, %get3A_153 : vector<16xf32>
          %swap3A_155 = arith.index_cast %scan3A_91 : i32 to index
          %swap3A_156 = arith.constant 64 : index
          %swap3A_157 = tpu.vector_load %arg12[%swap3A_155, %swap3A_156] {strides = array<i32>} : memref<64x128xf32, #tpu.memory_space<vmem>>, vector<1x16xf32>,
          %swap3A_158 = vector.shape_cast %swap3A_157 : vector<1x16xf32> to vector<16xf32>
          %swap3A_159 = vector.shape_cast %add3A_154 : vector<16xf32> to vector<1x16xf32>
          tpu.vector_store %arg12[%swap3A_155, %swap3A_156], %swap3A_159 {strides = array<i32>} : memref<64x128xf32, #tpu.memory_space<vmem>>, vector<1x16xf32>,
          %get3A_160 = arith.index_cast %scan3A_91 : i32 to index
          %get3A_161 = arith.constant 80 : index
          %get3A_162 = tpu.vector_load %arg12[%get3A_160, %get3A_161] {strides = array<i32>} : memref<64x128xf32, #tpu.memory_space<vmem>>, vector<1x16xf32>,
          %get3A_163 = vector.shape_cast %get3A_162 : vector<1x16xf32> to vector<16xf32>
          %get3A_164 = arith.index_cast %scan3A_91 : i32 to index
          %get3A_165 = arith.constant 80 : index
          %get3A_166 = tpu.vector_load %arg14[%get3A_164, %get3A_165] {strides = array<i32>} : memref<64x128xf32, #tpu.memory_space<vmem>>, vector<1x16xf32>,
          %get3A_167 = vector.shape_cast %get3A_166 : vector<1x16xf32> to vector<16xf32>
          %add3A_168 = arith.addf %get3A_163, %get3A_167 : vector<16xf32>
          %swap3A_169 = arith.index_cast %scan3A_91 : i32 to index
          %swap3A_170 = arith.constant 80 : index
          %swap3A_171 = tpu.vector_load %arg12[%swap3A_169, %swap3A_170] {strides = array<i32>} : memref<64x128xf32, #tpu.memory_space<vmem>>, vector<1x16xf32>,
          %swap3A_172 = vector.shape_cast %swap3A_171 : vector<1x16xf32> to vector<16xf32>
          %swap3A_173 = vector.shape_cast %add3A_168 : vector<16xf32> to vector<1x16xf32>
          tpu.vector_store %arg12[%swap3A_169, %swap3A_170], %swap3A_173 {strides = array<i32>} : memref<64x128xf32, #tpu.memory_space<vmem>>, vector<1x16xf32>,
          %get3A_174 = arith.index_cast %scan3A_91 : i32 to index
          %get3A_175 = arith.constant 96 : index
          %get3A_176 = tpu.vector_load %arg12[%get3A_174, %get3A_175] {strides = array<i32>} : memref<64x128xf32, #tpu.memory_space<vmem>>, vector<1x16xf32>,
          %get3A_177 = vector.shape_cast %get3A_176 : vector<1x16xf32> to vector<16xf32>
          %get3A_178 = arith.index_cast %scan3A_91 : i32 to index
          %get3A_179 = arith.constant 96 : index
          %get3A_180 = tpu.vector_load %arg14[%get3A_178, %get3A_179] {strides = array<i32>} : memref<64x128xf32, #tpu.memory_space<vmem>>, vector<1x16xf32>,
          %get3A_181 = vector.shape_cast %get3A_180 : vector<1x16xf32> to vector<16xf32>
          %add3A_182 = arith.addf %get3A_177, %get3A_181 : vector<16xf32>
          %swap3A_183 = arith.index_cast %scan3A_91 : i32 to index
          %swap3A_184 = arith.constant 96 : index
          %swap3A_185 = tpu.vector_load %arg12[%swap3A_183, %swap3A_184] {strides = array<i32>} : memref<64x128xf32, #tpu.memory_space<vmem>>, vector<1x16xf32>,
          %swap3A_186 = vector.shape_cast %swap3A_185 : vector<1x16xf32> to vector<16xf32>
          %swap3A_187 = vector.shape_cast %add3A_182 : vector<16xf32> to vector<1x16xf32>
          tpu.vector_store %arg12[%swap3A_183, %swap3A_184], %swap3A_187 {strides = array<i32>} : memref<64x128xf32, #tpu.memory_space<vmem>>, vector<1x16xf32>,
          %get3A_188 = arith.index_cast %scan3A_91 : i32 to index
          %get3A_189 = arith.constant 112 : index
          %get3A_190 = tpu.vector_load %arg12[%get3A_188, %get3A_189] {strides = array<i32>} : memref<64x128xf32, #tpu.memory_space<vmem>>, vector<1x16xf32>,
          %get3A_191 = vector.shape_cast %get3A_190 : vector<1x16xf32> to vector<16xf32>
          %get3A_192 = arith.index_cast %scan3A_91 : i32 to index
          %get3A_193 = arith.constant 112 : index
          %get3A_194 = tpu.vector_load %arg14[%get3A_192, %get3A_193] {strides = array<i32>} : memref<64x128xf32, #tpu.memory_space<vmem>>, vector<1x16xf32>,
          %get3A_195 = vector.shape_cast %get3A_194 : vector<1x16xf32> to vector<16xf32>
          %add3A_196 = arith.addf %get3A_191, %get3A_195 : vector<16xf32>
          %swap3A_197 = arith.index_cast %scan3A_91 : i32 to index
          %swap3A_198 = arith.constant 112 : index
          %swap3A_199 = tpu.vector_load %arg12[%swap3A_197, %swap3A_198] {strides = array<i32>} : memref<64x128xf32, #tpu.memory_space<vmem>>, vector<1x16xf32>,
          %swap3A_200 = vector.shape_cast %swap3A_199 : vector<1x16xf32> to vector<16xf32>
          %swap3A_201 = vector.shape_cast %add3A_196 : vector<16xf32> to vector<1x16xf32>
          tpu.vector_store %arg12[%swap3A_197, %swap3A_198], %swap3A_201 {strides = array<i32>} : memref<64x128xf32, #tpu.memory_space<vmem>>, vector<1x16xf32>,
        }
        %scan3A_74 = arith.constant 64 : i32
        "tpu.region"() ({
          %run_scoped3A = tpu.sem_alloc : memref<!tpu.dma_semaphore, #tpu.memory_space<semaphore_mem>>
          %dma_start3A_91 = arith.constant 0 : i32
          %dma_start3A_92 = tpu.memref_slice %arg7[%add3A_61, %dma_start3A_91] : memref<320000x128xf32, #tpu.memory_space<hbm>> -> memref<64x128xf32, #tpu.memory_space<hbm>>
          %dma_start3A_93 = arith.constant 0 : i32
          %dma_start3A_94 = tpu.memref_slice %arg7[%add3A_61, %dma_start3A_93] : memref<320000x128xf32, #tpu.memory_space<hbm>> -> memref<64x128xf32, #tpu.memory_space<hbm>>
          tpu.enqueue_dma source(%arg12 : memref<64x128xf32, #tpu.memory_space<vmem>>) target(%dma_start3A_94 : memref<64x128xf32, #tpu.memory_space<hbm>>) target_semaphore(%run_scoped3A : memref<!tpu.dma_semaphore, #tpu.memory_space<semaphore_mem>>)
          %dma_wait3A_95 = arith.constant 0 : i32
          %dma_wait3A_96 = tpu.memref_slice %arg7[%add3A_61, %dma_wait3A_95] : memref<320000x128xf32, #tpu.memory_space<hbm>> -> memref<64x128xf32, #tpu.memory_space<hbm>>
          %dma_wait3A_97 = arith.constant 0 : i32
          %dma_wait3A_98 = tpu.memref_slice %arg7[%add3A_61, %dma_wait3A_97] : memref<320000x128xf32, #tpu.memory_space<hbm>> -> memref<64x128xf32, #tpu.memory_space<hbm>>
          tpu.wait_dma2 semaphore(%run_scoped3A : memref<!tpu.dma_semaphore, #tpu.memory_space<semaphore_mem>>) src(%arg12 : memref<64x128xf32, #tpu.memory_space<vmem>>) dst(%dma_wait3A_98 : memref<64x128xf32, #tpu.memory_space<hbm>>)
          tpu.yield
        }) : () -> ()
        %dma_wait3A_75 = tpu.memref_slice %arg9[%min3A_60] : memref<10000xi32, #tpu.memory_space<vmem>> -> memref<64xi32, #tpu.memory_space<vmem>>
        %dma_wait3A_76 = arith.constant 0 : i32
        %dma_wait3A_77 = arith.constant 0 : i32
        %dma_wait3A_78 = tpu.memref_slice %arg6[%dma_wait3A_76, %dma_wait3A_77] : memref<10000x128xf32, #tpu.memory_space<hbm>> -> memref<10000x128xf32, #tpu.memory_space<hbm>>
        tpu.wait_indirect_dma semaphore(%arg26 : memref<!tpu.dma_semaphore, #tpu.memory_space<semaphore_mem>>) src(%dma_wait3A_78 : memref<10000x128xf32, #tpu.memory_space<hbm>>) dst(%arg16 : memref<64x128xf32, #tpu.memory_space<vmem>>)
        %dma_wait3A_79 = tpu.memref_slice %arg10[%min3A_60] : memref<10000xi32, #tpu.memory_space<vmem>> -> memref<64xi32, #tpu.memory_space<vmem>>
        %dma_wait3A_80 = arith.constant 0 : i32
        %dma_wait3A_81 = arith.constant 0 : i32
        %dma_wait3A_82 = tpu.memref_slice %arg6[%dma_wait3A_80, %dma_wait3A_81] : memref<10000x128xf32, #tpu.memory_space<hbm>> -> memref<10000x128xf32, #tpu.memory_space<hbm>>
        tpu.wait_indirect_dma semaphore(%arg28 : memref<!tpu.dma_semaphore, #tpu.memory_space<semaphore_mem>>) src(%dma_wait3A_82 : memref<10000x128xf32, #tpu.memory_space<hbm>>) dst(%arg18 : memref<64x128xf32, #tpu.memory_space<vmem>>)
        %scan3A_83 = arith.constant 0 : i32
        %scan3A_84 = arith.constant 0 : i32
        %scan3A_85 = arith.constant 64 : i32
        %scan3A_86 = arith.addi %scan3A_84, %scan3A_85 : i32
        %scan3A_87 = arith.constant 1 : i32
        scf.for %scan3A_91 = %scan3A_84 to %scan3A_86 step %scan3A_87  : i32 {
          %get3A = arith.index_cast %scan3A_91 : i32 to index
          %get3A_92 = arith.constant 0 : index
          %get3A_93 = tpu.vector_load %arg16[%get3A, %get3A_92] {strides = array<i32>} : memref<64x128xf32, #tpu.memory_space<vmem>>, vector<1x16xf32>,
          %get3A_94 = vector.shape_cast %get3A_93 : vector<1x16xf32> to vector<16xf32>
          %get3A_95 = arith.index_cast %scan3A_91 : i32 to index
          %get3A_96 = arith.constant 0 : index
          %get3A_97 = tpu.vector_load %arg18[%get3A_95, %get3A_96] {strides = array<i32>} : memref<64x128xf32, #tpu.memory_space<vmem>>, vector<1x16xf32>,
          %get3A_98 = vector.shape_cast %get3A_97 : vector<1x16xf32> to vector<16xf32>
          %sub3A = arith.subf %get3A_94, %get3A_98 : vector<16xf32>
          %mul3A_99 = arith.constant 16 : i32
          %mul3A_100 = arith.muli %scan3A_91, %mul3A_99 : i32
          %swap3A = arith.index_cast %mul3A_100 : i32 to index
          %swap3A_101 = tpu.vector_load %arg20[%swap3A] {strides = array<i32>} : memref<1024xf32, #tpu.memory_space<vmem>>, vector<16xf32>,
          %swap3A_102 = vector.shape_cast %swap3A_101 : vector<16xf32> to vector<16xf32>
          %swap3A_103 = vector.shape_cast %sub3A : vector<16xf32> to vector<16xf32>
          tpu.vector_store %arg20[%swap3A], %swap3A_103 {strides = array<i32>} : memref<1024xf32, #tpu.memory_space<vmem>>, vector<16xf32>,
        }
        %scan3A_88 = arith.constant 64 : i32
        %mul3A_89 = arith.constant 16 : i32
        %mul3A_90 = arith.muli %add3A_61, %mul3A_89 : i32
        "tpu.region"() ({
          %run_scoped3A = tpu.sem_alloc : memref<!tpu.dma_semaphore, #tpu.memory_space<semaphore_mem>>
          %dma_start3A_91 = tpu.memref_slice %arg8[%mul3A_90] : memref<5120000xf32, #tpu.memory_space<hbm>> -> memref<1024xf32, #tpu.memory_space<hbm>>
          %dma_start3A_92 = tpu.memref_slice %arg8[%mul3A_90] : memref<5120000xf32, #tpu.memory_space<hbm>> -> memref<1024xf32, #tpu.memory_space<hbm>>
          tpu.enqueue_dma source(%arg20 : memref<1024xf32, #tpu.memory_space<vmem>>) target(%dma_start3A_92 : memref<1024xf32, #tpu.memory_space<hbm>>) target_semaphore(%run_scoped3A : memref<!tpu.dma_semaphore, #tpu.memory_space<semaphore_mem>>)
          %dma_wait3A_93 = tpu.memref_slice %arg8[%mul3A_90] : memref<5120000xf32, #tpu.memory_space<hbm>> -> memref<1024xf32, #tpu.memory_space<hbm>>
          %dma_wait3A_94 = tpu.memref_slice %arg8[%mul3A_90] : memref<5120000xf32, #tpu.memory_space<hbm>> -> memref<1024xf32, #tpu.memory_space<hbm>>
          tpu.wait_dma2 semaphore(%run_scoped3A : memref<!tpu.dma_semaphore, #tpu.memory_space<semaphore_mem>>) src(%arg20 : memref<1024xf32, #tpu.memory_space<vmem>>) dst(%dma_wait3A_94 : memref<1024xf32, #tpu.memory_space<hbm>>)
          tpu.yield
        }) : () -> ()
      } else {
      }
    }
    %scan3A_24 = arith.constant 79 : i32
    return
  }
}

#map = affine_map<(d0, d1) -> (0)>
#map1 = affine_map<(d0, d1) -> (0, 0)>
module attributes {stable_mosaic.version = 14 : i64} {
  func.func @_scatter_body(%arg0: i32, %arg1: i32, %arg2: memref<320000xi32, #tpu.memory_space<hbm>>, %arg3: memref<320000x128xf32, #tpu.memory_space<hbm>>, %arg4: memref<5120000xf32, #tpu.memory_space<hbm>>, %arg5: memref<128x128xf32, #tpu.memory_space<hbm>>, %arg6: memref<20000x128xf32, #tpu.memory_space<hbm>>, %arg7: memref<20000x128xf32, #tpu.memory_space<hbm>>, %arg8: memref<80xi32, #tpu.memory_space<vmem>>, %arg9: memref<80xi32, #tpu.memory_space<vmem>>, %arg10: memref<80x128xf32, #tpu.memory_space<vmem>>, %arg11: memref<80x128xf32, #tpu.memory_space<vmem>>, %arg12: memref<1280xf32, #tpu.memory_space<vmem>>, %arg13: memref<1280xf32, #tpu.memory_space<vmem>>, %arg14: memref<128x128xf32, #tpu.memory_space<vmem>>, %arg15: memref<10000x128xf32, #tpu.memory_space<vmem_shared>>, %arg16: memref<!tpu.dma_semaphore, #tpu.memory_space<semaphore_mem>>, %arg17: memref<!tpu.dma_semaphore, #tpu.memory_space<semaphore_mem>>, %arg18: memref<!tpu.dma_semaphore, #tpu.memory_space<semaphore_mem>>, %arg19: memref<!tpu.dma_semaphore, #tpu.memory_space<semaphore_mem>>) attributes {dimension_semantics = [#tpu.dimension_semantics<core_parallel>, #tpu.dimension_semantics<subcore_parallel>], iteration_bounds = array<i64: 2, 16>, scalar_prefetch = 0 : i64, scratch_operands = 12 : i64, tpu.core_type = #tpu.core_type<sc_vector_subcore>, window_params = [{transform_indices = #map}, {transform_indices = #map1}, {transform_indices = #map}, {transform_indices = #map1}, {transform_indices = #map1}, {transform_indices = #map1}]} {
    %mul3A = arith.constant 2 : i32
    %mul3A_0 = arith.muli %arg1, %mul3A : i32
    %add3A = arith.addi %mul3A_0, %arg0 : i32
    %mul3A_1 = arith.constant 10000 : i32
    %mul3A_2 = arith.muli %add3A, %mul3A_1 : i32
    %broadcast_in_dim3A = arith.constant 0.000000e+00 : f32
    %broadcast_in_dim3A_3 = vector.broadcast %broadcast_in_dim3A : f32 to vector<16xf32>
    "tpu.region"() ({
      %run_scoped3A = tpu.sem_alloc : memref<!tpu.dma_semaphore, #tpu.memory_space<semaphore_mem>>
      tpu.enqueue_dma source(%arg5 : memref<128x128xf32, #tpu.memory_space<hbm>>) target(%arg14 : memref<128x128xf32, #tpu.memory_space<vmem>>) target_semaphore(%run_scoped3A : memref<!tpu.dma_semaphore, #tpu.memory_space<semaphore_mem>>)
      tpu.wait_dma2 semaphore(%run_scoped3A : memref<!tpu.dma_semaphore, #tpu.memory_space<semaphore_mem>>) src(%arg5 : memref<128x128xf32, #tpu.memory_space<hbm>>) dst(%arg14 : memref<128x128xf32, #tpu.memory_space<vmem>>)
      tpu.yield
    }) : () -> ()
    %scan3A = arith.constant 0 : i32
    %scan3A_4 = arith.constant 0 : i32
    %scan3A_5 = arith.constant 80 : i32
    %scan3A_6 = arith.addi %scan3A_4, %scan3A_5 : i32
    %scan3A_7 = arith.constant 1 : i32
    scf.for %scan3A_95 = %scan3A_4 to %scan3A_6 step %scan3A_7  : i32 {
      %swap3A = arith.index_cast %scan3A_95 : i32 to index
      %swap3A_96 = arith.constant 0 : index
      %swap3A_97 = tpu.vector_load %arg14[%swap3A, %swap3A_96] {strides = array<i32>} : memref<128x128xf32, #tpu.memory_space<vmem>>, vector<1x16xf32>,
      %swap3A_98 = vector.shape_cast %swap3A_97 : vector<1x16xf32> to vector<16xf32>
      %swap3A_99 = vector.shape_cast %broadcast_in_dim3A_3 : vector<16xf32> to vector<1x16xf32>
      tpu.vector_store %arg14[%swap3A, %swap3A_96], %swap3A_99 {strides = array<i32>} : memref<128x128xf32, #tpu.memory_space<vmem>>, vector<1x16xf32>,
    }
    %scan3A_8 = arith.constant 80 : i32
    %mul3A_9 = arith.constant 624 : i32
    %mul3A_10 = arith.muli %arg1, %mul3A_9 : i32
    %add3A_11 = arith.constant 0 : i32
    %add3A_12 = arith.addi %mul3A_10, %add3A_11 : i32
    "tpu.region"() ({
      %run_scoped3A = tpu.sem_alloc : memref<!tpu.dma_semaphore, #tpu.memory_space<semaphore_mem>>
      %dma_start3A_95 = arith.constant 0 : i32
      %dma_start3A_96 = tpu.memref_slice %arg15[%add3A_12, %dma_start3A_95] : memref<10000x128xf32, #tpu.memory_space<vmem_shared>> -> memref<128x128xf32, #tpu.memory_space<vmem_shared>>
      %dma_start3A_97 = arith.constant 0 : i32
      %dma_start3A_98 = tpu.memref_slice %arg15[%add3A_12, %dma_start3A_97] : memref<10000x128xf32, #tpu.memory_space<vmem_shared>> -> memref<128x128xf32, #tpu.memory_space<vmem_shared>>
      tpu.enqueue_dma source(%arg14 : memref<128x128xf32, #tpu.memory_space<vmem>>) target(%dma_start3A_98 : memref<128x128xf32, #tpu.memory_space<vmem_shared>>) target_semaphore(%run_scoped3A : memref<!tpu.dma_semaphore, #tpu.memory_space<semaphore_mem>>)
      %dma_wait3A = arith.constant 0 : i32
      %dma_wait3A_99 = tpu.memref_slice %arg15[%add3A_12, %dma_wait3A] : memref<10000x128xf32, #tpu.memory_space<vmem_shared>> -> memref<128x128xf32, #tpu.memory_space<vmem_shared>>
      %dma_wait3A_100 = arith.constant 0 : i32
      %dma_wait3A_101 = tpu.memref_slice %arg15[%add3A_12, %dma_wait3A_100] : memref<10000x128xf32, #tpu.memory_space<vmem_shared>> -> memref<128x128xf32, #tpu.memory_space<vmem_shared>>
      tpu.wait_dma2 semaphore(%run_scoped3A : memref<!tpu.dma_semaphore, #tpu.memory_space<semaphore_mem>>) src(%arg14 : memref<128x128xf32, #tpu.memory_space<vmem>>) dst(%dma_wait3A_101 : memref<128x128xf32, #tpu.memory_space<vmem_shared>>)
      tpu.yield
    }) : () -> ()
    %mul3A_13 = arith.constant 624 : i32
    %mul3A_14 = arith.muli %arg1, %mul3A_13 : i32
    %add3A_15 = arith.constant 128 : i32
    %add3A_16 = arith.addi %mul3A_14, %add3A_15 : i32
    "tpu.region"() ({
      %run_scoped3A = tpu.sem_alloc : memref<!tpu.dma_semaphore, #tpu.memory_space<semaphore_mem>>
      %dma_start3A_95 = arith.constant 0 : i32
      %dma_start3A_96 = tpu.memref_slice %arg15[%add3A_16, %dma_start3A_95] : memref<10000x128xf32, #tpu.memory_space<vmem_shared>> -> memref<128x128xf32, #tpu.memory_space<vmem_shared>>
      %dma_start3A_97 = arith.constant 0 : i32
      %dma_start3A_98 = tpu.memref_slice %arg15[%add3A_16, %dma_start3A_97] : memref<10000x128xf32, #tpu.memory_space<vmem_shared>> -> memref<128x128xf32, #tpu.memory_space<vmem_shared>>
      tpu.enqueue_dma source(%arg14 : memref<128x128xf32, #tpu.memory_space<vmem>>) target(%dma_start3A_98 : memref<128x128xf32, #tpu.memory_space<vmem_shared>>) target_semaphore(%run_scoped3A : memref<!tpu.dma_semaphore, #tpu.memory_space<semaphore_mem>>)
      %dma_wait3A = arith.constant 0 : i32
      %dma_wait3A_99 = tpu.memref_slice %arg15[%add3A_16, %dma_wait3A] : memref<10000x128xf32, #tpu.memory_space<vmem_shared>> -> memref<128x128xf32, #tpu.memory_space<vmem_shared>>
      %dma_wait3A_100 = arith.constant 0 : i32
      %dma_wait3A_101 = tpu.memref_slice %arg15[%add3A_16, %dma_wait3A_100] : memref<10000x128xf32, #tpu.memory_space<vmem_shared>> -> memref<128x128xf32, #tpu.memory_space<vmem_shared>>
      tpu.wait_dma2 semaphore(%run_scoped3A : memref<!tpu.dma_semaphore, #tpu.memory_space<semaphore_mem>>) src(%arg14 : memref<128x128xf32, #tpu.memory_space<vmem>>) dst(%dma_wait3A_101 : memref<128x128xf32, #tpu.memory_space<vmem_shared>>)
      tpu.yield
    }) : () -> ()
    %mul3A_17 = arith.constant 624 : i32
    %mul3A_18 = arith.muli %arg1, %mul3A_17 : i32
    %add3A_19 = arith.constant 256 : i32
    %add3A_20 = arith.addi %mul3A_18, %add3A_19 : i32
    "tpu.region"() ({
      %run_scoped3A = tpu.sem_alloc : memref<!tpu.dma_semaphore, #tpu.memory_space<semaphore_mem>>
      %dma_start3A_95 = arith.constant 0 : i32
      %dma_start3A_96 = tpu.memref_slice %arg15[%add3A_20, %dma_start3A_95] : memref<10000x128xf32, #tpu.memory_space<vmem_shared>> -> memref<128x128xf32, #tpu.memory_space<vmem_shared>>
      %dma_start3A_97 = arith.constant 0 : i32
      %dma_start3A_98 = tpu.memref_slice %arg15[%add3A_20, %dma_start3A_97] : memref<10000x128xf32, #tpu.memory_space<vmem_shared>> -> memref<128x128xf32, #tpu.memory_space<vmem_shared>>
      tpu.enqueue_dma source(%arg14 : memref<128x128xf32, #tpu.memory_space<vmem>>) target(%dma_start3A_98 : memref<128x128xf32, #tpu.memory_space<vmem_shared>>) target_semaphore(%run_scoped3A : memref<!tpu.dma_semaphore, #tpu.memory_space<semaphore_mem>>)
      %dma_wait3A = arith.constant 0 : i32
      %dma_wait3A_99 = tpu.memref_slice %arg15[%add3A_20, %dma_wait3A] : memref<10000x128xf32, #tpu.memory_space<vmem_shared>> -> memref<128x128xf32, #tpu.memory_space<vmem_shared>>
      %dma_wait3A_100 = arith.constant 0 : i32
      %dma_wait3A_101 = tpu.memref_slice %arg15[%add3A_20, %dma_wait3A_100] : memref<10000x128xf32, #tpu.memory_space<vmem_shared>> -> memref<128x128xf32, #tpu.memory_space<vmem_shared>>
      tpu.wait_dma2 semaphore(%run_scoped3A : memref<!tpu.dma_semaphore, #tpu.memory_space<semaphore_mem>>) src(%arg14 : memref<128x128xf32, #tpu.memory_space<vmem>>) dst(%dma_wait3A_101 : memref<128x128xf32, #tpu.memory_space<vmem_shared>>)
      tpu.yield
    }) : () -> ()
    %mul3A_21 = arith.constant 624 : i32
    %mul3A_22 = arith.muli %arg1, %mul3A_21 : i32
    %add3A_23 = arith.constant 384 : i32
    %add3A_24 = arith.addi %mul3A_22, %add3A_23 : i32
    "tpu.region"() ({
      %run_scoped3A = tpu.sem_alloc : memref<!tpu.dma_semaphore, #tpu.memory_space<semaphore_mem>>
      %dma_start3A_95 = arith.constant 0 : i32
      %dma_start3A_96 = tpu.memref_slice %arg15[%add3A_24, %dma_start3A_95] : memref<10000x128xf32, #tpu.memory_space<vmem_shared>> -> memref<128x128xf32, #tpu.memory_space<vmem_shared>>
      %dma_start3A_97 = arith.constant 0 : i32
      %dma_start3A_98 = tpu.memref_slice %arg15[%add3A_24, %dma_start3A_97] : memref<10000x128xf32, #tpu.memory_space<vmem_shared>> -> memref<128x128xf32, #tpu.memory_space<vmem_shared>>
      tpu.enqueue_dma source(%arg14 : memref<128x128xf32, #tpu.memory_space<vmem>>) target(%dma_start3A_98 : memref<128x128xf32, #tpu.memory_space<vmem_shared>>) target_semaphore(%run_scoped3A : memref<!tpu.dma_semaphore, #tpu.memory_space<semaphore_mem>>)
      %dma_wait3A = arith.constant 0 : i32
      %dma_wait3A_99 = tpu.memref_slice %arg15[%add3A_24, %dma_wait3A] : memref<10000x128xf32, #tpu.memory_space<vmem_shared>> -> memref<128x128xf32, #tpu.memory_space<vmem_shared>>
      %dma_wait3A_100 = arith.constant 0 : i32
      %dma_wait3A_101 = tpu.memref_slice %arg15[%add3A_24, %dma_wait3A_100] : memref<10000x128xf32, #tpu.memory_space<vmem_shared>> -> memref<128x128xf32, #tpu.memory_space<vmem_shared>>
      tpu.wait_dma2 semaphore(%run_scoped3A : memref<!tpu.dma_semaphore, #tpu.memory_space<semaphore_mem>>) src(%arg14 : memref<128x128xf32, #tpu.memory_space<vmem>>) dst(%dma_wait3A_101 : memref<128x128xf32, #tpu.memory_space<vmem_shared>>)
      tpu.yield
    }) : () -> ()
    %mul3A_25 = arith.constant 624 : i32
    %mul3A_26 = arith.muli %arg1, %mul3A_25 : i32
    %add3A_27 = arith.constant 512 : i32
    %add3A_28 = arith.addi %mul3A_26, %add3A_27 : i32
    "tpu.region"() ({
      %run_scoped3A = tpu.sem_alloc : memref<!tpu.dma_semaphore, #tpu.memory_space<semaphore_mem>>
      %dma_start3A_95 = arith.constant 0 : i32
      %dma_start3A_96 = tpu.memref_slice %arg15[%add3A_28, %dma_start3A_95] : memref<10000x128xf32, #tpu.memory_space<vmem_shared>> -> memref<128x128xf32, #tpu.memory_space<vmem_shared>>
      %dma_start3A_97 = arith.constant 0 : i32
      %dma_start3A_98 = tpu.memref_slice %arg15[%add3A_28, %dma_start3A_97] : memref<10000x128xf32, #tpu.memory_space<vmem_shared>> -> memref<128x128xf32, #tpu.memory_space<vmem_shared>>
      tpu.enqueue_dma source(%arg14 : memref<128x128xf32, #tpu.memory_space<vmem>>) target(%dma_start3A_98 : memref<128x128xf32, #tpu.memory_space<vmem_shared>>) target_semaphore(%run_scoped3A : memref<!tpu.dma_semaphore, #tpu.memory_space<semaphore_mem>>)
      %dma_wait3A = arith.constant 0 : i32
      %dma_wait3A_99 = tpu.memref_slice %arg15[%add3A_28, %dma_wait3A] : memref<10000x128xf32, #tpu.memory_space<vmem_shared>> -> memref<128x128xf32, #tpu.memory_space<vmem_shared>>
      %dma_wait3A_100 = arith.constant 0 : i32
      %dma_wait3A_101 = tpu.memref_slice %arg15[%add3A_28, %dma_wait3A_100] : memref<10000x128xf32, #tpu.memory_space<vmem_shared>> -> memref<128x128xf32, #tpu.memory_space<vmem_shared>>
      tpu.wait_dma2 semaphore(%run_scoped3A : memref<!tpu.dma_semaphore, #tpu.memory_space<semaphore_mem>>) src(%arg14 : memref<128x128xf32, #tpu.memory_space<vmem>>) dst(%dma_wait3A_101 : memref<128x128xf32, #tpu.memory_space<vmem_shared>>)
      tpu.yield
    }) : () -> ()
    %barrier3A = arith.constant 0 : index
    tpu.barrier barrier_id(%barrier3A)
    %add3A_29 = arith.constant 0 : i32
    %add3A_30 = arith.addi %mul3A_2, %add3A_29 : i32
    %dma_start3A = tpu.memref_slice %arg2[%add3A_30] : memref<320000xi32, #tpu.memory_space<hbm>> -> memref<80xi32, #tpu.memory_space<hbm>>
    %dma_start3A_31 = tpu.memref_slice %arg2[%add3A_30] : memref<320000xi32, #tpu.memory_space<hbm>> -> memref<80xi32, #tpu.memory_space<hbm>>
    tpu.enqueue_dma source(%dma_start3A_31 : memref<80xi32, #tpu.memory_space<hbm>>) target(%arg8 : memref<80xi32, #tpu.memory_space<vmem>>) target_semaphore(%arg16 : memref<!tpu.dma_semaphore, #tpu.memory_space<semaphore_mem>>)
    %dma_start3A_32 = arith.constant 0 : i32
    %dma_start3A_33 = tpu.memref_slice %arg3[%add3A_30, %dma_start3A_32] : memref<320000x128xf32, #tpu.memory_space<hbm>> -> memref<80x128xf32, #tpu.memory_space<hbm>>
    %dma_start3A_34 = arith.constant 0 : i32
    %dma_start3A_35 = tpu.memref_slice %arg3[%add3A_30, %dma_start3A_34] : memref<320000x128xf32, #tpu.memory_space<hbm>> -> memref<80x128xf32, #tpu.memory_space<hbm>>
    tpu.enqueue_dma source(%dma_start3A_35 : memref<80x128xf32, #tpu.memory_space<hbm>>) target(%arg10 : memref<80x128xf32, #tpu.memory_space<vmem>>) target_semaphore(%arg18 : memref<!tpu.dma_semaphore, #tpu.memory_space<semaphore_mem>>)
    %scan3A_36 = arith.constant 0 : i32
    %scan3A_37 = arith.constant 0 : i32
    %scan3A_38 = arith.constant 63 : i32
    %scan3A_39 = arith.addi %scan3A_37, %scan3A_38 : i32
    %scan3A_40 = arith.constant 1 : i32
    scf.for %scan3A_95 = %scan3A_37 to %scan3A_39 step %scan3A_40  : i32 {
      %mul3A_96 = arith.constant 2 : i32
      %mul3A_97 = arith.muli %mul3A_96, %scan3A_95 : i32
      %add3A_98 = arith.constant 1 : i32
      %add3A_99 = arith.addi %mul3A_97, %add3A_98 : i32
      %lt3A = arith.constant 125 : i32
      %lt3A_100 = arith.cmpi slt, %add3A_99, %lt3A : i32
      %convert_element_type3A = arith.extui %lt3A_100 : i1 to i32
      %cond3A = arith.constant 0 : i32
      %cond3A_101 = arith.cmpi ne, %convert_element_type3A, %cond3A : i32
      scf.if %cond3A_101 {
        %mul3A_127 = arith.constant 80 : i32
        %mul3A_128 = arith.muli %add3A_99, %mul3A_127 : i32
        %add3A_129 = arith.addi %mul3A_2, %mul3A_128 : i32
        %dma_start3A_130 = tpu.memref_slice %arg2[%add3A_129] : memref<320000xi32, #tpu.memory_space<hbm>> -> memref<80xi32, #tpu.memory_space<hbm>>
        %dma_start3A_131 = tpu.memref_slice %arg2[%add3A_129] : memref<320000xi32, #tpu.memory_space<hbm>> -> memref<80xi32, #tpu.memory_space<hbm>>
        tpu.enqueue_dma source(%dma_start3A_131 : memref<80xi32, #tpu.memory_space<hbm>>) target(%arg9 : memref<80xi32, #tpu.memory_space<vmem>>) target_semaphore(%arg17 : memref<!tpu.dma_semaphore, #tpu.memory_space<semaphore_mem>>)
        %dma_start3A_132 = arith.constant 0 : i32
        %dma_start3A_133 = tpu.memref_slice %arg3[%add3A_129, %dma_start3A_132] : memref<320000x128xf32, #tpu.memory_space<hbm>> -> memref<80x128xf32, #tpu.memory_space<hbm>>
        %dma_start3A_134 = arith.constant 0 : i32
        %dma_start3A_135 = tpu.memref_slice %arg3[%add3A_129, %dma_start3A_134] : memref<320000x128xf32, #tpu.memory_space<hbm>> -> memref<80x128xf32, #tpu.memory_space<hbm>>
        tpu.enqueue_dma source(%dma_start3A_135 : memref<80x128xf32, #tpu.memory_space<hbm>>) target(%arg11 : memref<80x128xf32, #tpu.memory_space<vmem>>) target_semaphore(%arg19 : memref<!tpu.dma_semaphore, #tpu.memory_space<semaphore_mem>>)
      } else {
      }
      %mul3A_102 = arith.constant 2 : i32
      %mul3A_103 = arith.muli %mul3A_102, %scan3A_95 : i32
      %lt3A_104 = arith.constant 125 : i32
      %lt3A_105 = arith.cmpi slt, %mul3A_103, %lt3A_104 : i32
      %convert_element_type3A_106 = arith.extui %lt3A_105 : i1 to i32
      %cond3A_107 = arith.constant 0 : i32
      %cond3A_108 = arith.cmpi ne, %convert_element_type3A_106, %cond3A_107 : i32
      scf.if %cond3A_108 {
        %mul3A_127 = arith.constant 80 : i32
        %mul3A_128 = arith.muli %mul3A_103, %mul3A_127 : i32
        %add3A_129 = arith.addi %mul3A_2, %mul3A_128 : i32
        %dma_wait3A = tpu.memref_slice %arg2[%add3A_129] : memref<320000xi32, #tpu.memory_space<hbm>> -> memref<80xi32, #tpu.memory_space<hbm>>
        %dma_wait3A_130 = tpu.memref_slice %arg2[%add3A_129] : memref<320000xi32, #tpu.memory_space<hbm>> -> memref<80xi32, #tpu.memory_space<hbm>>
        tpu.wait_dma2 semaphore(%arg16 : memref<!tpu.dma_semaphore, #tpu.memory_space<semaphore_mem>>) src(%dma_wait3A_130 : memref<80xi32, #tpu.memory_space<hbm>>) dst(%arg8 : memref<80xi32, #tpu.memory_space<vmem>>)
        %dma_wait3A_131 = arith.constant 0 : i32
        %dma_wait3A_132 = tpu.memref_slice %arg3[%add3A_129, %dma_wait3A_131] : memref<320000x128xf32, #tpu.memory_space<hbm>> -> memref<80x128xf32, #tpu.memory_space<hbm>>
        %dma_wait3A_133 = arith.constant 0 : i32
        %dma_wait3A_134 = tpu.memref_slice %arg3[%add3A_129, %dma_wait3A_133] : memref<320000x128xf32, #tpu.memory_space<hbm>> -> memref<80x128xf32, #tpu.memory_space<hbm>>
        tpu.wait_dma2 semaphore(%arg18 : memref<!tpu.dma_semaphore, #tpu.memory_space<semaphore_mem>>) src(%dma_wait3A_134 : memref<80x128xf32, #tpu.memory_space<hbm>>) dst(%arg10 : memref<80x128xf32, #tpu.memory_space<vmem>>)
        "tpu.region"() ({
          %run_scoped3A = tpu.sem_alloc : memref<!tpu.dma_semaphore, #tpu.memory_space<semaphore_mem>>
          %dma_start3A_135 = arith.constant 0 : i32
          %dma_start3A_136 = arith.constant 0 : i32
          %dma_start3A_137 = tpu.memref_slice %arg15[%dma_start3A_135, %dma_start3A_136] : memref<10000x128xf32, #tpu.memory_space<vmem_shared>> -> memref<10000x128xf32, #tpu.memory_space<vmem_shared>>
          tpu.enqueue_indirect_dma source(%arg10 : memref<80x128xf32, #tpu.memory_space<vmem>>) target(%dma_start3A_137 : memref<10000x128xf32, #tpu.memory_space<vmem_shared>>) offsets(%arg8 : memref<80xi32, #tpu.memory_space<vmem>>) semaphore(%run_scoped3A : memref<!tpu.dma_semaphore, #tpu.memory_space<semaphore_mem>>) {add = true}
          %dma_wait3A_138 = arith.constant 0 : i32
          %dma_wait3A_139 = arith.constant 0 : i32
          %dma_wait3A_140 = tpu.memref_slice %arg15[%dma_wait3A_138, %dma_wait3A_139] : memref<10000x128xf32, #tpu.memory_space<vmem_shared>> -> memref<10000x128xf32, #tpu.memory_space<vmem_shared>>
          tpu.wait_indirect_dma semaphore(%run_scoped3A : memref<!tpu.dma_semaphore, #tpu.memory_space<semaphore_mem>>) src(%arg10 : memref<80x128xf32, #tpu.memory_space<vmem>>) dst(%dma_wait3A_140 : memref<10000x128xf32, #tpu.memory_space<vmem_shared>>)
          tpu.yield
        }) : () -> ()
      } else {
      }
      %mul3A_109 = arith.constant 2 : i32
      %mul3A_110 = arith.muli %mul3A_109, %scan3A_95 : i32
      %add3A_111 = arith.constant 2 : i32
      %add3A_112 = arith.addi %mul3A_110, %add3A_111 : i32
      %lt3A_113 = arith.constant 125 : i32
      %lt3A_114 = arith.cmpi slt, %add3A_112, %lt3A_113 : i32
      %convert_element_type3A_115 = arith.extui %lt3A_114 : i1 to i32
      %cond3A_116 = arith.constant 0 : i32
      %cond3A_117 = arith.cmpi ne, %convert_element_type3A_115, %cond3A_116 : i32
      scf.if %cond3A_117 {
        %mul3A_127 = arith.constant 80 : i32
        %mul3A_128 = arith.muli %add3A_112, %mul3A_127 : i32
        %add3A_129 = arith.addi %mul3A_2, %mul3A_128 : i32
        %dma_start3A_130 = tpu.memref_slice %arg2[%add3A_129] : memref<320000xi32, #tpu.memory_space<hbm>> -> memref<80xi32, #tpu.memory_space<hbm>>
        %dma_start3A_131 = tpu.memref_slice %arg2[%add3A_129] : memref<320000xi32, #tpu.memory_space<hbm>> -> memref<80xi32, #tpu.memory_space<hbm>>
        tpu.enqueue_dma source(%dma_start3A_131 : memref<80xi32, #tpu.memory_space<hbm>>) target(%arg8 : memref<80xi32, #tpu.memory_space<vmem>>) target_semaphore(%arg16 : memref<!tpu.dma_semaphore, #tpu.memory_space<semaphore_mem>>)
        %dma_start3A_132 = arith.constant 0 : i32
        %dma_start3A_133 = tpu.memref_slice %arg3[%add3A_129, %dma_start3A_132] : memref<320000x128xf32, #tpu.memory_space<hbm>> -> memref<80x128xf32, #tpu.memory_space<hbm>>
        %dma_start3A_134 = arith.constant 0 : i32
        %dma_start3A_135 = tpu.memref_slice %arg3[%add3A_129, %dma_start3A_134] : memref<320000x128xf32, #tpu.memory_space<hbm>> -> memref<80x128xf32, #tpu.memory_space<hbm>>
        tpu.enqueue_dma source(%dma_start3A_135 : memref<80x128xf32, #tpu.memory_space<hbm>>) target(%arg10 : memref<80x128xf32, #tpu.memory_space<vmem>>) target_semaphore(%arg18 : memref<!tpu.dma_semaphore, #tpu.memory_space<semaphore_mem>>)
      } else {
      }
      %mul3A_118 = arith.constant 2 : i32
      %mul3A_119 = arith.muli %mul3A_118, %scan3A_95 : i32
      %add3A_120 = arith.constant 1 : i32
      %add3A_121 = arith.addi %mul3A_119, %add3A_120 : i32
      %lt3A_122 = arith.constant 125 : i32
      %lt3A_123 = arith.cmpi slt, %add3A_121, %lt3A_122 : i32
      %convert_element_type3A_124 = arith.extui %lt3A_123 : i1 to i32
      %cond3A_125 = arith.constant 0 : i32
      %cond3A_126 = arith.cmpi ne, %convert_element_type3A_124, %cond3A_125 : i32
      scf.if %cond3A_126 {
        %mul3A_127 = arith.constant 80 : i32
        %mul3A_128 = arith.muli %add3A_121, %mul3A_127 : i32
        %add3A_129 = arith.addi %mul3A_2, %mul3A_128 : i32
        %dma_wait3A = tpu.memref_slice %arg2[%add3A_129] : memref<320000xi32, #tpu.memory_space<hbm>> -> memref<80xi32, #tpu.memory_space<hbm>>
        %dma_wait3A_130 = tpu.memref_slice %arg2[%add3A_129] : memref<320000xi32, #tpu.memory_space<hbm>> -> memref<80xi32, #tpu.memory_space<hbm>>
        tpu.wait_dma2 semaphore(%arg17 : memref<!tpu.dma_semaphore, #tpu.memory_space<semaphore_mem>>) src(%dma_wait3A_130 : memref<80xi32, #tpu.memory_space<hbm>>) dst(%arg9 : memref<80xi32, #tpu.memory_space<vmem>>)
        %dma_wait3A_131 = arith.constant 0 : i32
        %dma_wait3A_132 = tpu.memref_slice %arg3[%add3A_129, %dma_wait3A_131] : memref<320000x128xf32, #tpu.memory_space<hbm>> -> memref<80x128xf32, #tpu.memory_space<hbm>>
        %dma_wait3A_133 = arith.constant 0 : i32
        %dma_wait3A_134 = tpu.memref_slice %arg3[%add3A_129, %dma_wait3A_133] : memref<320000x128xf32, #tpu.memory_space<hbm>> -> memref<80x128xf32, #tpu.memory_space<hbm>>
        tpu.wait_dma2 semaphore(%arg19 : memref<!tpu.dma_semaphore, #tpu.memory_space<semaphore_mem>>) src(%dma_wait3A_134 : memref<80x128xf32, #tpu.memory_space<hbm>>) dst(%arg11 : memref<80x128xf32, #tpu.memory_space<vmem>>)
        "tpu.region"() ({
          %run_scoped3A = tpu.sem_alloc : memref<!tpu.dma_semaphore, #tpu.memory_space<semaphore_mem>>
          %dma_start3A_135 = arith.constant 0 : i32
          %dma_start3A_136 = arith.constant 0 : i32
          %dma_start3A_137 = tpu.memref_slice %arg15[%dma_start3A_135, %dma_start3A_136] : memref<10000x128xf32, #tpu.memory_space<vmem_shared>> -> memref<10000x128xf32, #tpu.memory_space<vmem_shared>>
          tpu.enqueue_indirect_dma source(%arg11 : memref<80x128xf32, #tpu.memory_space<vmem>>) target(%dma_start3A_137 : memref<10000x128xf32, #tpu.memory_space<vmem_shared>>) offsets(%arg9 : memref<80xi32, #tpu.memory_space<vmem>>) semaphore(%run_scoped3A : memref<!tpu.dma_semaphore, #tpu.memory_space<semaphore_mem>>) {add = true}
          %dma_wait3A_138 = arith.constant 0 : i32
          %dma_wait3A_139 = arith.constant 0 : i32
          %dma_wait3A_140 = tpu.memref_slice %arg15[%dma_wait3A_138, %dma_wait3A_139] : memref<10000x128xf32, #tpu.memory_space<vmem_shared>> -> memref<10000x128xf32, #tpu.memory_space<vmem_shared>>
          tpu.wait_indirect_dma semaphore(%run_scoped3A : memref<!tpu.dma_semaphore, #tpu.memory_space<semaphore_mem>>) src(%arg11 : memref<80x128xf32, #tpu.memory_space<vmem>>) dst(%dma_wait3A_140 : memref<10000x128xf32, #tpu.memory_space<vmem_shared>>)
          tpu.yield
        }) : () -> ()
      } else {
      }
    }
    %scan3A_41 = arith.constant 63 : i32
    %barrier3A_42 = arith.constant 0 : index
    tpu.barrier barrier_id(%barrier3A_42)
    %mul3A_43 = arith.constant 624 : i32
    %mul3A_44 = arith.muli %arg1, %mul3A_43 : i32
    %mul3A_45 = arith.constant 10000 : i32
    %mul3A_46 = arith.muli %arg0, %mul3A_45 : i32
    %mul3A_47 = arith.constant 624 : i32
    %mul3A_48 = arith.muli %arg1, %mul3A_47 : i32
    %add3A_49 = arith.addi %mul3A_46, %mul3A_48 : i32
    "tpu.region"() ({
      %run_scoped3A = tpu.sem_alloc : memref<!tpu.dma_semaphore, #tpu.memory_space<semaphore_mem>>
      %dma_start3A_95 = arith.constant 0 : i32
      %dma_start3A_96 = tpu.memref_slice %arg6[%add3A_49, %dma_start3A_95] : memref<20000x128xf32, #tpu.memory_space<hbm>> -> memref<640x128xf32, #tpu.memory_space<hbm>>
      %dma_start3A_97 = arith.constant 0 : i32
      %dma_start3A_98 = tpu.memref_slice %arg15[%mul3A_44, %dma_start3A_97] : memref<10000x128xf32, #tpu.memory_space<vmem_shared>> -> memref<640x128xf32, #tpu.memory_space<vmem_shared>>
      tpu.enqueue_dma source(%dma_start3A_98 : memref<640x128xf32, #tpu.memory_space<vmem_shared>>) target(%dma_start3A_96 : memref<640x128xf32, #tpu.memory_space<hbm>>) target_semaphore(%run_scoped3A : memref<!tpu.dma_semaphore, #tpu.memory_space<semaphore_mem>>)
      %dma_wait3A = arith.constant 0 : i32
      %dma_wait3A_99 = tpu.memref_slice %arg6[%add3A_49, %dma_wait3A] : memref<20000x128xf32, #tpu.memory_space<hbm>> -> memref<640x128xf32, #tpu.memory_space<hbm>>
      %dma_wait3A_100 = arith.constant 0 : i32
      %dma_wait3A_101 = tpu.memref_slice %arg15[%mul3A_44, %dma_wait3A_100] : memref<10000x128xf32, #tpu.memory_space<vmem_shared>> -> memref<640x128xf32, #tpu.memory_space<vmem_shared>>
      tpu.wait_dma2 semaphore(%run_scoped3A : memref<!tpu.dma_semaphore, #tpu.memory_space<semaphore_mem>>) src(%dma_wait3A_101 : memref<640x128xf32, #tpu.memory_space<vmem_shared>>) dst(%dma_wait3A_99 : memref<640x128xf32, #tpu.memory_space<hbm>>)
      tpu.yield
    }) : () -> ()
    %barrier3A_50 = arith.constant 0 : index
    tpu.barrier barrier_id(%barrier3A_50)
    %mul3A_51 = arith.constant 624 : i32
    %mul3A_52 = arith.muli %arg1, %mul3A_51 : i32
    %add3A_53 = arith.constant 0 : i32
    %add3A_54 = arith.addi %mul3A_52, %add3A_53 : i32
    "tpu.region"() ({
      %run_scoped3A = tpu.sem_alloc : memref<!tpu.dma_semaphore, #tpu.memory_space<semaphore_mem>>
      %dma_start3A_95 = arith.constant 0 : i32
      %dma_start3A_96 = tpu.memref_slice %arg15[%add3A_54, %dma_start3A_95] : memref<10000x128xf32, #tpu.memory_space<vmem_shared>> -> memref<128x128xf32, #tpu.memory_space<vmem_shared>>
      %dma_start3A_97 = arith.constant 0 : i32
      %dma_start3A_98 = tpu.memref_slice %arg15[%add3A_54, %dma_start3A_97] : memref<10000x128xf32, #tpu.memory_space<vmem_shared>> -> memref<128x128xf32, #tpu.memory_space<vmem_shared>>
      tpu.enqueue_dma source(%arg14 : memref<128x128xf32, #tpu.memory_space<vmem>>) target(%dma_start3A_98 : memref<128x128xf32, #tpu.memory_space<vmem_shared>>) target_semaphore(%run_scoped3A : memref<!tpu.dma_semaphore, #tpu.memory_space<semaphore_mem>>)
      %dma_wait3A = arith.constant 0 : i32
      %dma_wait3A_99 = tpu.memref_slice %arg15[%add3A_54, %dma_wait3A] : memref<10000x128xf32, #tpu.memory_space<vmem_shared>> -> memref<128x128xf32, #tpu.memory_space<vmem_shared>>
      %dma_wait3A_100 = arith.constant 0 : i32
      %dma_wait3A_101 = tpu.memref_slice %arg15[%add3A_54, %dma_wait3A_100] : memref<10000x128xf32, #tpu.memory_space<vmem_shared>> -> memref<128x128xf32, #tpu.memory_space<vmem_shared>>
      tpu.wait_dma2 semaphore(%run_scoped3A : memref<!tpu.dma_semaphore, #tpu.memory_space<semaphore_mem>>) src(%arg14 : memref<128x128xf32, #tpu.memory_space<vmem>>) dst(%dma_wait3A_101 : memref<128x128xf32, #tpu.memory_space<vmem_shared>>)
      tpu.yield
    }) : () -> ()
    %mul3A_55 = arith.constant 624 : i32
    %mul3A_56 = arith.muli %arg1, %mul3A_55 : i32
    %add3A_57 = arith.constant 128 : i32
    %add3A_58 = arith.addi %mul3A_56, %add3A_57 : i32
    "tpu.region"() ({
      %run_scoped3A = tpu.sem_alloc : memref<!tpu.dma_semaphore, #tpu.memory_space<semaphore_mem>>
      %dma_start3A_95 = arith.constant 0 : i32
      %dma_start3A_96 = tpu.memref_slice %arg15[%add3A_58, %dma_start3A_95] : memref<10000x128xf32, #tpu.memory_space<vmem_shared>> -> memref<128x128xf32, #tpu.memory_space<vmem_shared>>
      %dma_start3A_97 = arith.constant 0 : i32
      %dma_start3A_98 = tpu.memref_slice %arg15[%add3A_58, %dma_start3A_97] : memref<10000x128xf32, #tpu.memory_space<vmem_shared>> -> memref<128x128xf32, #tpu.memory_space<vmem_shared>>
      tpu.enqueue_dma source(%arg14 : memref<128x128xf32, #tpu.memory_space<vmem>>) target(%dma_start3A_98 : memref<128x128xf32, #tpu.memory_space<vmem_shared>>) target_semaphore(%run_scoped3A : memref<!tpu.dma_semaphore, #tpu.memory_space<semaphore_mem>>)
      %dma_wait3A = arith.constant 0 : i32
      %dma_wait3A_99 = tpu.memref_slice %arg15[%add3A_58, %dma_wait3A] : memref<10000x128xf32, #tpu.memory_space<vmem_shared>> -> memref<128x128xf32, #tpu.memory_space<vmem_shared>>
      %dma_wait3A_100 = arith.constant 0 : i32
      %dma_wait3A_101 = tpu.memref_slice %arg15[%add3A_58, %dma_wait3A_100] : memref<10000x128xf32, #tpu.memory_space<vmem_shared>> -> memref<128x128xf32, #tpu.memory_space<vmem_shared>>
      tpu.wait_dma2 semaphore(%run_scoped3A : memref<!tpu.dma_semaphore, #tpu.memory_space<semaphore_mem>>) src(%arg14 : memref<128x128xf32, #tpu.memory_space<vmem>>) dst(%dma_wait3A_101 : memref<128x128xf32, #tpu.memory_space<vmem_shared>>)
      tpu.yield
    }) : () -> ()
    %mul3A_59 = arith.constant 624 : i32
    %mul3A_60 = arith.muli %arg1, %mul3A_59 : i32
    %add3A_61 = arith.constant 256 : i32
    %add3A_62 = arith.addi %mul3A_60, %add3A_61 : i32
    "tpu.region"() ({
      %run_scoped3A = tpu.sem_alloc : memref<!tpu.dma_semaphore, #tpu.memory_space<semaphore_mem>>
      %dma_start3A_95 = arith.constant 0 : i32
      %dma_start3A_96 = tpu.memref_slice %arg15[%add3A_62, %dma_start3A_95] : memref<10000x128xf32, #tpu.memory_space<vmem_shared>> -> memref<128x128xf32, #tpu.memory_space<vmem_shared>>
      %dma_start3A_97 = arith.constant 0 : i32
      %dma_start3A_98 = tpu.memref_slice %arg15[%add3A_62, %dma_start3A_97] : memref<10000x128xf32, #tpu.memory_space<vmem_shared>> -> memref<128x128xf32, #tpu.memory_space<vmem_shared>>
      tpu.enqueue_dma source(%arg14 : memref<128x128xf32, #tpu.memory_space<vmem>>) target(%dma_start3A_98 : memref<128x128xf32, #tpu.memory_space<vmem_shared>>) target_semaphore(%run_scoped3A : memref<!tpu.dma_semaphore, #tpu.memory_space<semaphore_mem>>)
      %dma_wait3A = arith.constant 0 : i32
      %dma_wait3A_99 = tpu.memref_slice %arg15[%add3A_62, %dma_wait3A] : memref<10000x128xf32, #tpu.memory_space<vmem_shared>> -> memref<128x128xf32, #tpu.memory_space<vmem_shared>>
      %dma_wait3A_100 = arith.constant 0 : i32
      %dma_wait3A_101 = tpu.memref_slice %arg15[%add3A_62, %dma_wait3A_100] : memref<10000x128xf32, #tpu.memory_space<vmem_shared>> -> memref<128x128xf32, #tpu.memory_space<vmem_shared>>
      tpu.wait_dma2 semaphore(%run_scoped3A : memref<!tpu.dma_semaphore, #tpu.memory_space<semaphore_mem>>) src(%arg14 : memref<128x128xf32, #tpu.memory_space<vmem>>) dst(%dma_wait3A_101 : memref<128x128xf32, #tpu.memory_space<vmem_shared>>)
      tpu.yield
    }) : () -> ()
    %mul3A_63 = arith.constant 624 : i32
    %mul3A_64 = arith.muli %arg1, %mul3A_63 : i32
    %add3A_65 = arith.constant 384 : i32
    %add3A_66 = arith.addi %mul3A_64, %add3A_65 : i32
    "tpu.region"() ({
      %run_scoped3A = tpu.sem_alloc : memref<!tpu.dma_semaphore, #tpu.memory_space<semaphore_mem>>
      %dma_start3A_95 = arith.constant 0 : i32
      %dma_start3A_96 = tpu.memref_slice %arg15[%add3A_66, %dma_start3A_95] : memref<10000x128xf32, #tpu.memory_space<vmem_shared>> -> memref<128x128xf32, #tpu.memory_space<vmem_shared>>
      %dma_start3A_97 = arith.constant 0 : i32
      %dma_start3A_98 = tpu.memref_slice %arg15[%add3A_66, %dma_start3A_97] : memref<10000x128xf32, #tpu.memory_space<vmem_shared>> -> memref<128x128xf32, #tpu.memory_space<vmem_shared>>
      tpu.enqueue_dma source(%arg14 : memref<128x128xf32, #tpu.memory_space<vmem>>) target(%dma_start3A_98 : memref<128x128xf32, #tpu.memory_space<vmem_shared>>) target_semaphore(%run_scoped3A : memref<!tpu.dma_semaphore, #tpu.memory_space<semaphore_mem>>)
      %dma_wait3A = arith.constant 0 : i32
      %dma_wait3A_99 = tpu.memref_slice %arg15[%add3A_66, %dma_wait3A] : memref<10000x128xf32, #tpu.memory_space<vmem_shared>> -> memref<128x128xf32, #tpu.memory_space<vmem_shared>>
      %dma_wait3A_100 = arith.constant 0 : i32
      %dma_wait3A_101 = tpu.memref_slice %arg15[%add3A_66, %dma_wait3A_100] : memref<10000x128xf32, #tpu.memory_space<vmem_shared>> -> memref<128x128xf32, #tpu.memory_space<vmem_shared>>
      tpu.wait_dma2 semaphore(%run_scoped3A : memref<!tpu.dma_semaphore, #tpu.memory_space<semaphore_mem>>) src(%arg14 : memref<128x128xf32, #tpu.memory_space<vmem>>) dst(%dma_wait3A_101 : memref<128x128xf32, #tpu.memory_space<vmem_shared>>)
      tpu.yield
    }) : () -> ()
    %mul3A_67 = arith.constant 624 : i32
    %mul3A_68 = arith.muli %arg1, %mul3A_67 : i32
    %add3A_69 = arith.constant 512 : i32
    %add3A_70 = arith.addi %mul3A_68, %add3A_69 : i32
    "tpu.region"() ({
      %run_scoped3A = tpu.sem_alloc : memref<!tpu.dma_semaphore, #tpu.memory_space<semaphore_mem>>
      %dma_start3A_95 = arith.constant 0 : i32
      %dma_start3A_96 = tpu.memref_slice %arg15[%add3A_70, %dma_start3A_95] : memref<10000x128xf32, #tpu.memory_space<vmem_shared>> -> memref<128x128xf32, #tpu.memory_space<vmem_shared>>
      %dma_start3A_97 = arith.constant 0 : i32
      %dma_start3A_98 = tpu.memref_slice %arg15[%add3A_70, %dma_start3A_97] : memref<10000x128xf32, #tpu.memory_space<vmem_shared>> -> memref<128x128xf32, #tpu.memory_space<vmem_shared>>
      tpu.enqueue_dma source(%arg14 : memref<128x128xf32, #tpu.memory_space<vmem>>) target(%dma_start3A_98 : memref<128x128xf32, #tpu.memory_space<vmem_shared>>) target_semaphore(%run_scoped3A : memref<!tpu.dma_semaphore, #tpu.memory_space<semaphore_mem>>)
      %dma_wait3A = arith.constant 0 : i32
      %dma_wait3A_99 = tpu.memref_slice %arg15[%add3A_70, %dma_wait3A] : memref<10000x128xf32, #tpu.memory_space<vmem_shared>> -> memref<128x128xf32, #tpu.memory_space<vmem_shared>>
      %dma_wait3A_100 = arith.constant 0 : i32
      %dma_wait3A_101 = tpu.memref_slice %arg15[%add3A_70, %dma_wait3A_100] : memref<10000x128xf32, #tpu.memory_space<vmem_shared>> -> memref<128x128xf32, #tpu.memory_space<vmem_shared>>
      tpu.wait_dma2 semaphore(%run_scoped3A : memref<!tpu.dma_semaphore, #tpu.memory_space<semaphore_mem>>) src(%arg14 : memref<128x128xf32, #tpu.memory_space<vmem>>) dst(%dma_wait3A_101 : memref<128x128xf32, #tpu.memory_space<vmem_shared>>)
      tpu.yield
    }) : () -> ()
    %barrier3A_71 = arith.constant 0 : index
    tpu.barrier barrier_id(%barrier3A_71)
    %add3A_72 = arith.constant 0 : i32
    %add3A_73 = arith.addi %mul3A_2, %add3A_72 : i32
    %dma_start3A_74 = tpu.memref_slice %arg2[%add3A_73] : memref<320000xi32, #tpu.memory_space<hbm>> -> memref<80xi32, #tpu.memory_space<hbm>>
    %dma_start3A_75 = tpu.memref_slice %arg2[%add3A_73] : memref<320000xi32, #tpu.memory_space<hbm>> -> memref<80xi32, #tpu.memory_space<hbm>>
    tpu.enqueue_dma source(%dma_start3A_75 : memref<80xi32, #tpu.memory_space<hbm>>) target(%arg8 : memref<80xi32, #tpu.memory_space<vmem>>) target_semaphore(%arg16 : memref<!tpu.dma_semaphore, #tpu.memory_space<semaphore_mem>>)
    %mul3A_76 = arith.constant 16 : i32
    %mul3A_77 = arith.muli %add3A_73, %mul3A_76 : i32
    %dma_start3A_78 = tpu.memref_slice %arg4[%mul3A_77] : memref<5120000xf32, #tpu.memory_space<hbm>> -> memref<1280xf32, #tpu.memory_space<hbm>>
    %dma_start3A_79 = tpu.memref_slice %arg4[%mul3A_77] : memref<5120000xf32, #tpu.memory_space<hbm>> -> memref<1280xf32, #tpu.memory_space<hbm>>
    tpu.enqueue_dma source(%dma_start3A_79 : memref<1280xf32, #tpu.memory_space<hbm>>) target(%arg12 : memref<1280xf32, #tpu.memory_space<vmem>>) target_semaphore(%arg18 : memref<!tpu.dma_semaphore, #tpu.memory_space<semaphore_mem>>)
    %scan3A_80 = arith.constant 0 : i32
    %scan3A_81 = arith.constant 0 : i32
    %scan3A_82 = arith.constant 63 : i32
    %scan3A_83 = arith.addi %scan3A_81, %scan3A_82 : i32
    %scan3A_84 = arith.constant 1 : i32
    scf.for %scan3A_95 = %scan3A_81 to %scan3A_83 step %scan3A_84  : i32 {
      %mul3A_96 = arith.constant 2 : i32
      %mul3A_97 = arith.muli %mul3A_96, %scan3A_95 : i32
      %add3A_98 = arith.constant 1 : i32
      %add3A_99 = arith.addi %mul3A_97, %add3A_98 : i32
      %lt3A = arith.constant 125 : i32
      %lt3A_100 = arith.cmpi slt, %add3A_99, %lt3A : i32
      %convert_element_type3A = arith.extui %lt3A_100 : i1 to i32
      %cond3A = arith.constant 0 : i32
      %cond3A_101 = arith.cmpi ne, %convert_element_type3A, %cond3A : i32
      scf.if %cond3A_101 {
        %mul3A_127 = arith.constant 80 : i32
        %mul3A_128 = arith.muli %add3A_99, %mul3A_127 : i32
        %add3A_129 = arith.addi %mul3A_2, %mul3A_128 : i32
        %dma_start3A_130 = tpu.memref_slice %arg2[%add3A_129] : memref<320000xi32, #tpu.memory_space<hbm>> -> memref<80xi32, #tpu.memory_space<hbm>>
        %dma_start3A_131 = tpu.memref_slice %arg2[%add3A_129] : memref<320000xi32, #tpu.memory_space<hbm>> -> memref<80xi32, #tpu.memory_space<hbm>>
        tpu.enqueue_dma source(%dma_start3A_131 : memref<80xi32, #tpu.memory_space<hbm>>) target(%arg9 : memref<80xi32, #tpu.memory_space<vmem>>) target_semaphore(%arg17 : memref<!tpu.dma_semaphore, #tpu.memory_space<semaphore_mem>>)
        %mul3A_132 = arith.constant 16 : i32
        %mul3A_133 = arith.muli %add3A_129, %mul3A_132 : i32
        %dma_start3A_134 = tpu.memref_slice %arg4[%mul3A_133] : memref<5120000xf32, #tpu.memory_space<hbm>> -> memref<1280xf32, #tpu.memory_space<hbm>>
        %dma_start3A_135 = tpu.memref_slice %arg4[%mul3A_133] : memref<5120000xf32, #tpu.memory_space<hbm>> -> memref<1280xf32, #tpu.memory_space<hbm>>
        tpu.enqueue_dma source(%dma_start3A_135 : memref<1280xf32, #tpu.memory_space<hbm>>) target(%arg13 : memref<1280xf32, #tpu.memory_space<vmem>>) target_semaphore(%arg19 : memref<!tpu.dma_semaphore, #tpu.memory_space<semaphore_mem>>)
      } else {
      }
      %mul3A_102 = arith.constant 2 : i32
      %mul3A_103 = arith.muli %mul3A_102, %scan3A_95 : i32
      %lt3A_104 = arith.constant 125 : i32
      %lt3A_105 = arith.cmpi slt, %mul3A_103, %lt3A_104 : i32
      %convert_element_type3A_106 = arith.extui %lt3A_105 : i1 to i32
      %cond3A_107 = arith.constant 0 : i32
      %cond3A_108 = arith.cmpi ne, %convert_element_type3A_106, %cond3A_107 : i32
      scf.if %cond3A_108 {
        %mul3A_127 = arith.constant 80 : i32
        %mul3A_128 = arith.muli %mul3A_103, %mul3A_127 : i32
        %add3A_129 = arith.addi %mul3A_2, %mul3A_128 : i32
        %dma_wait3A = tpu.memref_slice %arg2[%add3A_129] : memref<320000xi32, #tpu.memory_space<hbm>> -> memref<80xi32, #tpu.memory_space<hbm>>
        %dma_wait3A_130 = tpu.memref_slice %arg2[%add3A_129] : memref<320000xi32, #tpu.memory_space<hbm>> -> memref<80xi32, #tpu.memory_space<hbm>>
        tpu.wait_dma2 semaphore(%arg16 : memref<!tpu.dma_semaphore, #tpu.memory_space<semaphore_mem>>) src(%dma_wait3A_130 : memref<80xi32, #tpu.memory_space<hbm>>) dst(%arg8 : memref<80xi32, #tpu.memory_space<vmem>>)
        %mul3A_131 = arith.constant 16 : i32
        %mul3A_132 = arith.muli %add3A_129, %mul3A_131 : i32
        %dma_wait3A_133 = tpu.memref_slice %arg4[%mul3A_132] : memref<5120000xf32, #tpu.memory_space<hbm>> -> memref<1280xf32, #tpu.memory_space<hbm>>
        %dma_wait3A_134 = tpu.memref_slice %arg4[%mul3A_132] : memref<5120000xf32, #tpu.memory_space<hbm>> -> memref<1280xf32, #tpu.memory_space<hbm>>
        tpu.wait_dma2 semaphore(%arg18 : memref<!tpu.dma_semaphore, #tpu.memory_space<semaphore_mem>>) src(%dma_wait3A_134 : memref<1280xf32, #tpu.memory_space<hbm>>) dst(%arg12 : memref<1280xf32, #tpu.memory_space<vmem>>)
        %scan3A_135 = arith.constant 0 : i32
        %scan3A_136 = arith.constant 0 : i32
        %scan3A_137 = arith.constant 80 : i32
        %scan3A_138 = arith.addi %scan3A_136, %scan3A_137 : i32
        %scan3A_139 = arith.constant 1 : i32
        scf.for %scan3A_141 = %scan3A_136 to %scan3A_138 step %scan3A_139  : i32 {
          %mul3A_142 = arith.constant 16 : i32
          %mul3A_143 = arith.muli %scan3A_141, %mul3A_142 : i32
          %get3A = arith.index_cast %mul3A_143 : i32 to index
          %get3A_144 = tpu.vector_load %arg12[%get3A] {strides = array<i32>} : memref<1280xf32, #tpu.memory_space<vmem>>, vector<16xf32>,
          %get3A_145 = vector.shape_cast %get3A_144 : vector<16xf32> to vector<16xf32>
          %swap3A = arith.index_cast %scan3A_141 : i32 to index
          %swap3A_146 = arith.constant 0 : index
          %swap3A_147 = tpu.vector_load %arg14[%swap3A, %swap3A_146] {strides = array<i32>} : memref<128x128xf32, #tpu.memory_space<vmem>>, vector<1x16xf32>,
          %swap3A_148 = vector.shape_cast %swap3A_147 : vector<1x16xf32> to vector<16xf32>
          %swap3A_149 = vector.shape_cast %get3A_145 : vector<16xf32> to vector<1x16xf32>
          tpu.vector_store %arg14[%swap3A, %swap3A_146], %swap3A_149 {strides = array<i32>} : memref<128x128xf32, #tpu.memory_space<vmem>>, vector<1x16xf32>,
        }
        %scan3A_140 = arith.constant 80 : i32
        "tpu.region"() ({
          %run_scoped3A = tpu.sem_alloc : memref<!tpu.dma_semaphore, #tpu.memory_space<semaphore_mem>>
          %dma_start3A_141 = arith.constant 0 : i32
          %dma_start3A_142 = arith.constant 0 : i32
          %dma_start3A_143 = tpu.memref_slice %arg14[%dma_start3A_141, %dma_start3A_142] : memref<128x128xf32, #tpu.memory_space<vmem>> -> memref<80x128xf32, #tpu.memory_space<vmem>>
          %dma_start3A_144 = arith.constant 0 : i32
          %dma_start3A_145 = arith.constant 0 : i32
          %dma_start3A_146 = tpu.memref_slice %arg15[%dma_start3A_144, %dma_start3A_145] : memref<10000x128xf32, #tpu.memory_space<vmem_shared>> -> memref<10000x128xf32, #tpu.memory_space<vmem_shared>>
          tpu.enqueue_indirect_dma source(%dma_start3A_143 : memref<80x128xf32, #tpu.memory_space<vmem>>) target(%dma_start3A_146 : memref<10000x128xf32, #tpu.memory_space<vmem_shared>>) offsets(%arg8 : memref<80xi32, #tpu.memory_space<vmem>>) semaphore(%run_scoped3A : memref<!tpu.dma_semaphore, #tpu.memory_space<semaphore_mem>>) {add = true}
          %dma_wait3A_147 = arith.constant 0 : i32
          %dma_wait3A_148 = arith.constant 0 : i32
          %dma_wait3A_149 = tpu.memref_slice %arg14[%dma_wait3A_147, %dma_wait3A_148] : memref<128x128xf32, #tpu.memory_space<vmem>> -> memref<80x128xf32, #tpu.memory_space<vmem>>
          %dma_wait3A_150 = arith.constant 0 : i32
          %dma_wait3A_151 = arith.constant 0 : i32
          %dma_wait3A_152 = tpu.memref_slice %arg15[%dma_wait3A_150, %dma_wait3A_151] : memref<10000x128xf32, #tpu.memory_space<vmem_shared>> -> memref<10000x128xf32, #tpu.memory_space<vmem_shared>>
          tpu.wait_indirect_dma semaphore(%run_scoped3A : memref<!tpu.dma_semaphore, #tpu.memory_space<semaphore_mem>>) src(%dma_wait3A_149 : memref<80x128xf32, #tpu.memory_space<vmem>>) dst(%dma_wait3A_152 : memref<10000x128xf32, #tpu.memory_space<vmem_shared>>)
          tpu.yield
        }) : () -> ()
      } else {
      }
      %mul3A_109 = arith.constant 2 : i32
      %mul3A_110 = arith.muli %mul3A_109, %scan3A_95 : i32
      %add3A_111 = arith.constant 2 : i32
      %add3A_112 = arith.addi %mul3A_110, %add3A_111 : i32
      %lt3A_113 = arith.constant 125 : i32
      %lt3A_114 = arith.cmpi slt, %add3A_112, %lt3A_113 : i32
      %convert_element_type3A_115 = arith.extui %lt3A_114 : i1 to i32
      %cond3A_116 = arith.constant 0 : i32
      %cond3A_117 = arith.cmpi ne, %convert_element_type3A_115, %cond3A_116 : i32
      scf.if %cond3A_117 {
        %mul3A_127 = arith.constant 80 : i32
        %mul3A_128 = arith.muli %add3A_112, %mul3A_127 : i32
        %add3A_129 = arith.addi %mul3A_2, %mul3A_128 : i32
        %dma_start3A_130 = tpu.memref_slice %arg2[%add3A_129] : memref<320000xi32, #tpu.memory_space<hbm>> -> memref<80xi32, #tpu.memory_space<hbm>>
        %dma_start3A_131 = tpu.memref_slice %arg2[%add3A_129] : memref<320000xi32, #tpu.memory_space<hbm>> -> memref<80xi32, #tpu.memory_space<hbm>>
        tpu.enqueue_dma source(%dma_start3A_131 : memref<80xi32, #tpu.memory_space<hbm>>) target(%arg8 : memref<80xi32, #tpu.memory_space<vmem>>) target_semaphore(%arg16 : memref<!tpu.dma_semaphore, #tpu.memory_space<semaphore_mem>>)
        %mul3A_132 = arith.constant 16 : i32
        %mul3A_133 = arith.muli %add3A_129, %mul3A_132 : i32
        %dma_start3A_134 = tpu.memref_slice %arg4[%mul3A_133] : memref<5120000xf32, #tpu.memory_space<hbm>> -> memref<1280xf32, #tpu.memory_space<hbm>>
        %dma_start3A_135 = tpu.memref_slice %arg4[%mul3A_133] : memref<5120000xf32, #tpu.memory_space<hbm>> -> memref<1280xf32, #tpu.memory_space<hbm>>
        tpu.enqueue_dma source(%dma_start3A_135 : memref<1280xf32, #tpu.memory_space<hbm>>) target(%arg12 : memref<1280xf32, #tpu.memory_space<vmem>>) target_semaphore(%arg18 : memref<!tpu.dma_semaphore, #tpu.memory_space<semaphore_mem>>)
      } else {
      }
      %mul3A_118 = arith.constant 2 : i32
      %mul3A_119 = arith.muli %mul3A_118, %scan3A_95 : i32
      %add3A_120 = arith.constant 1 : i32
      %add3A_121 = arith.addi %mul3A_119, %add3A_120 : i32
      %lt3A_122 = arith.constant 125 : i32
      %lt3A_123 = arith.cmpi slt, %add3A_121, %lt3A_122 : i32
      %convert_element_type3A_124 = arith.extui %lt3A_123 : i1 to i32
      %cond3A_125 = arith.constant 0 : i32
      %cond3A_126 = arith.cmpi ne, %convert_element_type3A_124, %cond3A_125 : i32
      scf.if %cond3A_126 {
        %mul3A_127 = arith.constant 80 : i32
        %mul3A_128 = arith.muli %add3A_121, %mul3A_127 : i32
        %add3A_129 = arith.addi %mul3A_2, %mul3A_128 : i32
        %dma_wait3A = tpu.memref_slice %arg2[%add3A_129] : memref<320000xi32, #tpu.memory_space<hbm>> -> memref<80xi32, #tpu.memory_space<hbm>>
        %dma_wait3A_130 = tpu.memref_slice %arg2[%add3A_129] : memref<320000xi32, #tpu.memory_space<hbm>> -> memref<80xi32, #tpu.memory_space<hbm>>
        tpu.wait_dma2 semaphore(%arg17 : memref<!tpu.dma_semaphore, #tpu.memory_space<semaphore_mem>>) src(%dma_wait3A_130 : memref<80xi32, #tpu.memory_space<hbm>>) dst(%arg9 : memref<80xi32, #tpu.memory_space<vmem>>)
        %mul3A_131 = arith.constant 16 : i32
        %mul3A_132 = arith.muli %add3A_129, %mul3A_131 : i32
        %dma_wait3A_133 = tpu.memref_slice %arg4[%mul3A_132] : memref<5120000xf32, #tpu.memory_space<hbm>> -> memref<1280xf32, #tpu.memory_space<hbm>>
        %dma_wait3A_134 = tpu.memref_slice %arg4[%mul3A_132] : memref<5120000xf32, #tpu.memory_space<hbm>> -> memref<1280xf32, #tpu.memory_space<hbm>>
        tpu.wait_dma2 semaphore(%arg19 : memref<!tpu.dma_semaphore, #tpu.memory_space<semaphore_mem>>) src(%dma_wait3A_134 : memref<1280xf32, #tpu.memory_space<hbm>>) dst(%arg13 : memref<1280xf32, #tpu.memory_space<vmem>>)
        %scan3A_135 = arith.constant 0 : i32
        %scan3A_136 = arith.constant 0 : i32
        %scan3A_137 = arith.constant 80 : i32
        %scan3A_138 = arith.addi %scan3A_136, %scan3A_137 : i32
        %scan3A_139 = arith.constant 1 : i32
        scf.for %scan3A_141 = %scan3A_136 to %scan3A_138 step %scan3A_139  : i32 {
          %mul3A_142 = arith.constant 16 : i32
          %mul3A_143 = arith.muli %scan3A_141, %mul3A_142 : i32
          %get3A = arith.index_cast %mul3A_143 : i32 to index
          %get3A_144 = tpu.vector_load %arg13[%get3A] {strides = array<i32>} : memref<1280xf32, #tpu.memory_space<vmem>>, vector<16xf32>,
          %get3A_145 = vector.shape_cast %get3A_144 : vector<16xf32> to vector<16xf32>
          %swap3A = arith.index_cast %scan3A_141 : i32 to index
          %swap3A_146 = arith.constant 0 : index
          %swap3A_147 = tpu.vector_load %arg14[%swap3A, %swap3A_146] {strides = array<i32>} : memref<128x128xf32, #tpu.memory_space<vmem>>, vector<1x16xf32>,
          %swap3A_148 = vector.shape_cast %swap3A_147 : vector<1x16xf32> to vector<16xf32>
          %swap3A_149 = vector.shape_cast %get3A_145 : vector<16xf32> to vector<1x16xf32>
          tpu.vector_store %arg14[%swap3A, %swap3A_146], %swap3A_149 {strides = array<i32>} : memref<128x128xf32, #tpu.memory_space<vmem>>, vector<1x16xf32>,
        }
        %scan3A_140 = arith.constant 80 : i32
        "tpu.region"() ({
          %run_scoped3A = tpu.sem_alloc : memref<!tpu.dma_semaphore, #tpu.memory_space<semaphore_mem>>
          %dma_start3A_141 = arith.constant 0 : i32
          %dma_start3A_142 = arith.constant 0 : i32
          %dma_start3A_143 = tpu.memref_slice %arg14[%dma_start3A_141, %dma_start3A_142] : memref<128x128xf32, #tpu.memory_space<vmem>> -> memref<80x128xf32, #tpu.memory_space<vmem>>
          %dma_start3A_144 = arith.constant 0 : i32
          %dma_start3A_145 = arith.constant 0 : i32
          %dma_start3A_146 = tpu.memref_slice %arg15[%dma_start3A_144, %dma_start3A_145] : memref<10000x128xf32, #tpu.memory_space<vmem_shared>> -> memref<10000x128xf32, #tpu.memory_space<vmem_shared>>
          tpu.enqueue_indirect_dma source(%dma_start3A_143 : memref<80x128xf32, #tpu.memory_space<vmem>>) target(%dma_start3A_146 : memref<10000x128xf32, #tpu.memory_space<vmem_shared>>) offsets(%arg9 : memref<80xi32, #tpu.memory_space<vmem>>) semaphore(%run_scoped3A : memref<!tpu.dma_semaphore, #tpu.memory_space<semaphore_mem>>) {add = true}
          %dma_wait3A_147 = arith.constant 0 : i32
          %dma_wait3A_148 = arith.constant 0 : i32
          %dma_wait3A_149 = tpu.memref_slice %arg14[%dma_wait3A_147, %dma_wait3A_148] : memref<128x128xf32, #tpu.memory_space<vmem>> -> memref<80x128xf32, #tpu.memory_space<vmem>>
          %dma_wait3A_150 = arith.constant 0 : i32
          %dma_wait3A_151 = arith.constant 0 : i32
          %dma_wait3A_152 = tpu.memref_slice %arg15[%dma_wait3A_150, %dma_wait3A_151] : memref<10000x128xf32, #tpu.memory_space<vmem_shared>> -> memref<10000x128xf32, #tpu.memory_space<vmem_shared>>
          tpu.wait_indirect_dma semaphore(%run_scoped3A : memref<!tpu.dma_semaphore, #tpu.memory_space<semaphore_mem>>) src(%dma_wait3A_149 : memref<80x128xf32, #tpu.memory_space<vmem>>) dst(%dma_wait3A_152 : memref<10000x128xf32, #tpu.memory_space<vmem_shared>>)
          tpu.yield
        }) : () -> ()
      } else {
      }
    }
    %scan3A_85 = arith.constant 63 : i32
    %barrier3A_86 = arith.constant 0 : index
    tpu.barrier barrier_id(%barrier3A_86)
    %mul3A_87 = arith.constant 624 : i32
    %mul3A_88 = arith.muli %arg1, %mul3A_87 : i32
    %mul3A_89 = arith.constant 10000 : i32
    %mul3A_90 = arith.muli %arg0, %mul3A_89 : i32
    %mul3A_91 = arith.constant 624 : i32
    %mul3A_92 = arith.muli %arg1, %mul3A_91 : i32
    %add3A_93 = arith.addi %mul3A_90, %mul3A_92 : i32
    "tpu.region"() ({
      %run_scoped3A = tpu.sem_alloc : memref<!tpu.dma_semaphore, #tpu.memory_space<semaphore_mem>>
      %dma_start3A_95 = arith.constant 0 : i32
      %dma_start3A_96 = tpu.memref_slice %arg7[%add3A_93, %dma_start3A_95] : memref<20000x128xf32, #tpu.memory_space<hbm>> -> memref<640x128xf32, #tpu.memory_space<hbm>>
      %dma_start3A_97 = arith.constant 0 : i32
      %dma_start3A_98 = tpu.memref_slice %arg15[%mul3A_88, %dma_start3A_97] : memref<10000x128xf32, #tpu.memory_space<vmem_shared>> -> memref<640x128xf32, #tpu.memory_space<vmem_shared>>
      tpu.enqueue_dma source(%dma_start3A_98 : memref<640x128xf32, #tpu.memory_space<vmem_shared>>) target(%dma_start3A_96 : memref<640x128xf32, #tpu.memory_space<hbm>>) target_semaphore(%run_scoped3A : memref<!tpu.dma_semaphore, #tpu.memory_space<semaphore_mem>>)
      %dma_wait3A = arith.constant 0 : i32
      %dma_wait3A_99 = tpu.memref_slice %arg7[%add3A_93, %dma_wait3A] : memref<20000x128xf32, #tpu.memory_space<hbm>> -> memref<640x128xf32, #tpu.memory_space<hbm>>
      %dma_wait3A_100 = arith.constant 0 : i32
      %dma_wait3A_101 = tpu.memref_slice %arg15[%mul3A_88, %dma_wait3A_100] : memref<10000x128xf32, #tpu.memory_space<vmem_shared>> -> memref<640x128xf32, #tpu.memory_space<vmem_shared>>
      tpu.wait_dma2 semaphore(%run_scoped3A : memref<!tpu.dma_semaphore, #tpu.memory_space<semaphore_mem>>) src(%dma_wait3A_101 : memref<640x128xf32, #tpu.memory_space<vmem_shared>>) dst(%dma_wait3A_99 : memref<640x128xf32, #tpu.memory_space<hbm>>)
      tpu.yield
    }) : () -> ()
    %barrier3A_94 = arith.constant 0 : index
    tpu.barrier barrier_id(%barrier3A_94)
    return
  }
}

module attributes {stable_mosaic.version = 14 : i64} {
  func.func @_pre_body(%arg0: i32, %arg1: memref<2000x128xf32, #tpu.memory_space<vmem>>, %arg2: memref<2000x12xf32, #tpu.memory_space<vmem>>, %arg3: memref<128x128xf32, #tpu.memory_space<vmem>>, %arg4: memref<128x128xf32, #tpu.memory_space<vmem>>, %arg5: memref<12x16xf32, #tpu.memory_space<vmem>>, %arg6: memref<12x128xf32, #tpu.memory_space<vmem>>, %arg7: memref<2000x128xf32, #tpu.memory_space<vmem>>, %arg8: memref<2000x128xf32, #tpu.memory_space<vmem>>, %arg9: memref<2000x16xf32, #tpu.memory_space<vmem>>, %arg10: memref<2000x128xf32, #tpu.memory_space<vmem>>) attributes {dimension_semantics = [#tpu.dimension_semantics<arbitrary>], iteration_bounds = array<i64: 10>, scalar_prefetch = 0 : i64, scratch_operands = 0 : i64, tpu.core_type = #tpu.core_type<tc>, window_params = [{transform_indices = @transform_0, window_bounds = array<i64: 2000, 128>}, {transform_indices = @transform_1, window_bounds = array<i64: 2000, 12>}, {pipeline_mode = #tpu.pipeline_mode<synchronous>, transform_indices = @transform_2, window_bounds = array<i64: 128, 128>}, {pipeline_mode = #tpu.pipeline_mode<synchronous>, transform_indices = @transform_3, window_bounds = array<i64: 128, 128>}, {pipeline_mode = #tpu.pipeline_mode<synchronous>, transform_indices = @transform_4, window_bounds = array<i64: 12, 16>}, {pipeline_mode = #tpu.pipeline_mode<synchronous>, transform_indices = @transform_5, window_bounds = array<i64: 12, 128>}, {transform_indices = @transform_6, window_bounds = array<i64: 2000, 128>}, {transform_indices = @transform_7, window_bounds = array<i64: 2000, 128>}, {transform_indices = @transform_8, window_bounds = array<i64: 2000, 16>}, {transform_indices = @transform_9, window_bounds = array<i64: 2000, 128>}]} {
    %get3A = arith.constant 0 : index
    %get3A_0 = arith.constant 0 : index
    %get3A_1 = vector.load %arg1[%get3A, %get3A_0] : memref<2000x128xf32, #tpu.memory_space<vmem>>, vector<2000x128xf32>
    %get3A_2 = arith.constant 0 : index
    %get3A_3 = arith.constant 0 : index
    %get3A_4 = vector.load %arg3[%get3A_2, %get3A_3] : memref<128x128xf32, #tpu.memory_space<vmem>>, vector<128x128xf32>
    %dot_general3A = arith.constant dense<0.000000e+00> : vector<2000x128xf32>
    %dot_general3A_5 = tpu.matmul %get3A_1, %get3A_4, %dot_general3A {dimension_numbers = #tpu.dot_dimension_numbers<[1], [0], [0], [1], [0, 0, 1, 1], [], []>, transpose_lhs_hint = false} : vector<2000x128xf32>, vector<128x128xf32>, vector<2000x128xf32> -> vector<2000x128xf32>
    %swap3A = arith.constant 0 : index
    %swap3A_6 = arith.constant 0 : index
    %swap3A_7 = vector.load %arg7[%swap3A, %swap3A_6] : memref<2000x128xf32, #tpu.memory_space<vmem>>, vector<2000x128xf32>
    tpu.vector_store %arg7[%swap3A, %swap3A_6], %dot_general3A_5 {strides = array<i32>} : memref<2000x128xf32, #tpu.memory_space<vmem>>, vector<2000x128xf32>,
    %get3A_8 = arith.constant 0 : index
    %get3A_9 = arith.constant 0 : index
    %get3A_10 = vector.load %arg4[%get3A_8, %get3A_9] : memref<128x128xf32, #tpu.memory_space<vmem>>, vector<128x128xf32>
    %dot_general3A_11 = arith.constant dense<0.000000e+00> : vector<2000x128xf32>
    %dot_general3A_12 = tpu.matmul %get3A_1, %get3A_10, %dot_general3A_11 {dimension_numbers = #tpu.dot_dimension_numbers<[1], [0], [0], [1], [0, 0, 1, 1], [], []>, transpose_lhs_hint = false} : vector<2000x128xf32>, vector<128x128xf32>, vector<2000x128xf32> -> vector<2000x128xf32>
    %swap3A_13 = arith.constant 0 : index
    %swap3A_14 = arith.constant 0 : index
    %swap3A_15 = vector.load %arg8[%swap3A_13, %swap3A_14] : memref<2000x128xf32, #tpu.memory_space<vmem>>, vector<2000x128xf32>
    tpu.vector_store %arg8[%swap3A_13, %swap3A_14], %dot_general3A_12 {strides = array<i32>} : memref<2000x128xf32, #tpu.memory_space<vmem>>, vector<2000x128xf32>,
    %get3A_16 = arith.constant 0 : index
    %get3A_17 = arith.constant 0 : index
    %get3A_18 = vector.load %arg2[%get3A_16, %get3A_17] : memref<2000x12xf32, #tpu.memory_space<vmem>>, vector<2000x12xf32>
    %get3A_19 = arith.constant 0 : index
    %get3A_20 = arith.constant 0 : index
    %get3A_21 = vector.load %arg5[%get3A_19, %get3A_20] : memref<12x16xf32, #tpu.memory_space<vmem>>, vector<12x16xf32>
    %dot_general3A_22 = arith.constant dense<0.000000e+00> : vector<2000x16xf32>
    %dot_general3A_23 = tpu.matmul %get3A_18, %get3A_21, %dot_general3A_22 {dimension_numbers = #tpu.dot_dimension_numbers<[1], [0], [0], [1], [0, 0, 1, 1], [], []>, transpose_lhs_hint = false} : vector<2000x12xf32>, vector<12x16xf32>, vector<2000x16xf32> -> vector<2000x16xf32>
    %swap3A_24 = arith.constant 0 : index
    %swap3A_25 = arith.constant 0 : index
    %swap3A_26 = vector.load %arg9[%swap3A_24, %swap3A_25] : memref<2000x16xf32, #tpu.memory_space<vmem>>, vector<2000x16xf32>
    tpu.vector_store %arg9[%swap3A_24, %swap3A_25], %dot_general3A_23 {strides = array<i32>} : memref<2000x16xf32, #tpu.memory_space<vmem>>, vector<2000x16xf32>,
    %get3A_27 = arith.constant 0 : index
    %get3A_28 = arith.constant 0 : index
    %get3A_29 = vector.load %arg6[%get3A_27, %get3A_28] : memref<12x128xf32, #tpu.memory_space<vmem>>, vector<12x128xf32>
    %dot_general3A_30 = arith.constant dense<0.000000e+00> : vector<2000x128xf32>
    %dot_general3A_31 = tpu.matmul %get3A_18, %get3A_29, %dot_general3A_30 {dimension_numbers = #tpu.dot_dimension_numbers<[1], [0], [0], [1], [0, 0, 1, 1], [], []>, transpose_lhs_hint = false} : vector<2000x12xf32>, vector<12x128xf32>, vector<2000x128xf32> -> vector<2000x128xf32>
    %swap3A_32 = arith.constant 0 : index
    %swap3A_33 = arith.constant 0 : index
    %swap3A_34 = vector.load %arg10[%swap3A_32, %swap3A_33] : memref<2000x128xf32, #tpu.memory_space<vmem>>, vector<2000x128xf32>
    tpu.vector_store %arg10[%swap3A_32, %swap3A_33], %dot_general3A_31 {strides = array<i32>} : memref<2000x128xf32, #tpu.memory_space<vmem>>, vector<2000x128xf32>,
    return
  }
  func.func @transform_0(%arg0: i32) -> (i32, i32) {
    %c0_i32 = arith.constant 0 : i32
    %c0_i32_0 = arith.constant 0 : i32
    return %arg0, %c0_i32 : i32, i32
  }
  func.func @transform_1(%arg0: i32) -> (i32, i32) {
    %c0_i32 = arith.constant 0 : i32
    %c0_i32_0 = arith.constant 0 : i32
    return %arg0, %c0_i32 : i32, i32
  }
  func.func @transform_2(%arg0: i32) -> (i32, i32) {
    %c0_i32 = arith.constant 0 : i32
    %c0_i32_0 = arith.constant 0 : i32
    %c0_i32_1 = arith.constant 0 : i32
    return %c0_i32, %c0_i32_0 : i32, i32
  }
  func.func @transform_3(%arg0: i32) -> (i32, i32) {
    %c0_i32 = arith.constant 0 : i32
    %c0_i32_0 = arith.constant 0 : i32
    %c0_i32_1 = arith.constant 0 : i32
    return %c0_i32, %c0_i32_0 : i32, i32
  }
  func.func @transform_4(%arg0: i32) -> (i32, i32) {
    %c0_i32 = arith.constant 0 : i32
    %c0_i32_0 = arith.constant 0 : i32
    %c0_i32_1 = arith.constant 0 : i32
    return %c0_i32, %c0_i32_0 : i32, i32
  }
  func.func @transform_5(%arg0: i32) -> (i32, i32) {
    %c0_i32 = arith.constant 0 : i32
    %c0_i32_0 = arith.constant 0 : i32
    %c0_i32_1 = arith.constant 0 : i32
    return %c0_i32, %c0_i32_0 : i32, i32
  }
  func.func @transform_6(%arg0: i32) -> (i32, i32) {
    %c0_i32 = arith.constant 0 : i32
    %c0_i32_0 = arith.constant 0 : i32
    return %arg0, %c0_i32 : i32, i32
  }
  func.func @transform_7(%arg0: i32) -> (i32, i32) {
    %c0_i32 = arith.constant 0 : i32
    %c0_i32_0 = arith.constant 0 : i32
    return %arg0, %c0_i32 : i32, i32
  }
  func.func @transform_8(%arg0: i32) -> (i32, i32) {
    %c0_i32 = arith.constant 0 : i32
    %c0_i32_0 = arith.constant 0 : i32
    return %arg0, %c0_i32 : i32, i32
  }
  func.func @transform_9(%arg0: i32) -> (i32, i32) {
    %c0_i32 = arith.constant 0 : i32
    %c0_i32_0 = arith.constant 0 : i32
    return %arg0, %c0_i32 : i32, i32
  }
}

module attributes {stable_mosaic.version = 14 : i64} {
  func.func @_edge_body(%arg0: i32, %arg1: memref<2000x128xf32, #tpu.memory_space<vmem>>, %arg2: memref<2000x16xf32, #tpu.memory_space<vmem>>, %arg3: memref<2000x16xf32, #tpu.memory_space<vmem>>, %arg4: memref<16x128xf32, #tpu.memory_space<vmem>>, %arg5: memref<16x128xf32, #tpu.memory_space<vmem>>, %arg6: memref<1x128xf32, #tpu.memory_space<vmem>>, %arg7: memref<128x128xf32, #tpu.memory_space<vmem>>, %arg8: memref<1x128xf32, #tpu.memory_space<vmem>>, %arg9: memref<128x128xf32, #tpu.memory_space<vmem>>, %arg10: memref<1x128xf32, #tpu.memory_space<vmem>>, %arg11: memref<128x16xf32, #tpu.memory_space<vmem>>, %arg12: memref<16x48xf32, #tpu.memory_space<vmem>>, %arg13: memref<16x48xf32, #tpu.memory_space<vmem>>, %arg14: memref<48x16xf32, #tpu.memory_space<vmem>>, %arg15: memref<1x16xf32, #tpu.memory_space<vmem>>, %arg16: memref<2000x128xf32, #tpu.memory_space<vmem>>, %arg17: memref<2000x16xf32, #tpu.memory_space<vmem>>) attributes {dimension_semantics = [#tpu.dimension_semantics<arbitrary>], iteration_bounds = array<i64: 160>, scalar_prefetch = 0 : i64, scratch_operands = 0 : i64, tpu.core_type = #tpu.core_type<tc>, window_params = [{transform_indices = @transform_0, window_bounds = array<i64: 2000, 128>}, {transform_indices = @transform_1, window_bounds = array<i64: 2000, 16>}, {transform_indices = @transform_2, window_bounds = array<i64: 2000, 16>}, {pipeline_mode = #tpu.pipeline_mode<synchronous>, transform_indices = @transform_3, window_bounds = array<i64: 16, 128>}, {pipeline_mode = #tpu.pipeline_mode<synchronous>, transform_indices = @transform_4, window_bounds = array<i64: 16, 128>}, {pipeline_mode = #tpu.pipeline_mode<synchronous>, transform_indices = @transform_5, window_bounds = array<i64: 1, 128>}, {pipeline_mode = #tpu.pipeline_mode<synchronous>, transform_indices = @transform_6, window_bounds = array<i64: 128, 128>}, {pipeline_mode = #tpu.pipeline_mode<synchronous>, transform_indices = @transform_7, window_bounds = array<i64: 1, 128>}, {pipeline_mode = #tpu.pipeline_mode<synchronous>, transform_indices = @transform_8, window_bounds = array<i64: 128, 128>}, {pipeline_mode = #tpu.pipeline_mode<synchronous>, transform_indices = @transform_9, window_bounds = array<i64: 1, 128>}, {pipeline_mode = #tpu.pipeline_mode<synchronous>, transform_indices = @transform_10, window_bounds = array<i64: 128, 16>}, {pipeline_mode = #tpu.pipeline_mode<synchronous>, transform_indices = @transform_11, window_bounds = array<i64: 16, 48>}, {pipeline_mode = #tpu.pipeline_mode<synchronous>, transform_indices = @transform_12, window_bounds = array<i64: 16, 48>}, {pipeline_mode = #tpu.pipeline_mode<synchronous>, transform_indices = @transform_13, window_bounds = array<i64: 48, 16>}, {pipeline_mode = #tpu.pipeline_mode<synchronous>, transform_indices = @transform_14, window_bounds = array<i64: 1, 16>}, {transform_indices = @transform_15, window_bounds = array<i64: 2000, 128>}, {transform_indices = @transform_16, window_bounds = array<i64: 2000, 16>}]} {
    %get3A = arith.constant 0 : index
    %get3A_0 = arith.constant 0 : index
    %get3A_1 = vector.load %arg2[%get3A, %get3A_0] : memref<2000x16xf32, #tpu.memory_space<vmem>>, vector<2000x16xf32>
    %get3A_2 = arith.constant 0 : index
    %get3A_3 = arith.constant 0 : index
    %get3A_4 = vector.load %arg12[%get3A_2, %get3A_3] : memref<16x48xf32, #tpu.memory_space<vmem>>, vector<16x48xf32>
    %dot_general3A = arith.constant dense<0.000000e+00> : vector<2000x48xf32>
    %dot_general3A_5 = tpu.matmul %get3A_1, %get3A_4, %dot_general3A {dimension_numbers = #tpu.dot_dimension_numbers<[1], [0], [0], [1], [0, 0, 1, 1], [], []>, transpose_lhs_hint = false} : vector<2000x16xf32>, vector<16x48xf32>, vector<2000x48xf32> -> vector<2000x48xf32>
    %get3A_6 = arith.constant 0 : index
    %get3A_7 = arith.constant 0 : index
    %get3A_8 = vector.load %arg13[%get3A_6, %get3A_7] : memref<16x48xf32, #tpu.memory_space<vmem>>, vector<16x48xf32>
    %dot_general3A_9 = arith.constant dense<0.000000e+00> : vector<2000x48xf32>
    %dot_general3A_10 = tpu.matmul %get3A_1, %get3A_8, %dot_general3A_9 {dimension_numbers = #tpu.dot_dimension_numbers<[1], [0], [0], [1], [0, 0, 1, 1], [], []>, transpose_lhs_hint = false} : vector<2000x16xf32>, vector<16x48xf32>, vector<2000x48xf32> -> vector<2000x48xf32>
    %mul3A = arith.mulf %dot_general3A_5, %dot_general3A_10 : vector<2000x48xf32>
    %get3A_11 = arith.constant 0 : index
    %get3A_12 = arith.constant 0 : index
    %get3A_13 = vector.load %arg14[%get3A_11, %get3A_12] : memref<48x16xf32, #tpu.memory_space<vmem>>, vector<48x16xf32>
    %dot_general3A_14 = arith.constant dense<0.000000e+00> : vector<2000x16xf32>
    %dot_general3A_15 = tpu.matmul %mul3A, %get3A_13, %dot_general3A_14 {dimension_numbers = #tpu.dot_dimension_numbers<[1], [0], [0], [1], [0, 0, 1, 1], [], []>, transpose_lhs_hint = false} : vector<2000x48xf32>, vector<48x16xf32>, vector<2000x16xf32> -> vector<2000x16xf32>
    %mul3A_16 = arith.mulf %dot_general3A_15, %dot_general3A_15 : vector<2000x16xf32>
    %reduce_sum3A = arith.constant dense<0.000000e+00> : vector<2000xf32>
    %reduce_sum3A_17 = vector.multi_reduction <add>, %mul3A_16, %reduce_sum3A [1] : vector<2000x16xf32> to vector<2000xf32>
    %broadcast_in_dim3A = vector.shape_cast %reduce_sum3A_17 : vector<2000xf32> to vector<2000x1xf32>
    %sqrt3A = math.sqrt %broadcast_in_dim3A : vector<2000x1xf32>
    %max3A = arith.constant 9.99999996E-13 : f32
    %max3A_18 = vector.broadcast %max3A : f32 to vector<2000x1xf32>
    %max3A_19 = arith.maximumf %sqrt3A, %max3A_18 : vector<2000x1xf32>
    %div3A = vector.broadcast %max3A_19 : vector<2000x1xf32> to vector<2000x16xf32>
    %div3A_20 = arith.divf %dot_general3A_15, %div3A : vector<2000x16xf32>
    %get3A_21 = arith.constant 0 : index
    %get3A_22 = arith.constant 0 : index
    %get3A_23 = vector.load %arg1[%get3A_21, %get3A_22] : memref<2000x128xf32, #tpu.memory_space<vmem>>, vector<2000x128xf32>
    %get3A_24 = arith.constant 0 : index
    %get3A_25 = arith.constant 0 : index
    %get3A_26 = vector.load %arg4[%get3A_24, %get3A_25] : memref<16x128xf32, #tpu.memory_space<vmem>>, vector<16x128xf32>
    %dot_general3A_27 = arith.constant dense<0.000000e+00> : vector<2000x128xf32>
    %dot_general3A_28 = tpu.matmul %div3A_20, %get3A_26, %dot_general3A_27 {dimension_numbers = #tpu.dot_dimension_numbers<[1], [0], [0], [1], [0, 0, 1, 1], [], []>, transpose_lhs_hint = false} : vector<2000x16xf32>, vector<16x128xf32>, vector<2000x128xf32> -> vector<2000x128xf32>
    %add3A = arith.addf %get3A_23, %dot_general3A_28 : vector<2000x128xf32>
    %get3A_29 = arith.constant 0 : index
    %get3A_30 = arith.constant 0 : index
    %get3A_31 = vector.load %arg3[%get3A_29, %get3A_30] : memref<2000x16xf32, #tpu.memory_space<vmem>>, vector<2000x16xf32>
    %get3A_32 = arith.constant 0 : index
    %get3A_33 = arith.constant 0 : index
    %get3A_34 = vector.load %arg5[%get3A_32, %get3A_33] : memref<16x128xf32, #tpu.memory_space<vmem>>, vector<16x128xf32>
    %dot_general3A_35 = arith.constant dense<0.000000e+00> : vector<2000x128xf32>
    %dot_general3A_36 = tpu.matmul %get3A_31, %get3A_34, %dot_general3A_35 {dimension_numbers = #tpu.dot_dimension_numbers<[1], [0], [0], [1], [0, 0, 1, 1], [], []>, transpose_lhs_hint = false} : vector<2000x16xf32>, vector<16x128xf32>, vector<2000x128xf32> -> vector<2000x128xf32>
    %add3A_37 = arith.addf %add3A, %dot_general3A_36 : vector<2000x128xf32>
    %get3A_38 = arith.constant 0 : index
    %get3A_39 = arith.constant 0 : index
    %get3A_40 = vector.load %arg6[%get3A_38, %get3A_39] : memref<1x128xf32, #tpu.memory_space<vmem>>, vector<1x128xf32>
    %add3A_41 = vector.broadcast %get3A_40 : vector<1x128xf32> to vector<2000x128xf32>
    %add3A_42 = arith.addf %add3A_37, %add3A_41 : vector<2000x128xf32>
    %max3A_43 = arith.constant 0.000000e+00 : f32
    %max3A_44 = vector.broadcast %max3A_43 : f32 to vector<2000x128xf32>
    %max3A_45 = arith.maximumf %add3A_42, %max3A_44 : vector<2000x128xf32>
    %get3A_46 = arith.constant 0 : index
    %get3A_47 = arith.constant 0 : index
    %get3A_48 = vector.load %arg7[%get3A_46, %get3A_47] : memref<128x128xf32, #tpu.memory_space<vmem>>, vector<128x128xf32>
    %dot_general3A_49 = arith.constant dense<0.000000e+00> : vector<2000x128xf32>
    %dot_general3A_50 = tpu.matmul %max3A_45, %get3A_48, %dot_general3A_49 {dimension_numbers = #tpu.dot_dimension_numbers<[1], [0], [0], [1], [0, 0, 1, 1], [], []>, transpose_lhs_hint = false} : vector<2000x128xf32>, vector<128x128xf32>, vector<2000x128xf32> -> vector<2000x128xf32>
    %get3A_51 = arith.constant 0 : index
    %get3A_52 = arith.constant 0 : index
    %get3A_53 = vector.load %arg8[%get3A_51, %get3A_52] : memref<1x128xf32, #tpu.memory_space<vmem>>, vector<1x128xf32>
    %add3A_54 = vector.broadcast %get3A_53 : vector<1x128xf32> to vector<2000x128xf32>
    %add3A_55 = arith.addf %dot_general3A_50, %add3A_54 : vector<2000x128xf32>
    %max3A_56 = arith.constant 0.000000e+00 : f32
    %max3A_57 = vector.broadcast %max3A_56 : f32 to vector<2000x128xf32>
    %max3A_58 = arith.maximumf %add3A_55, %max3A_57 : vector<2000x128xf32>
    %swap3A = arith.constant 0 : index
    %swap3A_59 = arith.constant 0 : index
    %swap3A_60 = vector.load %arg16[%swap3A, %swap3A_59] : memref<2000x128xf32, #tpu.memory_space<vmem>>, vector<2000x128xf32>
    tpu.vector_store %arg16[%swap3A, %swap3A_59], %max3A_58 {strides = array<i32>} : memref<2000x128xf32, #tpu.memory_space<vmem>>, vector<2000x128xf32>,
    %get3A_61 = arith.constant 0 : index
    %get3A_62 = arith.constant 0 : index
    %get3A_63 = vector.load %arg9[%get3A_61, %get3A_62] : memref<128x128xf32, #tpu.memory_space<vmem>>, vector<128x128xf32>
    %dot_general3A_64 = arith.constant dense<0.000000e+00> : vector<2000x128xf32>
    %dot_general3A_65 = tpu.matmul %max3A_58, %get3A_63, %dot_general3A_64 {dimension_numbers = #tpu.dot_dimension_numbers<[1], [0], [0], [1], [0, 0, 1, 1], [], []>, transpose_lhs_hint = false} : vector<2000x128xf32>, vector<128x128xf32>, vector<2000x128xf32> -> vector<2000x128xf32>
    %get3A_66 = arith.constant 0 : index
    %get3A_67 = arith.constant 0 : index
    %get3A_68 = vector.load %arg10[%get3A_66, %get3A_67] : memref<1x128xf32, #tpu.memory_space<vmem>>, vector<1x128xf32>
    %add3A_69 = vector.broadcast %get3A_68 : vector<1x128xf32> to vector<2000x128xf32>
    %add3A_70 = arith.addf %dot_general3A_65, %add3A_69 : vector<2000x128xf32>
    %max3A_71 = arith.constant 0.000000e+00 : f32
    %max3A_72 = vector.broadcast %max3A_71 : f32 to vector<2000x128xf32>
    %max3A_73 = arith.maximumf %add3A_70, %max3A_72 : vector<2000x128xf32>
    %get3A_74 = arith.constant 0 : index
    %get3A_75 = arith.constant 0 : index
    %get3A_76 = vector.load %arg11[%get3A_74, %get3A_75] : memref<128x16xf32, #tpu.memory_space<vmem>>, vector<128x16xf32>
    %dot_general3A_77 = arith.constant dense<0.000000e+00> : vector<2000x16xf32>
    %dot_general3A_78 = tpu.matmul %max3A_73, %get3A_76, %dot_general3A_77 {dimension_numbers = #tpu.dot_dimension_numbers<[1], [0], [0], [1], [0, 0, 1, 1], [], []>, transpose_lhs_hint = false} : vector<2000x128xf32>, vector<128x16xf32>, vector<2000x16xf32> -> vector<2000x16xf32>
    %mul3A_79 = arith.mulf %get3A_1, %dot_general3A_78 : vector<2000x16xf32>
    %get3A_80 = arith.constant 0 : index
    %get3A_81 = arith.constant 0 : index
    %get3A_82 = vector.load %arg15[%get3A_80, %get3A_81] : memref<1x16xf32, #tpu.memory_space<vmem>>, vector<1x16xf32>
    %add3A_83 = vector.broadcast %get3A_82 : vector<1x16xf32> to vector<2000x16xf32>
    %add3A_84 = arith.addf %mul3A_79, %add3A_83 : vector<2000x16xf32>
    %swap3A_85 = arith.constant 0 : index
    %swap3A_86 = arith.constant 0 : index
    %swap3A_87 = vector.load %arg17[%swap3A_85, %swap3A_86] : memref<2000x16xf32, #tpu.memory_space<vmem>>, vector<2000x16xf32>
    tpu.vector_store %arg17[%swap3A_85, %swap3A_86], %add3A_84 {strides = array<i32>} : memref<2000x16xf32, #tpu.memory_space<vmem>>, vector<2000x16xf32>,
    return
  }
  func.func @transform_0(%arg0: i32) -> (i32, i32) {
    %c0_i32 = arith.constant 0 : i32
    %c0_i32_0 = arith.constant 0 : i32
    return %arg0, %c0_i32 : i32, i32
  }
  func.func @transform_1(%arg0: i32) -> (i32, i32) {
    %c0_i32 = arith.constant 0 : i32
    %c0_i32_0 = arith.constant 0 : i32
    return %arg0, %c0_i32 : i32, i32
  }
  func.func @transform_2(%arg0: i32) -> (i32, i32) {
    %c0_i32 = arith.constant 0 : i32
    %c0_i32_0 = arith.constant 0 : i32
    return %arg0, %c0_i32 : i32, i32
  }
  func.func @transform_3(%arg0: i32) -> (i32, i32) {
    %c0_i32 = arith.constant 0 : i32
    %c0_i32_0 = arith.constant 0 : i32
    %c0_i32_1 = arith.constant 0 : i32
    return %c0_i32, %c0_i32_0 : i32, i32
  }
  func.func @transform_4(%arg0: i32) -> (i32, i32) {
    %c0_i32 = arith.constant 0 : i32
    %c0_i32_0 = arith.constant 0 : i32
    %c0_i32_1 = arith.constant 0 : i32
    return %c0_i32, %c0_i32_0 : i32, i32
  }
  func.func @transform_5(%arg0: i32) -> (i32, i32) {
    %c0_i32 = arith.constant 0 : i32
    %c0_i32_0 = arith.constant 0 : i32
    %c0_i32_1 = arith.constant 0 : i32
    return %c0_i32, %c0_i32_0 : i32, i32
  }
  func.func @transform_6(%arg0: i32) -> (i32, i32) {
    %c0_i32 = arith.constant 0 : i32
    %c0_i32_0 = arith.constant 0 : i32
    %c0_i32_1 = arith.constant 0 : i32
    return %c0_i32, %c0_i32_0 : i32, i32
  }
  func.func @transform_7(%arg0: i32) -> (i32, i32) {
    %c0_i32 = arith.constant 0 : i32
    %c0_i32_0 = arith.constant 0 : i32
    %c0_i32_1 = arith.constant 0 : i32
    return %c0_i32, %c0_i32_0 : i32, i32
  }
  func.func @transform_8(%arg0: i32) -> (i32, i32) {
    %c0_i32 = arith.constant 0 : i32
    %c0_i32_0 = arith.constant 0 : i32
    %c0_i32_1 = arith.constant 0 : i32
    return %c0_i32, %c0_i32_0 : i32, i32
  }
  func.func @transform_9(%arg0: i32) -> (i32, i32) {
    %c0_i32 = arith.constant 0 : i32
    %c0_i32_0 = arith.constant 0 : i32
    %c0_i32_1 = arith.constant 0 : i32
    return %c0_i32, %c0_i32_0 : i32, i32
  }
  func.func @transform_10(%arg0: i32) -> (i32, i32) {
    %c0_i32 = arith.constant 0 : i32
    %c0_i32_0 = arith.constant 0 : i32
    %c0_i32_1 = arith.constant 0 : i32
    return %c0_i32, %c0_i32_0 : i32, i32
  }
  func.func @transform_11(%arg0: i32) -> (i32, i32) {
    %c0_i32 = arith.constant 0 : i32
    %c0_i32_0 = arith.constant 0 : i32
    %c0_i32_1 = arith.constant 0 : i32
    return %c0_i32, %c0_i32_0 : i32, i32
  }
  func.func @transform_12(%arg0: i32) -> (i32, i32) {
    %c0_i32 = arith.constant 0 : i32
    %c0_i32_0 = arith.constant 0 : i32
    %c0_i32_1 = arith.constant 0 : i32
    return %c0_i32, %c0_i32_0 : i32, i32
  }
  func.func @transform_13(%arg0: i32) -> (i32, i32) {
    %c0_i32 = arith.constant 0 : i32
    %c0_i32_0 = arith.constant 0 : i32
    %c0_i32_1 = arith.constant 0 : i32
    return %c0_i32, %c0_i32_0 : i32, i32
  }
  func.func @transform_14(%arg0: i32) -> (i32, i32) {
    %c0_i32 = arith.constant 0 : i32
    %c0_i32_0 = arith.constant 0 : i32
    %c0_i32_1 = arith.constant 0 : i32
    return %c0_i32, %c0_i32_0 : i32, i32
  }
  func.func @transform_15(%arg0: i32) -> (i32, i32) {
    %c0_i32 = arith.constant 0 : i32
    %c0_i32_0 = arith.constant 0 : i32
    return %arg0, %c0_i32 : i32, i32
  }
  func.func @transform_16(%arg0: i32) -> (i32, i32) {
    %c0_i32 = arith.constant 0 : i32
    %c0_i32_0 = arith.constant 0 : i32
    return %arg0, %c0_i32 : i32, i32
  }
}

module attributes {stable_mosaic.version = 14 : i64} {
  func.func @_node_body(%arg0: i32, %arg1: memref<2000x128xf32, #tpu.memory_space<vmem>>, %arg2: memref<2000x16xf32, #tpu.memory_space<vmem>>, %arg3: memref<2000x128xf32, #tpu.memory_space<vmem>>, %arg4: memref<2000x128xf32, #tpu.memory_space<vmem>>, %arg5: memref<2000x128xf32, #tpu.memory_space<vmem>>, %arg6: memref<2000x128xf32, #tpu.memory_space<vmem>>, %arg7: memref<128x128xf32, #tpu.memory_space<vmem>>, %arg8: memref<128x128xf32, #tpu.memory_space<vmem>>, %arg9: memref<1x128xf32, #tpu.memory_space<vmem>>, %arg10: memref<128x128xf32, #tpu.memory_space<vmem>>, %arg11: memref<1x128xf32, #tpu.memory_space<vmem>>, %arg12: memref<1x128xf32, #tpu.memory_space<vmem>>, %arg13: memref<128x16xf32, #tpu.memory_space<vmem>>, %arg14: memref<2000x128xf32, #tpu.memory_space<vmem>>, %arg15: memref<2000x16xf32, #tpu.memory_space<vmem>>) attributes {dimension_semantics = [#tpu.dimension_semantics<arbitrary>], iteration_bounds = array<i64: 5>, scalar_prefetch = 0 : i64, scratch_operands = 0 : i64, tpu.core_type = #tpu.core_type<tc>, window_params = [{transform_indices = @transform_0, window_bounds = array<i64: 2000, 128>}, {transform_indices = @transform_1, window_bounds = array<i64: 2000, 16>}, {transform_indices = @transform_2, window_bounds = array<i64: 2000, 128>}, {transform_indices = @transform_3, window_bounds = array<i64: 2000, 128>}, {transform_indices = @transform_4, window_bounds = array<i64: 2000, 128>}, {transform_indices = @transform_5, window_bounds = array<i64: 2000, 128>}, {pipeline_mode = #tpu.pipeline_mode<synchronous>, transform_indices = @transform_6, window_bounds = array<i64: 128, 128>}, {pipeline_mode = #tpu.pipeline_mode<synchronous>, transform_indices = @transform_7, window_bounds = array<i64: 128, 128>}, {pipeline_mode = #tpu.pipeline_mode<synchronous>, transform_indices = @transform_8, window_bounds = array<i64: 1, 128>}, {pipeline_mode = #tpu.pipeline_mode<synchronous>, transform_indices = @transform_9, window_bounds = array<i64: 128, 128>}, {pipeline_mode = #tpu.pipeline_mode<synchronous>, transform_indices = @transform_10, window_bounds = array<i64: 1, 128>}, {pipeline_mode = #tpu.pipeline_mode<synchronous>, transform_indices = @transform_11, window_bounds = array<i64: 1, 128>}, {pipeline_mode = #tpu.pipeline_mode<synchronous>, transform_indices = @transform_12, window_bounds = array<i64: 128, 16>}, {transform_indices = @transform_13, window_bounds = array<i64: 2000, 128>}, {transform_indices = @transform_14, window_bounds = array<i64: 2000, 16>}]} {
    %get3A = arith.constant 0 : index
    %get3A_0 = arith.constant 0 : index
    %get3A_1 = vector.load %arg3[%get3A, %get3A_0] : memref<2000x128xf32, #tpu.memory_space<vmem>>, vector<2000x128xf32>
    %get3A_2 = arith.constant 0 : index
    %get3A_3 = arith.constant 0 : index
    %get3A_4 = vector.load %arg4[%get3A_2, %get3A_3] : memref<2000x128xf32, #tpu.memory_space<vmem>>, vector<2000x128xf32>
    %add3A = arith.addf %get3A_1, %get3A_4 : vector<2000x128xf32>
    %get3A_5 = arith.constant 0 : index
    %get3A_6 = arith.constant 0 : index
    %get3A_7 = vector.load %arg5[%get3A_5, %get3A_6] : memref<2000x128xf32, #tpu.memory_space<vmem>>, vector<2000x128xf32>
    %get3A_8 = arith.constant 0 : index
    %get3A_9 = arith.constant 0 : index
    %get3A_10 = vector.load %arg6[%get3A_8, %get3A_9] : memref<2000x128xf32, #tpu.memory_space<vmem>>, vector<2000x128xf32>
    %add3A_11 = arith.addf %get3A_7, %get3A_10 : vector<2000x128xf32>
    %get3A_12 = arith.constant 0 : index
    %get3A_13 = arith.constant 0 : index
    %get3A_14 = vector.load %arg12[%get3A_12, %get3A_13] : memref<1x128xf32, #tpu.memory_space<vmem>>, vector<1x128xf32>
    %mul3A = vector.broadcast %get3A_14 : vector<1x128xf32> to vector<2000x128xf32>
    %mul3A_15 = arith.mulf %add3A_11, %mul3A : vector<2000x128xf32>
    %reduce_sum3A = arith.constant dense<0.000000e+00> : vector<2000xf32>
    %reduce_sum3A_16 = vector.multi_reduction <add>, %mul3A_15, %reduce_sum3A [1] : vector<2000x128xf32> to vector<2000xf32>
    %broadcast_in_dim3A = vector.shape_cast %reduce_sum3A_16 : vector<2000xf32> to vector<2000x1xf32>
    %get3A_17 = arith.constant 0 : index
    %get3A_18 = arith.constant 0 : index
    %get3A_19 = vector.load %arg13[%get3A_17, %get3A_18] : memref<128x16xf32, #tpu.memory_space<vmem>>, vector<128x16xf32>
    %dot_general3A = arith.constant dense<0.000000e+00> : vector<2000x16xf32>
    %dot_general3A_20 = tpu.matmul %add3A_11, %get3A_19, %dot_general3A {dimension_numbers = #tpu.dot_dimension_numbers<[1], [0], [0], [1], [0, 0, 1, 1], [], []>, transpose_lhs_hint = false} : vector<2000x128xf32>, vector<128x16xf32>, vector<2000x16xf32> -> vector<2000x16xf32>
    %get3A_21 = arith.constant 0 : index
    %get3A_22 = arith.constant 0 : index
    %get3A_23 = vector.load %arg2[%get3A_21, %get3A_22] : memref<2000x16xf32, #tpu.memory_space<vmem>>, vector<2000x16xf32>
    %max3A = arith.constant 1.000000e+00 : f32
    %max3A_24 = vector.broadcast %max3A : f32 to vector<2000x1xf32>
    %max3A_25 = arith.maximumf %broadcast_in_dim3A, %max3A_24 : vector<2000x1xf32>
    %div3A = arith.constant 1.000000e+00 : f32
    %div3A_26 = vector.broadcast %div3A : f32 to vector<2000x1xf32>
    %div3A_27 = arith.divf %div3A_26, %max3A_25 : vector<2000x1xf32>
    %mul3A_28 = vector.broadcast %div3A_27 : vector<2000x1xf32> to vector<2000x16xf32>
    %mul3A_29 = arith.mulf %dot_general3A_20, %mul3A_28 : vector<2000x16xf32>
    %add3A_30 = arith.addf %get3A_23, %mul3A_29 : vector<2000x16xf32>
    %swap3A = arith.constant 0 : index
    %swap3A_31 = arith.constant 0 : index
    %swap3A_32 = vector.load %arg15[%swap3A, %swap3A_31] : memref<2000x16xf32, #tpu.memory_space<vmem>>, vector<2000x16xf32>
    tpu.vector_store %arg15[%swap3A, %swap3A_31], %add3A_30 {strides = array<i32>} : memref<2000x16xf32, #tpu.memory_space<vmem>>, vector<2000x16xf32>,
    %get3A_33 = arith.constant 0 : index
    %get3A_34 = arith.constant 0 : index
    %get3A_35 = vector.load %arg1[%get3A_33, %get3A_34] : memref<2000x128xf32, #tpu.memory_space<vmem>>, vector<2000x128xf32>
    %get3A_36 = arith.constant 0 : index
    %get3A_37 = arith.constant 0 : index
    %get3A_38 = vector.load %arg7[%get3A_36, %get3A_37] : memref<128x128xf32, #tpu.memory_space<vmem>>, vector<128x128xf32>
    %dot_general3A_39 = arith.constant dense<0.000000e+00> : vector<2000x128xf32>
    %dot_general3A_40 = tpu.matmul %get3A_35, %get3A_38, %dot_general3A_39 {dimension_numbers = #tpu.dot_dimension_numbers<[1], [0], [0], [1], [0, 0, 1, 1], [], []>, transpose_lhs_hint = false} : vector<2000x128xf32>, vector<128x128xf32>, vector<2000x128xf32> -> vector<2000x128xf32>
    %get3A_41 = arith.constant 0 : index
    %get3A_42 = arith.constant 0 : index
    %get3A_43 = vector.load %arg8[%get3A_41, %get3A_42] : memref<128x128xf32, #tpu.memory_space<vmem>>, vector<128x128xf32>
    %dot_general3A_44 = arith.constant dense<0.000000e+00> : vector<2000x128xf32>
    %dot_general3A_45 = tpu.matmul %add3A, %get3A_43, %dot_general3A_44 {dimension_numbers = #tpu.dot_dimension_numbers<[1], [0], [0], [1], [0, 0, 1, 1], [], []>, transpose_lhs_hint = false} : vector<2000x128xf32>, vector<128x128xf32>, vector<2000x128xf32> -> vector<2000x128xf32>
    %add3A_46 = arith.addf %dot_general3A_40, %dot_general3A_45 : vector<2000x128xf32>
    %get3A_47 = arith.constant 0 : index
    %get3A_48 = arith.constant 0 : index
    %get3A_49 = vector.load %arg9[%get3A_47, %get3A_48] : memref<1x128xf32, #tpu.memory_space<vmem>>, vector<1x128xf32>
    %add3A_50 = vector.broadcast %get3A_49 : vector<1x128xf32> to vector<2000x128xf32>
    %add3A_51 = arith.addf %add3A_46, %add3A_50 : vector<2000x128xf32>
    %max3A_52 = arith.constant 0.000000e+00 : f32
    %max3A_53 = vector.broadcast %max3A_52 : f32 to vector<2000x128xf32>
    %max3A_54 = arith.maximumf %add3A_51, %max3A_53 : vector<2000x128xf32>
    %get3A_55 = arith.constant 0 : index
    %get3A_56 = arith.constant 0 : index
    %get3A_57 = vector.load %arg10[%get3A_55, %get3A_56] : memref<128x128xf32, #tpu.memory_space<vmem>>, vector<128x128xf32>
    %dot_general3A_58 = arith.constant dense<0.000000e+00> : vector<2000x128xf32>
    %dot_general3A_59 = tpu.matmul %max3A_54, %get3A_57, %dot_general3A_58 {dimension_numbers = #tpu.dot_dimension_numbers<[1], [0], [0], [1], [0, 0, 1, 1], [], []>, transpose_lhs_hint = false} : vector<2000x128xf32>, vector<128x128xf32>, vector<2000x128xf32> -> vector<2000x128xf32>
    %add3A_60 = arith.addf %get3A_35, %dot_general3A_59 : vector<2000x128xf32>
    %get3A_61 = arith.constant 0 : index
    %get3A_62 = arith.constant 0 : index
    %get3A_63 = vector.load %arg11[%get3A_61, %get3A_62] : memref<1x128xf32, #tpu.memory_space<vmem>>, vector<1x128xf32>
    %add3A_64 = vector.broadcast %get3A_63 : vector<1x128xf32> to vector<2000x128xf32>
    %add3A_65 = arith.addf %add3A_60, %add3A_64 : vector<2000x128xf32>
    %swap3A_66 = arith.constant 0 : index
    %swap3A_67 = arith.constant 0 : index
    %swap3A_68 = vector.load %arg14[%swap3A_66, %swap3A_67] : memref<2000x128xf32, #tpu.memory_space<vmem>>, vector<2000x128xf32>
    tpu.vector_store %arg14[%swap3A_66, %swap3A_67], %add3A_65 {strides = array<i32>} : memref<2000x128xf32, #tpu.memory_space<vmem>>, vector<2000x128xf32>,
    return
  }
  func.func @transform_0(%arg0: i32) -> (i32, i32) {
    %c0_i32 = arith.constant 0 : i32
    %c0_i32_0 = arith.constant 0 : i32
    return %arg0, %c0_i32 : i32, i32
  }
  func.func @transform_1(%arg0: i32) -> (i32, i32) {
    %c0_i32 = arith.constant 0 : i32
    %c0_i32_0 = arith.constant 0 : i32
    return %arg0, %c0_i32 : i32, i32
  }
  func.func @transform_2(%arg0: i32) -> (i32, i32) {
    %c0_i32 = arith.constant 0 : i32
    %c0_i32_0 = arith.constant 0 : i32
    return %arg0, %c0_i32 : i32, i32
  }
  func.func @transform_3(%arg0: i32) -> (i32, i32) {
    %c0_i32 = arith.constant 0 : i32
    %c0_i32_0 = arith.constant 0 : i32
    return %arg0, %c0_i32 : i32, i32
  }
  func.func @transform_4(%arg0: i32) -> (i32, i32) {
    %c0_i32 = arith.constant 0 : i32
    %c0_i32_0 = arith.constant 0 : i32
    return %arg0, %c0_i32 : i32, i32
  }
  func.func @transform_5(%arg0: i32) -> (i32, i32) {
    %c0_i32 = arith.constant 0 : i32
    %c0_i32_0 = arith.constant 0 : i32
    return %arg0, %c0_i32 : i32, i32
  }
  func.func @transform_6(%arg0: i32) -> (i32, i32) {
    %c0_i32 = arith.constant 0 : i32
    %c0_i32_0 = arith.constant 0 : i32
    %c0_i32_1 = arith.constant 0 : i32
    return %c0_i32, %c0_i32_0 : i32, i32
  }
  func.func @transform_7(%arg0: i32) -> (i32, i32) {
    %c0_i32 = arith.constant 0 : i32
    %c0_i32_0 = arith.constant 0 : i32
    %c0_i32_1 = arith.constant 0 : i32
    return %c0_i32, %c0_i32_0 : i32, i32
  }
  func.func @transform_8(%arg0: i32) -> (i32, i32) {
    %c0_i32 = arith.constant 0 : i32
    %c0_i32_0 = arith.constant 0 : i32
    %c0_i32_1 = arith.constant 0 : i32
    return %c0_i32, %c0_i32_0 : i32, i32
  }
  func.func @transform_9(%arg0: i32) -> (i32, i32) {
    %c0_i32 = arith.constant 0 : i32
    %c0_i32_0 = arith.constant 0 : i32
    %c0_i32_1 = arith.constant 0 : i32
    return %c0_i32, %c0_i32_0 : i32, i32
  }
  func.func @transform_10(%arg0: i32) -> (i32, i32) {
    %c0_i32 = arith.constant 0 : i32
    %c0_i32_0 = arith.constant 0 : i32
    %c0_i32_1 = arith.constant 0 : i32
    return %c0_i32, %c0_i32_0 : i32, i32
  }
  func.func @transform_11(%arg0: i32) -> (i32, i32) {
    %c0_i32 = arith.constant 0 : i32
    %c0_i32_0 = arith.constant 0 : i32
    %c0_i32_1 = arith.constant 0 : i32
    return %c0_i32, %c0_i32_0 : i32, i32
  }
  func.func @transform_12(%arg0: i32) -> (i32, i32) {
    %c0_i32 = arith.constant 0 : i32
    %c0_i32_0 = arith.constant 0 : i32
    %c0_i32_1 = arith.constant 0 : i32
    return %c0_i32, %c0_i32_0 : i32, i32
  }
  func.func @transform_13(%arg0: i32) -> (i32, i32) {
    %c0_i32 = arith.constant 0 : i32
    %c0_i32_0 = arith.constant 0 : i32
    return %arg0, %c0_i32 : i32, i32
  }
  func.func @transform_14(%arg0: i32) -> (i32, i32) {
    %c0_i32 = arith.constant 0 : i32
    %c0_i32_0 = arith.constant 0 : i32
    return %arg0, %c0_i32 : i32, i32
  }
}

</mosaic_0001>

<sc_bundles>
// kernel: kernel.11.cloned.1.call-start
scs
__scs_entry_jumppad:
0x0: {  	(pc) =	sbr.rel $0x88, $3  }
0x1: {  	(tag) =	ssettag $0x0;
	lr =	simm.s32 $0x1  }
0x2: {  	[smem:$0x3F92] =	sst lr;
	_ =	strace $0xD0000000  }
0x3: {  	_ = 	snop  }
0x4: {  	_ = 	snop  }
0x5: {  	_ = 	snop  }
0x6: {  	_ = 	snop  }
0x7: {  	_ = 	snop  }
__scs_overlays_trampoline_lowered:
0x8: {  	[smem:$0x3FA1] =	sst s0  }
0x9: {  	[smem:$0x3FA2] =	sst s1  }
0xa: {  	[smem:$0x3FA3] =	sst s2  }
0xb: {  	[smem:$0x3FA4] =	sst s3  }
0xc: {  	[smem:$0x3FA5] =	sst s4  }
0xd: {  	[smem:$0x3FA6] =	sst s5  }
0xe: {  	[smem:$0x3FA7] =	sst s6  }
0xf: {  	[smem:$0x3FA8] =	sst s7  }
0x10: {  	[smem:$0x3FA9] =	sst s8  }
0x11: {  	[smem:$0x3FAA] =	sst s9;
	s0 =	simm.s32 @!p0 $0x0  }
0x12: {  	s1 =	sld [smem:$0x3F90];
	s0 =	simm.s32 @p0 $0x1  }
0x13: {  	[smem:$0x3FAB] =	sst s0;
	s0 =	simm.s32 @!p1 $0x0  }
0x14: {  	s2 =	sld [smem:$0x3F8F];
	s0 =	simm.s32 @p1 $0x1  }
0x15: {  	[smem:$0x3FAC] =	sst s0;
	s0 =	simm.s32 @!p2 $0x0  }
0x16: {  	s3 =	sld [smem:$0x3FDB];
	s0 =	simm.s32 @p2 $0x1  }
0x17: {  	s4 =	simm.s32 $0x1BF5;
	[smem:$0x3FAE] =	sst s0  }
0x18: {  	s0 =	sld [smem:$0x3F91];
	_ =	swait.ge [sflag:s4], $0x0  }
0x19: {  	s7 =	sld [smem:$0x3F92]  }
0x1a: {  	s8 =	sadd.s32 $0xFFFFE003, lr  }
0x1b: {  	s9 =	sadd.s32 $0xFFFFFEF7, lr;
	s5 =	simm.s32 $0xFFFFFFFF;
	p2 =	slt.u32 s8, $0xFFFFF086  }
0x1c: {  	p1 =	slt.u32 s9, $0xF7A;
	s5 =	simm.s32 @!p2 $0x0  }
0x1d: {  	s5 =	simm.s32 @p1 $0x1;
	p0 =	seq.s32 s7, s2  }
0x1e: {  	s7 =	smul.u32 @!p0 $0xF7A, s2;
	p2 =	seq.s32 @!p0 s5, $0x0  }
0x1f: {  	s9 =	smul.u32 $0xF7A, s1;
	s8 =	simm.s32 @!p0 $0x1BF5;
	p2 =	por !p2, p0  }
0x20: {  	[sflag:s8] =	ssyncset.s32 @!p0 $0xFFFFF086;
	s6 =	sadd.s32 @!p0 s3, s7;
	s7 =	simm.s32 @!p0 $0x108  }
0x21: {  	s3 =	sadd.s32 s3, s9;
	s6 =	sadd.s32 @!p0 $0x88, s6;
	s7 =	simm.s32 @p2 $0x1082  }
0x22: {  	[simem:s7], [sflag:s8] =	dma.local @!p0 [hbm:s6], $0xF7A  }
0x23: {  	s9 =	sor.u32 $0xD0000000, s2;
	s6 =	simm.s32 $0x108;
	_ =	swait.ge @!p0 [sflag:s8], $0x0  }
0x24: {  	s3 =	sadd.s32 $0x88, s3;
	s6 =	simm.s32 @!p1 $0x1082;
	[sflag:s4] =	ssyncset.s32 $0xFFFFF086  }
0x25: {  	[simem:s6], [sflag:s4] =	dma.local [hbm:s3], $0xF7A  }
0x26: {  	[smem:$0x3F92] =	sst s1;
	(tag) =	ssettag s2;
	_ =	strace s9  }
0x27: {  	s1 =	sld [smem:$0x3FA2]  }
0x28: {  	s2 =	sld [smem:$0x3FA3]  }
0x29: {  	s4 =	sld [smem:$0x3FA5]  }
0x2a: {  	p0 =	seq.s32 s5, $0x0;
	s5 =	sld [smem:$0x3FA6]  }
0x2b: {  	s6 =	sld [smem:$0x3FA7]  }
0x2c: {  	s7 =	sld [smem:$0x3FA8]  }
0x2d: {  	s3 =	simm.s32 $0x108;
	s8 =	sld [smem:$0x3FA9]  }
0x2e: {  	s3 =	simm.s32 @!p0 $0x1082;
	s9 =	sld [smem:$0x3FAA]  }
0x2f: {  	lr =	sadd.s32 s0, s3;
	s0 =	sld [smem:$0x3FA1]  }
0x30: {  	s3 =	sld [smem:$0x3FA4]  }
0x31: {  	[smem:$0x3FAD] =	sst s10  }
0x32: {  	s10 =	sld [smem:$0x3FAB];
	_ =	sdelay $0x3  }
0x33: {  	p0 =	seq.s32 s10, $0x1;
	s10 =	sld [smem:$0x3FAD];
	_ =	sdelay $0x3  }
0x34: {  	[smem:$0x3FAD] =	sst s10  }
0x35: {  	s10 =	sld [smem:$0x3FAC];
	_ =	sdelay $0x3  }
0x36: {  	p1 =	seq.s32 s10, $0x1;
	s10 =	sld [smem:$0x3FAD];
	_ =	sdelay $0x3  }
0x37: {  	[smem:$0x3FAD] =	sst s10  }
0x38: {  	s10 =	sld [smem:$0x3FAE]  }
0x39: {  	_ = 	snop;
	(pc) =	sbr.ind lr, $3  }
0x3a: {  	_ = 	snop  }
0x3b: {  	_ = 	snop  }
0x3c: {  	p2 =	seq.s32 s10, $0x1;
	s10 =	sld [smem:$0x3FAD]  }
0x3d: {  	_ =	shalt  }
0x3e: {  	_ =	shalt  }
0x3f: {  	_ =	shalt  }
0x40: {  	_ =	shalt  }
0x41: {  	_ =	shalt  }
0x42: {  	_ =	shalt  }
0x43: {  	_ =	shalt  }
0x44: {  	_ =	shalt  }
0x45: {  	_ =	shalt  }
0x46: {  	_ =	shalt  }
0x47: {  	_ =	shalt  }
0x48: {  	_ =	shalt  }
0x49: {  	_ =	shalt  }
0x4a: {  	_ =	shalt  }
0x4b: {  	_ =	shalt  }
0x4c: {  	_ =	shalt  }
0x4d: {  	_ =	shalt  }
0x4e: {  	_ =	shalt  }
0x4f: {  	_ =	shalt  }
0x50: {  	_ =	shalt  }
0x51: {  	_ =	shalt  }
0x52: {  	_ =	shalt  }
0x53: {  	_ =	shalt  }
0x54: {  	_ =	shalt  }
0x55: {  	_ =	shalt  }
0x56: {  	_ =	shalt  }
0x57: {  	_ =	shalt  }
0x58: {  	_ =	shalt  }
0x59: {  	_ =	shalt  }
0x5a: {  	_ =	shalt  }
0x5b: {  	_ =	shalt  }
0x5c: {  	_ =	shalt  }
0x5d: {  	_ =	shalt  }
0x5e: {  	_ =	shalt  }
0x5f: {  	_ =	shalt  }
0x60: {  	_ =	shalt  }
0x61: {  	_ =	shalt  }
0x62: {  	_ =	shalt  }
0x63: {  	_ =	shalt  }
0x64: {  	_ =	shalt  }
0x65: {  	_ =	shalt  }
0x66: {  	_ =	shalt  }
0x67: {  	_ =	shalt  }
0x68: {  	_ =	shalt  }
0x69: {  	_ =	shalt  }
0x6a: {  	_ =	shalt  }
0x6b: {  	_ =	shalt  }
0x6c: {  	_ =	shalt  }
0x6d: {  	_ =	shalt  }
0x6e: {  	_ =	shalt  }
0x6f: {  	_ =	shalt  }
0x70: {  	_ =	shalt  }
0x71: {  	_ =	shalt  }
0x72: {  	_ =	shalt  }
0x73: {  	_ =	shalt  }
0x74: {  	_ =	shalt  }
0x75: {  	_ =	shalt  }
0x76: {  	_ =	shalt  }
0x77: {  	_ =	shalt  }
0x78: {  	_ =	shalt  }
0x79: {  	_ =	shalt  }
0x7a: {  	_ =	shalt  }
0x7b: {  	_ =	shalt  }
0x7c: {  	_ =	shalt  }
0x7d: {  	_ =	shalt  }
0x7e: {  	_ =	shalt  }
0x7f: {  	_ =	shalt  }
0x80: {  	_ =	shalt  }
0x81: {  	_ =	shalt  }
0x82: {  	_ =	shalt  }
0x83: {  	_ =	shalt  }
0x84: {  	_ =	shalt  }
0x85: {  	_ =	shalt  }
0x86: {  	_ =	shalt  }
0x87: {  	_ =	shalt  }
.Lfunc_end0:
.L_simem_size_0:
called_computation_lowered:
.L_overlay_start_0:
0x88: {  	s2 =	sld [smem:$0x3FD9]  }
0x89: {  	s3 =	sld [smem:$0x3FFE];
	_ =	sdelay $0x1  }
0x8a: {  	s1 =	srdreg.scid  }
0x8b: {  	s0 =	sand.u32 $0x1, s1  }
0x8c: {  	s14 =	sshll.u32 s0, $0xA;
	s2 =	sadd.s32 s3, s2  }
0x8d: {  	s2 =	sadd.s32 s2, s14  }
0x8e: {  	[smem:$0x3FB9] =	sst s2  }
0x8f: {  	_ = 	snop  }
0x90: {  	s2 =	sld [smem:$0x3FD0];
	_ =	sdelay $0x2  }
0x91: {  	s15 =	simm.s32 $0xB;
	s4 =	simm.s32 $0x10  }
0x92: {  	[smem:s4], [sflag:s15] =	dma.local [hbm:s2], $0x1  }
0x93: {  	_ =	swait.eq [sflag:s15], $0x1  }
0x94: {  	[sflag:s15] =	ssyncset.done $0x0  }
0x95: {  	[sflag:s15] =	ssyncadd.s32 $0xFFFFFFFF  }
0x96: {  	s16 =	sld [smem:$0x10];
	(tm) =	ssettm $0x1  }
0x97: {  	s17 =	sld [smem:$0x3FFB];
	_ =	sdelay $0x3  }
0x98: {  	_ =	strace s17  }
0x99: {  	s3 =	sld [smem:$0x3FFC];
	_ =	sdelay $0x3  }
0x9a: {  	_ =	strace s3  }
0x9b: {  	s3 =	sld [smem:$0x3FFD];
	_ =	sdelay $0x3  }
0x9c: {  	_ =	strace s3  }
0x9d: {  	_ =	strace $0x8FFFFFFF  }
0x9e: {  	s18 =	sld [smem:$0x3FDB];
	_ =	sdelay $0x1  }
0x9f: {  	s19 =	simm.s32 $_scs_section_size  }
0xa0: {  	s5 =	simm.s32 $_size__tile_overlayer_lowered;
	s6 =	simm.s32 $_tile_overlayer_lowered  }
0xa1: {  	s22 =	simm.s32 $0x1BFF;
	s21 =	sshll.u32 s6, $0x1;
	s3 =	sadd.s32 s19, s18  }
0xa2: {  	s7 =	simm.s32 $0x0;
	s20 =	sshll.u32 s5, $0x1;
	s5 =	sadd.s32 s21, s3  }
0xa3: {  	[timem:s7], [sflag:s22] =	dma.local [hbm:s5], s20  }
0xa4: {  	_ =	swait.ge [sflag:s22], s20  }
0xa5: {  	s4 =	ssub.s32 $0x0, s20;
	[sflag:s22] =	ssyncset.done $0x0  }
0xa6: {  	[sflag:s22] =	ssyncadd.s32 s4;
	_ =	sdelay $0x1  }
0xa7: {  	s23 =	simm.s32 $0x1B8B  }
0xa8: {  	_ =	swait.ge [sflag:s23], $0x1  }
0xa9: {  	[sflag:s23] =	ssyncset.done $0x0  }
0xaa: {  	s25 =	simm.s32 $0x1B8E;
	s24 =	sld [smem:$0x3FFE];
	[sflag:s23] =	ssyncadd.s32 $0xFFFFFFFF  }
0xab: {  	s26 =	simm.s32 $execute0_lowered;
	[smem:$0x3FD2] =	sst s25  }
0xac: {  	s5 =	sshll.u32 s26, $0x1;
	_ =	strace $0x80000046;
	[dreg:$0x1] =	wrdreg $0xFFFFFFFF  }
0xad: {  	s28 =	simm.s32 $_size_execute0_lowered;
	s3 =	sadd.s32 s3, s5;
	[dreg:$0x0] =	wrdreg $0x0  }
0xae: {  	s5 =	sshll.u32 s28, $0x1;
	[dreg:$0x2] =	wrdreg s3  }
0xaf: {  	[dreg:$0x3] =	wrdreg s5  }
0xb0: {  	[dreg:$0x4] =	wrdreg $0xC0  }
0xb1: {  	_ =	task [dreg:s7], $0x5FFFF  }
0xb2: {  	[dreg:$0x1] =	wrdreg $0xFFFFFFFF  }
0xb3: {  	[dreg:$0x0] =	wrdreg $0x60  }
0xb4: {  	[dreg:$0x2] =	wrdreg s24  }
0xb5: {  	[dreg:$0x3] =	wrdreg s16  }
0xb6: {  	[dreg:$0x4] =	wrdreg $0xA  }
0xb7: {  	_ =	task.clear_ibuf [dreg:s7], $0x5FFFF;
	_ =	strace $0x90000046  }
0xb8: {  	s29 =	simm.s32 $0xA;
	_ =	strace $0x80000048  }
0xb9: {  	_ =	swait.ge [sflag:s29], $0x1  }
0xba: {  	[sflag:s29] =	ssyncadd.s32 $0xFFFFFFFF  }
0xbb: {  	_ =	strace $0x90000048  }
0xbc: {  	_ =	sfence  }
0xbd: {  	s30 =	sld [smem:$0x0];
	_ =	sdelay $0x2  }
0xbe: {  	s31 =	sshll.u32 s1, $0xD;
	s1 =	sshrl.u32 s1, $0x2  }
0xbf: {  	s3 =	sand.u32 $0x4000, s31;
	s1 =	sadd.s32 s1, s30  }
0xc0: {  	s0 =	sor.u32 s3, s0;
	s1 =	sshll.u32 s1, $0x11  }
0xc1: {  	s0 =	sor.u32 s1, s0  }
0xc2: {  	s0 =	sadd.s32 $0x8F2B, s0  }
0xc3: {  	[sflag:s0] =	ssyncadd.remote.s32 $0x1  }
0xc4: {  	_ =	sfence.sel $0xFFFF  }
0xc5: {  	[dreg:$0x0] =	wrdreg $0xFFFFFFFF;
	(pc) =	sbr.abs _section_cstart, $3  }
0xc6: {  	[dreg:$0x1] =	wrdreg $0xFFFFFFFF  }
0xc7: {  	_ =	task.clear_ibuf [dreg:s7], $0x2FFFF;
	_ =	strace $0x9FFFFFFF  }
0xc8: {  	(tm) =	ssettm $0x7FFFFFFF  }
0xc9: {  	_ =	shalt  }
tec
execute0_lowered:
.L_overlay_start_1:
0x0: {  	(tag) =	ssettag $0x1  }
0x1: {  	s0 =	srdreg.scid;
	s8 =	rddreg [dreg:$0x0]  }
0x2: {  	s1 =	stileid.u32;
	s2 =	rddreg [dreg:$0x1];
	s4 =	simm.s32 $0x0  }
0x3: {  	s12 =	simm.s32 $0x9;
	s13 =	simm.s32 $0x2780;
	s14 =	simm.s32 $0x40  }
0x4: {  	s15 =	simm.s32 $0x4F00;
	s19 =	simm.s32 $0x1;
	s20 =	simm.s32 $0x3  }
0x5: {  	s21 =	simm.s32 $0xA;
	s22 =	simm.s32 $0x5;
	s23 =	simm.s32 $0x7  }
0x6: {  	s24 =	simm.s32 $0x14F00;
	s25 =	simm.s32 $0x2;
	s28 =	simm.s32 $0x6F00  }
0x7: {  	s29 =	simm.s32 $0x6;
	s0 =	sand.u32 $0x1, s0;
	s1 =	sshll.u32 s1, $0x1  }
0x8: {  	s30 =	simm.s32 $0x8;
	s31 =	simm.s32 $0x15300;
	s1 =	sor.u32 s0, s1  }
0x9: {  	[smem:$0x7FF] =	sst s4;
	s0 =	ssub.s32 $0x2, s0;
	s3 =	smul.u32 $0x2710, s1  }
0xa: {  	s5 =	sadd.s32 $0xE1E00, s8;
	s6 =	sadd.s32 $0xAC00, s8;
	s9 =	sshrl.u32 s0, $0x1  }
.Ltmp0:
0xb: {  	s0 =	ssub.s32 s0, s9;
	s1 =	sshrl.u32 s3, $0x3;
	(pc) =	sbr.rel .LBB2_1-.Ltmp0, $4  }
0xc: {  	s7 =	sadd.s32 $0x1F3800, s8;
	s0 =	smax.u32 s0, $0x1;
	s1 =	sadd.s32 s1, s8  }
0xd: {  	_ =	strace $0x80000047;
	[dreg:$0x5] =	wrdreg s0;
	s26 =	sadd.s32 $0xD8000, s1  }
0xe: {  	s8 =	sadd.s32 $0x157400, s8;
	s1 =	sadd.s32 $0xCE200, s1;
	[dreg:$0x3] =	wrdreg s26  }
0xf: {  	[dreg:$0x4] =	wrdreg s1;
	s26 =	simm.s32 $0x4;
	s1 =	simm.s32 $0x0  }
.LBB2_13:
0x10: {  	s1 =	sadd.s32 $0x1, s1;
	s0 =	rddreg [dreg:$0x5]  }
0x11: {  	p0 =	sne.s32 s1, s0  }
.Ltmp1:
0x12: {  	_ = 	snop;
	(pc) =	sbr.rel @!p0 .LBB2_14-.Ltmp1, $1  }
0x13: {  	_ =	sdelay $0x3  }
.LBB2_1:
0x14: {  	s0 =	rddreg [dreg:$0x3]  }
0x15: {  	[tilespmem:s4], [sflag:$0x9] =	stream.linear.gather [hbm4b:s0+s4], $0x2710, $0x38;
	[tilespmem:$0x15700] =	vst v63  }
0x16: {  	_ =	swait.ge [sflag:s12], $0x2710  }
0x17: {  	[sflag:s12] =	ssyncset.done $0x0  }
0x18: {  	s11 =	rddreg [dreg:$0x4];
	[sflag:s12] =	ssyncadd.s32 $0xFFFFD8F0  }
0x19: {  	[tilespmem:s13], [sflag:$0x9] =	stream.linear.gather [hbm4b:s11+s4], $0x2710, $0x38;
	[tilespmem:$0x15700] =	vst v63  }
0x1a: {  	_ =	swait.ge [sflag:s12], $0x2710  }
0x1b: {  	[sflag:s12] =	ssyncset.done $0x0  }
0x1c: {  	[sflag:s12] =	ssyncadd.s32 $0xFFFFD8F0  }
0x1d: {  	[tilespmem:s15], [sflag:$0x1] =	stream.indirect.gather [hbm4b:s2+s14], $0x80, s4, s14, $0xb8;
	[tilespmem:$0x15700] =	vst v63  }
0x1e: {  	s16 =	simm.s32 $0x8F00  }
0x1f: {  	[tilespmem:s16], [sflag:$0x3] =	stream.indirect.gather [hbm4b:s5+s14], $0x80, s13, s14, $0xb8;
	[tilespmem:$0x15700] =	vst v63  }
.Ltmp2:
0x20: {  	_ = 	snop;
	(pc) =	sbr.rel .LBB2_2-.Ltmp2, $4  }
0x21: {  	s17 =	simm.s32 $0xCF00  }
0x22: {  	[tilespmem:s17], [sflag:$0x5] =	stream.indirect.gather [hbm4b:s6+s14], $0x80, s4, s14, $0xb8;
	[tilespmem:$0x15700] =	vst v63  }
0x23: {  	s18 =	simm.s32 $0x10F00;
	s0 =	simm.s32 $0x0  }
0x24: {  	[tilespmem:s18], [sflag:$0x7] =	stream.indirect.gather [hbm4b:s6+s14], $0x80, s13, s14, $0xb8;
	[tilespmem:$0x15700] =	vst v63  }
.LBB2_12:
0x25: {  	s0 =	sadd.s32 $0x1, s0  }
0x26: {  	p0 =	sne.s32 s0, $0x4F  }
.Ltmp3:
0x27: {  	_ = 	snop;
	(pc) =	sbr.rel @!p0 .LBB2_13-.Ltmp3, $1  }
0x28: {  	_ =	sdelay $0x3  }
.LBB2_2:
0x29: {  	s16 =	sshllo.u32 s0, $0x1  }
0x2a: {  	p0 =	sgt.u32 s16, $0x9C  }
0x2b: {  	s9 =	sshll.u32 @!p0 s16, $0x6  }
0x2c: {  	s10 =	simm.s32 @!p0 $0x40;
	s11 =	simm.s32 @!p0 $0x6F00;
	s9 =	smin.u32 @!p0 s9, $0x26D0  }
0x2d: {  	[tilespmem:s11], [sflag:$0x2] =	stream.indirect.gather @!p0 [hbm4b:s2+s10], $0x80, s9, s10, $0xb8;
	[tilespmem:$0x15700] =	vst v63  }
0x2e: {  	s17 =	simm.s32 @!p0 $0xAF00;
	s11 =	sadd.s32 @!p0 $0x2780, s9  }
0x2f: {  	[tilespmem:s17], [sflag:$0x4] =	stream.indirect.gather @!p0 [hbm4b:s5+s10], $0x80, s11, s10, $0xb8;
	[tilespmem:$0x15700] =	vst v63  }
0x30: {  	s17 =	simm.s32 @!p0 $0xEF00  }
0x31: {  	[tilespmem:s17], [sflag:$0x6] =	stream.indirect.gather @!p0 [hbm4b:s6+s10], $0x80, s9, s10, $0xb8;
	[tilespmem:$0x15700] =	vst v63  }
0x32: {  	s9 =	simm.s32 @!p0 $0x12F00  }
0x33: {  	[tilespmem:s9], [sflag:$0x8] =	stream.indirect.gather @!p0 [hbm4b:s6+s10], $0x80, s11, s10, $0xb8;
	[tilespmem:$0x15700] =	vst v63  }
0x34: {  	_ =	swait.ge [sflag:s19], $0x2000  }
0x35: {  	[sflag:s19] =	ssyncset.done $0x0  }
0x36: {  	[sflag:s19] =	ssyncadd.s32 $0xFFFFE000  }
0x37: {  	_ =	swait.ge [sflag:s20], $0x2000  }
0x38: {  	[sflag:s20] =	ssyncset.done $0x0  }
0x39: {  	s17 =	simm.s32 $0x0;
	[sflag:s20] =	ssyncadd.s32 $0xFFFFE000  }
0x3a: {  	v6 =	vld [tilespmem:s17+$0x8F00]  }
0x3b: {  	v11 =	vld [tilespmem:s17+$0x8F10]  }
0x3c: {  	v5 =	vld [tilespmem:s17+$0x8F20]  }
0x3d: {  	v4 =	vld [tilespmem:s17+$0x8F30]  }
0x3e: {  	v3 =	vld [tilespmem:s17+$0x8F40]  }
0x3f: {  	v2 =	vld [tilespmem:s17+$0x8F50]  }
0x40: {  	v1 =	vld [tilespmem:s17+$0x8F60]  }
0x41: {  	v0 =	vld [tilespmem:s17+$0x8F70]  }
0x42: {  	v12 =	vld [tilespmem:s17+$0x4F00]  }
0x43: {  	v13 =	vld [tilespmem:s17+$0x4F10]  }
0x44: {  	v10 =	vld [tilespmem:s17+$0x4F20]  }
0x45: {  	v9 =	vld [tilespmem:s17+$0x4F30]  }
0x46: {  	v8 =	vld [tilespmem:s17+$0x4F40]  }
0x47: {  	v7 =	vld [tilespmem:s17+$0x4F50];
	v12 =	vadd.f32 v6, v12  }
0x48: {  	s18 =	simm.s32 $0x200;
	v11 =	vadd.f32 v11, v13;
	v6 =	vld [tilespmem:s17+$0x4F60]  }
.LBB2_3:
0x49: {  	s9 =	sshra.s32 s18, $0x2;
	p1 =	sne.s32 s18, $0x7E00;
	[tilespmem:s17+$0x4F00] =	vst v12;
	v5 =	vadd.f32 v5, v10;
	v10 =	vld [tilespmem:s17+$0x4F70]  }
0x4a: {  	v12 =	vld [tilespmem:s9+$0x8F00];
	[tilespmem:s17+$0x4F10] =	vst v11;
	v4 =	vadd.f32 v4, v9  }
0x4b: {  	v11 =	vld [tilespmem:s9+$0x8F10];
	[tilespmem:s17+$0x4F20] =	vst v5;
	v3 =	vadd.f32 v3, v8  }
0x4c: {  	v5 =	vld [tilespmem:s9+$0x8F20];
	[tilespmem:s17+$0x4F30] =	vst v4;
	v2 =	vadd.f32 v2, v7  }
0x4d: {  	v4 =	vld [tilespmem:s9+$0x8F30];
	[tilespmem:s17+$0x4F40] =	vst v3;
	v1 =	vadd.f32 v1, v6  }
0x4e: {  	v3 =	vld [tilespmem:s9+$0x8F40];
	[tilespmem:s17+$0x4F50] =	vst v2;
	v0 =	vadd.f32 v0, v10  }
0x4f: {  	v2 =	vld [tilespmem:s9+$0x8F50];
	[tilespmem:s17+$0x4F60] =	vst v1  }
0x50: {  	v1 =	vld [tilespmem:s9+$0x8F60];
	[tilespmem:s17+$0x4F70] =	vst v0;
	s17 =	smov.u32 s9  }
0x51: {  	v0 =	vld [tilespmem:s17+$0x8F70]  }
0x52: {  	v6 =	vld [tilespmem:s17+$0x4F00]  }
0x53: {  	v13 =	vld [tilespmem:s17+$0x4F10]  }
.Ltmp4:
0x54: {  	v10 =	vld [tilespmem:s17+$0x4F20];
	(pc) =	sbr.rel @p1 .LBB2_3-.Ltmp4, $4  }
0x55: {  	v9 =	vld [tilespmem:s17+$0x4F30]  }
0x56: {  	v8 =	vld [tilespmem:s17+$0x4F40]  }
0x57: {  	v12 =	vadd.f32 v12, v6;
	v7 =	vld [tilespmem:s17+$0x4F50]  }
0x58: {  	s18 =	sadd.s32 $0x200, s18;
	v11 =	vadd.f32 v11, v13;
	v6 =	vld [tilespmem:s17+$0x4F60]  }
0x59: {  	[tilespmem:s17+$0x4F00] =	vst v12;
	v5 =	vadd.f32 v5, v10;
	v63 =	vld [tilespmem:s17+$0x4F70]  }
0x5a: {  	[tilespmem:s17+$0x4F10] =	vst v11;
	v4 =	vadd.f32 v4, v9  }
0x5b: {  	[tilespmem:s17+$0x4F20] =	vst v5;
	v3 =	vadd.f32 v3, v8  }
0x5c: {  	s18 =	sshll.u32 s0, $0x7;
	[tilespmem:s17+$0x4F30] =	vst v4;
	v2 =	vadd.f32 v2, v7  }
0x5d: {  	s9 =	smin.u32 s18, $0x26D0;
	[tilespmem:s17+$0x4F40] =	vst v3;
	v1 =	vadd.f32 v1, v6  }
0x5e: {  	s9 =	sadd.s32 s3, s9;
	[tilespmem:s17+$0x4F50] =	vst v2;
	v0 =	vadd.f32 v0, v63  }
0x5f: {  	s10 =	sshll.u32 s9, $0x4;
	[tilespmem:s17+$0x4F60] =	vst v1  }
0x60: {  	s11 =	simm.s32 $0x0;
	s10 =	sadd.s32 s7, s10;
	[tilespmem:s17+$0x4F70] =	vst v0  }
0x61: {  	[hbm4b:s10+s11] =	stream.linear.scatter [tilespmem:s15], [sflag:$0xA], $0x2000, $0x38;
	[tilespmem:$0x15700] =	vst v63  }
0x62: {  	_ =	swait.ge [sflag:s21], $0x2000  }
0x63: {  	[sflag:s21] =	ssyncset.done $0x0  }
0x64: {  	[sflag:s21] =	ssyncadd.s32 $0xFFFFE000  }
0x65: {  	_ =	swait.ge [sflag:s22], $0x2000  }
0x66: {  	[sflag:s22] =	ssyncset.done $0x0  }
0x67: {  	[sflag:s22] =	ssyncadd.s32 $0xFFFFE000  }
0x68: {  	_ =	swait.ge [sflag:s23], $0x2000  }
0x69: {  	[sflag:s23] =	ssyncset.done $0x0  }
0x6a: {  	s17 =	simm.s32 $0x0;
	[sflag:s23] =	ssyncadd.s32 $0xFFFFE000  }
0x6b: {  	v0 =	vld [tilespmem:s17+$0x10F00]  }
0x6c: {  	v1 =	vld [tilespmem:s17+$0xCF00];
	_ =	sdelay $0x4  }
0x6d: {  	v0 =	vsub.f32 v1, v0  }
0x6e: {  	s17 =	simm.s32 $0x14F00  }
0x6f: {  	s11 =	simm.s32 $0x80;
	[tilespmem:s17+$0x0] =	vst v0  }
0x70: {  	s10 =	simm.s32 $0x400;
	v0 =	vld [tilespmem:s11+$0x10F00]  }
.LBB2_5:
0x71: {  	p1 =	sne.s32 s10, $0x7E00;
	v1 =	vld [tilespmem:s11+$0xCF00];
	_ =	sdelay $0x3  }
.Ltmp5:
0x72: {  	(pc) =	sbr.rel @p1 .LBB2_5-.Ltmp5, $4  }
0x73: {  	v0 =	vsub.f32 v1, v0  }
0x74: {  	s17 =	sadd.s32 $0x10, s17  }
0x75: {  	s11 =	sshra.s32 s10, $0x2;
	[tilespmem:s17+$0x0] =	vst v0  }
0x76: {  	s10 =	sadd.s32 $0x200, s10;
	v0 =	vld [tilespmem:s11+$0x10F00]  }
0x77: {  	v1 =	vld [tilespmem:s11+$0xCF00];
	_ =	sdelay $0x4  }
0x78: {  	s9 =	sshll.u32 s9, $0x1;
	v0 =	vsub.f32 v1, v0  }
0x79: {  	s10 =	sadd.s32 $0x10, s17;
	s9 =	sand.u32 $0x1FFFE0, s9  }
0x7a: {  	s9 =	sadd.s32 s8, s9;
	[tilespmem:s10+$0x0] =	vst v0  }
0x7b: {  	[hbm4b:s9+s4] =	stream.linear.scatter [tilespmem:s24], [sflag:$0xA], $0x400, $0x38;
	[tilespmem:$0x15700] =	vst v63  }
0x7c: {  	p1 =	seq.s32 s0, $0x4E;
	_ =	swait.ge [sflag:s21], $0x400  }
0x7d: {  	s11 =	simm.s32 @!p1 $0x40;
	s9 =	smin.u32 @!p1 s18, $0x2650;
	[sflag:s21] =	ssyncset.done $0x0  }
0x7e: {  	s17 =	simm.s32 @!p1 $0x4F00;
	s10 =	sadd.s32 @!p1 $0x80, s9;
	[sflag:s21] =	ssyncadd.s32 $0xFFFFFC00  }
0x7f: {  	[tilespmem:s17], [sflag:$0x1] =	stream.indirect.gather @!p1 [hbm4b:s2+s11], $0x80, s10, s11, $0xb8;
	[tilespmem:$0x15700] =	vst v63  }
0x80: {  	s9 =	sadd.s32 @!p1 $0x2800, s9;
	s17 =	simm.s32 @!p1 $0x8F00  }
0x81: {  	[tilespmem:s17], [sflag:$0x3] =	stream.indirect.gather @!p1 [hbm4b:s5+s11], $0x80, s9, s11, $0xb8;
	[tilespmem:$0x15700] =	vst v63  }
.Ltmp6:
0x82: {  	_ = 	snop;
	(pc) =	sbr.rel @p0 .LBB2_12-.Ltmp6, $4  }
0x83: {  	s17 =	simm.s32 @!p1 $0xCF00  }
0x84: {  	[tilespmem:s17], [sflag:$0x5] =	stream.indirect.gather @!p1 [hbm4b:s6+s11], $0x80, s10, s11, $0xb8;
	[tilespmem:$0x15700] =	vst v63  }
0x85: {  	s10 =	simm.s32 @!p1 $0x10F00  }
0x86: {  	[tilespmem:s10], [sflag:$0x7] =	stream.indirect.gather @!p1 [hbm4b:s6+s11], $0x80, s9, s11, $0xb8;
	[tilespmem:$0x15700] =	vst v63  }
0x87: {  	_ =	swait.ge [sflag:s25], $0x2000  }
0x88: {  	[sflag:s25] =	ssyncset.done $0x0  }
0x89: {  	[sflag:s25] =	ssyncadd.s32 $0xFFFFE000  }
0x8a: {  	_ =	swait.ge [sflag:s26], $0x2000  }
0x8b: {  	[sflag:s26] =	ssyncset.done $0x0  }
0x8c: {  	s17 =	simm.s32 $0x0;
	[sflag:s26] =	ssyncadd.s32 $0xFFFFE000  }
0x8d: {  	v6 =	vld [tilespmem:s17+$0xAF00]  }
0x8e: {  	v11 =	vld [tilespmem:s17+$0xAF10]  }
0x8f: {  	v5 =	vld [tilespmem:s17+$0xAF20]  }
0x90: {  	v4 =	vld [tilespmem:s17+$0xAF30]  }
0x91: {  	v3 =	vld [tilespmem:s17+$0xAF40]  }
0x92: {  	v2 =	vld [tilespmem:s17+$0xAF50]  }
0x93: {  	v1 =	vld [tilespmem:s17+$0xAF60]  }
0x94: {  	v0 =	vld [tilespmem:s17+$0xAF70]  }
0x95: {  	v12 =	vld [tilespmem:s17+$0x6F00]  }
0x96: {  	v13 =	vld [tilespmem:s17+$0x6F10]  }
0x97: {  	v10 =	vld [tilespmem:s17+$0x6F20]  }
0x98: {  	v9 =	vld [tilespmem:s17+$0x6F30]  }
0x99: {  	v8 =	vld [tilespmem:s17+$0x6F40]  }
0x9a: {  	v7 =	vld [tilespmem:s17+$0x6F50];
	v12 =	vadd.f32 v6, v12  }
0x9b: {  	s18 =	simm.s32 $0x200;
	v11 =	vadd.f32 v11, v13;
	v6 =	vld [tilespmem:s17+$0x6F60]  }
.LBB2_8:
0x9c: {  	s9 =	sshra.s32 s18, $0x2;
	p0 =	sne.s32 s18, $0x7E00;
	[tilespmem:s17+$0x6F00] =	vst v12;
	v5 =	vadd.f32 v5, v10;
	v10 =	vld [tilespmem:s17+$0x6F70]  }
0x9d: {  	v12 =	vld [tilespmem:s9+$0xAF00];
	[tilespmem:s17+$0x6F10] =	vst v11;
	v4 =	vadd.f32 v4, v9  }
0x9e: {  	v11 =	vld [tilespmem:s9+$0xAF10];
	[tilespmem:s17+$0x6F20] =	vst v5;
	v3 =	vadd.f32 v3, v8  }
0x9f: {  	v5 =	vld [tilespmem:s9+$0xAF20];
	[tilespmem:s17+$0x6F30] =	vst v4;
	v2 =	vadd.f32 v2, v7  }
0xa0: {  	v4 =	vld [tilespmem:s9+$0xAF30];
	[tilespmem:s17+$0x6F40] =	vst v3;
	v1 =	vadd.f32 v1, v6  }
0xa1: {  	v3 =	vld [tilespmem:s9+$0xAF40];
	[tilespmem:s17+$0x6F50] =	vst v2;
	v0 =	vadd.f32 v0, v10  }
0xa2: {  	v2 =	vld [tilespmem:s9+$0xAF50];
	[tilespmem:s17+$0x6F60] =	vst v1  }
0xa3: {  	v1 =	vld [tilespmem:s9+$0xAF60];
	[tilespmem:s17+$0x6F70] =	vst v0;
	s17 =	smov.u32 s9  }
0xa4: {  	v0 =	vld [tilespmem:s17+$0xAF70]  }
0xa5: {  	v6 =	vld [tilespmem:s17+$0x6F00]  }
0xa6: {  	v13 =	vld [tilespmem:s17+$0x6F10]  }
.Ltmp7:
0xa7: {  	v10 =	vld [tilespmem:s17+$0x6F20];
	(pc) =	sbr.rel @p0 .LBB2_8-.Ltmp7, $4  }
0xa8: {  	v9 =	vld [tilespmem:s17+$0x6F30]  }
0xa9: {  	v8 =	vld [tilespmem:s17+$0x6F40]  }
0xaa: {  	v12 =	vadd.f32 v12, v6;
	v7 =	vld [tilespmem:s17+$0x6F50]  }
0xab: {  	s18 =	sadd.s32 $0x200, s18;
	v11 =	vadd.f32 v11, v13;
	v6 =	vld [tilespmem:s17+$0x6F60]  }
0xac: {  	[tilespmem:s17+$0x6F00] =	vst v12;
	v5 =	vadd.f32 v5, v10;
	v63 =	vld [tilespmem:s17+$0x6F70]  }
0xad: {  	[tilespmem:s17+$0x6F10] =	vst v11;
	v4 =	vadd.f32 v4, v9  }
0xae: {  	[tilespmem:s17+$0x6F20] =	vst v5;
	v3 =	vadd.f32 v3, v8  }
0xaf: {  	s9 =	sshll.u32 s16, $0x6;
	[tilespmem:s17+$0x6F30] =	vst v4;
	v2 =	vadd.f32 v2, v7  }
0xb0: {  	s9 =	smin.u32 s9, $0x26D0;
	[tilespmem:s17+$0x6F40] =	vst v3;
	v1 =	vadd.f32 v1, v6  }
0xb1: {  	s9 =	sadd.s32 s3, s9;
	[tilespmem:s17+$0x6F50] =	vst v2;
	v0 =	vadd.f32 v0, v63  }
0xb2: {  	s10 =	sshll.u32 s9, $0x4;
	[tilespmem:s17+$0x6F60] =	vst v1  }
0xb3: {  	s11 =	simm.s32 $0x0;
	s10 =	sadd.s32 s7, s10;
	[tilespmem:s17+$0x6F70] =	vst v0  }
0xb4: {  	[hbm4b:s10+s11] =	stream.linear.scatter [tilespmem:s28], [sflag:$0xA], $0x2000, $0x38;
	[tilespmem:$0x15700] =	vst v63  }
0xb5: {  	_ =	swait.ge [sflag:s21], $0x2000  }
0xb6: {  	[sflag:s21] =	ssyncset.done $0x0  }
0xb7: {  	[sflag:s21] =	ssyncadd.s32 $0xFFFFE000  }
0xb8: {  	_ =	swait.ge [sflag:s29], $0x2000  }
0xb9: {  	[sflag:s29] =	ssyncset.done $0x0  }
0xba: {  	[sflag:s29] =	ssyncadd.s32 $0xFFFFE000  }
0xbb: {  	_ =	swait.ge [sflag:s30], $0x2000  }
0xbc: {  	[sflag:s30] =	ssyncset.done $0x0  }
0xbd: {  	s18 =	simm.s32 $0x0;
	[sflag:s30] =	ssyncadd.s32 $0xFFFFE000  }
0xbe: {  	v0 =	vld [tilespmem:s18+$0x12F00]  }
0xbf: {  	v1 =	vld [tilespmem:s18+$0xEF00];
	_ =	sdelay $0x4  }
0xc0: {  	v0 =	vsub.f32 v1, v0  }
0xc1: {  	s16 =	simm.s32 $0x15300  }
0xc2: {  	s11 =	simm.s32 $0x80;
	[tilespmem:s16+$0x0] =	vst v0  }
0xc3: {  	s10 =	simm.s32 $0x400;
	v0 =	vld [tilespmem:s11+$0x12F00]  }
.LBB2_10:
0xc4: {  	p0 =	sne.s32 s10, $0x7E00;
	v1 =	vld [tilespmem:s11+$0xEF00];
	_ =	sdelay $0x3  }
.Ltmp8:
0xc5: {  	(pc) =	sbr.rel @p0 .LBB2_10-.Ltmp8, $4  }
0xc6: {  	v0 =	vsub.f32 v1, v0  }
0xc7: {  	s16 =	sadd.s32 $0x10, s16  }
0xc8: {  	s11 =	sshra.s32 s10, $0x2;
	[tilespmem:s16+$0x0] =	vst v0  }
0xc9: {  	s10 =	sadd.s32 $0x200, s10;
	v0 =	vld [tilespmem:s11+$0x12F00]  }
0xca: {  	v1 =	vld [tilespmem:s11+$0xEF00];
	_ =	sdelay $0x4  }
0xcb: {  	s9 =	sshll.u32 s9, $0x1;
	v0 =	vsub.f32 v1, v0  }
0xcc: {  	s10 =	sadd.s32 $0x10, s16;
	s9 =	sand.u32 $0x1FFFE0, s9  }
.Ltmp9:
0xcd: {  	s9 =	sadd.s32 s8, s9;
	[tilespmem:s10+$0x0] =	vst v0;
	(pc) =	sbr.rel .LBB2_12-.Ltmp9, $4  }
0xce: {  	[hbm4b:s9+s4] =	stream.linear.scatter [tilespmem:s31], [sflag:$0x9], $0x400, $0x38;
	[tilespmem:$0x15700] =	vst v63  }
0xcf: {  	_ =	swait.ge [sflag:s12], $0x400  }
0xd0: {  	[sflag:s12] =	ssyncset.done $0x0  }
0xd1: {  	[sflag:s12] =	ssyncadd.s32 $0xFFFFFC00  }
.LBB2_14:
0xd2: {  	_ =	sfence.sel $0x180000  }
0xd3: {  	[bflag:$0x0] =	sbarrier.arrive $0xFFFF  }
0xd4: {  	_ =	strace $0x90000047  }
0xd5: {  	s0 =	stileid.u32;
	[bflag:$0x2] =	sbarrier.arrive $0xFFFF  }
0xd6: {  	p0 =	sne.s32 s0, $0x0;
	s0 =	rddreg [dreg:$0x2]  }
0xd7: {  	s0 =	sadd.s32 @!p0 $0x100000, s0  }
0xd8: {  	[sflag:s0] =	ssyncadd.tile.s32 @!p0 $0x1;
	_ =	shalt  }
.Lfunc_end2:
_tile_overlayer_lowered:
.L_overlay_start_2:
0xd9: {  	(tag) =	ssettag $0x2  }
0xda: {  	s0 =	rddreg [dreg:$0x0];
	s2 =	stileid.u32  }
0xdb: {  	s1 =	rddreg [dreg:$0x1];
	p0 =	sne.s32 s2, $0x0  }
0xdc: {  	s3 =	rddreg [dreg:$0x2];
	[bflag:$0x3] =	sbarrier.arrive $0xFFFF;
	s2 =	simm.s32 @!p0 $0x1C09  }
0xdd: {  	[timem:s3], [sflag:s2] =	dma.local @!p0 [hbm:s0], s1  }
0xde: {  	s0 =	simm.s32 @!p0 $0x9  }
0xdf: {  	_ =	swait.ge @!p0 [sflag:s0], s1  }
0xe0: {  	s1 =	ssub.s32 @!p0 $0x0, s1;
	[sflag:s0] =	ssyncset.done @!p0 $0x0  }
0xe1: {  	[sflag:s0] =	ssyncadd.s32 @!p0 s1  }
0xe2: {  	[bflag:$0x3] =	sbarrier.arrive $0xFFFF  }
0xe3: {  	_ =	shalt  }

// kernel: kernel.14.cloned.1.call-start
scs
__scs_entry_jumppad:
0x0: {  	(pc) =	sbr.rel $0x88, $3  }
0x1: {  	(tag) =	ssettag $0x0;
	lr =	simm.s32 $0x1  }
0x2: {  	[smem:$0x3F92] =	sst lr;
	_ =	strace $0xD0000000  }
0x3: {  	_ = 	snop  }
0x4: {  	_ = 	snop  }
0x5: {  	_ = 	snop  }
0x6: {  	_ = 	snop  }
0x7: {  	_ = 	snop  }
__scs_overlays_trampoline_lowered:
0x8: {  	[smem:$0x3FA1] =	sst s0  }
0x9: {  	[smem:$0x3FA2] =	sst s1  }
0xa: {  	[smem:$0x3FA3] =	sst s2  }
0xb: {  	[smem:$0x3FA4] =	sst s3  }
0xc: {  	[smem:$0x3FA5] =	sst s4  }
0xd: {  	[smem:$0x3FA6] =	sst s5  }
0xe: {  	[smem:$0x3FA7] =	sst s6  }
0xf: {  	[smem:$0x3FA8] =	sst s7  }
0x10: {  	[smem:$0x3FA9] =	sst s8  }
0x11: {  	[smem:$0x3FAA] =	sst s9;
	s0 =	simm.s32 @!p0 $0x0  }
0x12: {  	s1 =	sld [smem:$0x3F90];
	s0 =	simm.s32 @p0 $0x1  }
0x13: {  	[smem:$0x3FAB] =	sst s0;
	s0 =	simm.s32 @!p1 $0x0  }
0x14: {  	s2 =	sld [smem:$0x3F8F];
	s0 =	simm.s32 @p1 $0x1  }
0x15: {  	[smem:$0x3FAC] =	sst s0;
	s0 =	simm.s32 @!p2 $0x0  }
0x16: {  	s3 =	sld [smem:$0x3FDB];
	s0 =	simm.s32 @p2 $0x1  }
0x17: {  	s4 =	simm.s32 $0x1BF5;
	[smem:$0x3FAE] =	sst s0  }
0x18: {  	s0 =	sld [smem:$0x3F91];
	_ =	swait.ge [sflag:s4], $0x0  }
0x19: {  	s7 =	sld [smem:$0x3F92]  }
0x1a: {  	s8 =	sadd.s32 $0xFFFFE003, lr  }
0x1b: {  	s9 =	sadd.s32 $0xFFFFFEF7, lr;
	s5 =	simm.s32 $0xFFFFFFFF;
	p2 =	slt.u32 s8, $0xFFFFF086  }
0x1c: {  	p1 =	slt.u32 s9, $0xF7A;
	s5 =	simm.s32 @!p2 $0x0  }
0x1d: {  	s5 =	simm.s32 @p1 $0x1;
	p0 =	seq.s32 s7, s2  }
0x1e: {  	s7 =	smul.u32 @!p0 $0xF7A, s2;
	p2 =	seq.s32 @!p0 s5, $0x0  }
0x1f: {  	s9 =	smul.u32 $0xF7A, s1;
	s8 =	simm.s32 @!p0 $0x1BF5;
	p2 =	por !p2, p0  }
0x20: {  	[sflag:s8] =	ssyncset.s32 @!p0 $0xFFFFF086;
	s6 =	sadd.s32 @!p0 s3, s7;
	s7 =	simm.s32 @!p0 $0x108  }
0x21: {  	s3 =	sadd.s32 s3, s9;
	s6 =	sadd.s32 @!p0 $0x88, s6;
	s7 =	simm.s32 @p2 $0x1082  }
0x22: {  	[simem:s7], [sflag:s8] =	dma.local @!p0 [hbm:s6], $0xF7A  }
0x23: {  	s9 =	sor.u32 $0xD0000000, s2;
	s6 =	simm.s32 $0x108;
	_ =	swait.ge @!p0 [sflag:s8], $0x0  }
0x24: {  	s3 =	sadd.s32 $0x88, s3;
	s6 =	simm.s32 @!p1 $0x1082;
	[sflag:s4] =	ssyncset.s32 $0xFFFFF086  }
0x25: {  	[simem:s6], [sflag:s4] =	dma.local [hbm:s3], $0xF7A  }
0x26: {  	[smem:$0x3F92] =	sst s1;
	(tag) =	ssettag s2;
	_ =	strace s9  }
0x27: {  	s1 =	sld [smem:$0x3FA2]  }
0x28: {  	s2 =	sld [smem:$0x3FA3]  }
0x29: {  	s4 =	sld [smem:$0x3FA5]  }
0x2a: {  	p0 =	seq.s32 s5, $0x0;
	s5 =	sld [smem:$0x3FA6]  }
0x2b: {  	s6 =	sld [smem:$0x3FA7]  }
0x2c: {  	s7 =	sld [smem:$0x3FA8]  }
0x2d: {  	s3 =	simm.s32 $0x108;
	s8 =	sld [smem:$0x3FA9]  }
0x2e: {  	s3 =	simm.s32 @!p0 $0x1082;
	s9 =	sld [smem:$0x3FAA]  }
0x2f: {  	lr =	sadd.s32 s0, s3;
	s0 =	sld [smem:$0x3FA1]  }
0x30: {  	s3 =	sld [smem:$0x3FA4]  }
0x31: {  	[smem:$0x3FAD] =	sst s10  }
0x32: {  	s10 =	sld [smem:$0x3FAB];
	_ =	sdelay $0x3  }
0x33: {  	p0 =	seq.s32 s10, $0x1;
	s10 =	sld [smem:$0x3FAD];
	_ =	sdelay $0x3  }
0x34: {  	[smem:$0x3FAD] =	sst s10  }
0x35: {  	s10 =	sld [smem:$0x3FAC];
	_ =	sdelay $0x3  }
0x36: {  	p1 =	seq.s32 s10, $0x1;
	s10 =	sld [smem:$0x3FAD];
	_ =	sdelay $0x3  }
0x37: {  	[smem:$0x3FAD] =	sst s10  }
0x38: {  	s10 =	sld [smem:$0x3FAE]  }
0x39: {  	_ = 	snop;
	(pc) =	sbr.ind lr, $3  }
0x3a: {  	_ = 	snop  }
0x3b: {  	_ = 	snop  }
0x3c: {  	p2 =	seq.s32 s10, $0x1;
	s10 =	sld [smem:$0x3FAD]  }
0x3d: {  	_ =	shalt  }
0x3e: {  	_ =	shalt  }
0x3f: {  	_ =	shalt  }
0x40: {  	_ =	shalt  }
0x41: {  	_ =	shalt  }
0x42: {  	_ =	shalt  }
0x43: {  	_ =	shalt  }
0x44: {  	_ =	shalt  }
0x45: {  	_ =	shalt  }
0x46: {  	_ =	shalt  }
0x47: {  	_ =	shalt  }
0x48: {  	_ =	shalt  }
0x49: {  	_ =	shalt  }
0x4a: {  	_ =	shalt  }
0x4b: {  	_ =	shalt  }
0x4c: {  	_ =	shalt  }
0x4d: {  	_ =	shalt  }
0x4e: {  	_ =	shalt  }
0x4f: {  	_ =	shalt  }
0x50: {  	_ =	shalt  }
0x51: {  	_ =	shalt  }
0x52: {  	_ =	shalt  }
0x53: {  	_ =	shalt  }
0x54: {  	_ =	shalt  }
0x55: {  	_ =	shalt  }
0x56: {  	_ =	shalt  }
0x57: {  	_ =	shalt  }
0x58: {  	_ =	shalt  }
0x59: {  	_ =	shalt  }
0x5a: {  	_ =	shalt  }
0x5b: {  	_ =	shalt  }
0x5c: {  	_ =	shalt  }
0x5d: {  	_ =	shalt  }
0x5e: {  	_ =	shalt  }
0x5f: {  	_ =	shalt  }
0x60: {  	_ =	shalt  }
0x61: {  	_ =	shalt  }
0x62: {  	_ =	shalt  }
0x63: {  	_ =	shalt  }
0x64: {  	_ =	shalt  }
0x65: {  	_ =	shalt  }
0x66: {  	_ =	shalt  }
0x67: {  	_ =	shalt  }
0x68: {  	_ =	shalt  }
0x69: {  	_ =	shalt  }
0x6a: {  	_ =	shalt  }
0x6b: {  	_ =	shalt  }
0x6c: {  	_ =	shalt  }
0x6d: {  	_ =	shalt  }
0x6e: {  	_ =	shalt  }
0x6f: {  	_ =	shalt  }
0x70: {  	_ =	shalt  }
0x71: {  	_ =	shalt  }
0x72: {  	_ =	shalt  }
0x73: {  	_ =	shalt  }
0x74: {  	_ =	shalt  }
0x75: {  	_ =	shalt  }
0x76: {  	_ =	shalt  }
0x77: {  	_ =	shalt  }
0x78: {  	_ =	shalt  }
0x79: {  	_ =	shalt  }
0x7a: {  	_ =	shalt  }
0x7b: {  	_ =	shalt  }
0x7c: {  	_ =	shalt  }
0x7d: {  	_ =	shalt  }
0x7e: {  	_ =	shalt  }
0x7f: {  	_ =	shalt  }
0x80: {  	_ =	shalt  }
0x81: {  	_ =	shalt  }
0x82: {  	_ =	shalt  }
0x83: {  	_ =	shalt  }
0x84: {  	_ =	shalt  }
0x85: {  	_ =	shalt  }
0x86: {  	_ =	shalt  }
0x87: {  	_ =	shalt  }
.Lfunc_end0:
.L_simem_size_0:
called_computation.1_lowered:
.L_overlay_start_0:
0x88: {  	s2 =	sld [smem:$0x3FD9]  }
0x89: {  	s3 =	sld [smem:$0x3FFE];
	_ =	sdelay $0x1  }
0x8a: {  	s1 =	srdreg.scid  }
0x8b: {  	s0 =	sand.u32 $0x1, s1  }
0x8c: {  	s17 =	sshll.u32 s0, $0xA;
	s2 =	sadd.s32 s3, s2  }
0x8d: {  	s2 =	sadd.s32 s2, s17  }
0x8e: {  	[smem:$0x3FB9] =	sst s2  }
0x8f: {  	_ = 	snop  }
0x90: {  	(tm) =	ssettm $0x1  }
0x91: {  	s18 =	sld [smem:$0x3FFB];
	_ =	sdelay $0x3  }
0x92: {  	_ =	strace s18  }
0x93: {  	s2 =	sld [smem:$0x3FFC];
	_ =	sdelay $0x3  }
0x94: {  	_ =	strace s2  }
0x95: {  	s2 =	sld [smem:$0x3FFD];
	_ =	sdelay $0x3  }
0x96: {  	_ =	strace s2  }
0x97: {  	_ =	strace $0x8FFFFFFF  }
0x98: {  	s19 =	sld [smem:$0x3FDB];
	_ =	sdelay $0x1  }
0x99: {  	s20 =	simm.s32 $_scs_section_size  }
0x9a: {  	s4 =	simm.s32 $_size__tile_overlayer_lowered;
	s5 =	simm.s32 $_tile_overlayer_lowered  }
0x9b: {  	s6 =	simm.s32 $0x1BFF;
	s21 =	sshll.u32 s5, $0x1;
	s3 =	sadd.s32 s20, s19  }
0x9c: {  	s22 =	simm.s32 $0x0;
	s4 =	sshll.u32 s4, $0x1;
	s5 =	sadd.s32 s21, s3  }
0x9d: {  	[timem:s22], [sflag:s6] =	dma.local [hbm:s5], s4  }
0x9e: {  	_ =	swait.ge [sflag:s6], s4  }
0x9f: {  	s4 =	ssub.s32 $0x0, s4;
	[sflag:s6] =	ssyncset.done $0x0  }
0xa0: {  	[sflag:s6] =	ssyncadd.s32 s4;
	_ =	sdelay $0x1  }
0xa1: {  	s23 =	simm.s32 $0x1B8B  }
0xa2: {  	_ =	swait.ge [sflag:s23], $0x1  }
0xa3: {  	[sflag:s23] =	ssyncset.done $0x0  }
0xa4: {  	[sflag:s23] =	ssyncadd.s32 $0xFFFFFFFF  }
0xa5: {  	s4 =	sld [smem:$0x0]  }
0xa6: {  	s5 =	sand.u32 $0xFFFFFFFE, s1  }
0xa7: {  	p0 =	sne.s32 s1, s5  }
0xa8: {  	s5 =	sshll.u32 @p0 s5, $0xE  }
0xa9: {  	s5 =	sadd.s32 @p0 $0x11B8D, s5;
	s6 =	sshll.u32 @p0 s4, $0x11  }
0xaa: {  	s5 =	sor.u32 @p0 s6, s5  }
0xab: {  	[sflag:s5] =	ssyncadd.remote.s32 @p0 $0x1;
	_ =	sdelay $0x1  }
0xac: {  	s5 =	simm.s32 @p0 $0x1B8D  }
0xad: {  	_ =	swait.eq @p0 [sflag:s5], $0x1  }
0xae: {  	[sflag:s5] =	ssyncadd.s32 @p0 $0xFFFFFFFF  }
0xaf: {  	s6 =	sshll.u32 @!p0 s1, $0xE  }
0xb0: {  	s6 =	sor.u32 @!p0 $0x4000, s6;
	s5 =	simm.s32 @!p0 $0x1B8D  }
0xb1: {  	s4 =	sshll.u32 @!p0 s4, $0x11;
	s6 =	sadd.s32 @!p0 $0x11B8D, s6;
	_ =	swait.eq @!p0 [sflag:s5], $0x1  }
0xb2: {  	s4 =	sor.u32 @!p0 s4, s6;
	[sflag:s5] =	ssyncadd.s32 @!p0 $0xFFFFFFFF  }
0xb3: {  	s25 =	simm.s32 $0x1B8E;
	s24 =	sld [smem:$0x3FFE];
	[sflag:s4] =	ssyncadd.remote.s32 @!p0 $0x1  }
0xb4: {  	s26 =	simm.s32 $execute0_lowered;
	[smem:$0x3FD2] =	sst s25  }
0xb5: {  	s5 =	sshll.u32 s26, $0x1;
	_ =	strace $0x80000049;
	[dreg:$0x1] =	wrdreg $0xFFFFFFFF  }
0xb6: {  	s28 =	simm.s32 $_size_execute0_lowered;
	s3 =	sadd.s32 s3, s5;
	[dreg:$0x0] =	wrdreg $0x0  }
0xb7: {  	s5 =	sshll.u32 s28, $0x1;
	[dreg:$0x2] =	wrdreg s3  }
0xb8: {  	[dreg:$0x3] =	wrdreg s5  }
0xb9: {  	[dreg:$0x4] =	wrdreg $0xC0  }
0xba: {  	_ =	task [dreg:s22], $0x5FFFF  }
0xbb: {  	[dreg:$0x1] =	wrdreg $0xFFFFFFFF  }
0xbc: {  	[dreg:$0x0] =	wrdreg $0x60  }
0xbd: {  	[dreg:$0x2] =	wrdreg s24  }
0xbe: {  	[dreg:$0x3] =	wrdreg $0x9  }
0xbf: {  	_ =	task.clear_ibuf [dreg:s22], $0x4FFFF;
	_ =	strace $0x90000049  }
0xc0: {  	s29 =	simm.s32 $0x9;
	_ =	strace $0x8000004B  }
0xc1: {  	_ =	swait.ge [sflag:s29], $0x1  }
0xc2: {  	[sflag:s29] =	ssyncadd.s32 $0xFFFFFFFF  }
0xc3: {  	_ =	strace $0x9000004B  }
0xc4: {  	_ =	sfence  }
0xc5: {  	s30 =	sld [smem:$0x0];
	_ =	sdelay $0x2  }
0xc6: {  	s31 =	sshll.u32 s1, $0xD;
	s1 =	sshrl.u32 s1, $0x2  }
0xc7: {  	s4 =	sand.u32 $0x4000, s31;
	s1 =	sadd.s32 s1, s30  }
0xc8: {  	s0 =	sor.u32 s4, s0;
	s1 =	sshll.u32 s1, $0x11  }
0xc9: {  	s0 =	sor.u32 s1, s0  }
0xca: {  	s0 =	sadd.s32 $0x8F2B, s0  }
0xcb: {  	[sflag:s0] =	ssyncadd.remote.s32 $0x1  }
0xcc: {  	_ =	sfence.sel $0xFFFF  }
0xcd: {  	[dreg:$0x0] =	wrdreg $0xFFFFFFFF;
	(pc) =	sbr.abs _section_cstart, $3  }
0xce: {  	[dreg:$0x1] =	wrdreg $0xFFFFFFFF  }
0xcf: {  	_ =	task.clear_ibuf [dreg:s22], $0x2FFFF;
	_ =	strace $0x9FFFFFFF  }
0xd0: {  	(tm) =	ssettm $0x7FFFFFFF  }
0xd1: {  	_ =	shalt  }
tec
execute0_lowered:
.L_overlay_start_1:
0x0: {  	(tag) =	ssettag $0x1  }
0x1: {  	s0 =	srdreg.scid;
	s1 =	stileid.u32  }
0x2: {  	s8 =	rddreg [dreg:$0x0];
	s3 =	simm.s32 $0x0;
	s12 =	simm.s32 $0x9  }
0x3: {  	s13 =	simm.s32 $0x2780;
	s14 =	simm.s32 $0x40;
	s15 =	simm.s32 $0x4F00  }
0x4: {  	s19 =	simm.s32 $0x1;
	s20 =	simm.s32 $0x3;
	s21 =	simm.s32 $0xA  }
0x5: {  	s22 =	simm.s32 $0x5;
	s23 =	simm.s32 $0x7;
	s24 =	simm.s32 $0x14F00  }
0x6: {  	s25 =	simm.s32 $0x2;
	s28 =	simm.s32 $0x6F00;
	s29 =	simm.s32 $0x6  }
0x7: {  	s30 =	simm.s32 $0x8;
	s0 =	sand.u32 $0x1, s0;
	s1 =	sshll.u32 s1, $0x1  }
0x8: {  	s31 =	simm.s32 $0x15300;
	[smem:$0x7FF] =	sst s3;
	s1 =	sor.u32 s0, s1  }
0x9: {  	s4 =	sadd.s32 $0xA7000, s8;
	s0 =	ssub.s32 $0x2, s0;
	s2 =	smul.u32 $0x2710, s1  }
0xa: {  	s5 =	sadd.s32 $0x130200, s8;
	s6 =	sadd.s32 $0x109000, s8;
	s9 =	sshrl.u32 s0, $0x1  }
.Ltmp0:
0xb: {  	s0 =	ssub.s32 s0, s9;
	s1 =	sshrl.u32 s2, $0x3;
	(pc) =	sbr.rel .LBB2_1-.Ltmp0, $4  }
0xc: {  	s7 =	sadd.s32 $0x771C00, s8;
	s0 =	smax.u32 s0, $0x1;
	s1 =	sadd.s32 s1, s8  }
0xd: {  	_ =	strace $0x8000004A;
	[dreg:$0x4] =	wrdreg s0;
	s26 =	sadd.s32 $0xD8000, s1  }
0xe: {  	s8 =	sadd.s32 $0x6D5800, s8;
	s1 =	sadd.s32 $0xCE200, s1;
	[dreg:$0x2] =	wrdreg s26  }
0xf: {  	[dreg:$0x3] =	wrdreg s1;
	s26 =	simm.s32 $0x4;
	s1 =	simm.s32 $0x0  }
.LBB2_13:
0x10: {  	s1 =	sadd.s32 $0x1, s1;
	s0 =	rddreg [dreg:$0x4]  }
0x11: {  	p0 =	sne.s32 s1, s0  }
.Ltmp1:
0x12: {  	_ = 	snop;
	(pc) =	sbr.rel @!p0 .LBB2_14-.Ltmp1, $1  }
0x13: {  	_ =	sdelay $0x3  }
.LBB2_1:
0x14: {  	s0 =	rddreg [dreg:$0x2]  }
0x15: {  	[tilespmem:s3], [sflag:$0x9] =	stream.linear.gather [hbm4b:s0+s3], $0x2710, $0x38;
	[tilespmem:$0x15700] =	vst v63  }
0x16: {  	_ =	swait.ge [sflag:s12], $0x2710  }
0x17: {  	[sflag:s12] =	ssyncset.done $0x0  }
0x18: {  	s11 =	rddreg [dreg:$0x3];
	[sflag:s12] =	ssyncadd.s32 $0xFFFFD8F0  }
0x19: {  	[tilespmem:s13], [sflag:$0x9] =	stream.linear.gather [hbm4b:s11+s3], $0x2710, $0x38;
	[tilespmem:$0x15700] =	vst v63  }
0x1a: {  	_ =	swait.ge [sflag:s12], $0x2710  }
0x1b: {  	[sflag:s12] =	ssyncset.done $0x0  }
0x1c: {  	[sflag:s12] =	ssyncadd.s32 $0xFFFFD8F0  }
0x1d: {  	[tilespmem:s15], [sflag:$0x1] =	stream.indirect.gather [hbm4b:s4+s14], $0x80, s3, s14, $0xb8;
	[tilespmem:$0x15700] =	vst v63  }
0x1e: {  	s16 =	simm.s32 $0x8F00  }
0x1f: {  	[tilespmem:s16], [sflag:$0x3] =	stream.indirect.gather [hbm4b:s5+s14], $0x80, s13, s14, $0xb8;
	[tilespmem:$0x15700] =	vst v63  }
.Ltmp2:
0x20: {  	_ = 	snop;
	(pc) =	sbr.rel .LBB2_2-.Ltmp2, $4  }
0x21: {  	s17 =	simm.s32 $0xCF00  }
0x22: {  	[tilespmem:s17], [sflag:$0x5] =	stream.indirect.gather [hbm4b:s6+s14], $0x80, s3, s14, $0xb8;
	[tilespmem:$0x15700] =	vst v63  }
0x23: {  	s18 =	simm.s32 $0x10F00;
	s0 =	simm.s32 $0x0  }
0x24: {  	[tilespmem:s18], [sflag:$0x7] =	stream.indirect.gather [hbm4b:s6+s14], $0x80, s13, s14, $0xb8;
	[tilespmem:$0x15700] =	vst v63  }
.LBB2_12:
0x25: {  	s0 =	sadd.s32 $0x1, s0  }
0x26: {  	p0 =	sne.s32 s0, $0x4F  }
.Ltmp3:
0x27: {  	_ = 	snop;
	(pc) =	sbr.rel @!p0 .LBB2_13-.Ltmp3, $1  }
0x28: {  	_ =	sdelay $0x3  }
.LBB2_2:
0x29: {  	s16 =	sshllo.u32 s0, $0x1  }
0x2a: {  	p0 =	sgt.u32 s16, $0x9C  }
0x2b: {  	s9 =	sshll.u32 @!p0 s16, $0x6  }
0x2c: {  	s10 =	simm.s32 @!p0 $0x40;
	s11 =	simm.s32 @!p0 $0x6F00;
	s9 =	smin.u32 @!p0 s9, $0x26D0  }
0x2d: {  	[tilespmem:s11], [sflag:$0x2] =	stream.indirect.gather @!p0 [hbm4b:s4+s10], $0x80, s9, s10, $0xb8;
	[tilespmem:$0x15700] =	vst v63  }
0x2e: {  	s17 =	simm.s32 @!p0 $0xAF00;
	s11 =	sadd.s32 @!p0 $0x2780, s9  }
0x2f: {  	[tilespmem:s17], [sflag:$0x4] =	stream.indirect.gather @!p0 [hbm4b:s5+s10], $0x80, s11, s10, $0xb8;
	[tilespmem:$0x15700] =	vst v63  }
0x30: {  	s17 =	simm.s32 @!p0 $0xEF00  }
0x31: {  	[tilespmem:s17], [sflag:$0x6] =	stream.indirect.gather @!p0 [hbm4b:s6+s10], $0x80, s9, s10, $0xb8;
	[tilespmem:$0x15700] =	vst v63  }
0x32: {  	s9 =	simm.s32 @!p0 $0x12F00  }
0x33: {  	[tilespmem:s9], [sflag:$0x8] =	stream.indirect.gather @!p0 [hbm4b:s6+s10], $0x80, s11, s10, $0xb8;
	[tilespmem:$0x15700] =	vst v63  }
0x34: {  	_ =	swait.ge [sflag:s19], $0x2000  }
0x35: {  	[sflag:s19] =	ssyncset.done $0x0  }
0x36: {  	[sflag:s19] =	ssyncadd.s32 $0xFFFFE000  }
0x37: {  	_ =	swait.ge [sflag:s20], $0x2000  }
0x38: {  	[sflag:s20] =	ssyncset.done $0x0  }
0x39: {  	s17 =	simm.s32 $0x0;
	[sflag:s20] =	ssyncadd.s32 $0xFFFFE000  }
0x3a: {  	v6 =	vld [tilespmem:s17+$0x8F00]  }
0x3b: {  	v11 =	vld [tilespmem:s17+$0x8F10]  }
0x3c: {  	v5 =	vld [tilespmem:s17+$0x8F20]  }
0x3d: {  	v4 =	vld [tilespmem:s17+$0x8F30]  }
0x3e: {  	v3 =	vld [tilespmem:s17+$0x8F40]  }
0x3f: {  	v2 =	vld [tilespmem:s17+$0x8F50]  }
0x40: {  	v1 =	vld [tilespmem:s17+$0x8F60]  }
0x41: {  	v0 =	vld [tilespmem:s17+$0x8F70]  }
0x42: {  	v12 =	vld [tilespmem:s17+$0x4F00]  }
0x43: {  	v13 =	vld [tilespmem:s17+$0x4F10]  }
0x44: {  	v10 =	vld [tilespmem:s17+$0x4F20]  }
0x45: {  	v9 =	vld [tilespmem:s17+$0x4F30]  }
0x46: {  	v8 =	vld [tilespmem:s17+$0x4F40]  }
0x47: {  	v7 =	vld [tilespmem:s17+$0x4F50];
	v12 =	vadd.f32 v6, v12  }
0x48: {  	s18 =	simm.s32 $0x200;
	v11 =	vadd.f32 v11, v13;
	v6 =	vld [tilespmem:s17+$0x4F60]  }
.LBB2_3:
0x49: {  	s9 =	sshra.s32 s18, $0x2;
	p1 =	sne.s32 s18, $0x7E00;
	[tilespmem:s17+$0x4F00] =	vst v12;
	v5 =	vadd.f32 v5, v10;
	v10 =	vld [tilespmem:s17+$0x4F70]  }
0x4a: {  	v12 =	vld [tilespmem:s9+$0x8F00];
	[tilespmem:s17+$0x4F10] =	vst v11;
	v4 =	vadd.f32 v4, v9  }
0x4b: {  	v11 =	vld [tilespmem:s9+$0x8F10];
	[tilespmem:s17+$0x4F20] =	vst v5;
	v3 =	vadd.f32 v3, v8  }
0x4c: {  	v5 =	vld [tilespmem:s9+$0x8F20];
	[tilespmem:s17+$0x4F30] =	vst v4;
	v2 =	vadd.f32 v2, v7  }
0x4d: {  	v4 =	vld [tilespmem:s9+$0x8F30];
	[tilespmem:s17+$0x4F40] =	vst v3;
	v1 =	vadd.f32 v1, v6  }
0x4e: {  	v3 =	vld [tilespmem:s9+$0x8F40];
	[tilespmem:s17+$0x4F50] =	vst v2;
	v0 =	vadd.f32 v0, v10  }
0x4f: {  	v2 =	vld [tilespmem:s9+$0x8F50];
	[tilespmem:s17+$0x4F60] =	vst v1  }
0x50: {  	v1 =	vld [tilespmem:s9+$0x8F60];
	[tilespmem:s17+$0x4F70] =	vst v0;
	s17 =	smov.u32 s9  }
0x51: {  	v0 =	vld [tilespmem:s17+$0x8F70]  }
0x52: {  	v6 =	vld [tilespmem:s17+$0x4F00]  }
0x53: {  	v13 =	vld [tilespmem:s17+$0x4F10]  }
.Ltmp4:
0x54: {  	v10 =	vld [tilespmem:s17+$0x4F20];
	(pc) =	sbr.rel @p1 .LBB2_3-.Ltmp4, $4  }
0x55: {  	v9 =	vld [tilespmem:s17+$0x4F30]  }
0x56: {  	v8 =	vld [tilespmem:s17+$0x4F40]  }
0x57: {  	v12 =	vadd.f32 v12, v6;
	v7 =	vld [tilespmem:s17+$0x4F50]  }
0x58: {  	s18 =	sadd.s32 $0x200, s18;
	v11 =	vadd.f32 v11, v13;
	v6 =	vld [tilespmem:s17+$0x4F60]  }
0x59: {  	[tilespmem:s17+$0x4F00] =	vst v12;
	v5 =	vadd.f32 v5, v10;
	v63 =	vld [tilespmem:s17+$0x4F70]  }
0x5a: {  	[tilespmem:s17+$0x4F10] =	vst v11;
	v4 =	vadd.f32 v4, v9  }
0x5b: {  	[tilespmem:s17+$0x4F20] =	vst v5;
	v3 =	vadd.f32 v3, v8  }
0x5c: {  	s18 =	sshll.u32 s0, $0x7;
	[tilespmem:s17+$0x4F30] =	vst v4;
	v2 =	vadd.f32 v2, v7  }
0x5d: {  	s9 =	smin.u32 s18, $0x26D0;
	[tilespmem:s17+$0x4F40] =	vst v3;
	v1 =	vadd.f32 v1, v6  }
0x5e: {  	s9 =	sadd.s32 s2, s9;
	[tilespmem:s17+$0x4F50] =	vst v2;
	v0 =	vadd.f32 v0, v63  }
0x5f: {  	s10 =	sshll.u32 s9, $0x4;
	[tilespmem:s17+$0x4F60] =	vst v1  }
0x60: {  	s11 =	simm.s32 $0x0;
	s10 =	sadd.s32 s7, s10;
	[tilespmem:s17+$0x4F70] =	vst v0  }
0x61: {  	[hbm4b:s10+s11] =	stream.linear.scatter [tilespmem:s15], [sflag:$0xA], $0x2000, $0x38;
	[tilespmem:$0x15700] =	vst v63  }
0x62: {  	_ =	swait.ge [sflag:s21], $0x2000  }
0x63: {  	[sflag:s21] =	ssyncset.done $0x0  }
0x64: {  	[sflag:s21] =	ssyncadd.s32 $0xFFFFE000  }
0x65: {  	_ =	swait.ge [sflag:s22], $0x2000  }
0x66: {  	[sflag:s22] =	ssyncset.done $0x0  }
0x67: {  	[sflag:s22] =	ssyncadd.s32 $0xFFFFE000  }
0x68: {  	_ =	swait.ge [sflag:s23], $0x2000  }
0x69: {  	[sflag:s23] =	ssyncset.done $0x0  }
0x6a: {  	s17 =	simm.s32 $0x0;
	[sflag:s23] =	ssyncadd.s32 $0xFFFFE000  }
0x6b: {  	v0 =	vld [tilespmem:s17+$0x10F00]  }
0x6c: {  	v1 =	vld [tilespmem:s17+$0xCF00];
	_ =	sdelay $0x4  }
0x6d: {  	v0 =	vsub.f32 v1, v0  }
0x6e: {  	s17 =	simm.s32 $0x14F00  }
0x6f: {  	s11 =	simm.s32 $0x80;
	[tilespmem:s17+$0x0] =	vst v0  }
0x70: {  	s10 =	simm.s32 $0x400;
	v0 =	vld [tilespmem:s11+$0x10F00]  }
.LBB2_5:
0x71: {  	p1 =	sne.s32 s10, $0x7E00;
	v1 =	vld [tilespmem:s11+$0xCF00];
	_ =	sdelay $0x3  }
.Ltmp5:
0x72: {  	(pc) =	sbr.rel @p1 .LBB2_5-.Ltmp5, $4  }
0x73: {  	v0 =	vsub.f32 v1, v0  }
0x74: {  	s17 =	sadd.s32 $0x10, s17  }
0x75: {  	s11 =	sshra.s32 s10, $0x2;
	[tilespmem:s17+$0x0] =	vst v0  }
0x76: {  	s10 =	sadd.s32 $0x200, s10;
	v0 =	vld [tilespmem:s11+$0x10F00]  }
0x77: {  	v1 =	vld [tilespmem:s11+$0xCF00];
	_ =	sdelay $0x4  }
0x78: {  	s9 =	sshll.u32 s9, $0x1;
	v0 =	vsub.f32 v1, v0  }
0x79: {  	s10 =	sadd.s32 $0x10, s17;
	s9 =	sand.u32 $0x1FFFE0, s9  }
0x7a: {  	s9 =	sadd.s32 s8, s9;
	[tilespmem:s10+$0x0] =	vst v0  }
0x7b: {  	[hbm4b:s9+s3] =	stream.linear.scatter [tilespmem:s24], [sflag:$0xA], $0x400, $0x38;
	[tilespmem:$0x15700] =	vst v63  }
0x7c: {  	p1 =	seq.s32 s0, $0x4E;
	_ =	swait.ge [sflag:s21], $0x400  }
0x7d: {  	s11 =	simm.s32 @!p1 $0x40;
	s9 =	smin.u32 @!p1 s18, $0x2650;
	[sflag:s21] =	ssyncset.done $0x0  }
0x7e: {  	s17 =	simm.s32 @!p1 $0x4F00;
	s10 =	sadd.s32 @!p1 $0x80, s9;
	[sflag:s21] =	ssyncadd.s32 $0xFFFFFC00  }
0x7f: {  	[tilespmem:s17], [sflag:$0x1] =	stream.indirect.gather @!p1 [hbm4b:s4+s11], $0x80, s10, s11, $0xb8;
	[tilespmem:$0x15700] =	vst v63  }
0x80: {  	s9 =	sadd.s32 @!p1 $0x2800, s9;
	s17 =	simm.s32 @!p1 $0x8F00  }
0x81: {  	[tilespmem:s17], [sflag:$0x3] =	stream.indirect.gather @!p1 [hbm4b:s5+s11], $0x80, s9, s11, $0xb8;
	[tilespmem:$0x15700] =	vst v63  }
.Ltmp6:
0x82: {  	_ = 	snop;
	(pc) =	sbr.rel @p0 .LBB2_12-.Ltmp6, $4  }
0x83: {  	s17 =	simm.s32 @!p1 $0xCF00  }
0x84: {  	[tilespmem:s17], [sflag:$0x5] =	stream.indirect.gather @!p1 [hbm4b:s6+s11], $0x80, s10, s11, $0xb8;
	[tilespmem:$0x15700] =	vst v63  }
0x85: {  	s10 =	simm.s32 @!p1 $0x10F00  }
0x86: {  	[tilespmem:s10], [sflag:$0x7] =	stream.indirect.gather @!p1 [hbm4b:s6+s11], $0x80, s9, s11, $0xb8;
	[tilespmem:$0x15700] =	vst v63  }
0x87: {  	_ =	swait.ge [sflag:s25], $0x2000  }
0x88: {  	[sflag:s25] =	ssyncset.done $0x0  }
0x89: {  	[sflag:s25] =	ssyncadd.s32 $0xFFFFE000  }
0x8a: {  	_ =	swait.ge [sflag:s26], $0x2000  }
0x8b: {  	[sflag:s26] =	ssyncset.done $0x0  }
0x8c: {  	s17 =	simm.s32 $0x0;
	[sflag:s26] =	ssyncadd.s32 $0xFFFFE000  }
0x8d: {  	v6 =	vld [tilespmem:s17+$0xAF00]  }
0x8e: {  	v11 =	vld [tilespmem:s17+$0xAF10]  }
0x8f: {  	v5 =	vld [tilespmem:s17+$0xAF20]  }
0x90: {  	v4 =	vld [tilespmem:s17+$0xAF30]  }
0x91: {  	v3 =	vld [tilespmem:s17+$0xAF40]  }
0x92: {  	v2 =	vld [tilespmem:s17+$0xAF50]  }
0x93: {  	v1 =	vld [tilespmem:s17+$0xAF60]  }
0x94: {  	v0 =	vld [tilespmem:s17+$0xAF70]  }
0x95: {  	v12 =	vld [tilespmem:s17+$0x6F00]  }
0x96: {  	v13 =	vld [tilespmem:s17+$0x6F10]  }
0x97: {  	v10 =	vld [tilespmem:s17+$0x6F20]  }
0x98: {  	v9 =	vld [tilespmem:s17+$0x6F30]  }
0x99: {  	v8 =	vld [tilespmem:s17+$0x6F40]  }
0x9a: {  	v7 =	vld [tilespmem:s17+$0x6F50];
	v12 =	vadd.f32 v6, v12  }
0x9b: {  	s18 =	simm.s32 $0x200;
	v11 =	vadd.f32 v11, v13;
	v6 =	vld [tilespmem:s17+$0x6F60]  }
.LBB2_8:
0x9c: {  	s9 =	sshra.s32 s18, $0x2;
	p0 =	sne.s32 s18, $0x7E00;
	[tilespmem:s17+$0x6F00] =	vst v12;
	v5 =	vadd.f32 v5, v10;
	v10 =	vld [tilespmem:s17+$0x6F70]  }
0x9d: {  	v12 =	vld [tilespmem:s9+$0xAF00];
	[tilespmem:s17+$0x6F10] =	vst v11;
	v4 =	vadd.f32 v4, v9  }
0x9e: {  	v11 =	vld [tilespmem:s9+$0xAF10];
	[tilespmem:s17+$0x6F20] =	vst v5;
	v3 =	vadd.f32 v3, v8  }
0x9f: {  	v5 =	vld [tilespmem:s9+$0xAF20];
	[tilespmem:s17+$0x6F30] =	vst v4;
	v2 =	vadd.f32 v2, v7  }
0xa0: {  	v4 =	vld [tilespmem:s9+$0xAF30];
	[tilespmem:s17+$0x6F40] =	vst v3;
	v1 =	vadd.f32 v1, v6  }
0xa1: {  	v3 =	vld [tilespmem:s9+$0xAF40];
	[tilespmem:s17+$0x6F50] =	vst v2;
	v0 =	vadd.f32 v0, v10  }
0xa2: {  	v2 =	vld [tilespmem:s9+$0xAF50];
	[tilespmem:s17+$0x6F60] =	vst v1  }
0xa3: {  	v1 =	vld [tilespmem:s9+$0xAF60];
	[tilespmem:s17+$0x6F70] =	vst v0;
	s17 =	smov.u32 s9  }
0xa4: {  	v0 =	vld [tilespmem:s17+$0xAF70]  }
0xa5: {  	v6 =	vld [tilespmem:s17+$0x6F00]  }
0xa6: {  	v13 =	vld [tilespmem:s17+$0x6F10]  }
.Ltmp7:
0xa7: {  	v10 =	vld [tilespmem:s17+$0x6F20];
	(pc) =	sbr.rel @p0 .LBB2_8-.Ltmp7, $4  }
0xa8: {  	v9 =	vld [tilespmem:s17+$0x6F30]  }
0xa9: {  	v8 =	vld [tilespmem:s17+$0x6F40]  }
0xaa: {  	v12 =	vadd.f32 v12, v6;
	v7 =	vld [tilespmem:s17+$0x6F50]  }
0xab: {  	s18 =	sadd.s32 $0x200, s18;
	v11 =	vadd.f32 v11, v13;
	v6 =	vld [tilespmem:s17+$0x6F60]  }
0xac: {  	[tilespmem:s17+$0x6F00] =	vst v12;
	v5 =	vadd.f32 v5, v10;
	v63 =	vld [tilespmem:s17+$0x6F70]  }
0xad: {  	[tilespmem:s17+$0x6F10] =	vst v11;
	v4 =	vadd.f32 v4, v9  }
0xae: {  	[tilespmem:s17+$0x6F20] =	vst v5;
	v3 =	vadd.f32 v3, v8  }
0xaf: {  	s9 =	sshll.u32 s16, $0x6;
	[tilespmem:s17+$0x6F30] =	vst v4;
	v2 =	vadd.f32 v2, v7  }
0xb0: {  	s9 =	smin.u32 s9, $0x26D0;
	[tilespmem:s17+$0x6F40] =	vst v3;
	v1 =	vadd.f32 v1, v6  }
0xb1: {  	s9 =	sadd.s32 s2, s9;
	[tilespmem:s17+$0x6F50] =	vst v2;
	v0 =	vadd.f32 v0, v63  }
0xb2: {  	s10 =	sshll.u32 s9, $0x4;
	[tilespmem:s17+$0x6F60] =	vst v1  }
0xb3: {  	s11 =	simm.s32 $0x0;
	s10 =	sadd.s32 s7, s10;
	[tilespmem:s17+$0x6F70] =	vst v0  }
0xb4: {  	[hbm4b:s10+s11] =	stream.linear.scatter [tilespmem:s28], [sflag:$0xA], $0x2000, $0x38;
	[tilespmem:$0x15700] =	vst v63  }
0xb5: {  	_ =	swait.ge [sflag:s21], $0x2000  }
0xb6: {  	[sflag:s21] =	ssyncset.done $0x0  }
0xb7: {  	[sflag:s21] =	ssyncadd.s32 $0xFFFFE000  }
0xb8: {  	_ =	swait.ge [sflag:s29], $0x2000  }
0xb9: {  	[sflag:s29] =	ssyncset.done $0x0  }
0xba: {  	[sflag:s29] =	ssyncadd.s32 $0xFFFFE000  }
0xbb: {  	_ =	swait.ge [sflag:s30], $0x2000  }
0xbc: {  	[sflag:s30] =	ssyncset.done $0x0  }
0xbd: {  	s18 =	simm.s32 $0x0;
	[sflag:s30] =	ssyncadd.s32 $0xFFFFE000  }
0xbe: {  	v0 =	vld [tilespmem:s18+$0x12F00]  }
0xbf: {  	v1 =	vld [tilespmem:s18+$0xEF00];
	_ =	sdelay $0x4  }
0xc0: {  	v0 =	vsub.f32 v1, v0  }
0xc1: {  	s16 =	simm.s32 $0x15300  }
0xc2: {  	s11 =	simm.s32 $0x80;
	[tilespmem:s16+$0x0] =	vst v0  }
0xc3: {  	s10 =	simm.s32 $0x400;
	v0 =	vld [tilespmem:s11+$0x12F00]  }
.LBB2_10:
0xc4: {  	p0 =	sne.s32 s10, $0x7E00;
	v1 =	vld [tilespmem:s11+$0xEF00];
	_ =	sdelay $0x3  }
.Ltmp8:
0xc5: {  	(pc) =	sbr.rel @p0 .LBB2_10-.Ltmp8, $4  }
0xc6: {  	v0 =	vsub.f32 v1, v0  }
0xc7: {  	s16 =	sadd.s32 $0x10, s16  }
0xc8: {  	s11 =	sshra.s32 s10, $0x2;
	[tilespmem:s16+$0x0] =	vst v0  }
0xc9: {  	s10 =	sadd.s32 $0x200, s10;
	v0 =	vld [tilespmem:s11+$0x12F00]  }
0xca: {  	v1 =	vld [tilespmem:s11+$0xEF00];
	_ =	sdelay $0x4  }
0xcb: {  	s9 =	sshll.u32 s9, $0x1;
	v0 =	vsub.f32 v1, v0  }
0xcc: {  	s10 =	sadd.s32 $0x10, s16;
	s9 =	sand.u32 $0x1FFFE0, s9  }
.Ltmp9:
0xcd: {  	s9 =	sadd.s32 s8, s9;
	[tilespmem:s10+$0x0] =	vst v0;
	(pc) =	sbr.rel .LBB2_12-.Ltmp9, $4  }
0xce: {  	[hbm4b:s9+s3] =	stream.linear.scatter [tilespmem:s31], [sflag:$0x9], $0x400, $0x38;
	[tilespmem:$0x15700] =	vst v63  }
0xcf: {  	_ =	swait.ge [sflag:s12], $0x400  }
0xd0: {  	[sflag:s12] =	ssyncset.done $0x0  }
0xd1: {  	[sflag:s12] =	ssyncadd.s32 $0xFFFFFC00  }
.LBB2_14:
0xd2: {  	_ =	sfence.sel $0x180000  }
0xd3: {  	[bflag:$0x0] =	sbarrier.arrive $0xFFFF  }
0xd4: {  	_ =	strace $0x9000004A  }
0xd5: {  	s0 =	stileid.u32;
	[bflag:$0x2] =	sbarrier.arrive $0xFFFF  }
0xd6: {  	p0 =	sne.s32 s0, $0x0;
	s0 =	rddreg [dreg:$0x1]  }
0xd7: {  	s0 =	sadd.s32 @!p0 $0x100000, s0  }
0xd8: {  	[sflag:s0] =	ssyncadd.tile.s32 @!p0 $0x1;
	_ =	shalt  }
.Lfunc_end2:
_tile_overlayer_lowered:
.L_overlay_start_2:
0xd9: {  	(tag) =	ssettag $0x2  }
0xda: {  	s0 =	rddreg [dreg:$0x0];
	s2 =	stileid.u32  }
0xdb: {  	s1 =	rddreg [dreg:$0x1];
	p0 =	sne.s32 s2, $0x0  }
0xdc: {  	s3 =	rddreg [dreg:$0x2];
	[bflag:$0x3] =	sbarrier.arrive $0xFFFF;
	s2 =	simm.s32 @!p0 $0x1C09  }
0xdd: {  	[timem:s3], [sflag:s2] =	dma.local @!p0 [hbm:s0], s1  }
0xde: {  	s0 =	simm.s32 @!p0 $0x9  }
0xdf: {  	_ =	swait.ge @!p0 [sflag:s0], s1  }
0xe0: {  	s1 =	ssub.s32 @!p0 $0x0, s1;
	[sflag:s0] =	ssyncset.done @!p0 $0x0  }
0xe1: {  	[sflag:s0] =	ssyncadd.s32 @!p0 s1  }
0xe2: {  	[bflag:$0x3] =	sbarrier.arrive $0xFFFF  }
0xe3: {  	_ =	shalt  }

// kernel: kernel.17.cloned.1.call-start
scs
__scs_entry_jumppad:
0x0: {  	(pc) =	sbr.rel $0x88, $3  }
0x1: {  	(tag) =	ssettag $0x0;
	lr =	simm.s32 $0x1  }
0x2: {  	[smem:$0x3F92] =	sst lr;
	_ =	strace $0xD0000000  }
0x3: {  	_ = 	snop  }
0x4: {  	_ = 	snop  }
0x5: {  	_ = 	snop  }
0x6: {  	_ = 	snop  }
0x7: {  	_ = 	snop  }
__scs_overlays_trampoline_lowered:
0x8: {  	[smem:$0x3FA1] =	sst s0  }
0x9: {  	[smem:$0x3FA2] =	sst s1  }
0xa: {  	[smem:$0x3FA3] =	sst s2  }
0xb: {  	[smem:$0x3FA4] =	sst s3  }
0xc: {  	[smem:$0x3FA5] =	sst s4  }
0xd: {  	[smem:$0x3FA6] =	sst s5  }
0xe: {  	[smem:$0x3FA7] =	sst s6  }
0xf: {  	[smem:$0x3FA8] =	sst s7  }
0x10: {  	[smem:$0x3FA9] =	sst s8  }
0x11: {  	[smem:$0x3FAA] =	sst s9;
	s0 =	simm.s32 @!p0 $0x0  }
0x12: {  	s1 =	sld [smem:$0x3F90];
	s0 =	simm.s32 @p0 $0x1  }
0x13: {  	[smem:$0x3FAB] =	sst s0;
	s0 =	simm.s32 @!p1 $0x0  }
0x14: {  	s2 =	sld [smem:$0x3F8F];
	s0 =	simm.s32 @p1 $0x1  }
0x15: {  	[smem:$0x3FAC] =	sst s0;
	s0 =	simm.s32 @!p2 $0x0  }
0x16: {  	s3 =	sld [smem:$0x3FDB];
	s0 =	simm.s32 @p2 $0x1  }
0x17: {  	s4 =	simm.s32 $0x1BF5;
	[smem:$0x3FAE] =	sst s0  }
0x18: {  	s0 =	sld [smem:$0x3F91];
	_ =	swait.ge [sflag:s4], $0x0  }
0x19: {  	s7 =	sld [smem:$0x3F92]  }
0x1a: {  	s8 =	sadd.s32 $0xFFFFE003, lr  }
0x1b: {  	s9 =	sadd.s32 $0xFFFFFEF7, lr;
	s5 =	simm.s32 $0xFFFFFFFF;
	p2 =	slt.u32 s8, $0xFFFFF086  }
0x1c: {  	p1 =	slt.u32 s9, $0xF7A;
	s5 =	simm.s32 @!p2 $0x0  }
0x1d: {  	s5 =	simm.s32 @p1 $0x1;
	p0 =	seq.s32 s7, s2  }
0x1e: {  	s7 =	smul.u32 @!p0 $0xF7A, s2;
	p2 =	seq.s32 @!p0 s5, $0x0  }
0x1f: {  	s9 =	smul.u32 $0xF7A, s1;
	s8 =	simm.s32 @!p0 $0x1BF5;
	p2 =	por !p2, p0  }
0x20: {  	[sflag:s8] =	ssyncset.s32 @!p0 $0xFFFFF086;
	s6 =	sadd.s32 @!p0 s3, s7;
	s7 =	simm.s32 @!p0 $0x108  }
0x21: {  	s3 =	sadd.s32 s3, s9;
	s6 =	sadd.s32 @!p0 $0x88, s6;
	s7 =	simm.s32 @p2 $0x1082  }
0x22: {  	[simem:s7], [sflag:s8] =	dma.local @!p0 [hbm:s6], $0xF7A  }
0x23: {  	s9 =	sor.u32 $0xD0000000, s2;
	s6 =	simm.s32 $0x108;
	_ =	swait.ge @!p0 [sflag:s8], $0x0  }
0x24: {  	s3 =	sadd.s32 $0x88, s3;
	s6 =	simm.s32 @!p1 $0x1082;
	[sflag:s4] =	ssyncset.s32 $0xFFFFF086  }
0x25: {  	[simem:s6], [sflag:s4] =	dma.local [hbm:s3], $0xF7A  }
0x26: {  	[smem:$0x3F92] =	sst s1;
	(tag) =	ssettag s2;
	_ =	strace s9  }
0x27: {  	s1 =	sld [smem:$0x3FA2]  }
0x28: {  	s2 =	sld [smem:$0x3FA3]  }
0x29: {  	s4 =	sld [smem:$0x3FA5]  }
0x2a: {  	p0 =	seq.s32 s5, $0x0;
	s5 =	sld [smem:$0x3FA6]  }
0x2b: {  	s6 =	sld [smem:$0x3FA7]  }
0x2c: {  	s7 =	sld [smem:$0x3FA8]  }
0x2d: {  	s3 =	simm.s32 $0x108;
	s8 =	sld [smem:$0x3FA9]  }
0x2e: {  	s3 =	simm.s32 @!p0 $0x1082;
	s9 =	sld [smem:$0x3FAA]  }
0x2f: {  	lr =	sadd.s32 s0, s3;
	s0 =	sld [smem:$0x3FA1]  }
0x30: {  	s3 =	sld [smem:$0x3FA4]  }
0x31: {  	[smem:$0x3FAD] =	sst s10  }
0x32: {  	s10 =	sld [smem:$0x3FAB];
	_ =	sdelay $0x3  }
0x33: {  	p0 =	seq.s32 s10, $0x1;
	s10 =	sld [smem:$0x3FAD];
	_ =	sdelay $0x3  }
0x34: {  	[smem:$0x3FAD] =	sst s10  }
0x35: {  	s10 =	sld [smem:$0x3FAC];
	_ =	sdelay $0x3  }
0x36: {  	p1 =	seq.s32 s10, $0x1;
	s10 =	sld [smem:$0x3FAD];
	_ =	sdelay $0x3  }
0x37: {  	[smem:$0x3FAD] =	sst s10  }
0x38: {  	s10 =	sld [smem:$0x3FAE]  }
0x39: {  	_ = 	snop;
	(pc) =	sbr.ind lr, $3  }
0x3a: {  	_ = 	snop  }
0x3b: {  	_ = 	snop  }
0x3c: {  	p2 =	seq.s32 s10, $0x1;
	s10 =	sld [smem:$0x3FAD]  }
0x3d: {  	_ =	shalt  }
0x3e: {  	_ =	shalt  }
0x3f: {  	_ =	shalt  }
0x40: {  	_ =	shalt  }
0x41: {  	_ =	shalt  }
0x42: {  	_ =	shalt  }
0x43: {  	_ =	shalt  }
0x44: {  	_ =	shalt  }
0x45: {  	_ =	shalt  }
0x46: {  	_ =	shalt  }
0x47: {  	_ =	shalt  }
0x48: {  	_ =	shalt  }
0x49: {  	_ =	shalt  }
0x4a: {  	_ =	shalt  }
0x4b: {  	_ =	shalt  }
0x4c: {  	_ =	shalt  }
0x4d: {  	_ =	shalt  }
0x4e: {  	_ =	shalt  }
0x4f: {  	_ =	shalt  }
0x50: {  	_ =	shalt  }
0x51: {  	_ =	shalt  }
0x52: {  	_ =	shalt  }
0x53: {  	_ =	shalt  }
0x54: {  	_ =	shalt  }
0x55: {  	_ =	shalt  }
0x56: {  	_ =	shalt  }
0x57: {  	_ =	shalt  }
0x58: {  	_ =	shalt  }
0x59: {  	_ =	shalt  }
0x5a: {  	_ =	shalt  }
0x5b: {  	_ =	shalt  }
0x5c: {  	_ =	shalt  }
0x5d: {  	_ =	shalt  }
0x5e: {  	_ =	shalt  }
0x5f: {  	_ =	shalt  }
0x60: {  	_ =	shalt  }
0x61: {  	_ =	shalt  }
0x62: {  	_ =	shalt  }
0x63: {  	_ =	shalt  }
0x64: {  	_ =	shalt  }
0x65: {  	_ =	shalt  }
0x66: {  	_ =	shalt  }
0x67: {  	_ =	shalt  }
0x68: {  	_ =	shalt  }
0x69: {  	_ =	shalt  }
0x6a: {  	_ =	shalt  }
0x6b: {  	_ =	shalt  }
0x6c: {  	_ =	shalt  }
0x6d: {  	_ =	shalt  }
0x6e: {  	_ =	shalt  }
0x6f: {  	_ =	shalt  }
0x70: {  	_ =	shalt  }
0x71: {  	_ =	shalt  }
0x72: {  	_ =	shalt  }
0x73: {  	_ =	shalt  }
0x74: {  	_ =	shalt  }
0x75: {  	_ =	shalt  }
0x76: {  	_ =	shalt  }
0x77: {  	_ =	shalt  }
0x78: {  	_ =	shalt  }
0x79: {  	_ =	shalt  }
0x7a: {  	_ =	shalt  }
0x7b: {  	_ =	shalt  }
0x7c: {  	_ =	shalt  }
0x7d: {  	_ =	shalt  }
0x7e: {  	_ =	shalt  }
0x7f: {  	_ =	shalt  }
0x80: {  	_ =	shalt  }
0x81: {  	_ =	shalt  }
0x82: {  	_ =	shalt  }
0x83: {  	_ =	shalt  }
0x84: {  	_ =	shalt  }
0x85: {  	_ =	shalt  }
0x86: {  	_ =	shalt  }
0x87: {  	_ =	shalt  }
.Lfunc_end0:
.L_simem_size_0:
called_computation.2_lowered:
.L_overlay_start_0:
0x88: {  	s2 =	sld [smem:$0x3FD9]  }
0x89: {  	s3 =	sld [smem:$0x3FFE];
	_ =	sdelay $0x1  }
0x8a: {  	s1 =	srdreg.scid  }
0x8b: {  	s0 =	sand.u32 $0x1, s1  }
0x8c: {  	s17 =	sshll.u32 s0, $0xA;
	s2 =	sadd.s32 s3, s2  }
0x8d: {  	s2 =	sadd.s32 s2, s17  }
0x8e: {  	[smem:$0x3FB9] =	sst s2  }
0x8f: {  	_ = 	snop  }
0x90: {  	(tm) =	ssettm $0x1  }
0x91: {  	s18 =	sld [smem:$0x3FFB];
	_ =	sdelay $0x3  }
0x92: {  	_ =	strace s18  }
0x93: {  	s2 =	sld [smem:$0x3FFC];
	_ =	sdelay $0x3  }
0x94: {  	_ =	strace s2  }
0x95: {  	s2 =	sld [smem:$0x3FFD];
	_ =	sdelay $0x3  }
0x96: {  	_ =	strace s2  }
0x97: {  	_ =	strace $0x8FFFFFFF  }
0x98: {  	s19 =	sld [smem:$0x3FDB];
	_ =	sdelay $0x1  }
0x99: {  	s20 =	simm.s32 $_scs_section_size  }
0x9a: {  	s4 =	simm.s32 $_size__tile_overlayer_lowered;
	s5 =	simm.s32 $_tile_overlayer_lowered  }
0x9b: {  	s6 =	simm.s32 $0x1BFF;
	s21 =	sshll.u32 s5, $0x1;
	s3 =	sadd.s32 s20, s19  }
0x9c: {  	s22 =	simm.s32 $0x0;
	s4 =	sshll.u32 s4, $0x1;
	s5 =	sadd.s32 s21, s3  }
0x9d: {  	[timem:s22], [sflag:s6] =	dma.local [hbm:s5], s4  }
0x9e: {  	_ =	swait.ge [sflag:s6], s4  }
0x9f: {  	s4 =	ssub.s32 $0x0, s4;
	[sflag:s6] =	ssyncset.done $0x0  }
0xa0: {  	[sflag:s6] =	ssyncadd.s32 s4;
	_ =	sdelay $0x1  }
0xa1: {  	s23 =	simm.s32 $0x1B8B  }
0xa2: {  	_ =	swait.ge [sflag:s23], $0x1  }
0xa3: {  	[sflag:s23] =	ssyncset.done $0x0  }
0xa4: {  	[sflag:s23] =	ssyncadd.s32 $0xFFFFFFFF  }
0xa5: {  	s4 =	sld [smem:$0x0]  }
0xa6: {  	s5 =	sand.u32 $0xFFFFFFFE, s1  }
0xa7: {  	p0 =	sne.s32 s1, s5  }
0xa8: {  	s5 =	sshll.u32 @p0 s5, $0xE  }
0xa9: {  	s5 =	sadd.s32 @p0 $0x11B8D, s5;
	s6 =	sshll.u32 @p0 s4, $0x11  }
0xaa: {  	s5 =	sor.u32 @p0 s6, s5  }
0xab: {  	[sflag:s5] =	ssyncadd.remote.s32 @p0 $0x1;
	_ =	sdelay $0x1  }
0xac: {  	s5 =	simm.s32 @p0 $0x1B8D  }
0xad: {  	_ =	swait.eq @p0 [sflag:s5], $0x1  }
0xae: {  	[sflag:s5] =	ssyncadd.s32 @p0 $0xFFFFFFFF  }
0xaf: {  	s6 =	sshll.u32 @!p0 s1, $0xE  }
0xb0: {  	s6 =	sor.u32 @!p0 $0x4000, s6;
	s5 =	simm.s32 @!p0 $0x1B8D  }
0xb1: {  	s4 =	sshll.u32 @!p0 s4, $0x11;
	s6 =	sadd.s32 @!p0 $0x11B8D, s6;
	_ =	swait.eq @!p0 [sflag:s5], $0x1  }
0xb2: {  	s4 =	sor.u32 @!p0 s4, s6;
	[sflag:s5] =	ssyncadd.s32 @!p0 $0xFFFFFFFF  }
0xb3: {  	s25 =	simm.s32 $0x1B8E;
	s24 =	sld [smem:$0x3FFE];
	[sflag:s4] =	ssyncadd.remote.s32 @!p0 $0x1  }
0xb4: {  	s26 =	simm.s32 $execute0_lowered;
	[smem:$0x3FD2] =	sst s25  }
0xb5: {  	s5 =	sshll.u32 s26, $0x1;
	_ =	strace $0x8000004C;
	[dreg:$0x1] =	wrdreg $0xFFFFFFFF  }
0xb6: {  	s28 =	simm.s32 $_size_execute0_lowered;
	s3 =	sadd.s32 s3, s5;
	[dreg:$0x0] =	wrdreg $0x0  }
0xb7: {  	s5 =	sshll.u32 s28, $0x1;
	[dreg:$0x2] =	wrdreg s3  }
0xb8: {  	[dreg:$0x3] =	wrdreg s5  }
0xb9: {  	[dreg:$0x4] =	wrdreg $0xC0  }
0xba: {  	_ =	task [dreg:s22], $0x5FFFF  }
0xbb: {  	[dreg:$0x1] =	wrdreg $0xFFFFFFFF  }
0xbc: {  	[dreg:$0x0] =	wrdreg $0x60  }
0xbd: {  	[dreg:$0x2] =	wrdreg s24  }
0xbe: {  	[dreg:$0x3] =	wrdreg $0x9B000  }
0xbf: {  	[dreg:$0x4] =	wrdreg $0xA  }
0xc0: {  	_ =	task.clear_ibuf [dreg:s22], $0x5FFFF;
	_ =	strace $0x9000004C  }
0xc1: {  	s29 =	simm.s32 $0xA;
	_ =	strace $0x8000004E  }
0xc2: {  	_ =	swait.ge [sflag:s29], $0x1  }
0xc3: {  	[sflag:s29] =	ssyncadd.s32 $0xFFFFFFFF  }
0xc4: {  	_ =	strace $0x9000004E  }
0xc5: {  	_ =	sfence  }
0xc6: {  	s30 =	sld [smem:$0x0];
	_ =	sdelay $0x2  }
0xc7: {  	s31 =	sshll.u32 s1, $0xD;
	s1 =	sshrl.u32 s1, $0x2  }
0xc8: {  	s4 =	sand.u32 $0x4000, s31;
	s1 =	sadd.s32 s1, s30  }
0xc9: {  	s0 =	sor.u32 s4, s0;
	s1 =	sshll.u32 s1, $0x11  }
0xca: {  	s0 =	sor.u32 s1, s0  }
0xcb: {  	s0 =	sadd.s32 $0x8F2B, s0  }
0xcc: {  	[sflag:s0] =	ssyncadd.remote.s32 $0x1  }
0xcd: {  	_ =	sfence.sel $0xFFFF  }
0xce: {  	[dreg:$0x0] =	wrdreg $0xFFFFFFFF;
	(pc) =	sbr.abs _section_cstart, $3  }
0xcf: {  	[dreg:$0x1] =	wrdreg $0xFFFFFFFF  }
0xd0: {  	_ =	task.clear_ibuf [dreg:s22], $0x2FFFF;
	_ =	strace $0x9FFFFFFF  }
0xd1: {  	(tm) =	ssettm $0x7FFFFFFF  }
tec
execute0_lowered:
.L_overlay_start_1:
0x0: {  	(tag) =	ssettag $0x1  }
0x1: {  	s0 =	rddreg [dreg:$0x0]  }
0x2: {  	s2 =	rddreg [dreg:$0x1]  }
0x3: {  	s1 =	srdreg.scid;
	s18 =	stileid.u32  }
0x4: {  	s3 =	simm.s32 $0x0;
	s28 =	simm.s32 $0x2900;
	s29 =	simm.s32 $0x1  }
0x5: {  	s30 =	simm.s32 $0x3;
	s31 =	simm.s32 $0x50;
	s1 =	sand.u32 $0x1, s1  }
0x6: {  	s5 =	smul.u32 $0x270, s18;
	[smem:$0x7FF] =	sst s3;
	s4 =	sadd.s32 $0xD8000, s0  }
0x7: {  	s9 =	sadd.s32 $0x1AF9C00, s0;
	s8 =	smul.u32 $0x4E000, s18;
	s10 =	sadd.s32 $0x32200, s0  }
0x8: {  	s14 =	sshll.u32 s18, $0x1;
	s6 =	smul.u32 $0x2710, s1;
	_ =	strace $0x8000004D  }
0x9: {  	[dreg:$0x3] =	wrdreg s10;
	s15 =	ssub.s32 $0x2, s1;
	s12 =	sor.u32 s1, s14  }
0xa: {  	s1 =	smul.u32 $0x27100, s1;
	s8 =	sshrl.u32 s8, $0x2;
	s11 =	sshrl.u32 s15, $0x1  }
0xb: {  	s7 =	sadd.s32 s5, s6;
	s5 =	sadd.s32 $0x1135C00, s0;
	s8 =	sadd.s32 s8, s2  }
0xc: {  	s14 =	ssub.s32 s15, s11;
	s15 =	smul.u32 $0x27100, s12;
	s7 =	sshll.u32 s7, $0x4  }
0xd: {  	s16 =	sadd.s32 $0x4000, s8;
	s17 =	sadd.s32 $0x8000, s8;
	s19 =	sadd.s32 $0xC000, s8  }
0xe: {  	s25 =	smax.u32 s14, $0x1;
	s14 =	simm.s32 $0x0;
	[dreg:$0x4] =	wrdreg s16  }
0xf: {  	s0 =	sadd.s32 s7, s0;
	s7 =	smul.u32 $0x2710, s12;
	[dreg:$0x5] =	wrdreg s17  }
0x10: {  	[dreg:$0x6] =	wrdreg s19;
	s16 =	smul.u32 $0x4E20, s12;
	s12 =	sadd.s32 $0x10000, s8  }
0x11: {  	s17 =	smul.u32 $0x4E200, s18;
	s20 =	sadd.s32 s9, s15;
	[dreg:$0xb] =	wrdreg s25  }
0x12: {  	s18 =	smul.u32 $0x4E20, s18;
	s25 =	simm.s32 $0x100;
	[dreg:$0x7] =	wrdreg s20  }
0x13: {  	s21 =	sadd.s32 $0x1A5600, s0;
	s0 =	sadd.s32 $0x157400, s0;
	s13 =	sshrl.u32 s7, $0x3  }
0x14: {  	s15 =	sadd.s32 $0xA0, s7;
	[dreg:$0x8] =	wrdreg s21;
	s22 =	sadd.s32 s5, s16  }
0x15: {  	s9 =	sadd.s32 s17, s9;
	s6 =	sadd.s32 s6, s18;
	[dreg:$0xa] =	wrdreg s0  }
.Ltmp0:
0x16: {  	s0 =	simm.s32 $0x6;
	s13 =	sadd.s32 s4, s13;
	(pc) =	sbr.rel .LBB2_1-.Ltmp0, $4  }
0x17: {  	[dreg:$0x9] =	wrdreg s22;
	s23 =	sadd.s32 s1, s9;
	s24 =	sadd.s32 $0x50, s6  }
0x18: {  	s21 =	sadd.s32 $0xA0, s6;
	s1 =	simm.s32 $0x2;
	s6 =	simm.s32 $0x4  }
0x19: {  	s20 =	sadd.s32 $0xA00, s23;
	s26 =	sshrl.u32 s24, $0x3;
	s23 =	simm.s32 $0x5B00  }
0x1a: {  	v0 =	vimm.f32 $0.0e+00;
	s24 =	simm.s32 $0x5;
	s22 =	sadd.s32 s26, s4;
	s26 =	simm.s32 $0x80  }
.LBB2_13:
0x1b: {  	[bflag:$0x0] =	sbarrier.arrive $0xFFFF  }
0x1c: {  	s9 =	rddreg [dreg:$0xa]  }
0x1d: {  	[hbm:s9], [sflag:s17] =	dma.local [spmem:s18], $0x2800  }
0x1e: {  	_ =	swait.ge [sflag:s24], $0x2800  }
0x1f: {  	s14 =	sadd.s32 $0x1, s14;
	s19 =	rddreg [dreg:$0xb]  }
0x20: {  	p0 =	sne.s32 s14, s19  }
.Ltmp1:
0x21: {  	_ = 	snop;
	(pc) =	sbr.rel @!p0 .LBB2_14-.Ltmp1, $3  }
0x22: {  	[sflag:s24] =	ssyncset.done $0x0  }
0x23: {  	[sflag:s24] =	ssyncadd.s32 $0xFFFFD800  }
0x24: {  	[bflag:$0x0] =	sbarrier.arrive $0xFFFF;
	_ =	sdelay $0x1  }
.LBB2_1:
0x25: {  	s9 =	rddreg [dreg:$0x3]  }
0x26: {  	[tilespmem:s23], [sflag:$0x5] =	stream.linear.gather [hbm4b:s9+s3], $0x4000, $0x38;
	[tilespmem:$0x1D380] =	vst v63  }
0x27: {  	_ =	swait.ge [sflag:s24], $0x4000  }
0x28: {  	[sflag:s24] =	ssyncset.done $0x0  }
0x29: {  	s16 =	simm.s32 $0x0;
	s9 =	simm.s32 $0x200;
	[sflag:s24] =	ssyncadd.s32 $0xFFFFC000  }
.LBB2_2:
0x2a: {  	p0 =	sne.s32 s9, $0x9E00;
	[tilespmem:s16+$0x5B00] =	vst v0;
	s16 =	smov.u32 s9;
	s9 =	sadd.s32 $0x200, s9  }
.Ltmp2:
0x2b: {  	(pc) =	sbr.rel @p0 .LBB2_2-.Ltmp2, $2  }
0x2c: {  	_ =	sdelay $0x2  }
0x2d: {  	s16 =	sshra.s32 s16, $0x2  }
0x2e: {  	[tilespmem:s16+$0x5B00] =	vst v0  }
0x2f: {  	[spmem:s8] =	stream.linear.scatter [tilespmem:s23], [sflag:$0x5], $0x4000, $0x38;
	[tilespmem:$0x1D380] =	vst v63  }
0x30: {  	_ =	swait.ge [sflag:s24], $0x4000  }
0x31: {  	[sflag:s24] =	ssyncset.done $0x0  }
0x32: {  	s9 =	rddreg [dreg:$0x4];
	[sflag:s24] =	ssyncadd.s32 $0xFFFFC000  }
0x33: {  	[spmem:s9] =	stream.linear.scatter [tilespmem:s23], [sflag:$0x5], $0x4000, $0x38;
	[tilespmem:$0x1D380] =	vst v63  }
0x34: {  	_ =	swait.ge [sflag:s24], $0x4000  }
0x35: {  	[sflag:s24] =	ssyncset.done $0x0  }
0x36: {  	s10 =	rddreg [dreg:$0x5];
	[sflag:s24] =	ssyncadd.s32 $0xFFFFC000  }
0x37: {  	[spmem:s10] =	stream.linear.scatter [tilespmem:s23], [sflag:$0x5], $0x4000, $0x38;
	[tilespmem:$0x1D380] =	vst v63  }
0x38: {  	_ =	swait.ge [sflag:s24], $0x4000  }
0x39: {  	[sflag:s24] =	ssyncset.done $0x0  }
0x3a: {  	s11 =	rddreg [dreg:$0x6];
	[sflag:s24] =	ssyncadd.s32 $0xFFFFC000  }
0x3b: {  	[spmem:s11] =	stream.linear.scatter [tilespmem:s23], [sflag:$0x5], $0x4000, $0x38;
	[tilespmem:$0x1D380] =	vst v63  }
0x3c: {  	_ =	swait.ge [sflag:s24], $0x4000  }
0x3d: {  	[sflag:s24] =	ssyncset.done $0x0  }
0x3e: {  	[sflag:s24] =	ssyncadd.s32 $0xFFFFC000  }
0x3f: {  	[spmem:s12] =	stream.linear.scatter [tilespmem:s23], [sflag:$0x5], $0x4000, $0x38;
	[tilespmem:$0x1D380] =	vst v63  }
0x40: {  	_ =	swait.ge [sflag:s24], $0x4000  }
0x41: {  	[sflag:s24] =	ssyncset.done $0x0  }
0x42: {  	[sflag:s24] =	ssyncadd.s32 $0xFFFFC000  }
0x43: {  	s16 =	simm.s32 $0x0;
	[bflag:$0x0] =	sbarrier.arrive $0xFFFF  }
0x44: {  	[tilespmem:s16], [sflag:$0x1] =	stream.linear.gather [hbm4b:s13+s16], $0x50, $0x38;
	[tilespmem:$0x1D380] =	vst v63  }
0x45: {  	s10 =	rddreg [dreg:$0x7]  }
0x46: {  	[tilespmem:s25], [sflag:$0x3] =	stream.linear.gather [hbm4b:s10+s16], $0x2800, $0x38;
	[tilespmem:$0x1D380] =	vst v63  }
0x47: {  	s17 =	sadd.s32 $0x0, s22  }
0x48: {  	[tilespmem:s26], [sflag:$0x2] =	stream.linear.gather [hbm4b:s17+s3], $0x50, $0x38;
	[tilespmem:$0x1D380] =	vst v63  }
0x49: {  	s18 =	sadd.s32 $0xFFFFFB00, s20  }
0x4a: {  	[tilespmem:s28], [sflag:$0x4] =	stream.linear.gather [hbm4b:s18+s3], $0x2800, $0x38;
	[tilespmem:$0x1D380] =	vst v63  }
0x4b: {  	_ =	swait.ge [sflag:s29], $0x50  }
0x4c: {  	[sflag:s29] =	ssyncset.done $0x0  }
0x4d: {  	[sflag:s29] =	ssyncadd.s32 $0xFFFFFFB0  }
0x4e: {  	_ =	swait.ge [sflag:s30], $0x2800  }
0x4f: {  	[sflag:s30] =	ssyncset.done $0x0  }
0x50: {  	[sflag:s30] =	ssyncadd.s32 $0xFFFFD800  }
0x51: {  	[spmem:s2] =	stream.indirect.scatter.add.f32 [tilespmem:s25], [sflag:$0x6], $0x80, s3, s31, $0xb8;
	[tilespmem:$0x1D380] =	vst v63  }
0x52: {  	_ =	swait.ge [sflag:s0], $0x2800  }
0x53: {  	s19 =	sshrl.u32 s21, $0x3;
	[sflag:s0] =	ssyncset.done $0x0  }
0x54: {  	s9 =	sadd.s32 s4, s19;
	[sflag:s0] =	ssyncadd.s32 $0xFFFFD800  }
0x55: {  	[tilespmem:s3], [sflag:$0x1] =	stream.linear.gather [hbm4b:s9+s3], $0x50, $0x38;
	[tilespmem:$0x1D380] =	vst v63  }
0x56: {  	_ = 	snop  }
0x57: {  	[tilespmem:s25], [sflag:$0x3] =	stream.linear.gather [hbm4b:s20+s3], $0x2800, $0x38;
	[tilespmem:$0x1D380] =	vst v63  }
0x58: {  	_ =	swait.ge [sflag:s1], $0x50  }
0x59: {  	[sflag:s1] =	ssyncset.done $0x0  }
0x5a: {  	[sflag:s1] =	ssyncadd.s32 $0xFFFFFFB0  }
0x5b: {  	_ =	swait.ge [sflag:s6], $0x2800  }
0x5c: {  	[sflag:s6] =	ssyncset.done $0x0  }
0x5d: {  	[sflag:s6] =	ssyncadd.s32 $0xFFFFD800  }
0x5e: {  	[spmem:s2] =	stream.indirect.scatter.add.f32 [tilespmem:s28], [sflag:$0x5], $0x80, s26, s31, $0xb8;
	[tilespmem:$0x1D380] =	vst v63  }
0x5f: {  	s19 =	simm.s32 $0x28;
	s16 =	sadd.s32 $0xA00, s20;
	_ =	swait.ge [sflag:s24], $0x2800  }
0x60: {  	s17 =	sadd.s32 $0xA0, s21;
	s18 =	simm.s32 $0x14;
	[sflag:s24] =	ssyncset.done $0x0  }
.LBB2_4:
0x61: {  	s9 =	sadd.s32 s18, s22  }
0x62: {  	[sflag:s24] =	ssyncadd.s32 $0xFFFFD800;
	s18 =	smov.u32 s19;
	s10 =	sadd.s32 $0x14, s19  }
0x63: {  	[tilespmem:s26], [sflag:$0x2] =	stream.linear.gather [hbm4b:s9+s3], $0x50, $0x38;
	[tilespmem:$0x1D380] =	vst v63  }
0x64: {  	p0 =	sne.s32 s19, $0x4C4;
	s9 =	sadd.s32 $0xFFFFFB00, s16  }
0x65: {  	[tilespmem:s28], [sflag:$0x4] =	stream.linear.gather [hbm4b:s9+s3], $0x2800, $0x38;
	[tilespmem:$0x1D380] =	vst v63  }
0x66: {  	_ =	swait.ge [sflag:s29], $0x50  }
0x67: {  	[sflag:s29] =	ssyncset.done $0x0  }
0x68: {  	[sflag:s29] =	ssyncadd.s32 $0xFFFFFFB0  }
0x69: {  	_ =	swait.ge [sflag:s30], $0x2800  }
0x6a: {  	[sflag:s30] =	ssyncset.done $0x0  }
0x6b: {  	[sflag:s30] =	ssyncadd.s32 $0xFFFFD800  }
0x6c: {  	[spmem:s2] =	stream.indirect.scatter.add.f32 [tilespmem:s25], [sflag:$0x6], $0x80, s3, s31, $0xb8;
	[tilespmem:$0x1D380] =	vst v63  }
0x6d: {  	_ =	swait.ge [sflag:s0], $0x2800  }
0x6e: {  	s9 =	sshrl.u32 s17, $0x3;
	[sflag:s0] =	ssyncset.done $0x0  }
0x6f: {  	s9 =	sadd.s32 s4, s9;
	[sflag:s0] =	ssyncadd.s32 $0xFFFFD800  }
0x70: {  	[tilespmem:s3], [sflag:$0x1] =	stream.linear.gather [hbm4b:s9+s3], $0x50, $0x38;
	[tilespmem:$0x1D380] =	vst v63  }
0x71: {  	_ = 	snop  }
0x72: {  	[tilespmem:s25], [sflag:$0x3] =	stream.linear.gather [hbm4b:s16+s3], $0x2800, $0x38;
	[tilespmem:$0x1D380] =	vst v63  }
0x73: {  	_ =	swait.ge [sflag:s1], $0x50  }
0x74: {  	[sflag:s1] =	ssyncset.done $0x0  }
0x75: {  	[sflag:s1] =	ssyncadd.s32 $0xFFFFFFB0  }
0x76: {  	_ =	swait.ge [sflag:s6], $0x2800  }
.Ltmp3:
0x77: {  	[sflag:s6] =	ssyncset.done $0x0;
	(pc) =	sbr.rel @p0 .LBB2_4-.Ltmp3, $4  }
0x78: {  	[sflag:s6] =	ssyncadd.s32 $0xFFFFD800  }
0x79: {  	[spmem:s2] =	stream.indirect.scatter.add.f32 [tilespmem:s28], [sflag:$0x5], $0x80, s26, s31, $0xb8;
	[tilespmem:$0x1D380] =	vst v63  }
0x7a: {  	s19 =	smov.u32 s10;
	_ =	swait.ge [sflag:s24], $0x2800  }
0x7b: {  	s17 =	sadd.s32 $0xA0, s17;
	s16 =	sadd.s32 $0xA00, s16;
	[sflag:s24] =	ssyncset.done $0x0  }
0x7c: {  	s9 =	sadd.s32 s18, s22;
	[sflag:s24] =	ssyncadd.s32 $0xFFFFD800  }
0x7d: {  	[tilespmem:s26], [sflag:$0x2] =	stream.linear.gather [hbm4b:s9+s3], $0x50, $0x38;
	[tilespmem:$0x1D380] =	vst v63  }
0x7e: {  	s18 =	sadd.s32 $0xFFFFFB00, s16  }
0x7f: {  	[tilespmem:s28], [sflag:$0x4] =	stream.linear.gather [hbm4b:s18+s3], $0x2800, $0x38;
	[tilespmem:$0x1D380] =	vst v63  }
0x80: {  	_ =	swait.ge [sflag:s29], $0x50  }
0x81: {  	[sflag:s29] =	ssyncset.done $0x0  }
0x82: {  	[sflag:s29] =	ssyncadd.s32 $0xFFFFFFB0  }
0x83: {  	_ =	swait.ge [sflag:s30], $0x2800  }
0x84: {  	[sflag:s30] =	ssyncset.done $0x0  }
0x85: {  	[sflag:s30] =	ssyncadd.s32 $0xFFFFD800  }
0x86: {  	[spmem:s2] =	stream.indirect.scatter.add.f32 [tilespmem:s25], [sflag:$0x6], $0x80, s3, s31, $0xb8;
	[tilespmem:$0x1D380] =	vst v63  }
0x87: {  	_ =	swait.ge [sflag:s0], $0x2800  }
0x88: {  	s19 =	sshrl.u32 s17, $0x3;
	[sflag:s0] =	ssyncset.done $0x0  }
0x89: {  	s9 =	sadd.s32 s4, s19;
	[sflag:s0] =	ssyncadd.s32 $0xFFFFD800  }
0x8a: {  	[tilespmem:s3], [sflag:$0x1] =	stream.linear.gather [hbm4b:s9+s3], $0x50, $0x38;
	[tilespmem:$0x1D380] =	vst v63  }
0x8b: {  	_ = 	snop  }
0x8c: {  	[tilespmem:s25], [sflag:$0x3] =	stream.linear.gather [hbm4b:s16+s3], $0x2800, $0x38;
	[tilespmem:$0x1D380] =	vst v63  }
0x8d: {  	_ =	swait.ge [sflag:s1], $0x50  }
0x8e: {  	[sflag:s1] =	ssyncset.done $0x0  }
0x8f: {  	[sflag:s1] =	ssyncadd.s32 $0xFFFFFFB0  }
0x90: {  	_ =	swait.ge [sflag:s6], $0x2800  }
0x91: {  	[sflag:s6] =	ssyncset.done $0x0  }
0x92: {  	[sflag:s6] =	ssyncadd.s32 $0xFFFFD800  }
0x93: {  	[spmem:s2] =	stream.indirect.scatter.add.f32 [tilespmem:s28], [sflag:$0x5], $0x80, s26, s31, $0xb8;
	[tilespmem:$0x1D380] =	vst v63  }
0x94: {  	_ =	swait.ge [sflag:s24], $0x2800  }
0x95: {  	[sflag:s24] =	ssyncset.done $0x0  }
0x96: {  	[sflag:s24] =	ssyncadd.s32 $0xFFFFD800  }
0x97: {  	_ =	swait.ge [sflag:s29], $0x50  }
0x98: {  	[sflag:s29] =	ssyncset.done $0x0  }
0x99: {  	[sflag:s29] =	ssyncadd.s32 $0xFFFFFFB0  }
0x9a: {  	_ =	swait.ge [sflag:s30], $0x2800  }
0x9b: {  	[sflag:s30] =	ssyncset.done $0x0  }
0x9c: {  	s16 =	simm.s32 $0x0;
	[sflag:s30] =	ssyncadd.s32 $0xFFFFD800  }
0x9d: {  	[spmem:s2] =	stream.indirect.scatter.add.f32 [tilespmem:s25], [sflag:$0x6], $0x80, s16, s31, $0xb8;
	[tilespmem:$0x1D380] =	vst v63  }
0x9e: {  	_ =	swait.ge [sflag:s0], $0x2800  }
0x9f: {  	[sflag:s0] =	ssyncset.done $0x0  }
0xa0: {  	s10 =	stileid.u32;
	[sflag:s0] =	ssyncadd.s32 $0xFFFFD800  }
0xa1: {  	s9 =	sshll.u32 s10, $0x6;
	[bflag:$0x0] =	sbarrier.arrive $0xFFFF  }
0xa2: {  	s18 =	sshrl.u32 s8, $0x3;
	s17 =	sor.u32 $0x1C05, s9;
	s11 =	rddreg [dreg:$0x8]  }
0xa3: {  	[hbm:s11], [sflag:s17] =	dma.local [spmem:s18], $0x2800  }
0xa4: {  	_ =	swait.ge [sflag:s24], $0x2800  }
0xa5: {  	[sflag:s24] =	ssyncset.done $0x0  }
0xa6: {  	[sflag:s24] =	ssyncadd.s32 $0xFFFFD800  }
0xa7: {  	[bflag:$0x0] =	sbarrier.arrive $0xFFFF  }
0xa8: {  	[spmem:s8] =	stream.linear.scatter [tilespmem:s23], [sflag:$0x5], $0x4000, $0x38;
	[tilespmem:$0x1D380] =	vst v63  }
0xa9: {  	_ =	swait.ge [sflag:s24], $0x4000  }
0xaa: {  	[sflag:s24] =	ssyncset.done $0x0  }
0xab: {  	s19 =	rddreg [dreg:$0x4];
	[sflag:s24] =	ssyncadd.s32 $0xFFFFC000  }
0xac: {  	[spmem:s19] =	stream.linear.scatter [tilespmem:s23], [sflag:$0x5], $0x4000, $0x38;
	[tilespmem:$0x1D380] =	vst v63  }
0xad: {  	_ =	swait.ge [sflag:s24], $0x4000  }
0xae: {  	[sflag:s24] =	ssyncset.done $0x0  }
0xaf: {  	s10 =	rddreg [dreg:$0x5];
	[sflag:s24] =	ssyncadd.s32 $0xFFFFC000  }
0xb0: {  	[spmem:s10] =	stream.linear.scatter [tilespmem:s23], [sflag:$0x5], $0x4000, $0x38;
	[tilespmem:$0x1D380] =	vst v63  }
0xb1: {  	_ =	swait.ge [sflag:s24], $0x4000  }
0xb2: {  	[sflag:s24] =	ssyncset.done $0x0  }
0xb3: {  	s11 =	rddreg [dreg:$0x6];
	[sflag:s24] =	ssyncadd.s32 $0xFFFFC000  }
0xb4: {  	[spmem:s11] =	stream.linear.scatter [tilespmem:s23], [sflag:$0x5], $0x4000, $0x38;
	[tilespmem:$0x1D380] =	vst v63  }
0xb5: {  	_ =	swait.ge [sflag:s24], $0x4000  }
0xb6: {  	[sflag:s24] =	ssyncset.done $0x0  }
0xb7: {  	[sflag:s24] =	ssyncadd.s32 $0xFFFFC000  }
0xb8: {  	[spmem:s12] =	stream.linear.scatter [tilespmem:s23], [sflag:$0x5], $0x4000, $0x38;
	[tilespmem:$0x1D380] =	vst v63  }
0xb9: {  	_ =	swait.ge [sflag:s24], $0x4000  }
0xba: {  	[sflag:s24] =	ssyncset.done $0x0  }
.Ltmp4:
0xbb: {  	[sflag:s24] =	ssyncadd.s32 $0xFFFFC000;
	(pc) =	sbr.rel .LBB2_6-.Ltmp4, $4  }
0xbc: {  	[bflag:$0x0] =	sbarrier.arrive $0xFFFF  }
0xbd: {  	[tilespmem:s16], [sflag:$0x1] =	stream.linear.gather [hbm4b:s13+s16], $0x50, $0x38;
	[tilespmem:$0x1D380] =	vst v63  }
0xbe: {  	s10 =	simm.s32 $0x5100;
	s19 =	rddreg [dreg:$0x9]  }
0xbf: {  	[tilespmem:s10], [sflag:$0x3] =	stream.linear.gather [hbm4b:s19+s16], $0x500, $0x38;
	[tilespmem:$0x1D380] =	vst v63  }
.LBB2_12:
0xc0: {  	s16 =	sadd.s32 $0x1, s16  }
0xc1: {  	p0 =	sne.s32 s16, $0x3F  }
.Ltmp5:
0xc2: {  	_ = 	snop;
	(pc) =	sbr.rel @!p0 .LBB2_13-.Ltmp5, $1  }
0xc3: {  	_ =	sdelay $0x3  }
.LBB2_6:
0xc4: {  	s9 =	sshllo.u32 s16, $0x1  }
0xc5: {  	p0 =	sgt.u32 s9, $0x7C  }
0xc6: {  	s9 =	smul.u32 @!p0 $0x50, s9;
	_ =	sdelay $0x1  }
0xc7: {  	s9 =	sadd.s32 @!p0 s7, s9  }
0xc8: {  	s19 =	simm.s32 @!p0 $0x0;
	s10 =	sshrl.u32 @!p0 s9, $0x3;
	s9 =	sshll.u32 @!p0 s9, $0x1  }
0xc9: {  	s11 =	simm.s32 @!p0 $0x80;
	s10 =	sadd.s32 @!p0 s4, s10;
	s9 =	sand.u32 @!p0 $0x1FFFFFE0, s9  }
0xca: {  	[tilespmem:s11], [sflag:$0x2] =	stream.linear.gather @!p0 [hbm4b:s10+s19], $0x50, $0x38;
	[tilespmem:$0x1D380] =	vst v63  }
0xcb: {  	s9 =	sadd.s32 @!p0 s5, s9;
	s10 =	simm.s32 @!p0 $0x5600  }
0xcc: {  	[tilespmem:s10], [sflag:$0x4] =	stream.linear.gather @!p0 [hbm4b:s9+s19], $0x500, $0x38;
	[tilespmem:$0x1D380] =	vst v63  }
0xcd: {  	_ =	swait.ge [sflag:s29], $0x50  }
0xce: {  	[sflag:s29] =	ssyncset.done $0x0  }
0xcf: {  	[sflag:s29] =	ssyncadd.s32 $0xFFFFFFB0  }
0xd0: {  	_ =	swait.ge [sflag:s30], $0x500  }
0xd1: {  	[sflag:s30] =	ssyncset.done $0x0  }
0xd2: {  	s11 =	simm.s32 $0x0;
	[sflag:s30] =	ssyncadd.s32 $0xFFFFFB00  }
0xd3: {  	v1 =	vld [tilespmem:s11+$0x5100];
	_ =	sdelay $0x3  }
0xd4: {  	s19 =	simm.s32 $0x5B00;
	s9 =	simm.s32 $0x40  }
.LBB2_7:
0xd5: {  	s10 =	sshra.s32 s9, $0x2;
	p1 =	sne.s32 s9, $0x13C0;
	s9 =	sadd.s32 $0x40, s9;
	[tilespmem:s19+$0x0] =	vst v1  }
.Ltmp6:
0xd6: {  	v1 =	vld [tilespmem:s10+$0x5100];
	(pc) =	sbr.rel @p1 .LBB2_7-.Ltmp6, $2  }
0xd7: {  	_ =	sdelay $0x2  }
0xd8: {  	s19 =	sadd.s32 $0x80, s19  }
0xd9: {  	p1 =	seq.s32 s16, $0x3E  }
0xda: {  	[tilespmem:s19+$0x0] =	vst v1;
	s9 =	smul.u32 @!p1 $0xA0, s16  }
0xdb: {  	[spmem:s2] =	stream.indirect.scatter.add.f32 [tilespmem:s23], [sflag:$0x6], $0x80, s3, s31, $0xb8;
	[tilespmem:$0x1D380] =	vst v63  }
0xdc: {  	_ =	swait.ge [sflag:s0], $0x2800  }
0xdd: {  	s11 =	simm.s32 @!p1 $0x0;
	s9 =	sadd.s32 @!p1 s9, s15;
	[sflag:s0] =	ssyncset.done $0x0  }
.Ltmp7:
0xde: {  	s10 =	sshrl.u32 @!p1 s9, $0x3;
	s9 =	sshll.u32 @!p1 s9, $0x1;
	(pc) =	sbr.rel @p0 .LBB2_12-.Ltmp7, $4  }
0xdf: {  	[sflag:s0] =	ssyncadd.s32 $0xFFFFD800;
	s10 =	sadd.s32 @!p1 s4, s10;
	s9 =	sand.u32 @!p1 $0x1FFFFFE0, s9  }
0xe0: {  	[tilespmem:s11], [sflag:$0x1] =	stream.linear.gather @!p1 [hbm4b:s10+s11], $0x50, $0x38;
	[tilespmem:$0x1D380] =	vst v63  }
0xe1: {  	s9 =	sadd.s32 @!p1 s5, s9;
	s10 =	simm.s32 @!p1 $0x5100  }
0xe2: {  	[tilespmem:s10], [sflag:$0x3] =	stream.linear.gather @!p1 [hbm4b:s9+s11], $0x500, $0x38;
	[tilespmem:$0x1D380] =	vst v63  }
0xe3: {  	_ =	swait.ge [sflag:s1], $0x50  }
0xe4: {  	[sflag:s1] =	ssyncset.done $0x0  }
0xe5: {  	[sflag:s1] =	ssyncadd.s32 $0xFFFFFFB0  }
0xe6: {  	_ =	swait.ge [sflag:s6], $0x500  }
0xe7: {  	[sflag:s6] =	ssyncset.done $0x0  }
0xe8: {  	s10 =	simm.s32 $0x0;
	[sflag:s6] =	ssyncadd.s32 $0xFFFFFB00  }
0xe9: {  	v1 =	vld [tilespmem:s10+$0x5600];
	_ =	sdelay $0x3  }
0xea: {  	s19 =	simm.s32 $0x5B00;
	s9 =	simm.s32 $0x40  }
.LBB2_10:
0xeb: {  	s10 =	sshra.s32 s9, $0x2;
	p0 =	sne.s32 s9, $0x13C0;
	s9 =	sadd.s32 $0x40, s9;
	[tilespmem:s19+$0x0] =	vst v1  }
.Ltmp8:
0xec: {  	v1 =	vld [tilespmem:s10+$0x5600];
	(pc) =	sbr.rel @p0 .LBB2_10-.Ltmp8, $2  }
0xed: {  	_ =	sdelay $0x2  }
0xee: {  	s19 =	sadd.s32 $0x80, s19  }
.Ltmp9:
0xef: {  	[tilespmem:s19+$0x0] =	vst v1;
	(pc) =	sbr.rel .LBB2_12-.Ltmp9, $4  }
0xf0: {  	[spmem:s2] =	stream.indirect.scatter.add.f32 [tilespmem:s23], [sflag:$0x5], $0x80, s26, s31, $0xb8;
	[tilespmem:$0x1D380] =	vst v63  }
0xf1: {  	_ =	swait.ge [sflag:s24], $0x2800  }
0xf2: {  	[sflag:s24] =	ssyncset.done $0x0  }
0xf3: {  	[sflag:s24] =	ssyncadd.s32 $0xFFFFD800  }
.LBB2_14:
0xf4: {  	_ =	sfence.sel $0x180000  }
0xf5: {  	[bflag:$0x0] =	sbarrier.arrive $0xFFFF  }
0xf6: {  	_ =	strace $0x9000004D  }
0xf7: {  	s0 =	stileid.u32;
	[bflag:$0x2] =	sbarrier.arrive $0xFFFF  }
0xf8: {  	p0 =	sne.s32 s0, $0x0;
	s0 =	rddreg [dreg:$0x2]  }
0xf9: {  	s0 =	sadd.s32 @!p0 $0x100000, s0  }
0xfa: {  	[sflag:s0] =	ssyncadd.tile.s32 @!p0 $0x1;
	_ =	shalt  }
.Lfunc_end2:
_tile_overlayer_lowered:
.L_overlay_start_2:
0xfb: {  	(tag) =	ssettag $0x2  }
0xfc: {  	s0 =	rddreg [dreg:$0x0];
	s2 =	stileid.u32  }
0xfd: {  	s1 =	rddreg [dreg:$0x1];
	p0 =	sne.s32 s2, $0x0  }
0xfe: {  	s3 =	rddreg [dreg:$0x2];
	[bflag:$0x3] =	sbarrier.arrive $0xFFFF;
	s2 =	simm.s32 @!p0 $0x1C05  }
0xff: {  	[timem:s3], [sflag:s2] =	dma.local @!p0 [hbm:s0], s1  }
0x100: {  	s0 =	simm.s32 @!p0 $0x5  }
0x101: {  	_ =	swait.ge @!p0 [sflag:s0], s1  }
0x102: {  	s1 =	ssub.s32 @!p0 $0x0, s1;
	[sflag:s0] =	ssyncset.done @!p0 $0x0  }
0x103: {  	[sflag:s0] =	ssyncadd.s32 @!p0 s1  }
0x104: {  	[bflag:$0x3] =	sbarrier.arrive $0xFFFF  }
0x105: {  	_ =	shalt  }

// kernel: kernel.20.cloned.1.call-start
scs
__scs_entry_jumppad:
0x0: {  	(pc) =	sbr.rel $0x88, $3  }
0x1: {  	(tag) =	ssettag $0x0;
	lr =	simm.s32 $0x1  }
0x2: {  	[smem:$0x3F92] =	sst lr;
	_ =	strace $0xD0000000  }
0x3: {  	_ = 	snop  }
0x4: {  	_ = 	snop  }
0x5: {  	_ = 	snop  }
0x6: {  	_ = 	snop  }
0x7: {  	_ = 	snop  }
__scs_overlays_trampoline_lowered:
0x8: {  	[smem:$0x3FA1] =	sst s0  }
0x9: {  	[smem:$0x3FA2] =	sst s1  }
0xa: {  	[smem:$0x3FA3] =	sst s2  }
0xb: {  	[smem:$0x3FA4] =	sst s3  }
0xc: {  	[smem:$0x3FA5] =	sst s4  }
0xd: {  	[smem:$0x3FA6] =	sst s5  }
0xe: {  	[smem:$0x3FA7] =	sst s6  }
0xf: {  	[smem:$0x3FA8] =	sst s7  }
0x10: {  	[smem:$0x3FA9] =	sst s8  }
0x11: {  	[smem:$0x3FAA] =	sst s9;
	s0 =	simm.s32 @!p0 $0x0  }
0x12: {  	s1 =	sld [smem:$0x3F90];
	s0 =	simm.s32 @p0 $0x1  }
0x13: {  	[smem:$0x3FAB] =	sst s0;
	s0 =	simm.s32 @!p1 $0x0  }
0x14: {  	s2 =	sld [smem:$0x3F8F];
	s0 =	simm.s32 @p1 $0x1  }
0x15: {  	[smem:$0x3FAC] =	sst s0;
	s0 =	simm.s32 @!p2 $0x0  }
0x16: {  	s3 =	sld [smem:$0x3FDB];
	s0 =	simm.s32 @p2 $0x1  }
0x17: {  	s4 =	simm.s32 $0x1BF5;
	[smem:$0x3FAE] =	sst s0  }
0x18: {  	s0 =	sld [smem:$0x3F91];
	_ =	swait.ge [sflag:s4], $0x0  }
0x19: {  	s7 =	sld [smem:$0x3F92]  }
0x1a: {  	s8 =	sadd.s32 $0xFFFFE003, lr  }
0x1b: {  	s9 =	sadd.s32 $0xFFFFFEF7, lr;
	s5 =	simm.s32 $0xFFFFFFFF;
	p2 =	slt.u32 s8, $0xFFFFF086  }
0x1c: {  	p1 =	slt.u32 s9, $0xF7A;
	s5 =	simm.s32 @!p2 $0x0  }
0x1d: {  	s5 =	simm.s32 @p1 $0x1;
	p0 =	seq.s32 s7, s2  }
0x1e: {  	s7 =	smul.u32 @!p0 $0xF7A, s2;
	p2 =	seq.s32 @!p0 s5, $0x0  }
0x1f: {  	s9 =	smul.u32 $0xF7A, s1;
	s8 =	simm.s32 @!p0 $0x1BF5;
	p2 =	por !p2, p0  }
0x20: {  	[sflag:s8] =	ssyncset.s32 @!p0 $0xFFFFF086;
	s6 =	sadd.s32 @!p0 s3, s7;
	s7 =	simm.s32 @!p0 $0x108  }
0x21: {  	s3 =	sadd.s32 s3, s9;
	s6 =	sadd.s32 @!p0 $0x88, s6;
	s7 =	simm.s32 @p2 $0x1082  }
0x22: {  	[simem:s7], [sflag:s8] =	dma.local @!p0 [hbm:s6], $0xF7A  }
0x23: {  	s9 =	sor.u32 $0xD0000000, s2;
	s6 =	simm.s32 $0x108;
	_ =	swait.ge @!p0 [sflag:s8], $0x0  }
0x24: {  	s3 =	sadd.s32 $0x88, s3;
	s6 =	simm.s32 @!p1 $0x1082;
	[sflag:s4] =	ssyncset.s32 $0xFFFFF086  }
0x25: {  	[simem:s6], [sflag:s4] =	dma.local [hbm:s3], $0xF7A  }
0x26: {  	[smem:$0x3F92] =	sst s1;
	(tag) =	ssettag s2;
	_ =	strace s9  }
0x27: {  	s1 =	sld [smem:$0x3FA2]  }
0x28: {  	s2 =	sld [smem:$0x3FA3]  }
0x29: {  	s4 =	sld [smem:$0x3FA5]  }
0x2a: {  	p0 =	seq.s32 s5, $0x0;
	s5 =	sld [smem:$0x3FA6]  }
0x2b: {  	s6 =	sld [smem:$0x3FA7]  }
0x2c: {  	s7 =	sld [smem:$0x3FA8]  }
0x2d: {  	s3 =	simm.s32 $0x108;
	s8 =	sld [smem:$0x3FA9]  }
0x2e: {  	s3 =	simm.s32 @!p0 $0x1082;
	s9 =	sld [smem:$0x3FAA]  }
0x2f: {  	lr =	sadd.s32 s0, s3;
	s0 =	sld [smem:$0x3FA1]  }
0x30: {  	s3 =	sld [smem:$0x3FA4]  }
0x31: {  	[smem:$0x3FAD] =	sst s10  }
0x32: {  	s10 =	sld [smem:$0x3FAB];
	_ =	sdelay $0x3  }
0x33: {  	p0 =	seq.s32 s10, $0x1;
	s10 =	sld [smem:$0x3FAD];
	_ =	sdelay $0x3  }
0x34: {  	[smem:$0x3FAD] =	sst s10  }
0x35: {  	s10 =	sld [smem:$0x3FAC];
	_ =	sdelay $0x3  }
0x36: {  	p1 =	seq.s32 s10, $0x1;
	s10 =	sld [smem:$0x3FAD];
	_ =	sdelay $0x3  }
0x37: {  	[smem:$0x3FAD] =	sst s10  }
0x38: {  	s10 =	sld [smem:$0x3FAE]  }
0x39: {  	_ = 	snop;
	(pc) =	sbr.ind lr, $3  }
0x3a: {  	_ = 	snop  }
0x3b: {  	_ = 	snop  }
0x3c: {  	p2 =	seq.s32 s10, $0x1;
	s10 =	sld [smem:$0x3FAD]  }
0x3d: {  	_ =	shalt  }
0x3e: {  	_ =	shalt  }
0x3f: {  	_ =	shalt  }
0x40: {  	_ =	shalt  }
0x41: {  	_ =	shalt  }
0x42: {  	_ =	shalt  }
0x43: {  	_ =	shalt  }
0x44: {  	_ =	shalt  }
0x45: {  	_ =	shalt  }
0x46: {  	_ =	shalt  }
0x47: {  	_ =	shalt  }
0x48: {  	_ =	shalt  }
0x49: {  	_ =	shalt  }
0x4a: {  	_ =	shalt  }
0x4b: {  	_ =	shalt  }
0x4c: {  	_ =	shalt  }
0x4d: {  	_ =	shalt  }
0x4e: {  	_ =	shalt  }
0x4f: {  	_ =	shalt  }
0x50: {  	_ =	shalt  }
0x51: {  	_ =	shalt  }
0x52: {  	_ =	shalt  }
0x53: {  	_ =	shalt  }
0x54: {  	_ =	shalt  }
0x55: {  	_ =	shalt  }
0x56: {  	_ =	shalt  }
0x57: {  	_ =	shalt  }
0x58: {  	_ =	shalt  }
0x59: {  	_ =	shalt  }
0x5a: {  	_ =	shalt  }
0x5b: {  	_ =	shalt  }
0x5c: {  	_ =	shalt  }
0x5d: {  	_ =	shalt  }
0x5e: {  	_ =	shalt  }
0x5f: {  	_ =	shalt  }
0x60: {  	_ =	shalt  }
0x61: {  	_ =	shalt  }
0x62: {  	_ =	shalt  }
0x63: {  	_ =	shalt  }
0x64: {  	_ =	shalt  }
0x65: {  	_ =	shalt  }
0x66: {  	_ =	shalt  }
0x67: {  	_ =	shalt  }
0x68: {  	_ =	shalt  }
0x69: {  	_ =	shalt  }
0x6a: {  	_ =	shalt  }
0x6b: {  	_ =	shalt  }
0x6c: {  	_ =	shalt  }
0x6d: {  	_ =	shalt  }
0x6e: {  	_ =	shalt  }
0x6f: {  	_ =	shalt  }
0x70: {  	_ =	shalt  }
0x71: {  	_ =	shalt  }
0x72: {  	_ =	shalt  }
0x73: {  	_ =	shalt  }
0x74: {  	_ =	shalt  }
0x75: {  	_ =	shalt  }
0x76: {  	_ =	shalt  }
0x77: {  	_ =	shalt  }
0x78: {  	_ =	shalt  }
0x79: {  	_ =	shalt  }
0x7a: {  	_ =	shalt  }
0x7b: {  	_ =	shalt  }
0x7c: {  	_ =	shalt  }
0x7d: {  	_ =	shalt  }
0x7e: {  	_ =	shalt  }
0x7f: {  	_ =	shalt  }
0x80: {  	_ =	shalt  }
0x81: {  	_ =	shalt  }
0x82: {  	_ =	shalt  }
0x83: {  	_ =	shalt  }
0x84: {  	_ =	shalt  }
0x85: {  	_ =	shalt  }
0x86: {  	_ =	shalt  }
0x87: {  	_ =	shalt  }
.Lfunc_end0:
.L_simem_size_0:
called_computation.3_lowered:
.L_overlay_start_0:
0x88: {  	s2 =	sld [smem:$0x3FD9]  }
0x89: {  	s3 =	sld [smem:$0x3FFE];
	_ =	sdelay $0x1  }
0x8a: {  	s1 =	srdreg.scid  }
0x8b: {  	s0 =	sand.u32 $0x1, s1  }
0x8c: {  	s15 =	sshll.u32 s0, $0xA;
	s2 =	sadd.s32 s3, s2  }
0x8d: {  	s2 =	sadd.s32 s2, s15  }
0x8e: {  	[smem:$0x3FB9] =	sst s2  }
0x8f: {  	_ = 	snop  }
0x90: {  	s2 =	sld [smem:$0x3FD0];
	_ =	sdelay $0x2  }
0x91: {  	s16 =	simm.s32 $0xB;
	s4 =	simm.s32 $0x10  }
0x92: {  	[smem:s4], [sflag:s16] =	dma.local [hbm:s2], $0x1  }
0x93: {  	_ =	swait.eq [sflag:s16], $0x1  }
0x94: {  	[sflag:s16] =	ssyncset.done $0x0  }
0x95: {  	[sflag:s16] =	ssyncadd.s32 $0xFFFFFFFF  }
0x96: {  	s17 =	sld [smem:$0x10];
	(tm) =	ssettm $0x1  }
0x97: {  	s18 =	sld [smem:$0x3FFB];
	_ =	sdelay $0x3  }
0x98: {  	_ =	strace s18  }
0x99: {  	s2 =	sld [smem:$0x3FFC];
	_ =	sdelay $0x3  }
0x9a: {  	_ =	strace s2  }
0x9b: {  	s2 =	sld [smem:$0x3FFD];
	_ =	sdelay $0x3  }
0x9c: {  	_ =	strace s2  }
0x9d: {  	_ =	strace $0x8FFFFFFF  }
0x9e: {  	s19 =	sld [smem:$0x3FDB];
	_ =	sdelay $0x1  }
0x9f: {  	s20 =	simm.s32 $_scs_section_size  }
0xa0: {  	s5 =	simm.s32 $_size__tile_overlayer_lowered;
	s6 =	simm.s32 $_tile_overlayer_lowered  }
0xa1: {  	s7 =	simm.s32 $0x1BFF;
	s21 =	sshll.u32 s6, $0x1;
	s4 =	sadd.s32 s20, s19  }
0xa2: {  	s22 =	simm.s32 $0x0;
	s5 =	sshll.u32 s5, $0x1;
	s6 =	sadd.s32 s21, s4  }
0xa3: {  	[timem:s22], [sflag:s7] =	dma.local [hbm:s6], s5  }
0xa4: {  	_ =	swait.ge [sflag:s7], s5  }
0xa5: {  	s5 =	ssub.s32 $0x0, s5;
	[sflag:s7] =	ssyncset.done $0x0  }
0xa6: {  	[sflag:s7] =	ssyncadd.s32 s5;
	_ =	sdelay $0x1  }
0xa7: {  	s23 =	simm.s32 $0x1B8B  }
0xa8: {  	_ =	swait.ge [sflag:s23], $0x1  }
0xa9: {  	[sflag:s23] =	ssyncset.done $0x0  }
0xaa: {  	[sflag:s23] =	ssyncadd.s32 $0xFFFFFFFF  }
0xab: {  	s5 =	sld [smem:$0x0]  }
0xac: {  	s6 =	sand.u32 $0xFFFFFFFE, s1  }
0xad: {  	p0 =	sne.s32 s1, s6  }
0xae: {  	s6 =	sshll.u32 @p0 s6, $0xE  }
0xaf: {  	s6 =	sadd.s32 @p0 $0x11B8D, s6;
	s7 =	sshll.u32 @p0 s5, $0x11  }
0xb0: {  	s6 =	sor.u32 @p0 s7, s6  }
0xb1: {  	[sflag:s6] =	ssyncadd.remote.s32 @p0 $0x1;
	_ =	sdelay $0x1  }
0xb2: {  	s6 =	simm.s32 @p0 $0x1B8D  }
0xb3: {  	_ =	swait.eq @p0 [sflag:s6], $0x1  }
0xb4: {  	[sflag:s6] =	ssyncadd.s32 @p0 $0xFFFFFFFF  }
0xb5: {  	s7 =	sshll.u32 @!p0 s1, $0xE  }
0xb6: {  	s7 =	sor.u32 @!p0 $0x4000, s7;
	s6 =	simm.s32 @!p0 $0x1B8D  }
0xb7: {  	s5 =	sshll.u32 @!p0 s5, $0x11;
	s7 =	sadd.s32 @!p0 $0x11B8D, s7;
	_ =	swait.eq @!p0 [sflag:s6], $0x1  }
0xb8: {  	s5 =	sor.u32 @!p0 s5, s7;
	[sflag:s6] =	ssyncadd.s32 @!p0 $0xFFFFFFFF  }
0xb9: {  	s25 =	simm.s32 $0x1B8E;
	s24 =	sld [smem:$0x3FFE];
	[sflag:s5] =	ssyncadd.remote.s32 @!p0 $0x1  }
0xba: {  	s26 =	simm.s32 $execute0_lowered;
	[smem:$0x3FD2] =	sst s25  }
0xbb: {  	s6 =	sshll.u32 s26, $0x1;
	_ =	strace $0x8000004F;
	[dreg:$0x1] =	wrdreg $0xFFFFFFFF  }
0xbc: {  	s28 =	simm.s32 $_size_execute0_lowered;
	s4 =	sadd.s32 s4, s6;
	[dreg:$0x0] =	wrdreg $0x0  }
0xbd: {  	s6 =	sshll.u32 s28, $0x1;
	[dreg:$0x2] =	wrdreg s4  }
0xbe: {  	[dreg:$0x3] =	wrdreg s6  }
0xbf: {  	[dreg:$0x4] =	wrdreg $0xC0  }
0xc0: {  	_ =	task [dreg:s22], $0x5FFFF  }
0xc1: {  	[dreg:$0x1] =	wrdreg $0xFFFFFFFF  }
0xc2: {  	[dreg:$0x0] =	wrdreg $0x60  }
0xc3: {  	[dreg:$0x2] =	wrdreg s24  }
0xc4: {  	[dreg:$0x3] =	wrdreg s17  }
0xc5: {  	[dreg:$0x4] =	wrdreg $0x9B000  }
0xc6: {  	[dreg:$0x5] =	wrdreg $0x9  }
0xc7: {  	_ =	task.clear_ibuf [dreg:s22], $0x6FFFF;
	_ =	strace $0x9000004F  }
0xc8: {  	s29 =	simm.s32 $0x9;
	_ =	strace $0x80000051  }
0xc9: {  	_ =	swait.ge [sflag:s29], $0x1  }
0xca: {  	[sflag:s29] =	ssyncadd.s32 $0xFFFFFFFF  }
0xcb: {  	_ =	strace $0x90000051  }
0xcc: {  	_ =	sfence  }
0xcd: {  	s30 =	sld [smem:$0x0];
	_ =	sdelay $0x2  }
0xce: {  	s31 =	sshll.u32 s1, $0xD;
	s1 =	sshrl.u32 s1, $0x2  }
0xcf: {  	s4 =	sand.u32 $0x4000, s31;
	s1 =	sadd.s32 s1, s30  }
0xd0: {  	s0 =	sor.u32 s4, s0;
	s1 =	sshll.u32 s1, $0x11  }
0xd1: {  	s0 =	sor.u32 s1, s0  }
0xd2: {  	s0 =	sadd.s32 $0x8F2B, s0  }
0xd3: {  	[sflag:s0] =	ssyncadd.remote.s32 $0x1  }
0xd4: {  	_ =	sfence.sel $0xFFFF  }
0xd5: {  	[dreg:$0x0] =	wrdreg $0xFFFFFFFF;
	(pc) =	sbr.abs _section_cstart, $3  }
0xd6: {  	[dreg:$0x1] =	wrdreg $0xFFFFFFFF  }
0xd7: {  	_ =	task.clear_ibuf [dreg:s22], $0x2FFFF;
	_ =	strace $0x9FFFFFFF  }
0xd8: {  	(tm) =	ssettm $0x7FFFFFFF  }
0xd9: {  	_ =	shalt  }
tec
execute0_lowered:
.L_overlay_start_1:
0x0: {  	(tag) =	ssettag $0x1  }
0x1: {  	s0 =	rddreg [dreg:$0x0]  }
0x2: {  	s1 =	rddreg [dreg:$0x1]  }
0x3: {  	s2 =	rddreg [dreg:$0x2]  }
0x4: {  	s4 =	srdreg.scid;
	s20 =	stileid.u32  }
0x5: {  	s3 =	simm.s32 $0x0;
	s28 =	simm.s32 $0x2900;
	s29 =	simm.s32 $0x1  }
0x6: {  	s30 =	simm.s32 $0x3;
	s31 =	simm.s32 $0x50;
	s5 =	smul.u32 $0x270, s20  }
0x7: {  	s6 =	sand.u32 $0x1, s4;
	[smem:$0x7FF] =	sst s3;
	s23 =	smul.u32 $0x4E000, s20  }
0x8: {  	s4 =	sadd.s32 $0xD8000, s0;
	s14 =	sadd.s32 $0x1FDBC00, s0;
	s19 =	smul.u32 $0x4E200, s20  }
0x9: {  	s8 =	sadd.s32 $0x32200, s0;
	s24 =	sshll.u32 s20, $0x1;
	s20 =	smul.u32 $0x4E20, s20  }
0xa: {  	s9 =	smul.u32 $0x2710, s6;
	_ =	strace $0x80000050;
	s12 =	sor.u32 s6, s24  }
0xb: {  	[dreg:$0x4] =	wrdreg s8;
	s10 =	ssub.s32 $0x2, s6;
	s15 =	smul.u32 $0x27100, s12  }
0xc: {  	s25 =	sshrl.u32 s23, $0x2;
	s11 =	sshrl.u32 s10, $0x1;
	s18 =	smul.u32 $0x4E20, s12  }
0xd: {  	s22 =	sadd.s32 s19, s14;
	s7 =	sadd.s32 s5, s9;
	s5 =	sadd.s32 $0x16B4000, s0  }
0xe: {  	s8 =	sadd.s32 s25, s2;
	s17 =	ssub.s32 s10, s11;
	s9 =	sadd.s32 s9, s20  }
0xf: {  	s16 =	sshll.u32 s7, $0x4;
	s7 =	smul.u32 $0x2710, s12;
	s26 =	sadd.s32 $0x4000, s8  }
0x10: {  	s11 =	sadd.s32 $0x8000, s8;
	s13 =	sadd.s32 $0xC000, s8;
	[dreg:$0x5] =	wrdreg s26  }
0x11: {  	s12 =	sadd.s32 $0x10000, s8;
	s15 =	sadd.s32 s14, s15;
	[dreg:$0x6] =	wrdreg s11  }
0x12: {  	s21 =	sadd.s32 s5, s18;
	s24 =	sadd.s32 $0x50, s9;
	[dreg:$0x7] =	wrdreg s13  }
0x13: {  	s25 =	smax.u32 s17, $0x1;
	s14 =	simm.s32 $0x0;
	[dreg:$0x8] =	wrdreg s15  }
0x14: {  	s0 =	sadd.s32 s16, s0;
	s1 =	sadd.s32 s1, s16;
	[dreg:$0xa] =	wrdreg s21  }
0x15: {  	s16 =	smul.u32 $0x27100, s6;
	[dreg:$0xc] =	wrdreg s25;
	s26 =	sshrl.u32 s24, $0x3  }
0x16: {  	s21 =	sadd.s32 $0xA0, s9;
	s24 =	simm.s32 $0x5;
	s25 =	simm.s32 $0x100  }
.Ltmp0:
0x17: {  	s6 =	simm.s32 $0x4;
	s13 =	sshrl.u32 s7, $0x3;
	(pc) =	sbr.rel .LBB2_1-.Ltmp0, $4  }
0x18: {  	s15 =	sadd.s32 $0xA0, s7;
	[dreg:$0x9] =	wrdreg s1;
	s0 =	sadd.s32 $0xE1E00, s0  }
0x19: {  	s1 =	simm.s32 $0x2;
	s13 =	sadd.s32 s4, s13;
	[dreg:$0xb] =	wrdreg s0  }
0x1a: {  	s23 =	sadd.s32 s16, s22;
	s22 =	sadd.s32 s26, s4;
	s26 =	simm.s32 $0x80  }
0x1b: {  	v0 =	vimm.f32 $0.0e+00;
	s0 =	simm.s32 $0x6;
	s20 =	sadd.s32 $0xA00, s23;
	s23 =	simm.s32 $0x5B00  }
.LBB2_13:
0x1c: {  	[bflag:$0x0] =	sbarrier.arrive $0xFFFF  }
0x1d: {  	s9 =	rddreg [dreg:$0xb]  }
0x1e: {  	[hbm:s9], [sflag:s17] =	dma.local [spmem:s18], $0x2800  }
0x1f: {  	_ =	swait.ge [sflag:s24], $0x2800  }
0x20: {  	s14 =	sadd.s32 $0x1, s14;
	s19 =	rddreg [dreg:$0xc]  }
0x21: {  	p0 =	sne.s32 s14, s19  }
.Ltmp1:
0x22: {  	_ = 	snop;
	(pc) =	sbr.rel @!p0 .LBB2_14-.Ltmp1, $3  }
0x23: {  	[sflag:s24] =	ssyncset.done $0x0  }
0x24: {  	[sflag:s24] =	ssyncadd.s32 $0xFFFFD800  }
0x25: {  	[bflag:$0x0] =	sbarrier.arrive $0xFFFF;
	_ =	sdelay $0x1  }
.LBB2_1:
0x26: {  	s9 =	rddreg [dreg:$0x4]  }
0x27: {  	[tilespmem:s23], [sflag:$0x5] =	stream.linear.gather [hbm4b:s9+s3], $0x4000, $0x38;
	[tilespmem:$0x1D380] =	vst v63  }
0x28: {  	_ =	swait.ge [sflag:s24], $0x4000  }
0x29: {  	[sflag:s24] =	ssyncset.done $0x0  }
0x2a: {  	s16 =	simm.s32 $0x0;
	s9 =	simm.s32 $0x200;
	[sflag:s24] =	ssyncadd.s32 $0xFFFFC000  }
.LBB2_2:
0x2b: {  	p0 =	sne.s32 s9, $0x9E00;
	[tilespmem:s16+$0x5B00] =	vst v0;
	s16 =	smov.u32 s9;
	s9 =	sadd.s32 $0x200, s9  }
.Ltmp2:
0x2c: {  	(pc) =	sbr.rel @p0 .LBB2_2-.Ltmp2, $2  }
0x2d: {  	_ =	sdelay $0x2  }
0x2e: {  	s16 =	sshra.s32 s16, $0x2  }
0x2f: {  	[tilespmem:s16+$0x5B00] =	vst v0  }
0x30: {  	[spmem:s8] =	stream.linear.scatter [tilespmem:s23], [sflag:$0x5], $0x4000, $0x38;
	[tilespmem:$0x1D380] =	vst v63  }
0x31: {  	_ =	swait.ge [sflag:s24], $0x4000  }
0x32: {  	[sflag:s24] =	ssyncset.done $0x0  }
0x33: {  	s9 =	rddreg [dreg:$0x5];
	[sflag:s24] =	ssyncadd.s32 $0xFFFFC000  }
0x34: {  	[spmem:s9] =	stream.linear.scatter [tilespmem:s23], [sflag:$0x5], $0x4000, $0x38;
	[tilespmem:$0x1D380] =	vst v63  }
0x35: {  	_ =	swait.ge [sflag:s24], $0x4000  }
0x36: {  	[sflag:s24] =	ssyncset.done $0x0  }
0x37: {  	s10 =	rddreg [dreg:$0x6];
	[sflag:s24] =	ssyncadd.s32 $0xFFFFC000  }
0x38: {  	[spmem:s10] =	stream.linear.scatter [tilespmem:s23], [sflag:$0x5], $0x4000, $0x38;
	[tilespmem:$0x1D380] =	vst v63  }
0x39: {  	_ =	swait.ge [sflag:s24], $0x4000  }
0x3a: {  	[sflag:s24] =	ssyncset.done $0x0  }
0x3b: {  	s11 =	rddreg [dreg:$0x7];
	[sflag:s24] =	ssyncadd.s32 $0xFFFFC000  }
0x3c: {  	[spmem:s11] =	stream.linear.scatter [tilespmem:s23], [sflag:$0x5], $0x4000, $0x38;
	[tilespmem:$0x1D380] =	vst v63  }
0x3d: {  	_ =	swait.ge [sflag:s24], $0x4000  }
0x3e: {  	[sflag:s24] =	ssyncset.done $0x0  }
0x3f: {  	[sflag:s24] =	ssyncadd.s32 $0xFFFFC000  }
0x40: {  	[spmem:s12] =	stream.linear.scatter [tilespmem:s23], [sflag:$0x5], $0x4000, $0x38;
	[tilespmem:$0x1D380] =	vst v63  }
0x41: {  	_ =	swait.ge [sflag:s24], $0x4000  }
0x42: {  	[sflag:s24] =	ssyncset.done $0x0  }
0x43: {  	[sflag:s24] =	ssyncadd.s32 $0xFFFFC000  }
0x44: {  	s16 =	simm.s32 $0x0;
	[bflag:$0x0] =	sbarrier.arrive $0xFFFF  }
0x45: {  	[tilespmem:s16], [sflag:$0x1] =	stream.linear.gather [hbm4b:s13+s16], $0x50, $0x38;
	[tilespmem:$0x1D380] =	vst v63  }
0x46: {  	s10 =	rddreg [dreg:$0x8]  }
0x47: {  	[tilespmem:s25], [sflag:$0x3] =	stream.linear.gather [hbm4b:s10+s16], $0x2800, $0x38;
	[tilespmem:$0x1D380] =	vst v63  }
0x48: {  	s17 =	sadd.s32 $0x0, s22  }
0x49: {  	[tilespmem:s26], [sflag:$0x2] =	stream.linear.gather [hbm4b:s17+s3], $0x50, $0x38;
	[tilespmem:$0x1D380] =	vst v63  }
0x4a: {  	s18 =	sadd.s32 $0xFFFFFB00, s20  }
0x4b: {  	[tilespmem:s28], [sflag:$0x4] =	stream.linear.gather [hbm4b:s18+s3], $0x2800, $0x38;
	[tilespmem:$0x1D380] =	vst v63  }
0x4c: {  	_ =	swait.ge [sflag:s29], $0x50  }
0x4d: {  	[sflag:s29] =	ssyncset.done $0x0  }
0x4e: {  	[sflag:s29] =	ssyncadd.s32 $0xFFFFFFB0  }
0x4f: {  	_ =	swait.ge [sflag:s30], $0x2800  }
0x50: {  	[sflag:s30] =	ssyncset.done $0x0  }
0x51: {  	[sflag:s30] =	ssyncadd.s32 $0xFFFFD800  }
0x52: {  	[spmem:s2] =	stream.indirect.scatter.add.f32 [tilespmem:s25], [sflag:$0x6], $0x80, s3, s31, $0xb8;
	[tilespmem:$0x1D380] =	vst v63  }
0x53: {  	_ =	swait.ge [sflag:s0], $0x2800  }
0x54: {  	s19 =	sshrl.u32 s21, $0x3;
	[sflag:s0] =	ssyncset.done $0x0  }
0x55: {  	s9 =	sadd.s32 s4, s19;
	[sflag:s0] =	ssyncadd.s32 $0xFFFFD800  }
0x56: {  	[tilespmem:s3], [sflag:$0x1] =	stream.linear.gather [hbm4b:s9+s3], $0x50, $0x38;
	[tilespmem:$0x1D380] =	vst v63  }
0x57: {  	_ = 	snop  }
0x58: {  	[tilespmem:s25], [sflag:$0x3] =	stream.linear.gather [hbm4b:s20+s3], $0x2800, $0x38;
	[tilespmem:$0x1D380] =	vst v63  }
0x59: {  	_ =	swait.ge [sflag:s1], $0x50  }
0x5a: {  	[sflag:s1] =	ssyncset.done $0x0  }
0x5b: {  	[sflag:s1] =	ssyncadd.s32 $0xFFFFFFB0  }
0x5c: {  	_ =	swait.ge [sflag:s6], $0x2800  }
0x5d: {  	[sflag:s6] =	ssyncset.done $0x0  }
0x5e: {  	[sflag:s6] =	ssyncadd.s32 $0xFFFFD800  }
0x5f: {  	[spmem:s2] =	stream.indirect.scatter.add.f32 [tilespmem:s28], [sflag:$0x5], $0x80, s26, s31, $0xb8;
	[tilespmem:$0x1D380] =	vst v63  }
0x60: {  	s19 =	simm.s32 $0x28;
	s16 =	sadd.s32 $0xA00, s20;
	_ =	swait.ge [sflag:s24], $0x2800  }
0x61: {  	s17 =	sadd.s32 $0xA0, s21;
	s18 =	simm.s32 $0x14;
	[sflag:s24] =	ssyncset.done $0x0  }
.LBB2_4:
0x62: {  	s9 =	sadd.s32 s18, s22  }
0x63: {  	[sflag:s24] =	ssyncadd.s32 $0xFFFFD800;
	s18 =	smov.u32 s19;
	s10 =	sadd.s32 $0x14, s19  }
0x64: {  	[tilespmem:s26], [sflag:$0x2] =	stream.linear.gather [hbm4b:s9+s3], $0x50, $0x38;
	[tilespmem:$0x1D380] =	vst v63  }
0x65: {  	p0 =	sne.s32 s19, $0x4C4;
	s9 =	sadd.s32 $0xFFFFFB00, s16  }
0x66: {  	[tilespmem:s28], [sflag:$0x4] =	stream.linear.gather [hbm4b:s9+s3], $0x2800, $0x38;
	[tilespmem:$0x1D380] =	vst v63  }
0x67: {  	_ =	swait.ge [sflag:s29], $0x50  }
0x68: {  	[sflag:s29] =	ssyncset.done $0x0  }
0x69: {  	[sflag:s29] =	ssyncadd.s32 $0xFFFFFFB0  }
0x6a: {  	_ =	swait.ge [sflag:s30], $0x2800  }
0x6b: {  	[sflag:s30] =	ssyncset.done $0x0  }
0x6c: {  	[sflag:s30] =	ssyncadd.s32 $0xFFFFD800  }
0x6d: {  	[spmem:s2] =	stream.indirect.scatter.add.f32 [tilespmem:s25], [sflag:$0x6], $0x80, s3, s31, $0xb8;
	[tilespmem:$0x1D380] =	vst v63  }
0x6e: {  	_ =	swait.ge [sflag:s0], $0x2800  }
0x6f: {  	s9 =	sshrl.u32 s17, $0x3;
	[sflag:s0] =	ssyncset.done $0x0  }
0x70: {  	s9 =	sadd.s32 s4, s9;
	[sflag:s0] =	ssyncadd.s32 $0xFFFFD800  }
0x71: {  	[tilespmem:s3], [sflag:$0x1] =	stream.linear.gather [hbm4b:s9+s3], $0x50, $0x38;
	[tilespmem:$0x1D380] =	vst v63  }
0x72: {  	_ = 	snop  }
0x73: {  	[tilespmem:s25], [sflag:$0x3] =	stream.linear.gather [hbm4b:s16+s3], $0x2800, $0x38;
	[tilespmem:$0x1D380] =	vst v63  }
0x74: {  	_ =	swait.ge [sflag:s1], $0x50  }
0x75: {  	[sflag:s1] =	ssyncset.done $0x0  }
0x76: {  	[sflag:s1] =	ssyncadd.s32 $0xFFFFFFB0  }
0x77: {  	_ =	swait.ge [sflag:s6], $0x2800  }
.Ltmp3:
0x78: {  	[sflag:s6] =	ssyncset.done $0x0;
	(pc) =	sbr.rel @p0 .LBB2_4-.Ltmp3, $4  }
0x79: {  	[sflag:s6] =	ssyncadd.s32 $0xFFFFD800  }
0x7a: {  	[spmem:s2] =	stream.indirect.scatter.add.f32 [tilespmem:s28], [sflag:$0x5], $0x80, s26, s31, $0xb8;
	[tilespmem:$0x1D380] =	vst v63  }
0x7b: {  	s19 =	smov.u32 s10;
	_ =	swait.ge [sflag:s24], $0x2800  }
0x7c: {  	s17 =	sadd.s32 $0xA0, s17;
	s16 =	sadd.s32 $0xA00, s16;
	[sflag:s24] =	ssyncset.done $0x0  }
0x7d: {  	s9 =	sadd.s32 s18, s22;
	[sflag:s24] =	ssyncadd.s32 $0xFFFFD800  }
0x7e: {  	[tilespmem:s26], [sflag:$0x2] =	stream.linear.gather [hbm4b:s9+s3], $0x50, $0x38;
	[tilespmem:$0x1D380] =	vst v63  }
0x7f: {  	s18 =	sadd.s32 $0xFFFFFB00, s16  }
0x80: {  	[tilespmem:s28], [sflag:$0x4] =	stream.linear.gather [hbm4b:s18+s3], $0x2800, $0x38;
	[tilespmem:$0x1D380] =	vst v63  }
0x81: {  	_ =	swait.ge [sflag:s29], $0x50  }
0x82: {  	[sflag:s29] =	ssyncset.done $0x0  }
0x83: {  	[sflag:s29] =	ssyncadd.s32 $0xFFFFFFB0  }
0x84: {  	_ =	swait.ge [sflag:s30], $0x2800  }
0x85: {  	[sflag:s30] =	ssyncset.done $0x0  }
0x86: {  	[sflag:s30] =	ssyncadd.s32 $0xFFFFD800  }
0x87: {  	[spmem:s2] =	stream.indirect.scatter.add.f32 [tilespmem:s25], [sflag:$0x6], $0x80, s3, s31, $0xb8;
	[tilespmem:$0x1D380] =	vst v63  }
0x88: {  	_ =	swait.ge [sflag:s0], $0x2800  }
0x89: {  	s19 =	sshrl.u32 s17, $0x3;
	[sflag:s0] =	ssyncset.done $0x0  }
0x8a: {  	s9 =	sadd.s32 s4, s19;
	[sflag:s0] =	ssyncadd.s32 $0xFFFFD800  }
0x8b: {  	[tilespmem:s3], [sflag:$0x1] =	stream.linear.gather [hbm4b:s9+s3], $0x50, $0x38;
	[tilespmem:$0x1D380] =	vst v63  }
0x8c: {  	_ = 	snop  }
0x8d: {  	[tilespmem:s25], [sflag:$0x3] =	stream.linear.gather [hbm4b:s16+s3], $0x2800, $0x38;
	[tilespmem:$0x1D380] =	vst v63  }
0x8e: {  	_ =	swait.ge [sflag:s1], $0x50  }
0x8f: {  	[sflag:s1] =	ssyncset.done $0x0  }
0x90: {  	[sflag:s1] =	ssyncadd.s32 $0xFFFFFFB0  }
0x91: {  	_ =	swait.ge [sflag:s6], $0x2800  }
0x92: {  	[sflag:s6] =	ssyncset.done $0x0  }
0x93: {  	[sflag:s6] =	ssyncadd.s32 $0xFFFFD800  }
0x94: {  	[spmem:s2] =	stream.indirect.scatter.add.f32 [tilespmem:s28], [sflag:$0x5], $0x80, s26, s31, $0xb8;
	[tilespmem:$0x1D380] =	vst v63  }
0x95: {  	_ =	swait.ge [sflag:s24], $0x2800  }
0x96: {  	[sflag:s24] =	ssyncset.done $0x0  }
0x97: {  	[sflag:s24] =	ssyncadd.s32 $0xFFFFD800  }
0x98: {  	_ =	swait.ge [sflag:s29], $0x50  }
0x99: {  	[sflag:s29] =	ssyncset.done $0x0  }
0x9a: {  	[sflag:s29] =	ssyncadd.s32 $0xFFFFFFB0  }
0x9b: {  	_ =	swait.ge [sflag:s30], $0x2800  }
0x9c: {  	[sflag:s30] =	ssyncset.done $0x0  }
0x9d: {  	s16 =	simm.s32 $0x0;
	[sflag:s30] =	ssyncadd.s32 $0xFFFFD800  }
0x9e: {  	[spmem:s2] =	stream.indirect.scatter.add.f32 [tilespmem:s25], [sflag:$0x6], $0x80, s16, s31, $0xb8;
	[tilespmem:$0x1D380] =	vst v63  }
0x9f: {  	_ =	swait.ge [sflag:s0], $0x2800  }
0xa0: {  	[sflag:s0] =	ssyncset.done $0x0  }
0xa1: {  	s10 =	stileid.u32;
	[sflag:s0] =	ssyncadd.s32 $0xFFFFD800  }
0xa2: {  	s9 =	sshll.u32 s10, $0x6;
	[bflag:$0x0] =	sbarrier.arrive $0xFFFF  }
0xa3: {  	s18 =	sshrl.u32 s8, $0x3;
	s17 =	sor.u32 $0x1C05, s9;
	s11 =	rddreg [dreg:$0x9]  }
0xa4: {  	[hbm:s11], [sflag:s17] =	dma.local [spmem:s18], $0x2800  }
0xa5: {  	_ =	swait.ge [sflag:s24], $0x2800  }
0xa6: {  	[sflag:s24] =	ssyncset.done $0x0  }
0xa7: {  	[sflag:s24] =	ssyncadd.s32 $0xFFFFD800  }
0xa8: {  	[bflag:$0x0] =	sbarrier.arrive $0xFFFF  }
0xa9: {  	[spmem:s8] =	stream.linear.scatter [tilespmem:s23], [sflag:$0x5], $0x4000, $0x38;
	[tilespmem:$0x1D380] =	vst v63  }
0xaa: {  	_ =	swait.ge [sflag:s24], $0x4000  }
0xab: {  	[sflag:s24] =	ssyncset.done $0x0  }
0xac: {  	s19 =	rddreg [dreg:$0x5];
	[sflag:s24] =	ssyncadd.s32 $0xFFFFC000  }
0xad: {  	[spmem:s19] =	stream.linear.scatter [tilespmem:s23], [sflag:$0x5], $0x4000, $0x38;
	[tilespmem:$0x1D380] =	vst v63  }
0xae: {  	_ =	swait.ge [sflag:s24], $0x4000  }
0xaf: {  	[sflag:s24] =	ssyncset.done $0x0  }
0xb0: {  	s10 =	rddreg [dreg:$0x6];
	[sflag:s24] =	ssyncadd.s32 $0xFFFFC000  }
0xb1: {  	[spmem:s10] =	stream.linear.scatter [tilespmem:s23], [sflag:$0x5], $0x4000, $0x38;
	[tilespmem:$0x1D380] =	vst v63  }
0xb2: {  	_ =	swait.ge [sflag:s24], $0x4000  }
0xb3: {  	[sflag:s24] =	ssyncset.done $0x0  }
0xb4: {  	s11 =	rddreg [dreg:$0x7];
	[sflag:s24] =	ssyncadd.s32 $0xFFFFC000  }
0xb5: {  	[spmem:s11] =	stream.linear.scatter [tilespmem:s23], [sflag:$0x5], $0x4000, $0x38;
	[tilespmem:$0x1D380] =	vst v63  }
0xb6: {  	_ =	swait.ge [sflag:s24], $0x4000  }
0xb7: {  	[sflag:s24] =	ssyncset.done $0x0  }
0xb8: {  	[sflag:s24] =	ssyncadd.s32 $0xFFFFC000  }
0xb9: {  	[spmem:s12] =	stream.linear.scatter [tilespmem:s23], [sflag:$0x5], $0x4000, $0x38;
	[tilespmem:$0x1D380] =	vst v63  }
0xba: {  	_ =	swait.ge [sflag:s24], $0x4000  }
0xbb: {  	[sflag:s24] =	ssyncset.done $0x0  }
.Ltmp4:
0xbc: {  	[sflag:s24] =	ssyncadd.s32 $0xFFFFC000;
	(pc) =	sbr.rel .LBB2_6-.Ltmp4, $4  }
0xbd: {  	[bflag:$0x0] =	sbarrier.arrive $0xFFFF  }
0xbe: {  	[tilespmem:s16], [sflag:$0x1] =	stream.linear.gather [hbm4b:s13+s16], $0x50, $0x38;
	[tilespmem:$0x1D380] =	vst v63  }
0xbf: {  	s10 =	simm.s32 $0x5100;
	s19 =	rddreg [dreg:$0xa]  }
0xc0: {  	[tilespmem:s10], [sflag:$0x3] =	stream.linear.gather [hbm4b:s19+s16], $0x500, $0x38;
	[tilespmem:$0x1D380] =	vst v63  }
.LBB2_12:
0xc1: {  	s16 =	sadd.s32 $0x1, s16  }
0xc2: {  	p0 =	sne.s32 s16, $0x3F  }
.Ltmp5:
0xc3: {  	_ = 	snop;
	(pc) =	sbr.rel @!p0 .LBB2_13-.Ltmp5, $1  }
0xc4: {  	_ =	sdelay $0x3  }
.LBB2_6:
0xc5: {  	s9 =	sshllo.u32 s16, $0x1  }
0xc6: {  	p0 =	sgt.u32 s9, $0x7C  }
0xc7: {  	s9 =	smul.u32 @!p0 $0x50, s9;
	_ =	sdelay $0x1  }
0xc8: {  	s9 =	sadd.s32 @!p0 s7, s9  }
0xc9: {  	s19 =	simm.s32 @!p0 $0x0;
	s10 =	sshrl.u32 @!p0 s9, $0x3;
	s9 =	sshll.u32 @!p0 s9, $0x1  }
0xca: {  	s11 =	simm.s32 @!p0 $0x80;
	s10 =	sadd.s32 @!p0 s4, s10;
	s9 =	sand.u32 @!p0 $0x1FFFFFE0, s9  }
0xcb: {  	[tilespmem:s11], [sflag:$0x2] =	stream.linear.gather @!p0 [hbm4b:s10+s19], $0x50, $0x38;
	[tilespmem:$0x1D380] =	vst v63  }
0xcc: {  	s9 =	sadd.s32 @!p0 s5, s9;
	s10 =	simm.s32 @!p0 $0x5600  }
0xcd: {  	[tilespmem:s10], [sflag:$0x4] =	stream.linear.gather @!p0 [hbm4b:s9+s19], $0x500, $0x38;
	[tilespmem:$0x1D380] =	vst v63  }
0xce: {  	_ =	swait.ge [sflag:s29], $0x50  }
0xcf: {  	[sflag:s29] =	ssyncset.done $0x0  }
0xd0: {  	[sflag:s29] =	ssyncadd.s32 $0xFFFFFFB0  }
0xd1: {  	_ =	swait.ge [sflag:s30], $0x500  }
0xd2: {  	[sflag:s30] =	ssyncset.done $0x0  }
0xd3: {  	s11 =	simm.s32 $0x0;
	[sflag:s30] =	ssyncadd.s32 $0xFFFFFB00  }
0xd4: {  	v1 =	vld [tilespmem:s11+$0x5100];
	_ =	sdelay $0x3  }
0xd5: {  	s19 =	simm.s32 $0x5B00;
	s9 =	simm.s32 $0x40  }
.LBB2_7:
0xd6: {  	s10 =	sshra.s32 s9, $0x2;
	p1 =	sne.s32 s9, $0x13C0;
	s9 =	sadd.s32 $0x40, s9;
	[tilespmem:s19+$0x0] =	vst v1  }
.Ltmp6:
0xd7: {  	v1 =	vld [tilespmem:s10+$0x5100];
	(pc) =	sbr.rel @p1 .LBB2_7-.Ltmp6, $2  }
0xd8: {  	_ =	sdelay $0x2  }
0xd9: {  	s19 =	sadd.s32 $0x80, s19  }
0xda: {  	p1 =	seq.s32 s16, $0x3E  }
0xdb: {  	[tilespmem:s19+$0x0] =	vst v1;
	s9 =	smul.u32 @!p1 $0xA0, s16  }
0xdc: {  	[spmem:s2] =	stream.indirect.scatter.add.f32 [tilespmem:s23], [sflag:$0x6], $0x80, s3, s31, $0xb8;
	[tilespmem:$0x1D380] =	vst v63  }
0xdd: {  	_ =	swait.ge [sflag:s0], $0x2800  }
0xde: {  	s11 =	simm.s32 @!p1 $0x0;
	s9 =	sadd.s32 @!p1 s9, s15;
	[sflag:s0] =	ssyncset.done $0x0  }
.Ltmp7:
0xdf: {  	s10 =	sshrl.u32 @!p1 s9, $0x3;
	s9 =	sshll.u32 @!p1 s9, $0x1;
	(pc) =	sbr.rel @p0 .LBB2_12-.Ltmp7, $4  }
0xe0: {  	[sflag:s0] =	ssyncadd.s32 $0xFFFFD800;
	s10 =	sadd.s32 @!p1 s4, s10;
	s9 =	sand.u32 @!p1 $0x1FFFFFE0, s9  }
0xe1: {  	[tilespmem:s11], [sflag:$0x1] =	stream.linear.gather @!p1 [hbm4b:s10+s11], $0x50, $0x38;
	[tilespmem:$0x1D380] =	vst v63  }
0xe2: {  	s9 =	sadd.s32 @!p1 s5, s9;
	s10 =	simm.s32 @!p1 $0x5100  }
0xe3: {  	[tilespmem:s10], [sflag:$0x3] =	stream.linear.gather @!p1 [hbm4b:s9+s11], $0x500, $0x38;
	[tilespmem:$0x1D380] =	vst v63  }
0xe4: {  	_ =	swait.ge [sflag:s1], $0x50  }
0xe5: {  	[sflag:s1] =	ssyncset.done $0x0  }
0xe6: {  	[sflag:s1] =	ssyncadd.s32 $0xFFFFFFB0  }
0xe7: {  	_ =	swait.ge [sflag:s6], $0x500  }
0xe8: {  	[sflag:s6] =	ssyncset.done $0x0  }
0xe9: {  	s10 =	simm.s32 $0x0;
	[sflag:s6] =	ssyncadd.s32 $0xFFFFFB00  }
0xea: {  	v1 =	vld [tilespmem:s10+$0x5600];
	_ =	sdelay $0x3  }
0xeb: {  	s19 =	simm.s32 $0x5B00;
	s9 =	simm.s32 $0x40  }
.LBB2_10:
0xec: {  	s10 =	sshra.s32 s9, $0x2;
	p0 =	sne.s32 s9, $0x13C0;
	s9 =	sadd.s32 $0x40, s9;
	[tilespmem:s19+$0x0] =	vst v1  }
.Ltmp8:
0xed: {  	v1 =	vld [tilespmem:s10+$0x5600];
	(pc) =	sbr.rel @p0 .LBB2_10-.Ltmp8, $2  }
0xee: {  	_ =	sdelay $0x2  }
0xef: {  	s19 =	sadd.s32 $0x80, s19  }
.Ltmp9:
0xf0: {  	[tilespmem:s19+$0x0] =	vst v1;
	(pc) =	sbr.rel .LBB2_12-.Ltmp9, $4  }
0xf1: {  	[spmem:s2] =	stream.indirect.scatter.add.f32 [tilespmem:s23], [sflag:$0x5], $0x80, s26, s31, $0xb8;
	[tilespmem:$0x1D380] =	vst v63  }
0xf2: {  	_ =	swait.ge [sflag:s24], $0x2800  }
0xf3: {  	[sflag:s24] =	ssyncset.done $0x0  }
0xf4: {  	[sflag:s24] =	ssyncadd.s32 $0xFFFFD800  }
.LBB2_14:
0xf5: {  	_ =	sfence.sel $0x180000  }
0xf6: {  	[bflag:$0x0] =	sbarrier.arrive $0xFFFF  }
0xf7: {  	_ =	strace $0x90000050  }
0xf8: {  	s0 =	stileid.u32;
	[bflag:$0x2] =	sbarrier.arrive $0xFFFF  }
0xf9: {  	p0 =	sne.s32 s0, $0x0;
	s0 =	rddreg [dreg:$0x3]  }
0xfa: {  	s0 =	sadd.s32 @!p0 $0x100000, s0  }
0xfb: {  	[sflag:s0] =	ssyncadd.tile.s32 @!p0 $0x1;
	_ =	shalt  }
.Lfunc_end2:
_tile_overlayer_lowered:
.L_overlay_start_2:
0xfc: {  	(tag) =	ssettag $0x2  }
0xfd: {  	s0 =	rddreg [dreg:$0x0];
	s2 =	stileid.u32  }
0xfe: {  	s1 =	rddreg [dreg:$0x1];
	p0 =	sne.s32 s2, $0x0  }
0xff: {  	s3 =	rddreg [dreg:$0x2];
	[bflag:$0x3] =	sbarrier.arrive $0xFFFF;
	s2 =	simm.s32 @!p0 $0x1C05  }
0x100: {  	[timem:s3], [sflag:s2] =	dma.local @!p0 [hbm:s0], s1  }
0x101: {  	s0 =	simm.s32 @!p0 $0x5  }
0x102: {  	_ =	swait.ge @!p0 [sflag:s0], s1  }
0x103: {  	s1 =	ssub.s32 @!p0 $0x0, s1;
	[sflag:s0] =	ssyncset.done @!p0 $0x0  }
0x104: {  	[sflag:s0] =	ssyncadd.s32 @!p0 s1  }
0x105: {  	[bflag:$0x3] =	sbarrier.arrive $0xFFFF  }
0x106: {  	_ =	shalt  }

</sc_bundles>
